<compile_context>
chip_gen: v7x
topology: tpu7x:2x2x1
jax: 0.10.2.dev20260603
libtpu: 0.0.44.dev20260713+nightly
codegen_flags: <defaults>
</compile_context>

<pallas_src>
import functools

import jax
import jax.numpy as jnp
from jax import lax
from jax.experimental import pallas as pl
from jax.experimental.pallas import tpu as pltpu
from jax.experimental.pallas import tpu_sc as plsc

N_NEURONS = 100000
N_EDGES = 100000
N_CONN = 3200000
COOLDOWN = 10
DEAD_RATIO = 0.9
VFE_RATIO = 1.5
GROW_CAP = 0.05

NC = 2
NS = 16
NW = NC * NS
L = 16

P = 102400
Q = P // 4
Q_PER_T = Q // NS
E_PER_W = P // NW
C_PER_W = N_CONN // NW
CHUNK = 10000
N_CHUNKS = C_PER_W // CHUNK
SLICE = P // NS

_mesh = plsc.VectorSubcoreMesh(
    core_axis_name="c", subcore_axis_name="s", num_cores=NC, num_subcores=NS)


@functools.partial(
    pl.kernel,
    out_type=[
        jax.ShapeDtypeStruct((P,), jnp.int32),
        jax.ShapeDtypeStruct((NC * P,), jnp.int32),
        jax.ShapeDtypeStruct((NC * P,), jnp.int32),
    ],
    mesh=_mesh,
    compiler_params=pltpu.CompilerParams(needs_layout_passes=False),
    scratch_types=(
        [pltpu.VMEM((L,), jnp.float32)]
        + [pltpu.VMEM((Q_PER_T,), jnp.float32) for _ in range(2)]
        + [pltpu.VMEM((Q_PER_T,), jnp.int32) for _ in range(6)]
        + [pltpu.VMEM((Q_PER_T,), jnp.int32) for _ in range(4)]
        + [pltpu.VMEM((Q_PER_T,), jnp.int32)]
        + [pltpu.VMEM((NS * L,), jnp.int32)]
        + [pltpu.VMEM((Q,), jnp.int32)]
        + [pltpu.VMEM((CHUNK,), jnp.int32) for _ in range(3)]
        + [pltpu.VMEM((CHUNK,), jnp.int32)]
        + [pltpu.VMEM((CHUNK,), jnp.int32)]
        + [pltpu.VMEM((CHUNK,), jnp.int32)]
        + [pltpu.VMEM((SLICE,), jnp.int32)]
        + [pltpu.VMEM_SHARED((Q,), jnp.int32)]
        + [pltpu.VMEM_SHARED((NS * L,), jnp.int32)]
        + [pltpu.VMEM_SHARED((P,), jnp.int32)]
        + [pltpu.VMEM_SHARED((P,), jnp.int32)]
        + [pltpu.SemaphoreType.DMA, pltpu.SemaphoreType.DMA,
           pltpu.SemaphoreType.DMA]
    ),
)
def _scatter_kernel(vfe_hbm, vfull_hbm, task_hbm, em_hbm, lcc_hbm,
                    nids_hbm, eids_hbm,
                    out_hbm, tot_hbm, dead_hbm, *scratch):
    (vfull_v, vfe0, vfe1, task0, task1, em0, em1, lcc0, lcc1,
     nb0, nb1, nb2, nb3, pk_v, flags_v, ptable_v,
     r0, r1, r2, eids_v, vals_v, ones_v, zero_v,
     table_s, flags_s, tot_s, dead_s, esem, lsem, ssem) = scratch
    new_b = (nb0, nb1, nb2, nb3)
    vfe_b = (vfe0, vfe1)
    task_b = (task0, task1)
    em_b = (em0, em1)
    lcc_b = (lcc0, lcc1)
    ring = (r0, r1, r2)

    cid = lax.axis_index("c")
    sid = lax.axis_index("s")
    wid = sid * NC + cid
    cbase = wid * C_PER_W

    def q_base(q):
        return pl.multiple_of(q * Q + sid * Q_PER_T, 8)

    pltpu.sync_copy(vfull_hbm, vfull_v)
    vfull = vfull_v[...]

    def fire_loads(q, s):
        b = q_base(q)
        return [
            pltpu.async_copy(vfe_hbm.at[pl.ds(b, Q_PER_T)], vfe_b[s], esem),
            pltpu.async_copy(task_hbm.at[pl.ds(b, Q_PER_T)], task_b[s], esem),
            pltpu.async_copy(em_hbm.at[pl.ds(b, Q_PER_T)], em_b[s], esem),
            pltpu.async_copy(lcc_hbm.at[pl.ds(b, Q_PER_T)], lcc_b[s], esem),
        ]

    descs = fire_loads(0, 0)
    flag_acc = None
    for q in range(4):
        if q + 1 < 4:
            next_descs = fire_loads(q + 1, (q + 1) % 2)
        for d in descs:
            d.wait()
        s = q % 2

        def body(i, facc):
            o = i * L
            vfe = vfe_b[s][pl.ds(o, L)]
            task = task_b[s][pl.ds(o, L)]
            em = em_b[s][pl.ds(o, L)]
            lcc = lcc_b[s][pl.ds(o, L)]
            contribution = vfe - vfull
            is_low = contribution <= 0.0
            lcc2 = jnp.where(is_low, lcc + 1, 0)
            apop = (lcc2 >= COOLDOWN) & (task == 0) & (em != 0)
            new = jnp.where(apop, 0, em)
            new_b[q][pl.ds(o, L)] = new
            return facc | (new == 0).astype(jnp.int32)

        facc_q = lax.fori_loop(0, Q_PER_T // L, body, jnp.zeros((L,), jnp.int32))
        flag_acc = facc_q if flag_acc is None else (flag_acc | facc_q)
        if q + 1 < 4:
            descs = next_descs

    def pack_body(i, _):
        o = i * L
        pk = (new_b[0][pl.ds(o, L)]
              | (new_b[1][pl.ds(o, L)] << 8)
              | (new_b[2][pl.ds(o, L)] << 16)
              | (new_b[3][pl.ds(o, L)] << 24))
        pk_v[pl.ds(o, L)] = pk
        return 0

    lax.fori_loop(0, Q_PER_T // L, pack_body, 0)
    flags_v[pl.ds(0, L)] = flag_acc

    tslice = pl.multiple_of(sid * Q_PER_T, 8)
    pltpu.sync_copy(pk_v, table_s.at[pl.ds(tslice, Q_PER_T)])
    pltpu.sync_copy(flags_v.at[pl.ds(0, L)],
                    flags_s.at[pl.ds(pl.multiple_of(sid * L, 8), L)])

    @pl.when(cid == 0)
    def _():
        for q in range(4):
            pltpu.sync_copy(new_b[q], out_hbm.at[pl.ds(q_base(q), Q_PER_T)])

    def init_body(i, _):
        o = i * L
        zero_v[pl.ds(o, L)] = jnp.zeros((L,), jnp.int32)
        return 0

    lax.fori_loop(0, SLICE // L, init_body, 0)

    def ones_body(i, _):
        o = i * L
        ones_v[pl.ds(o, L)] = jnp.ones((L,), jnp.int32)
        return 0

    lax.fori_loop(0, CHUNK // L, ones_body, 0)

    sslice = pl.multiple_of(sid * SLICE, 8)
    pltpu.sync_copy(zero_v, tot_s.at[pl.ds(sslice, SLICE)])
    pltpu.sync_copy(zero_v, dead_s.at[pl.ds(sslice, SLICE)])

    plsc.subcore_barrier()

    pltpu.sync_copy(flags_s, flags_v)

    def flag_body(i, acc):
        return acc | flags_v[pl.ds(i * L, L)]

    have_dead = jnp.max(
        lax.fori_loop(0, NS, flag_body, jnp.zeros((L,), jnp.int32))) > 0

    @pl.when(have_dead)
    def _():
        pltpu.sync_copy(table_s, ptable_v)

    load_descs = {0: pltpu.async_copy(
        nids_hbm.at[pl.ds(pl.multiple_of(cbase, 8), CHUNK)], ring[0], lsem)}
    scat_descs = {}
    for k in range(N_CHUNKS):
        p = k % 3
        load_descs.pop(k).wait()

        if k + 1 < N_CHUNKS:
            if k - 2 >= 0:
                scat_descs.pop(k - 2).wait()
            off2 = pl.multiple_of(cbase + (k + 1) * CHUNK, 8)
            load_descs[k + 1] = pltpu.async_copy(
                nids_hbm.at[pl.ds(off2, CHUNK)], ring[(k + 1) % 3], lsem)

        @pl.when(have_dead)
        def _():
            off = pl.multiple_of(cbase + k * CHUNK, 8)
            pltpu.sync_copy(eids_hbm.at[pl.ds(off, CHUNK)], eids_v)

            def gather_body(j, acc):
                o = j * L
                ev = eids_v[pl.ds(o, L)]
                bq = ((ev >= Q).astype(jnp.int32)
                      + (ev >= 2 * Q).astype(jnp.int32)
                      + (ev >= 3 * Q).astype(jnp.int32))
                w = ev - bq * Q
                pw = plsc.load_gather(ptable_v, [w])
                dead = ((pw >> (bq << 3)) & 1) ^ 1
                vals_v[pl.ds(o, L)] = dead
                return acc | dead

            dead_acc = lax.fori_loop(
                0, CHUNK // L, gather_body, jnp.zeros((L,), jnp.int32))

            @pl.when(jnp.max(dead_acc) > 0)
            def _():
                pltpu.sync_copy(vals_v, dead_s.at[ring[p]], add=True)

        scat_descs[k] = pltpu.async_copy(ones_v, tot_s.at[ring[p]], ssem)

    for kk in sorted(scat_descs):
        scat_descs[kk].wait()

    plsc.subcore_barrier()

    out_off = pl.multiple_of(cid * P + sslice, 8)
    pltpu.sync_copy(tot_s.at[pl.ds(sslice, SLICE)], tot_hbm.at[pl.ds(out_off, SLICE)])
    pltpu.sync_copy(dead_s.at[pl.ds(sslice, SLICE)], dead_hbm.at[pl.ds(out_off, SLICE)])


@functools.partial(
    pl.kernel,
    out_type=jax.ShapeDtypeStruct((P,), jnp.int32),
    mesh=_mesh,
    compiler_params=pltpu.CompilerParams(needs_layout_passes=False),
    scratch_types=[
        pltpu.VMEM((E_PER_W,), jnp.int32),
        pltpu.VMEM((E_PER_W,), jnp.int32),
        pltpu.VMEM((E_PER_W,), jnp.int32),
        pltpu.VMEM((E_PER_W,), jnp.int32),
        pltpu.VMEM((E_PER_W,), jnp.int32),
        pltpu.VMEM((E_PER_W,), jnp.int32),
        pltpu.SemaphoreType.DMA,
    ],
)
def _neuron_kernel(tot_hbm, dead_hbm, nm_hbm, out_hbm,
                   t0_v, t1_v, d0_v, d1_v, nm_v, out_v, sem):
    wid = lax.axis_index("s") * NC + lax.axis_index("c")
    base = pl.multiple_of(wid * E_PER_W, 8)
    descs = [
        pltpu.async_copy(tot_hbm.at[pl.ds(base, E_PER_W)], t0_v, sem),
        pltpu.async_copy(tot_hbm.at[pl.ds(P + base, E_PER_W)], t1_v, sem),
        pltpu.async_copy(dead_hbm.at[pl.ds(base, E_PER_W)], d0_v, sem),
        pltpu.async_copy(dead_hbm.at[pl.ds(P + base, E_PER_W)], d1_v, sem),
        pltpu.async_copy(nm_hbm.at[pl.ds(base, E_PER_W)], nm_v, sem),
    ]
    for d in descs:
        d.wait()

    def body(i, _):
        o = i * L
        tot = t0_v[pl.ds(o, L)] + t1_v[pl.ds(o, L)]
        dead = d0_v[pl.ds(o, L)] + d1_v[pl.ds(o, L)]
        alv = tot - dead
        nm = nm_v[pl.ds(o, L)]
        has = tot > 0
        totf = tot.astype(jnp.float32)
        alvf = alv.astype(jnp.float32)
        safe = jnp.where(has, totf, 1.0)
        dr = jnp.where(has, 1.0 - alvf / safe, 0.0)
        apop = (dr > DEAD_RATIO) & (nm != 0)
        out_v[pl.ds(o, L)] = jnp.where(apop, 0, nm)
        return 0

    lax.fori_loop(0, E_PER_W // L, body, 0)
    pltpu.sync_copy(out_v, out_hbm.at[pl.ds(base, E_PER_W)])


def kernel(vfe_masked, VFE_full, hyperedge_index, task_importance_mask,
           neuron_mask, edge_mask, contribution_history, history_idx,
           low_contrib_count):
    pad_e = P - N_EDGES
    vfe_p = jnp.pad(vfe_masked, (0, pad_e))
    task_p = jnp.pad(task_importance_mask, (0, pad_e)).astype(jnp.int32)
    em_p = jnp.pad(edge_mask, (0, pad_e)).astype(jnp.int32)
    lcc_p = jnp.pad(low_contrib_count, (0, pad_e))
    nm_p = jnp.pad(neuron_mask, (0, P - N_NEURONS)).astype(jnp.int32)
    vfull = jnp.full((L,), VFE_full, jnp.float32)

    neuron_ids = hyperedge_index[0]
    edge_ids = hyperedge_index[1]
    em_new_p, tot2, dead2 = _scatter_kernel(
        vfe_p, vfull, task_p, em_p, lcc_p, neuron_ids, edge_ids)
    nm_new_p = _neuron_kernel(tot2, dead2, nm_p)

    edge_mask_new = em_new_p[:N_EDGES] != 0
    nm_kernel = nm_new_p[:N_NEURONS] != 0

    def _apply_protection(args):
        nm_in, nm_out = args
        valid = (neuron_ids < N_NEURONS) & (edge_ids < N_EDGES)
        validf = valid.astype(jnp.float32)
        edge_protected = task_importance_mask[edge_ids].astype(jnp.float32) * validf
        protected = jnp.zeros((N_NEURONS,), jnp.float32).at[neuron_ids].add(edge_protected)
        apop = nm_in & (~nm_out) & (protected == 0)
        return nm_in & (~apop)

    nm_new = lax.cond(
        jnp.any(task_importance_mask), _apply_protection, lambda a: a[1],
        (neuron_mask, nm_kernel))

    active_ratio = nm_new.astype(jnp.float32).mean()
    num_dead = (~nm_new).astype(jnp.int32).sum()
    grow_pred = (active_ratio < 0.8) & (VFE_full > VFE_RATIO) & (num_dead > 0)

    def _grow(operands):
        nm, em = operands
        d = ~nm
        ranks = jnp.cumsum(d.astype(jnp.int32)) - 1
        nd = d.astype(jnp.int32).sum()
        num_to_grow = jnp.minimum(nd, max(1, int(N_NEURONS * GROW_CAP)))
        revive_mask = d & (ranks < num_to_grow)
        nm_new2 = nm | revive_mask

        def body(ni, em_cur):
            do = revive_mask[ni]
            dead_occ = (neuron_ids == ni) & (~em_cur[edge_ids]) & do
            cnt = dead_occ.astype(jnp.int32).sum()
            n_rev = jnp.maximum(1, cnt // 2)
            occ_rank = jnp.cumsum(dead_occ.astype(jnp.int32)) - 1
            set_occ = dead_occ & (occ_rank < n_rev)
            hits = jnp.zeros((N_EDGES,), jnp.int32).at[edge_ids].add(set_occ.astype(jnp.int32))
            return em_cur | (hits > 0)

        em_new2 = jax.lax.fori_loop(0, N_NEURONS, body, em)
        return nm_new2, em_new2

    nm_final, em_final = lax.cond(
        grow_pred, _grow, lambda o: o, (nm_new, edge_mask_new))
    return (nm_final, em_final)

# --- scband reference (transcript-rebuilt; emitter-appended) ---
"""Pipeline reference for scband-prune-growth-module-68161130987775 (READ-ONLY COPY).

The authoritative reference and input builder live on the scoring server;
editing this copy changes nothing except your own understanding.
"""

import jax, jax.numpy as jnp
import numpy as np

MAX_NEURONS = 100000
MAX_EDGES = 100000
NUM_CONN = 3200000
APOP_COOLDOWN = 10
PRUNE_THRESHOLD = 0.0
NEURON_DEAD_RATIO = 0.9
GROWTH_VFE_RATIO = 1.5
GROWTH_CAP = 0.05


def setup_inputs(seed: int = 0):
    key = jax.random.key(seed)
    k1, k2, k3 = jax.random.split(key, 3)
    vfe_masked = jax.random.normal(k1, (MAX_EDGES,), dtype=jnp.float32)
    VFE_full = jax.random.uniform(k2, (), dtype=jnp.float32)
    hyperedge_index = jax.random.randint(k3, (2, NUM_CONN), 0, MAX_NEURONS, dtype=jnp.int32)
    task_importance_mask = jnp.zeros((MAX_EDGES,), dtype=bool)
    # module buffers (fresh state)
    neuron_mask = jnp.ones((MAX_NEURONS,), dtype=bool)
    edge_mask = jnp.ones((MAX_EDGES,), dtype=bool)
    contribution_history = jnp.zeros((APOP_COOLDOWN, MAX_EDGES), dtype=jnp.float32)
    history_idx = jnp.array(0, dtype=jnp.int32)
    low_contrib_count = jnp.zeros((MAX_EDGES,), dtype=jnp.int32)
    return {"vfe_masked": vfe_masked, "VFE_full": VFE_full, "hyperedge_index": hyperedge_index,
            "task_importance_mask": task_importance_mask, "neuron_mask": neuron_mask,
            "edge_mask": edge_mask, "contribution_history": contribution_history,
            "history_idx": history_idx, "low_contrib_count": low_contrib_count}


def reference(vfe_masked, VFE_full, hyperedge_index, task_importance_mask,
              neuron_mask, edge_mask, contribution_history, history_idx, low_contrib_count):
    # VFE_masked_dict is represented densely: vfe_masked[e] = VFE_with_edge_e_masked for every edge.
    contribution_e = vfe_masked - VFE_full
    idx = history_idx % APOP_COOLDOWN
    contribution_history = contribution_history.at[idx].set(contribution_e)
    history_idx = history_idx + 1
    mean_contribution = contribution_history.mean(axis=0)  # computed but unused, matches torch
    is_low = contribution_e <= PRUNE_THRESHOLD
    low_contrib_count = jnp.where(is_low, low_contrib_count + 1, 0)
    apop_edge = (low_contrib_count >= APOP_COOLDOWN) & (~task_importance_mask) & edge_mask
    edge_mask = edge_mask & (~apop_edge)
    low_contrib_count = jnp.where(apop_edge, 0, low_contrib_count)
    neuron_ids = hyperedge_index[0]
    edge_ids = hyperedge_index[1]
    valid = (neuron_ids < MAX_NEURONS) & (edge_ids < MAX_EDGES)
    validf = valid.astype(jnp.float32)
    total_per_neuron = jnp.zeros((MAX_NEURONS,), jnp.float32).at[neuron_ids].add(validf)
    edge_alive = edge_mask[edge_ids].astype(jnp.float32) * validf
    alive_per_neuron = jnp.zeros((MAX_NEURONS,), jnp.float32).at[neuron_ids].add(edge_alive)
    has_edges = total_per_neuron > 0
    safe_total = jnp.where(has_edges, total_per_neuron, 1.0)
    dead_ratio = jnp.where(has_edges, 1.0 - alive_per_neuron / safe_total, 0.0)
    neuron_apop = (dead_ratio > NEURON_DEAD_RATIO) & neuron_mask
    edge_protected = task_importance_mask[edge_ids].astype(jnp.float32) * validf
    protected_per_neuron = jnp.zeros((MAX_NEURONS,), jnp.float32).at[neuron_ids].add(edge_protected)
    neuron_apop = neuron_apop & (protected_per_neuron == 0)
    neuron_mask = neuron_mask & (~neuron_apop)
    active_ratio = neuron_mask.astype(jnp.float32).mean()
    dead = ~neuron_mask
    num_dead = dead.astype(jnp.int32).sum()
    grow_pred = (active_ratio < 0.8) & (VFE_full > GROWTH_VFE_RATIO) & (num_dead > 0)

    def _grow(operands):
        nm, em = operands
        d = ~nm
        ranks = jnp.cumsum(d.astype(jnp.int32)) - 1
        nd = d.astype(jnp.int32).sum()
        num_to_grow = jnp.minimum(nd, max(1, int(MAX_NEURONS * GROWTH_CAP)))
        revive_mask = d & (ranks < num_to_grow)
        nm_new = nm | revive_mask

        def body(ni, em_cur):
            do = revive_mask[ni]
            dead_occ = (neuron_ids == ni) & (~em_cur[edge_ids]) & do
            cnt = dead_occ.astype(jnp.int32).sum()
            n_rev = jnp.maximum(1, cnt // 2)
            occ_rank = jnp.cumsum(dead_occ.astype(jnp.int32)) - 1
            set_occ = dead_occ & (occ_rank < n_rev)
            hits = jnp.zeros((MAX_EDGES,), jnp.int32).at[edge_ids].add(set_occ.astype(jnp.int32))
            return em_cur | (hits > 0)

        em_new = jax.lax.fori_loop(0, MAX_NEURONS, body, em)
        return nm_new, em_new

    def _no_grow(operands):
        nm, em = operands
        return nm, em

    neuron_mask, edge_mask = jax.lax.cond(grow_pred, _grow, _no_grow, (neuron_mask, edge_mask))
    return (neuron_mask, edge_mask)

if __name__ == "__main__":
    import jax
    _d = setup_inputs()
    print(jax.jit(kernel)(*tuple(_d.values())))

</pallas_src>

<mosaic_0001>
#map = affine_map<(d0, d1) -> (0)>
module attributes {stable_mosaic.version = 14 : i64} {
  func.func @_scatter_kernel(%arg0: i32, %arg1: i32, %arg2: memref<102400xf32, #tpu.memory_space<hbm>>, %arg3: memref<16xf32, #tpu.memory_space<hbm>>, %arg4: memref<102400xi32, #tpu.memory_space<hbm>>, %arg5: memref<102400xi32, #tpu.memory_space<hbm>>, %arg6: memref<102400xi32, #tpu.memory_space<hbm>>, %arg7: memref<3200000xi32, #tpu.memory_space<hbm>>, %arg8: memref<3200000xi32, #tpu.memory_space<hbm>>, %arg9: memref<102400xi32, #tpu.memory_space<hbm>>, %arg10: memref<204800xi32, #tpu.memory_space<hbm>>, %arg11: memref<204800xi32, #tpu.memory_space<hbm>>, %arg12: memref<16xf32, #tpu.memory_space<vmem>>, %arg13: memref<1600xf32, #tpu.memory_space<vmem>>, %arg14: memref<1600xf32, #tpu.memory_space<vmem>>, %arg15: memref<1600xi32, #tpu.memory_space<vmem>>, %arg16: memref<1600xi32, #tpu.memory_space<vmem>>, %arg17: memref<1600xi32, #tpu.memory_space<vmem>>, %arg18: memref<1600xi32, #tpu.memory_space<vmem>>, %arg19: memref<1600xi32, #tpu.memory_space<vmem>>, %arg20: memref<1600xi32, #tpu.memory_space<vmem>>, %arg21: memref<1600xi32, #tpu.memory_space<vmem>>, %arg22: memref<1600xi32, #tpu.memory_space<vmem>>, %arg23: memref<1600xi32, #tpu.memory_space<vmem>>, %arg24: memref<1600xi32, #tpu.memory_space<vmem>>, %arg25: memref<1600xi32, #tpu.memory_space<vmem>>, %arg26: memref<256xi32, #tpu.memory_space<vmem>>, %arg27: memref<25600xi32, #tpu.memory_space<vmem>>, %arg28: memref<10000xi32, #tpu.memory_space<vmem>>, %arg29: memref<10000xi32, #tpu.memory_space<vmem>>, %arg30: memref<10000xi32, #tpu.memory_space<vmem>>, %arg31: memref<10000xi32, #tpu.memory_space<vmem>>, %arg32: memref<10000xi32, #tpu.memory_space<vmem>>, %arg33: memref<10000xi32, #tpu.memory_space<vmem>>, %arg34: memref<6400xi32, #tpu.memory_space<vmem>>, %arg35: memref<25600xi32, #tpu.memory_space<vmem_shared>>, %arg36: memref<256xi32, #tpu.memory_space<vmem_shared>>, %arg37: memref<102400xi32, #tpu.memory_space<vmem_shared>>, %arg38: memref<102400xi32, #tpu.memory_space<vmem_shared>>, %arg39: memref<!tpu.dma_semaphore, #tpu.memory_space<semaphore_mem>>, %arg40: memref<!tpu.dma_semaphore, #tpu.memory_space<semaphore_mem>>, %arg41: memref<!tpu.dma_semaphore, #tpu.memory_space<semaphore_mem>>) attributes {dimension_semantics = [#tpu.dimension_semantics<core_parallel>, #tpu.dimension_semantics<subcore_parallel>], iteration_bounds = array<i64: 2, 16>, scalar_prefetch = 0 : i64, scratch_operands = 30 : i64, tpu.core_type = #tpu.core_type<sc_vector_subcore>, window_params = [{transform_indices = #map}, {transform_indices = #map}, {transform_indices = #map}, {transform_indices = #map}, {transform_indices = #map}, {transform_indices = #map}, {transform_indices = #map}, {transform_indices = #map}, {transform_indices = #map}, {transform_indices = #map}]} {
    %mul3A = arith.constant 2 : i32
    %mul3A_0 = arith.muli %arg1, %mul3A : i32
    %add3A = arith.addi %mul3A_0, %arg0 : i32
    %mul3A_1 = arith.constant 100000 : i32
    %mul3A_2 = arith.muli %add3A, %mul3A_1 : i32
    "tpu.region"() ({
      %run_scoped3A = tpu.sem_alloc : memref<!tpu.dma_semaphore, #tpu.memory_space<semaphore_mem>>
      tpu.enqueue_dma source(%arg3 : memref<16xf32, #tpu.memory_space<hbm>>) target(%arg12 : memref<16xf32, #tpu.memory_space<vmem>>) target_semaphore(%run_scoped3A : memref<!tpu.dma_semaphore, #tpu.memory_space<semaphore_mem>>)
      tpu.wait_dma2 semaphore(%run_scoped3A : memref<!tpu.dma_semaphore, #tpu.memory_space<semaphore_mem>>) src(%arg3 : memref<16xf32, #tpu.memory_space<hbm>>) dst(%arg12 : memref<16xf32, #tpu.memory_space<vmem>>)
      tpu.yield
    }) : () -> ()
    %get3A = arith.constant 0 : index
    %get3A_3 = tpu.vector_load %arg12[%get3A] {strides = array<i32>} : memref<16xf32, #tpu.memory_space<vmem>>, vector<16xf32>,
    %mul3A_4 = arith.constant 1600 : i32
    %mul3A_5 = arith.muli %arg1, %mul3A_4 : i32
    %add3A_6 = arith.constant 0 : i32
    %add3A_7 = arith.addi %add3A_6, %mul3A_5 : i32
    %multiple_of3A = tpu.assume_multiple %add3A_7, 8 : i32
    %dma_start3A = tpu.memref_slice %arg2[%multiple_of3A] : memref<102400xf32, #tpu.memory_space<hbm>> -> memref<1600xf32, #tpu.memory_space<hbm>>
    %dma_start3A_8 = tpu.memref_slice %arg2[%multiple_of3A] : memref<102400xf32, #tpu.memory_space<hbm>> -> memref<1600xf32, #tpu.memory_space<hbm>>
    tpu.enqueue_dma source(%dma_start3A_8 : memref<1600xf32, #tpu.memory_space<hbm>>) target(%arg13 : memref<1600xf32, #tpu.memory_space<vmem>>) target_semaphore(%arg39 : memref<!tpu.dma_semaphore, #tpu.memory_space<semaphore_mem>>)
    %dma_start3A_9 = tpu.memref_slice %arg4[%multiple_of3A] : memref<102400xi32, #tpu.memory_space<hbm>> -> memref<1600xi32, #tpu.memory_space<hbm>>
    %dma_start3A_10 = tpu.memref_slice %arg4[%multiple_of3A] : memref<102400xi32, #tpu.memory_space<hbm>> -> memref<1600xi32, #tpu.memory_space<hbm>>
    tpu.enqueue_dma source(%dma_start3A_10 : memref<1600xi32, #tpu.memory_space<hbm>>) target(%arg15 : memref<1600xi32, #tpu.memory_space<vmem>>) target_semaphore(%arg39 : memref<!tpu.dma_semaphore, #tpu.memory_space<semaphore_mem>>)
    %dma_start3A_11 = tpu.memref_slice %arg5[%multiple_of3A] : memref<102400xi32, #tpu.memory_space<hbm>> -> memref<1600xi32, #tpu.memory_space<hbm>>
    %dma_start3A_12 = tpu.memref_slice %arg5[%multiple_of3A] : memref<102400xi32, #tpu.memory_space<hbm>> -> memref<1600xi32, #tpu.memory_space<hbm>>
    tpu.enqueue_dma source(%dma_start3A_12 : memref<1600xi32, #tpu.memory_space<hbm>>) target(%arg17 : memref<1600xi32, #tpu.memory_space<vmem>>) target_semaphore(%arg39 : memref<!tpu.dma_semaphore, #tpu.memory_space<semaphore_mem>>)
    %dma_start3A_13 = tpu.memref_slice %arg6[%multiple_of3A] : memref<102400xi32, #tpu.memory_space<hbm>> -> memref<1600xi32, #tpu.memory_space<hbm>>
    %dma_start3A_14 = tpu.memref_slice %arg6[%multiple_of3A] : memref<102400xi32, #tpu.memory_space<hbm>> -> memref<1600xi32, #tpu.memory_space<hbm>>
    tpu.enqueue_dma source(%dma_start3A_14 : memref<1600xi32, #tpu.memory_space<hbm>>) target(%arg19 : memref<1600xi32, #tpu.memory_space<vmem>>) target_semaphore(%arg39 : memref<!tpu.dma_semaphore, #tpu.memory_space<semaphore_mem>>)
    %mul3A_15 = arith.constant 1600 : i32
    %mul3A_16 = arith.muli %arg1, %mul3A_15 : i32
    %add3A_17 = arith.constant 25600 : i32
    %add3A_18 = arith.addi %add3A_17, %mul3A_16 : i32
    %multiple_of3A_19 = tpu.assume_multiple %add3A_18, 8 : i32
    %dma_start3A_20 = tpu.memref_slice %arg2[%multiple_of3A_19] : memref<102400xf32, #tpu.memory_space<hbm>> -> memref<1600xf32, #tpu.memory_space<hbm>>
    %dma_start3A_21 = tpu.memref_slice %arg2[%multiple_of3A_19] : memref<102400xf32, #tpu.memory_space<hbm>> -> memref<1600xf32, #tpu.memory_space<hbm>>
    tpu.enqueue_dma source(%dma_start3A_21 : memref<1600xf32, #tpu.memory_space<hbm>>) target(%arg14 : memref<1600xf32, #tpu.memory_space<vmem>>) target_semaphore(%arg39 : memref<!tpu.dma_semaphore, #tpu.memory_space<semaphore_mem>>)
    %dma_start3A_22 = tpu.memref_slice %arg4[%multiple_of3A_19] : memref<102400xi32, #tpu.memory_space<hbm>> -> memref<1600xi32, #tpu.memory_space<hbm>>
    %dma_start3A_23 = tpu.memref_slice %arg4[%multiple_of3A_19] : memref<102400xi32, #tpu.memory_space<hbm>> -> memref<1600xi32, #tpu.memory_space<hbm>>
    tpu.enqueue_dma source(%dma_start3A_23 : memref<1600xi32, #tpu.memory_space<hbm>>) target(%arg16 : memref<1600xi32, #tpu.memory_space<vmem>>) target_semaphore(%arg39 : memref<!tpu.dma_semaphore, #tpu.memory_space<semaphore_mem>>)
    %dma_start3A_24 = tpu.memref_slice %arg5[%multiple_of3A_19] : memref<102400xi32, #tpu.memory_space<hbm>> -> memref<1600xi32, #tpu.memory_space<hbm>>
    %dma_start3A_25 = tpu.memref_slice %arg5[%multiple_of3A_19] : memref<102400xi32, #tpu.memory_space<hbm>> -> memref<1600xi32, #tpu.memory_space<hbm>>
    tpu.enqueue_dma source(%dma_start3A_25 : memref<1600xi32, #tpu.memory_space<hbm>>) target(%arg18 : memref<1600xi32, #tpu.memory_space<vmem>>) target_semaphore(%arg39 : memref<!tpu.dma_semaphore, #tpu.memory_space<semaphore_mem>>)
    %dma_start3A_26 = tpu.memref_slice %arg6[%multiple_of3A_19] : memref<102400xi32, #tpu.memory_space<hbm>> -> memref<1600xi32, #tpu.memory_space<hbm>>
    %dma_start3A_27 = tpu.memref_slice %arg6[%multiple_of3A_19] : memref<102400xi32, #tpu.memory_space<hbm>> -> memref<1600xi32, #tpu.memory_space<hbm>>
    tpu.enqueue_dma source(%dma_start3A_27 : memref<1600xi32, #tpu.memory_space<hbm>>) target(%arg20 : memref<1600xi32, #tpu.memory_space<vmem>>) target_semaphore(%arg39 : memref<!tpu.dma_semaphore, #tpu.memory_space<semaphore_mem>>)
    %dma_wait3A = tpu.memref_slice %arg2[%multiple_of3A] : memref<102400xf32, #tpu.memory_space<hbm>> -> memref<1600xf32, #tpu.memory_space<hbm>>
    %dma_wait3A_28 = tpu.memref_slice %arg2[%multiple_of3A] : memref<102400xf32, #tpu.memory_space<hbm>> -> memref<1600xf32, #tpu.memory_space<hbm>>
    tpu.wait_dma2 semaphore(%arg39 : memref<!tpu.dma_semaphore, #tpu.memory_space<semaphore_mem>>) src(%dma_wait3A_28 : memref<1600xf32, #tpu.memory_space<hbm>>) dst(%arg13 : memref<1600xf32, #tpu.memory_space<vmem>>)
    %dma_wait3A_29 = tpu.memref_slice %arg4[%multiple_of3A] : memref<102400xi32, #tpu.memory_space<hbm>> -> memref<1600xi32, #tpu.memory_space<hbm>>
    %dma_wait3A_30 = tpu.memref_slice %arg4[%multiple_of3A] : memref<102400xi32, #tpu.memory_space<hbm>> -> memref<1600xi32, #tpu.memory_space<hbm>>
    tpu.wait_dma2 semaphore(%arg39 : memref<!tpu.dma_semaphore, #tpu.memory_space<semaphore_mem>>) src(%dma_wait3A_30 : memref<1600xi32, #tpu.memory_space<hbm>>) dst(%arg15 : memref<1600xi32, #tpu.memory_space<vmem>>)
    %dma_wait3A_31 = tpu.memref_slice %arg5[%multiple_of3A] : memref<102400xi32, #tpu.memory_space<hbm>> -> memref<1600xi32, #tpu.memory_space<hbm>>
    %dma_wait3A_32 = tpu.memref_slice %arg5[%multiple_of3A] : memref<102400xi32, #tpu.memory_space<hbm>> -> memref<1600xi32, #tpu.memory_space<hbm>>
    tpu.wait_dma2 semaphore(%arg39 : memref<!tpu.dma_semaphore, #tpu.memory_space<semaphore_mem>>) src(%dma_wait3A_32 : memref<1600xi32, #tpu.memory_space<hbm>>) dst(%arg17 : memref<1600xi32, #tpu.memory_space<vmem>>)
    %dma_wait3A_33 = tpu.memref_slice %arg6[%multiple_of3A] : memref<102400xi32, #tpu.memory_space<hbm>> -> memref<1600xi32, #tpu.memory_space<hbm>>
    %dma_wait3A_34 = tpu.memref_slice %arg6[%multiple_of3A] : memref<102400xi32, #tpu.memory_space<hbm>> -> memref<1600xi32, #tpu.memory_space<hbm>>
    tpu.wait_dma2 semaphore(%arg39 : memref<!tpu.dma_semaphore, #tpu.memory_space<semaphore_mem>>) src(%dma_wait3A_34 : memref<1600xi32, #tpu.memory_space<hbm>>) dst(%arg19 : memref<1600xi32, #tpu.memory_space<vmem>>)
    %broadcast_in_dim3A = arith.constant 0 : i32
    %broadcast_in_dim3A_35 = vector.broadcast %broadcast_in_dim3A : i32 to vector<16xi32>
    %scan3A = arith.constant 0 : i32
    %scan3A_36 = arith.constant 100 : i32
    %scan3A_37 = arith.addi %scan3A, %scan3A_36 : i32
    %scan3A_38 = arith.constant 1 : i32
    %scan3A_39 = scf.for %scan3A_312 = %scan3A to %scan3A_37 step %scan3A_38 iter_args(%scan3A_313 = %broadcast_in_dim3A_35) -> (vector<16xi32>)  : i32 {
      %mul3A_314 = arith.constant 16 : i32
      %mul3A_315 = arith.muli %scan3A_312, %mul3A_314 : i32
      %get3A_316 = arith.index_cast %mul3A_315 : i32 to index
      %get3A_317 = tpu.vector_load %arg13[%get3A_316] {strides = array<i32>} : memref<1600xf32, #tpu.memory_space<vmem>>, vector<16xf32>,
      %get3A_318 = arith.index_cast %mul3A_315 : i32 to index
      %get3A_319 = tpu.vector_load %arg15[%get3A_318] {strides = array<i32>} : memref<1600xi32, #tpu.memory_space<vmem>>, vector<16xi32>,
      %get3A_320 = arith.index_cast %mul3A_315 : i32 to index
      %get3A_321 = tpu.vector_load %arg17[%get3A_320] {strides = array<i32>} : memref<1600xi32, #tpu.memory_space<vmem>>, vector<16xi32>,
      %get3A_322 = arith.index_cast %mul3A_315 : i32 to index
      %get3A_323 = tpu.vector_load %arg19[%get3A_322] {strides = array<i32>} : memref<1600xi32, #tpu.memory_space<vmem>>, vector<16xi32>,
      %sub3A = arith.subf %get3A_317, %get3A_3 : vector<16xf32>
      %le3A = arith.constant 0.000000e+00 : f32
      %le3A_324 = vector.broadcast %le3A : f32 to vector<16xf32>
      %le3A_325 = arith.cmpf ole, %sub3A, %le3A_324 : vector<16xf32>
      %add3A_326 = arith.constant 1 : i32
      %add3A_327 = vector.broadcast %add3A_326 : i32 to vector<16xi32>
      %add3A_328 = arith.addi %get3A_323, %add3A_327 : vector<16xi32>
      %jit3A = arith.constant 0 : i32
      %broadcast_in_dim3A_329 = vector.broadcast %jit3A : i32 to vector<16xi32>
      %select_n3A = arith.select %le3A_325, %add3A_328, %broadcast_in_dim3A_329 : vector<16xi1>, vector<16xi32>
      %ge3A = arith.constant 10 : i32
      %ge3A_330 = vector.broadcast %ge3A : i32 to vector<16xi32>
      %ge3A_331 = arith.cmpi sge, %select_n3A, %ge3A_330 : vector<16xi32>
      %eq3A_332 = arith.constant 0 : i32
      %eq3A_333 = vector.broadcast %eq3A_332 : i32 to vector<16xi32>
      %eq3A_334 = arith.cmpi eq, %get3A_319, %eq3A_333 : vector<16xi32>
      %and3A = arith.andi %ge3A_331, %eq3A_334 : vector<16xi1>
      %ne3A = arith.constant 0 : i32
      %ne3A_335 = vector.broadcast %ne3A : i32 to vector<16xi32>
      %ne3A_336 = arith.cmpi ne, %get3A_321, %ne3A_335 : vector<16xi32>
      %and3A_337 = arith.andi %and3A, %ne3A_336 : vector<16xi1>
      %jit3A_338 = arith.constant 0 : i32
      %broadcast_in_dim3A_339 = vector.broadcast %jit3A_338 : i32 to vector<16xi32>
      %select_n3A_340 = arith.select %and3A_337, %broadcast_in_dim3A_339, %get3A_321 : vector<16xi1>, vector<16xi32>
      %swap3A_341 = arith.index_cast %mul3A_315 : i32 to index
      %swap3A_342 = tpu.vector_load %arg21[%swap3A_341] {strides = array<i32>} : memref<1600xi32, #tpu.memory_space<vmem>>, vector<16xi32>,
      tpu.vector_store %arg21[%swap3A_341], %select_n3A_340 {strides = array<i32>} : memref<1600xi32, #tpu.memory_space<vmem>>, vector<16xi32>,
      %eq3A_343 = arith.constant 0 : i32
      %eq3A_344 = vector.broadcast %eq3A_343 : i32 to vector<16xi32>
      %eq3A_345 = arith.cmpi eq, %select_n3A_340, %eq3A_344 : vector<16xi32>
      %convert_element_type3A_346 = arith.extui %eq3A_345 : vector<16xi1> to vector<16xi32>
      %or3A_347 = arith.ori %scan3A_313, %convert_element_type3A_346 : vector<16xi32>
      scf.yield %or3A_347 : vector<16xi32>
    }
    %scan3A_40 = arith.constant 100 : i32
    %mul3A_41 = arith.constant 1600 : i32
    %mul3A_42 = arith.muli %arg1, %mul3A_41 : i32
    %add3A_43 = arith.constant 51200 : i32
    %add3A_44 = arith.addi %add3A_43, %mul3A_42 : i32
    %multiple_of3A_45 = tpu.assume_multiple %add3A_44, 8 : i32
    %dma_start3A_46 = tpu.memref_slice %arg2[%multiple_of3A_45] : memref<102400xf32, #tpu.memory_space<hbm>> -> memref<1600xf32, #tpu.memory_space<hbm>>
    %dma_start3A_47 = tpu.memref_slice %arg2[%multiple_of3A_45] : memref<102400xf32, #tpu.memory_space<hbm>> -> memref<1600xf32, #tpu.memory_space<hbm>>
    tpu.enqueue_dma source(%dma_start3A_47 : memref<1600xf32, #tpu.memory_space<hbm>>) target(%arg13 : memref<1600xf32, #tpu.memory_space<vmem>>) target_semaphore(%arg39 : memref<!tpu.dma_semaphore, #tpu.memory_space<semaphore_mem>>)
    %dma_start3A_48 = tpu.memref_slice %arg4[%multiple_of3A_45] : memref<102400xi32, #tpu.memory_space<hbm>> -> memref<1600xi32, #tpu.memory_space<hbm>>
    %dma_start3A_49 = tpu.memref_slice %arg4[%multiple_of3A_45] : memref<102400xi32, #tpu.memory_space<hbm>> -> memref<1600xi32, #tpu.memory_space<hbm>>
    tpu.enqueue_dma source(%dma_start3A_49 : memref<1600xi32, #tpu.memory_space<hbm>>) target(%arg15 : memref<1600xi32, #tpu.memory_space<vmem>>) target_semaphore(%arg39 : memref<!tpu.dma_semaphore, #tpu.memory_space<semaphore_mem>>)
    %dma_start3A_50 = tpu.memref_slice %arg5[%multiple_of3A_45] : memref<102400xi32, #tpu.memory_space<hbm>> -> memref<1600xi32, #tpu.memory_space<hbm>>
    %dma_start3A_51 = tpu.memref_slice %arg5[%multiple_of3A_45] : memref<102400xi32, #tpu.memory_space<hbm>> -> memref<1600xi32, #tpu.memory_space<hbm>>
    tpu.enqueue_dma source(%dma_start3A_51 : memref<1600xi32, #tpu.memory_space<hbm>>) target(%arg17 : memref<1600xi32, #tpu.memory_space<vmem>>) target_semaphore(%arg39 : memref<!tpu.dma_semaphore, #tpu.memory_space<semaphore_mem>>)
    %dma_start3A_52 = tpu.memref_slice %arg6[%multiple_of3A_45] : memref<102400xi32, #tpu.memory_space<hbm>> -> memref<1600xi32, #tpu.memory_space<hbm>>
    %dma_start3A_53 = tpu.memref_slice %arg6[%multiple_of3A_45] : memref<102400xi32, #tpu.memory_space<hbm>> -> memref<1600xi32, #tpu.memory_space<hbm>>
    tpu.enqueue_dma source(%dma_start3A_53 : memref<1600xi32, #tpu.memory_space<hbm>>) target(%arg19 : memref<1600xi32, #tpu.memory_space<vmem>>) target_semaphore(%arg39 : memref<!tpu.dma_semaphore, #tpu.memory_space<semaphore_mem>>)
    %dma_wait3A_54 = tpu.memref_slice %arg2[%multiple_of3A_19] : memref<102400xf32, #tpu.memory_space<hbm>> -> memref<1600xf32, #tpu.memory_space<hbm>>
    %dma_wait3A_55 = tpu.memref_slice %arg2[%multiple_of3A_19] : memref<102400xf32, #tpu.memory_space<hbm>> -> memref<1600xf32, #tpu.memory_space<hbm>>
    tpu.wait_dma2 semaphore(%arg39 : memref<!tpu.dma_semaphore, #tpu.memory_space<semaphore_mem>>) src(%dma_wait3A_55 : memref<1600xf32, #tpu.memory_space<hbm>>) dst(%arg14 : memref<1600xf32, #tpu.memory_space<vmem>>)
    %dma_wait3A_56 = tpu.memref_slice %arg4[%multiple_of3A_19] : memref<102400xi32, #tpu.memory_space<hbm>> -> memref<1600xi32, #tpu.memory_space<hbm>>
    %dma_wait3A_57 = tpu.memref_slice %arg4[%multiple_of3A_19] : memref<102400xi32, #tpu.memory_space<hbm>> -> memref<1600xi32, #tpu.memory_space<hbm>>
    tpu.wait_dma2 semaphore(%arg39 : memref<!tpu.dma_semaphore, #tpu.memory_space<semaphore_mem>>) src(%dma_wait3A_57 : memref<1600xi32, #tpu.memory_space<hbm>>) dst(%arg16 : memref<1600xi32, #tpu.memory_space<vmem>>)
    %dma_wait3A_58 = tpu.memref_slice %arg5[%multiple_of3A_19] : memref<102400xi32, #tpu.memory_space<hbm>> -> memref<1600xi32, #tpu.memory_space<hbm>>
    %dma_wait3A_59 = tpu.memref_slice %arg5[%multiple_of3A_19] : memref<102400xi32, #tpu.memory_space<hbm>> -> memref<1600xi32, #tpu.memory_space<hbm>>
    tpu.wait_dma2 semaphore(%arg39 : memref<!tpu.dma_semaphore, #tpu.memory_space<semaphore_mem>>) src(%dma_wait3A_59 : memref<1600xi32, #tpu.memory_space<hbm>>) dst(%arg18 : memref<1600xi32, #tpu.memory_space<vmem>>)
    %dma_wait3A_60 = tpu.memref_slice %arg6[%multiple_of3A_19] : memref<102400xi32, #tpu.memory_space<hbm>> -> memref<1600xi32, #tpu.memory_space<hbm>>
    %dma_wait3A_61 = tpu.memref_slice %arg6[%multiple_of3A_19] : memref<102400xi32, #tpu.memory_space<hbm>> -> memref<1600xi32, #tpu.memory_space<hbm>>
    tpu.wait_dma2 semaphore(%arg39 : memref<!tpu.dma_semaphore, #tpu.memory_space<semaphore_mem>>) src(%dma_wait3A_61 : memref<1600xi32, #tpu.memory_space<hbm>>) dst(%arg20 : memref<1600xi32, #tpu.memory_space<vmem>>)
    %broadcast_in_dim3A_62 = arith.constant 0 : i32
    %broadcast_in_dim3A_63 = vector.broadcast %broadcast_in_dim3A_62 : i32 to vector<16xi32>
    %scan3A_64 = arith.constant 0 : i32
    %scan3A_65 = arith.constant 100 : i32
    %scan3A_66 = arith.addi %scan3A_64, %scan3A_65 : i32
    %scan3A_67 = arith.constant 1 : i32
    %scan3A_68 = scf.for %scan3A_312 = %scan3A_64 to %scan3A_66 step %scan3A_67 iter_args(%scan3A_313 = %broadcast_in_dim3A_63) -> (vector<16xi32>)  : i32 {
      %mul3A_314 = arith.constant 16 : i32
      %mul3A_315 = arith.muli %scan3A_312, %mul3A_314 : i32
      %get3A_316 = arith.index_cast %mul3A_315 : i32 to index
      %get3A_317 = tpu.vector_load %arg14[%get3A_316] {strides = array<i32>} : memref<1600xf32, #tpu.memory_space<vmem>>, vector<16xf32>,
      %get3A_318 = arith.index_cast %mul3A_315 : i32 to index
      %get3A_319 = tpu.vector_load %arg16[%get3A_318] {strides = array<i32>} : memref<1600xi32, #tpu.memory_space<vmem>>, vector<16xi32>,
      %get3A_320 = arith.index_cast %mul3A_315 : i32 to index
      %get3A_321 = tpu.vector_load %arg18[%get3A_320] {strides = array<i32>} : memref<1600xi32, #tpu.memory_space<vmem>>, vector<16xi32>,
      %get3A_322 = arith.index_cast %mul3A_315 : i32 to index
      %get3A_323 = tpu.vector_load %arg20[%get3A_322] {strides = array<i32>} : memref<1600xi32, #tpu.memory_space<vmem>>, vector<16xi32>,
      %sub3A = arith.subf %get3A_317, %get3A_3 : vector<16xf32>
      %le3A = arith.constant 0.000000e+00 : f32
      %le3A_324 = vector.broadcast %le3A : f32 to vector<16xf32>
      %le3A_325 = arith.cmpf ole, %sub3A, %le3A_324 : vector<16xf32>
      %add3A_326 = arith.constant 1 : i32
      %add3A_327 = vector.broadcast %add3A_326 : i32 to vector<16xi32>
      %add3A_328 = arith.addi %get3A_323, %add3A_327 : vector<16xi32>
      %jit3A = arith.constant 0 : i32
      %broadcast_in_dim3A_329 = vector.broadcast %jit3A : i32 to vector<16xi32>
      %select_n3A = arith.select %le3A_325, %add3A_328, %broadcast_in_dim3A_329 : vector<16xi1>, vector<16xi32>
      %ge3A = arith.constant 10 : i32
      %ge3A_330 = vector.broadcast %ge3A : i32 to vector<16xi32>
      %ge3A_331 = arith.cmpi sge, %select_n3A, %ge3A_330 : vector<16xi32>
      %eq3A_332 = arith.constant 0 : i32
      %eq3A_333 = vector.broadcast %eq3A_332 : i32 to vector<16xi32>
      %eq3A_334 = arith.cmpi eq, %get3A_319, %eq3A_333 : vector<16xi32>
      %and3A = arith.andi %ge3A_331, %eq3A_334 : vector<16xi1>
      %ne3A = arith.constant 0 : i32
      %ne3A_335 = vector.broadcast %ne3A : i32 to vector<16xi32>
      %ne3A_336 = arith.cmpi ne, %get3A_321, %ne3A_335 : vector<16xi32>
      %and3A_337 = arith.andi %and3A, %ne3A_336 : vector<16xi1>
      %jit3A_338 = arith.constant 0 : i32
      %broadcast_in_dim3A_339 = vector.broadcast %jit3A_338 : i32 to vector<16xi32>
      %select_n3A_340 = arith.select %and3A_337, %broadcast_in_dim3A_339, %get3A_321 : vector<16xi1>, vector<16xi32>
      %swap3A_341 = arith.index_cast %mul3A_315 : i32 to index
      %swap3A_342 = tpu.vector_load %arg22[%swap3A_341] {strides = array<i32>} : memref<1600xi32, #tpu.memory_space<vmem>>, vector<16xi32>,
      tpu.vector_store %arg22[%swap3A_341], %select_n3A_340 {strides = array<i32>} : memref<1600xi32, #tpu.memory_space<vmem>>, vector<16xi32>,
      %eq3A_343 = arith.constant 0 : i32
      %eq3A_344 = vector.broadcast %eq3A_343 : i32 to vector<16xi32>
      %eq3A_345 = arith.cmpi eq, %select_n3A_340, %eq3A_344 : vector<16xi32>
      %convert_element_type3A_346 = arith.extui %eq3A_345 : vector<16xi1> to vector<16xi32>
      %or3A_347 = arith.ori %scan3A_313, %convert_element_type3A_346 : vector<16xi32>
      scf.yield %or3A_347 : vector<16xi32>
    }
    %scan3A_69 = arith.constant 100 : i32
    %or3A = arith.ori %scan3A_39, %scan3A_68 : vector<16xi32>
    %mul3A_70 = arith.constant 1600 : i32
    %mul3A_71 = arith.muli %arg1, %mul3A_70 : i32
    %add3A_72 = arith.constant 76800 : i32
    %add3A_73 = arith.addi %add3A_72, %mul3A_71 : i32
    %multiple_of3A_74 = tpu.assume_multiple %add3A_73, 8 : i32
    %dma_start3A_75 = tpu.memref_slice %arg2[%multiple_of3A_74] : memref<102400xf32, #tpu.memory_space<hbm>> -> memref<1600xf32, #tpu.memory_space<hbm>>
    %dma_start3A_76 = tpu.memref_slice %arg2[%multiple_of3A_74] : memref<102400xf32, #tpu.memory_space<hbm>> -> memref<1600xf32, #tpu.memory_space<hbm>>
    tpu.enqueue_dma source(%dma_start3A_76 : memref<1600xf32, #tpu.memory_space<hbm>>) target(%arg14 : memref<1600xf32, #tpu.memory_space<vmem>>) target_semaphore(%arg39 : memref<!tpu.dma_semaphore, #tpu.memory_space<semaphore_mem>>)
    %dma_start3A_77 = tpu.memref_slice %arg4[%multiple_of3A_74] : memref<102400xi32, #tpu.memory_space<hbm>> -> memref<1600xi32, #tpu.memory_space<hbm>>
    %dma_start3A_78 = tpu.memref_slice %arg4[%multiple_of3A_74] : memref<102400xi32, #tpu.memory_space<hbm>> -> memref<1600xi32, #tpu.memory_space<hbm>>
    tpu.enqueue_dma source(%dma_start3A_78 : memref<1600xi32, #tpu.memory_space<hbm>>) target(%arg16 : memref<1600xi32, #tpu.memory_space<vmem>>) target_semaphore(%arg39 : memref<!tpu.dma_semaphore, #tpu.memory_space<semaphore_mem>>)
    %dma_start3A_79 = tpu.memref_slice %arg5[%multiple_of3A_74] : memref<102400xi32, #tpu.memory_space<hbm>> -> memref<1600xi32, #tpu.memory_space<hbm>>
    %dma_start3A_80 = tpu.memref_slice %arg5[%multiple_of3A_74] : memref<102400xi32, #tpu.memory_space<hbm>> -> memref<1600xi32, #tpu.memory_space<hbm>>
    tpu.enqueue_dma source(%dma_start3A_80 : memref<1600xi32, #tpu.memory_space<hbm>>) target(%arg18 : memref<1600xi32, #tpu.memory_space<vmem>>) target_semaphore(%arg39 : memref<!tpu.dma_semaphore, #tpu.memory_space<semaphore_mem>>)
    %dma_start3A_81 = tpu.memref_slice %arg6[%multiple_of3A_74] : memref<102400xi32, #tpu.memory_space<hbm>> -> memref<1600xi32, #tpu.memory_space<hbm>>
    %dma_start3A_82 = tpu.memref_slice %arg6[%multiple_of3A_74] : memref<102400xi32, #tpu.memory_space<hbm>> -> memref<1600xi32, #tpu.memory_space<hbm>>
    tpu.enqueue_dma source(%dma_start3A_82 : memref<1600xi32, #tpu.memory_space<hbm>>) target(%arg20 : memref<1600xi32, #tpu.memory_space<vmem>>) target_semaphore(%arg39 : memref<!tpu.dma_semaphore, #tpu.memory_space<semaphore_mem>>)
    %dma_wait3A_83 = tpu.memref_slice %arg2[%multiple_of3A_45] : memref<102400xf32, #tpu.memory_space<hbm>> -> memref<1600xf32, #tpu.memory_space<hbm>>
    %dma_wait3A_84 = tpu.memref_slice %arg2[%multiple_of3A_45] : memref<102400xf32, #tpu.memory_space<hbm>> -> memref<1600xf32, #tpu.memory_space<hbm>>
    tpu.wait_dma2 semaphore(%arg39 : memref<!tpu.dma_semaphore, #tpu.memory_space<semaphore_mem>>) src(%dma_wait3A_84 : memref<1600xf32, #tpu.memory_space<hbm>>) dst(%arg13 : memref<1600xf32, #tpu.memory_space<vmem>>)
    %dma_wait3A_85 = tpu.memref_slice %arg4[%multiple_of3A_45] : memref<102400xi32, #tpu.memory_space<hbm>> -> memref<1600xi32, #tpu.memory_space<hbm>>
    %dma_wait3A_86 = tpu.memref_slice %arg4[%multiple_of3A_45] : memref<102400xi32, #tpu.memory_space<hbm>> -> memref<1600xi32, #tpu.memory_space<hbm>>
    tpu.wait_dma2 semaphore(%arg39 : memref<!tpu.dma_semaphore, #tpu.memory_space<semaphore_mem>>) src(%dma_wait3A_86 : memref<1600xi32, #tpu.memory_space<hbm>>) dst(%arg15 : memref<1600xi32, #tpu.memory_space<vmem>>)
    %dma_wait3A_87 = tpu.memref_slice %arg5[%multiple_of3A_45] : memref<102400xi32, #tpu.memory_space<hbm>> -> memref<1600xi32, #tpu.memory_space<hbm>>
    %dma_wait3A_88 = tpu.memref_slice %arg5[%multiple_of3A_45] : memref<102400xi32, #tpu.memory_space<hbm>> -> memref<1600xi32, #tpu.memory_space<hbm>>
    tpu.wait_dma2 semaphore(%arg39 : memref<!tpu.dma_semaphore, #tpu.memory_space<semaphore_mem>>) src(%dma_wait3A_88 : memref<1600xi32, #tpu.memory_space<hbm>>) dst(%arg17 : memref<1600xi32, #tpu.memory_space<vmem>>)
    %dma_wait3A_89 = tpu.memref_slice %arg6[%multiple_of3A_45] : memref<102400xi32, #tpu.memory_space<hbm>> -> memref<1600xi32, #tpu.memory_space<hbm>>
    %dma_wait3A_90 = tpu.memref_slice %arg6[%multiple_of3A_45] : memref<102400xi32, #tpu.memory_space<hbm>> -> memref<1600xi32, #tpu.memory_space<hbm>>
    tpu.wait_dma2 semaphore(%arg39 : memref<!tpu.dma_semaphore, #tpu.memory_space<semaphore_mem>>) src(%dma_wait3A_90 : memref<1600xi32, #tpu.memory_space<hbm>>) dst(%arg19 : memref<1600xi32, #tpu.memory_space<vmem>>)
    %broadcast_in_dim3A_91 = arith.constant 0 : i32
    %broadcast_in_dim3A_92 = vector.broadcast %broadcast_in_dim3A_91 : i32 to vector<16xi32>
    %scan3A_93 = arith.constant 0 : i32
    %scan3A_94 = arith.constant 100 : i32
    %scan3A_95 = arith.addi %scan3A_93, %scan3A_94 : i32
    %scan3A_96 = arith.constant 1 : i32
    %scan3A_97 = scf.for %scan3A_312 = %scan3A_93 to %scan3A_95 step %scan3A_96 iter_args(%scan3A_313 = %broadcast_in_dim3A_92) -> (vector<16xi32>)  : i32 {
      %mul3A_314 = arith.constant 16 : i32
      %mul3A_315 = arith.muli %scan3A_312, %mul3A_314 : i32
      %get3A_316 = arith.index_cast %mul3A_315 : i32 to index
      %get3A_317 = tpu.vector_load %arg13[%get3A_316] {strides = array<i32>} : memref<1600xf32, #tpu.memory_space<vmem>>, vector<16xf32>,
      %get3A_318 = arith.index_cast %mul3A_315 : i32 to index
      %get3A_319 = tpu.vector_load %arg15[%get3A_318] {strides = array<i32>} : memref<1600xi32, #tpu.memory_space<vmem>>, vector<16xi32>,
      %get3A_320 = arith.index_cast %mul3A_315 : i32 to index
      %get3A_321 = tpu.vector_load %arg17[%get3A_320] {strides = array<i32>} : memref<1600xi32, #tpu.memory_space<vmem>>, vector<16xi32>,
      %get3A_322 = arith.index_cast %mul3A_315 : i32 to index
      %get3A_323 = tpu.vector_load %arg19[%get3A_322] {strides = array<i32>} : memref<1600xi32, #tpu.memory_space<vmem>>, vector<16xi32>,
      %sub3A = arith.subf %get3A_317, %get3A_3 : vector<16xf32>
      %le3A = arith.constant 0.000000e+00 : f32
      %le3A_324 = vector.broadcast %le3A : f32 to vector<16xf32>
      %le3A_325 = arith.cmpf ole, %sub3A, %le3A_324 : vector<16xf32>
      %add3A_326 = arith.constant 1 : i32
      %add3A_327 = vector.broadcast %add3A_326 : i32 to vector<16xi32>
      %add3A_328 = arith.addi %get3A_323, %add3A_327 : vector<16xi32>
      %jit3A = arith.constant 0 : i32
      %broadcast_in_dim3A_329 = vector.broadcast %jit3A : i32 to vector<16xi32>
      %select_n3A = arith.select %le3A_325, %add3A_328, %broadcast_in_dim3A_329 : vector<16xi1>, vector<16xi32>
      %ge3A = arith.constant 10 : i32
      %ge3A_330 = vector.broadcast %ge3A : i32 to vector<16xi32>
      %ge3A_331 = arith.cmpi sge, %select_n3A, %ge3A_330 : vector<16xi32>
      %eq3A_332 = arith.constant 0 : i32
      %eq3A_333 = vector.broadcast %eq3A_332 : i32 to vector<16xi32>
      %eq3A_334 = arith.cmpi eq, %get3A_319, %eq3A_333 : vector<16xi32>
      %and3A = arith.andi %ge3A_331, %eq3A_334 : vector<16xi1>
      %ne3A = arith.constant 0 : i32
      %ne3A_335 = vector.broadcast %ne3A : i32 to vector<16xi32>
      %ne3A_336 = arith.cmpi ne, %get3A_321, %ne3A_335 : vector<16xi32>
      %and3A_337 = arith.andi %and3A, %ne3A_336 : vector<16xi1>
      %jit3A_338 = arith.constant 0 : i32
      %broadcast_in_dim3A_339 = vector.broadcast %jit3A_338 : i32 to vector<16xi32>
      %select_n3A_340 = arith.select %and3A_337, %broadcast_in_dim3A_339, %get3A_321 : vector<16xi1>, vector<16xi32>
      %swap3A_341 = arith.index_cast %mul3A_315 : i32 to index
      %swap3A_342 = tpu.vector_load %arg23[%swap3A_341] {strides = array<i32>} : memref<1600xi32, #tpu.memory_space<vmem>>, vector<16xi32>,
      tpu.vector_store %arg23[%swap3A_341], %select_n3A_340 {strides = array<i32>} : memref<1600xi32, #tpu.memory_space<vmem>>, vector<16xi32>,
      %eq3A_343 = arith.constant 0 : i32
      %eq3A_344 = vector.broadcast %eq3A_343 : i32 to vector<16xi32>
      %eq3A_345 = arith.cmpi eq, %select_n3A_340, %eq3A_344 : vector<16xi32>
      %convert_element_type3A_346 = arith.extui %eq3A_345 : vector<16xi1> to vector<16xi32>
      %or3A_347 = arith.ori %scan3A_313, %convert_element_type3A_346 : vector<16xi32>
      scf.yield %or3A_347 : vector<16xi32>
    }
    %scan3A_98 = arith.constant 100 : i32
    %or3A_99 = arith.ori %or3A, %scan3A_97 : vector<16xi32>
    %dma_wait3A_100 = tpu.memref_slice %arg2[%multiple_of3A_74] : memref<102400xf32, #tpu.memory_space<hbm>> -> memref<1600xf32, #tpu.memory_space<hbm>>
    %dma_wait3A_101 = tpu.memref_slice %arg2[%multiple_of3A_74] : memref<102400xf32, #tpu.memory_space<hbm>> -> memref<1600xf32, #tpu.memory_space<hbm>>
    tpu.wait_dma2 semaphore(%arg39 : memref<!tpu.dma_semaphore, #tpu.memory_space<semaphore_mem>>) src(%dma_wait3A_101 : memref<1600xf32, #tpu.memory_space<hbm>>) dst(%arg14 : memref<1600xf32, #tpu.memory_space<vmem>>)
    %dma_wait3A_102 = tpu.memref_slice %arg4[%multiple_of3A_74] : memref<102400xi32, #tpu.memory_space<hbm>> -> memref<1600xi32, #tpu.memory_space<hbm>>
    %dma_wait3A_103 = tpu.memref_slice %arg4[%multiple_of3A_74] : memref<102400xi32, #tpu.memory_space<hbm>> -> memref<1600xi32, #tpu.memory_space<hbm>>
    tpu.wait_dma2 semaphore(%arg39 : memref<!tpu.dma_semaphore, #tpu.memory_space<semaphore_mem>>) src(%dma_wait3A_103 : memref<1600xi32, #tpu.memory_space<hbm>>) dst(%arg16 : memref<1600xi32, #tpu.memory_space<vmem>>)
    %dma_wait3A_104 = tpu.memref_slice %arg5[%multiple_of3A_74] : memref<102400xi32, #tpu.memory_space<hbm>> -> memref<1600xi32, #tpu.memory_space<hbm>>
    %dma_wait3A_105 = tpu.memref_slice %arg5[%multiple_of3A_74] : memref<102400xi32, #tpu.memory_space<hbm>> -> memref<1600xi32, #tpu.memory_space<hbm>>
    tpu.wait_dma2 semaphore(%arg39 : memref<!tpu.dma_semaphore, #tpu.memory_space<semaphore_mem>>) src(%dma_wait3A_105 : memref<1600xi32, #tpu.memory_space<hbm>>) dst(%arg18 : memref<1600xi32, #tpu.memory_space<vmem>>)
    %dma_wait3A_106 = tpu.memref_slice %arg6[%multiple_of3A_74] : memref<102400xi32, #tpu.memory_space<hbm>> -> memref<1600xi32, #tpu.memory_space<hbm>>
    %dma_wait3A_107 = tpu.memref_slice %arg6[%multiple_of3A_74] : memref<102400xi32, #tpu.memory_space<hbm>> -> memref<1600xi32, #tpu.memory_space<hbm>>
    tpu.wait_dma2 semaphore(%arg39 : memref<!tpu.dma_semaphore, #tpu.memory_space<semaphore_mem>>) src(%dma_wait3A_107 : memref<1600xi32, #tpu.memory_space<hbm>>) dst(%arg20 : memref<1600xi32, #tpu.memory_space<vmem>>)
    %broadcast_in_dim3A_108 = arith.constant 0 : i32
    %broadcast_in_dim3A_109 = vector.broadcast %broadcast_in_dim3A_108 : i32 to vector<16xi32>
    %scan3A_110 = arith.constant 0 : i32
    %scan3A_111 = arith.constant 100 : i32
    %scan3A_112 = arith.addi %scan3A_110, %scan3A_111 : i32
    %scan3A_113 = arith.constant 1 : i32
    %scan3A_114 = scf.for %scan3A_312 = %scan3A_110 to %scan3A_112 step %scan3A_113 iter_args(%scan3A_313 = %broadcast_in_dim3A_109) -> (vector<16xi32>)  : i32 {
      %mul3A_314 = arith.constant 16 : i32
      %mul3A_315 = arith.muli %scan3A_312, %mul3A_314 : i32
      %get3A_316 = arith.index_cast %mul3A_315 : i32 to index
      %get3A_317 = tpu.vector_load %arg14[%get3A_316] {strides = array<i32>} : memref<1600xf32, #tpu.memory_space<vmem>>, vector<16xf32>,
      %get3A_318 = arith.index_cast %mul3A_315 : i32 to index
      %get3A_319 = tpu.vector_load %arg16[%get3A_318] {strides = array<i32>} : memref<1600xi32, #tpu.memory_space<vmem>>, vector<16xi32>,
      %get3A_320 = arith.index_cast %mul3A_315 : i32 to index
      %get3A_321 = tpu.vector_load %arg18[%get3A_320] {strides = array<i32>} : memref<1600xi32, #tpu.memory_space<vmem>>, vector<16xi32>,
      %get3A_322 = arith.index_cast %mul3A_315 : i32 to index
      %get3A_323 = tpu.vector_load %arg20[%get3A_322] {strides = array<i32>} : memref<1600xi32, #tpu.memory_space<vmem>>, vector<16xi32>,
      %sub3A = arith.subf %get3A_317, %get3A_3 : vector<16xf32>
      %le3A = arith.constant 0.000000e+00 : f32
      %le3A_324 = vector.broadcast %le3A : f32 to vector<16xf32>
      %le3A_325 = arith.cmpf ole, %sub3A, %le3A_324 : vector<16xf32>
      %add3A_326 = arith.constant 1 : i32
      %add3A_327 = vector.broadcast %add3A_326 : i32 to vector<16xi32>
      %add3A_328 = arith.addi %get3A_323, %add3A_327 : vector<16xi32>
      %jit3A = arith.constant 0 : i32
      %broadcast_in_dim3A_329 = vector.broadcast %jit3A : i32 to vector<16xi32>
      %select_n3A = arith.select %le3A_325, %add3A_328, %broadcast_in_dim3A_329 : vector<16xi1>, vector<16xi32>
      %ge3A = arith.constant 10 : i32
      %ge3A_330 = vector.broadcast %ge3A : i32 to vector<16xi32>
      %ge3A_331 = arith.cmpi sge, %select_n3A, %ge3A_330 : vector<16xi32>
      %eq3A_332 = arith.constant 0 : i32
      %eq3A_333 = vector.broadcast %eq3A_332 : i32 to vector<16xi32>
      %eq3A_334 = arith.cmpi eq, %get3A_319, %eq3A_333 : vector<16xi32>
      %and3A = arith.andi %ge3A_331, %eq3A_334 : vector<16xi1>
      %ne3A = arith.constant 0 : i32
      %ne3A_335 = vector.broadcast %ne3A : i32 to vector<16xi32>
      %ne3A_336 = arith.cmpi ne, %get3A_321, %ne3A_335 : vector<16xi32>
      %and3A_337 = arith.andi %and3A, %ne3A_336 : vector<16xi1>
      %jit3A_338 = arith.constant 0 : i32
      %broadcast_in_dim3A_339 = vector.broadcast %jit3A_338 : i32 to vector<16xi32>
      %select_n3A_340 = arith.select %and3A_337, %broadcast_in_dim3A_339, %get3A_321 : vector<16xi1>, vector<16xi32>
      %swap3A_341 = arith.index_cast %mul3A_315 : i32 to index
      %swap3A_342 = tpu.vector_load %arg24[%swap3A_341] {strides = array<i32>} : memref<1600xi32, #tpu.memory_space<vmem>>, vector<16xi32>,
      tpu.vector_store %arg24[%swap3A_341], %select_n3A_340 {strides = array<i32>} : memref<1600xi32, #tpu.memory_space<vmem>>, vector<16xi32>,
      %eq3A_343 = arith.constant 0 : i32
      %eq3A_344 = vector.broadcast %eq3A_343 : i32 to vector<16xi32>
      %eq3A_345 = arith.cmpi eq, %select_n3A_340, %eq3A_344 : vector<16xi32>
      %convert_element_type3A_346 = arith.extui %eq3A_345 : vector<16xi1> to vector<16xi32>
      %or3A_347 = arith.ori %scan3A_313, %convert_element_type3A_346 : vector<16xi32>
      scf.yield %or3A_347 : vector<16xi32>
    }
    %scan3A_115 = arith.constant 100 : i32
    %or3A_116 = arith.ori %or3A_99, %scan3A_114 : vector<16xi32>
    %scan3A_117 = arith.constant 0 : i32
    %scan3A_118 = arith.constant 0 : i32
    %scan3A_119 = arith.constant 100 : i32
    %scan3A_120 = arith.addi %scan3A_118, %scan3A_119 : i32
    %scan3A_121 = arith.constant 1 : i32
    %scan3A_122 = scf.for %scan3A_312 = %scan3A_118 to %scan3A_120 step %scan3A_121 iter_args(%scan3A_313 = %scan3A_117) -> (i32)  : i32 {
      %mul3A_314 = arith.constant 16 : i32
      %mul3A_315 = arith.muli %scan3A_312, %mul3A_314 : i32
      %get3A_316 = arith.index_cast %mul3A_315 : i32 to index
      %get3A_317 = tpu.vector_load %arg21[%get3A_316] {strides = array<i32>} : memref<1600xi32, #tpu.memory_space<vmem>>, vector<16xi32>,
      %get3A_318 = arith.index_cast %mul3A_315 : i32 to index
      %get3A_319 = tpu.vector_load %arg22[%get3A_318] {strides = array<i32>} : memref<1600xi32, #tpu.memory_space<vmem>>, vector<16xi32>,
      %shift_left3A = arith.constant 8 : i32
      %shift_left3A_320 = vector.broadcast %shift_left3A : i32 to vector<16xi32>
      %shift_left3A_321 = arith.shli %get3A_319, %shift_left3A_320 : vector<16xi32>
      %or3A_322 = arith.ori %get3A_317, %shift_left3A_321 : vector<16xi32>
      %get3A_323 = arith.index_cast %mul3A_315 : i32 to index
      %get3A_324 = tpu.vector_load %arg23[%get3A_323] {strides = array<i32>} : memref<1600xi32, #tpu.memory_space<vmem>>, vector<16xi32>,
      %shift_left3A_325 = arith.constant 16 : i32
      %shift_left3A_326 = vector.broadcast %shift_left3A_325 : i32 to vector<16xi32>
      %shift_left3A_327 = arith.shli %get3A_324, %shift_left3A_326 : vector<16xi32>
      %or3A_328 = arith.ori %or3A_322, %shift_left3A_327 : vector<16xi32>
      %get3A_329 = arith.index_cast %mul3A_315 : i32 to index
      %get3A_330 = tpu.vector_load %arg24[%get3A_329] {strides = array<i32>} : memref<1600xi32, #tpu.memory_space<vmem>>, vector<16xi32>,
      %shift_left3A_331 = arith.constant 24 : i32
      %shift_left3A_332 = vector.broadcast %shift_left3A_331 : i32 to vector<16xi32>
      %shift_left3A_333 = arith.shli %get3A_330, %shift_left3A_332 : vector<16xi32>
      %or3A_334 = arith.ori %or3A_328, %shift_left3A_333 : vector<16xi32>
      %swap3A_335 = arith.index_cast %mul3A_315 : i32 to index
      %swap3A_336 = tpu.vector_load %arg25[%swap3A_335] {strides = array<i32>} : memref<1600xi32, #tpu.memory_space<vmem>>, vector<16xi32>,
      tpu.vector_store %arg25[%swap3A_335], %or3A_334 {strides = array<i32>} : memref<1600xi32, #tpu.memory_space<vmem>>, vector<16xi32>,
      %scan3A_337 = arith.constant 0 : i32
      scf.yield %scan3A_337 : i32
    }
    %scan3A_123 = arith.constant 100 : i32
    %swap3A = arith.constant 0 : index
    %swap3A_124 = tpu.vector_load %arg26[%swap3A] {strides = array<i32>} : memref<256xi32, #tpu.memory_space<vmem>>, vector<16xi32>,
    tpu.vector_store %arg26[%swap3A], %or3A_116 {strides = array<i32>} : memref<256xi32, #tpu.memory_space<vmem>>, vector<16xi32>,
    %mul3A_125 = arith.constant 1600 : i32
    %mul3A_126 = arith.muli %arg1, %mul3A_125 : i32
    %multiple_of3A_127 = tpu.assume_multiple %mul3A_126, 8 : i32
    "tpu.region"() ({
      %run_scoped3A = tpu.sem_alloc : memref<!tpu.dma_semaphore, #tpu.memory_space<semaphore_mem>>
      %dma_start3A_312 = tpu.memref_slice %arg35[%multiple_of3A_127] : memref<25600xi32, #tpu.memory_space<vmem_shared>> -> memref<1600xi32, #tpu.memory_space<vmem_shared>>
      %dma_start3A_313 = tpu.memref_slice %arg35[%multiple_of3A_127] : memref<25600xi32, #tpu.memory_space<vmem_shared>> -> memref<1600xi32, #tpu.memory_space<vmem_shared>>
      tpu.enqueue_dma source(%arg25 : memref<1600xi32, #tpu.memory_space<vmem>>) target(%dma_start3A_313 : memref<1600xi32, #tpu.memory_space<vmem_shared>>) target_semaphore(%run_scoped3A : memref<!tpu.dma_semaphore, #tpu.memory_space<semaphore_mem>>)
      %dma_wait3A_314 = tpu.memref_slice %arg35[%multiple_of3A_127] : memref<25600xi32, #tpu.memory_space<vmem_shared>> -> memref<1600xi32, #tpu.memory_space<vmem_shared>>
      %dma_wait3A_315 = tpu.memref_slice %arg35[%multiple_of3A_127] : memref<25600xi32, #tpu.memory_space<vmem_shared>> -> memref<1600xi32, #tpu.memory_space<vmem_shared>>
      tpu.wait_dma2 semaphore(%run_scoped3A : memref<!tpu.dma_semaphore, #tpu.memory_space<semaphore_mem>>) src(%arg25 : memref<1600xi32, #tpu.memory_space<vmem>>) dst(%dma_wait3A_315 : memref<1600xi32, #tpu.memory_space<vmem_shared>>)
      tpu.yield
    }) : () -> ()
    %mul3A_128 = arith.constant 16 : i32
    %mul3A_129 = arith.muli %arg1, %mul3A_128 : i32
    %multiple_of3A_130 = tpu.assume_multiple %mul3A_129, 8 : i32
    "tpu.region"() ({
      %run_scoped3A = tpu.sem_alloc : memref<!tpu.dma_semaphore, #tpu.memory_space<semaphore_mem>>
      %dma_start3A_312 = arith.constant 0 : i32
      %dma_start3A_313 = tpu.memref_slice %arg26[%dma_start3A_312] : memref<256xi32, #tpu.memory_space<vmem>> -> memref<16xi32, #tpu.memory_space<vmem>>
      %dma_start3A_314 = tpu.memref_slice %arg36[%multiple_of3A_130] : memref<256xi32, #tpu.memory_space<vmem_shared>> -> memref<16xi32, #tpu.memory_space<vmem_shared>>
      %dma_start3A_315 = tpu.memref_slice %arg36[%multiple_of3A_130] : memref<256xi32, #tpu.memory_space<vmem_shared>> -> memref<16xi32, #tpu.memory_space<vmem_shared>>
      %dma_start3A_316 = arith.constant 0 : i32
      %dma_start3A_317 = tpu.memref_slice %arg26[%dma_start3A_316] : memref<256xi32, #tpu.memory_space<vmem>> -> memref<16xi32, #tpu.memory_space<vmem>>
      tpu.enqueue_dma source(%dma_start3A_317 : memref<16xi32, #tpu.memory_space<vmem>>) target(%dma_start3A_315 : memref<16xi32, #tpu.memory_space<vmem_shared>>) target_semaphore(%run_scoped3A : memref<!tpu.dma_semaphore, #tpu.memory_space<semaphore_mem>>)
      %dma_wait3A_318 = arith.constant 0 : i32
      %dma_wait3A_319 = tpu.memref_slice %arg26[%dma_wait3A_318] : memref<256xi32, #tpu.memory_space<vmem>> -> memref<16xi32, #tpu.memory_space<vmem>>
      %dma_wait3A_320 = tpu.memref_slice %arg36[%multiple_of3A_130] : memref<256xi32, #tpu.memory_space<vmem_shared>> -> memref<16xi32, #tpu.memory_space<vmem_shared>>
      %dma_wait3A_321 = tpu.memref_slice %arg36[%multiple_of3A_130] : memref<256xi32, #tpu.memory_space<vmem_shared>> -> memref<16xi32, #tpu.memory_space<vmem_shared>>
      %dma_wait3A_322 = arith.constant 0 : i32
      %dma_wait3A_323 = tpu.memref_slice %arg26[%dma_wait3A_322] : memref<256xi32, #tpu.memory_space<vmem>> -> memref<16xi32, #tpu.memory_space<vmem>>
      tpu.wait_dma2 semaphore(%run_scoped3A : memref<!tpu.dma_semaphore, #tpu.memory_space<semaphore_mem>>) src(%dma_wait3A_323 : memref<16xi32, #tpu.memory_space<vmem>>) dst(%dma_wait3A_321 : memref<16xi32, #tpu.memory_space<vmem_shared>>)
      tpu.yield
    }) : () -> ()
    %eq3A = arith.constant 0 : i32
    %eq3A_131 = arith.cmpi eq, %arg0, %eq3A : i32
    %convert_element_type3A = arith.extui %eq3A_131 : i1 to i32
    %cond3A = arith.constant 0 : i32
    %cond3A_132 = arith.cmpi ne, %convert_element_type3A, %cond3A : i32
    scf.if %cond3A_132 {
      %mul3A_312 = arith.constant 1600 : i32
      %mul3A_313 = arith.muli %arg1, %mul3A_312 : i32
      %add3A_314 = arith.constant 0 : i32
      %add3A_315 = arith.addi %add3A_314, %mul3A_313 : i32
      %multiple_of3A_316 = tpu.assume_multiple %add3A_315, 8 : i32
      "tpu.region"() ({
        %run_scoped3A = tpu.sem_alloc : memref<!tpu.dma_semaphore, #tpu.memory_space<semaphore_mem>>
        %dma_start3A_332 = tpu.memref_slice %arg9[%multiple_of3A_316] : memref<102400xi32, #tpu.memory_space<hbm>> -> memref<1600xi32, #tpu.memory_space<hbm>>
        %dma_start3A_333 = tpu.memref_slice %arg9[%multiple_of3A_316] : memref<102400xi32, #tpu.memory_space<hbm>> -> memref<1600xi32, #tpu.memory_space<hbm>>
        tpu.enqueue_dma source(%arg21 : memref<1600xi32, #tpu.memory_space<vmem>>) target(%dma_start3A_333 : memref<1600xi32, #tpu.memory_space<hbm>>) target_semaphore(%run_scoped3A : memref<!tpu.dma_semaphore, #tpu.memory_space<semaphore_mem>>)
        %dma_wait3A_334 = tpu.memref_slice %arg9[%multiple_of3A_316] : memref<102400xi32, #tpu.memory_space<hbm>> -> memref<1600xi32, #tpu.memory_space<hbm>>
        %dma_wait3A_335 = tpu.memref_slice %arg9[%multiple_of3A_316] : memref<102400xi32, #tpu.memory_space<hbm>> -> memref<1600xi32, #tpu.memory_space<hbm>>
        tpu.wait_dma2 semaphore(%run_scoped3A : memref<!tpu.dma_semaphore, #tpu.memory_space<semaphore_mem>>) src(%arg21 : memref<1600xi32, #tpu.memory_space<vmem>>) dst(%dma_wait3A_335 : memref<1600xi32, #tpu.memory_space<hbm>>)
        tpu.yield
      }) : () -> ()
      %mul3A_317 = arith.constant 1600 : i32
      %mul3A_318 = arith.muli %arg1, %mul3A_317 : i32
      %add3A_319 = arith.constant 25600 : i32
      %add3A_320 = arith.addi %add3A_319, %mul3A_318 : i32
      %multiple_of3A_321 = tpu.assume_multiple %add3A_320, 8 : i32
      "tpu.region"() ({
        %run_scoped3A = tpu.sem_alloc : memref<!tpu.dma_semaphore, #tpu.memory_space<semaphore_mem>>
        %dma_start3A_332 = tpu.memref_slice %arg9[%multiple_of3A_321] : memref<102400xi32, #tpu.memory_space<hbm>> -> memref<1600xi32, #tpu.memory_space<hbm>>
        %dma_start3A_333 = tpu.memref_slice %arg9[%multiple_of3A_321] : memref<102400xi32, #tpu.memory_space<hbm>> -> memref<1600xi32, #tpu.memory_space<hbm>>
        tpu.enqueue_dma source(%arg22 : memref<1600xi32, #tpu.memory_space<vmem>>) target(%dma_start3A_333 : memref<1600xi32, #tpu.memory_space<hbm>>) target_semaphore(%run_scoped3A : memref<!tpu.dma_semaphore, #tpu.memory_space<semaphore_mem>>)
        %dma_wait3A_334 = tpu.memref_slice %arg9[%multiple_of3A_321] : memref<102400xi32, #tpu.memory_space<hbm>> -> memref<1600xi32, #tpu.memory_space<hbm>>
        %dma_wait3A_335 = tpu.memref_slice %arg9[%multiple_of3A_321] : memref<102400xi32, #tpu.memory_space<hbm>> -> memref<1600xi32, #tpu.memory_space<hbm>>
        tpu.wait_dma2 semaphore(%run_scoped3A : memref<!tpu.dma_semaphore, #tpu.memory_space<semaphore_mem>>) src(%arg22 : memref<1600xi32, #tpu.memory_space<vmem>>) dst(%dma_wait3A_335 : memref<1600xi32, #tpu.memory_space<hbm>>)
        tpu.yield
      }) : () -> ()
      %mul3A_322 = arith.constant 1600 : i32
      %mul3A_323 = arith.muli %arg1, %mul3A_322 : i32
      %add3A_324 = arith.constant 51200 : i32
      %add3A_325 = arith.addi %add3A_324, %mul3A_323 : i32
      %multiple_of3A_326 = tpu.assume_multiple %add3A_325, 8 : i32
      "tpu.region"() ({
        %run_scoped3A = tpu.sem_alloc : memref<!tpu.dma_semaphore, #tpu.memory_space<semaphore_mem>>
        %dma_start3A_332 = tpu.memref_slice %arg9[%multiple_of3A_326] : memref<102400xi32, #tpu.memory_space<hbm>> -> memref<1600xi32, #tpu.memory_space<hbm>>
        %dma_start3A_333 = tpu.memref_slice %arg9[%multiple_of3A_326] : memref<102400xi32, #tpu.memory_space<hbm>> -> memref<1600xi32, #tpu.memory_space<hbm>>
        tpu.enqueue_dma source(%arg23 : memref<1600xi32, #tpu.memory_space<vmem>>) target(%dma_start3A_333 : memref<1600xi32, #tpu.memory_space<hbm>>) target_semaphore(%run_scoped3A : memref<!tpu.dma_semaphore, #tpu.memory_space<semaphore_mem>>)
        %dma_wait3A_334 = tpu.memref_slice %arg9[%multiple_of3A_326] : memref<102400xi32, #tpu.memory_space<hbm>> -> memref<1600xi32, #tpu.memory_space<hbm>>
        %dma_wait3A_335 = tpu.memref_slice %arg9[%multiple_of3A_326] : memref<102400xi32, #tpu.memory_space<hbm>> -> memref<1600xi32, #tpu.memory_space<hbm>>
        tpu.wait_dma2 semaphore(%run_scoped3A : memref<!tpu.dma_semaphore, #tpu.memory_space<semaphore_mem>>) src(%arg23 : memref<1600xi32, #tpu.memory_space<vmem>>) dst(%dma_wait3A_335 : memref<1600xi32, #tpu.memory_space<hbm>>)
        tpu.yield
      }) : () -> ()
      %mul3A_327 = arith.constant 1600 : i32
      %mul3A_328 = arith.muli %arg1, %mul3A_327 : i32
      %add3A_329 = arith.constant 76800 : i32
      %add3A_330 = arith.addi %add3A_329, %mul3A_328 : i32
      %multiple_of3A_331 = tpu.assume_multiple %add3A_330, 8 : i32
      "tpu.region"() ({
        %run_scoped3A = tpu.sem_alloc : memref<!tpu.dma_semaphore, #tpu.memory_space<semaphore_mem>>
        %dma_start3A_332 = tpu.memref_slice %arg9[%multiple_of3A_331] : memref<102400xi32, #tpu.memory_space<hbm>> -> memref<1600xi32, #tpu.memory_space<hbm>>
        %dma_start3A_333 = tpu.memref_slice %arg9[%multiple_of3A_331] : memref<102400xi32, #tpu.memory_space<hbm>> -> memref<1600xi32, #tpu.memory_space<hbm>>
        tpu.enqueue_dma source(%arg24 : memref<1600xi32, #tpu.memory_space<vmem>>) target(%dma_start3A_333 : memref<1600xi32, #tpu.memory_space<hbm>>) target_semaphore(%run_scoped3A : memref<!tpu.dma_semaphore, #tpu.memory_space<semaphore_mem>>)
        %dma_wait3A_334 = tpu.memref_slice %arg9[%multiple_of3A_331] : memref<102400xi32, #tpu.memory_space<hbm>> -> memref<1600xi32, #tpu.memory_space<hbm>>
        %dma_wait3A_335 = tpu.memref_slice %arg9[%multiple_of3A_331] : memref<102400xi32, #tpu.memory_space<hbm>> -> memref<1600xi32, #tpu.memory_space<hbm>>
        tpu.wait_dma2 semaphore(%run_scoped3A : memref<!tpu.dma_semaphore, #tpu.memory_space<semaphore_mem>>) src(%arg24 : memref<1600xi32, #tpu.memory_space<vmem>>) dst(%dma_wait3A_335 : memref<1600xi32, #tpu.memory_space<hbm>>)
        tpu.yield
      }) : () -> ()
    } else {
    }
    %scan3A_133 = arith.constant 0 : i32
    %scan3A_134 = arith.constant 0 : i32
    %scan3A_135 = arith.constant 400 : i32
    %scan3A_136 = arith.addi %scan3A_134, %scan3A_135 : i32
    %scan3A_137 = arith.constant 1 : i32
    %scan3A_138 = scf.for %scan3A_312 = %scan3A_134 to %scan3A_136 step %scan3A_137 iter_args(%scan3A_313 = %scan3A_133) -> (i32)  : i32 {
      %mul3A_314 = arith.constant 16 : i32
      %mul3A_315 = arith.muli %scan3A_312, %mul3A_314 : i32
      %broadcast_in_dim3A_316 = arith.constant 0 : i32
      %broadcast_in_dim3A_317 = vector.broadcast %broadcast_in_dim3A_316 : i32 to vector<16xi32>
      %swap3A_318 = arith.index_cast %mul3A_315 : i32 to index
      %swap3A_319 = tpu.vector_load %arg34[%swap3A_318] {strides = array<i32>} : memref<6400xi32, #tpu.memory_space<vmem>>, vector<16xi32>,
      tpu.vector_store %arg34[%swap3A_318], %broadcast_in_dim3A_317 {strides = array<i32>} : memref<6400xi32, #tpu.memory_space<vmem>>, vector<16xi32>,
      %scan3A_320 = arith.constant 0 : i32
      scf.yield %scan3A_320 : i32
    }
    %scan3A_139 = arith.constant 400 : i32
    %scan3A_140 = arith.constant 0 : i32
    %scan3A_141 = arith.constant 0 : i32
    %scan3A_142 = arith.constant 625 : i32
    %scan3A_143 = arith.addi %scan3A_141, %scan3A_142 : i32
    %scan3A_144 = arith.constant 1 : i32
    %scan3A_145 = scf.for %scan3A_312 = %scan3A_141 to %scan3A_143 step %scan3A_144 iter_args(%scan3A_313 = %scan3A_140) -> (i32)  : i32 {
      %mul3A_314 = arith.constant 16 : i32
      %mul3A_315 = arith.muli %scan3A_312, %mul3A_314 : i32
      %broadcast_in_dim3A_316 = arith.constant 1 : i32
      %broadcast_in_dim3A_317 = vector.broadcast %broadcast_in_dim3A_316 : i32 to vector<16xi32>
      %swap3A_318 = arith.index_cast %mul3A_315 : i32 to index
      %swap3A_319 = tpu.vector_load %arg33[%swap3A_318] {strides = array<i32>} : memref<10000xi32, #tpu.memory_space<vmem>>, vector<16xi32>,
      tpu.vector_store %arg33[%swap3A_318], %broadcast_in_dim3A_317 {strides = array<i32>} : memref<10000xi32, #tpu.memory_space<vmem>>, vector<16xi32>,
      %scan3A_320 = arith.constant 0 : i32
      scf.yield %scan3A_320 : i32
    }
    %scan3A_146 = arith.constant 625 : i32
    %mul3A_147 = arith.constant 6400 : i32
    %mul3A_148 = arith.muli %arg1, %mul3A_147 : i32
    %multiple_of3A_149 = tpu.assume_multiple %mul3A_148, 8 : i32
    "tpu.region"() ({
      %run_scoped3A = tpu.sem_alloc : memref<!tpu.dma_semaphore, #tpu.memory_space<semaphore_mem>>
      %dma_start3A_312 = tpu.memref_slice %arg37[%multiple_of3A_149] : memref<102400xi32, #tpu.memory_space<vmem_shared>> -> memref<6400xi32, #tpu.memory_space<vmem_shared>>
      %dma_start3A_313 = tpu.memref_slice %arg37[%multiple_of3A_149] : memref<102400xi32, #tpu.memory_space<vmem_shared>> -> memref<6400xi32, #tpu.memory_space<vmem_shared>>
      tpu.enqueue_dma source(%arg34 : memref<6400xi32, #tpu.memory_space<vmem>>) target(%dma_start3A_313 : memref<6400xi32, #tpu.memory_space<vmem_shared>>) target_semaphore(%run_scoped3A : memref<!tpu.dma_semaphore, #tpu.memory_space<semaphore_mem>>)
      %dma_wait3A_314 = tpu.memref_slice %arg37[%multiple_of3A_149] : memref<102400xi32, #tpu.memory_space<vmem_shared>> -> memref<6400xi32, #tpu.memory_space<vmem_shared>>
      %dma_wait3A_315 = tpu.memref_slice %arg37[%multiple_of3A_149] : memref<102400xi32, #tpu.memory_space<vmem_shared>> -> memref<6400xi32, #tpu.memory_space<vmem_shared>>
      tpu.wait_dma2 semaphore(%run_scoped3A : memref<!tpu.dma_semaphore, #tpu.memory_space<semaphore_mem>>) src(%arg34 : memref<6400xi32, #tpu.memory_space<vmem>>) dst(%dma_wait3A_315 : memref<6400xi32, #tpu.memory_space<vmem_shared>>)
      tpu.yield
    }) : () -> ()
    "tpu.region"() ({
      %run_scoped3A = tpu.sem_alloc : memref<!tpu.dma_semaphore, #tpu.memory_space<semaphore_mem>>
      %dma_start3A_312 = tpu.memref_slice %arg38[%multiple_of3A_149] : memref<102400xi32, #tpu.memory_space<vmem_shared>> -> memref<6400xi32, #tpu.memory_space<vmem_shared>>
      %dma_start3A_313 = tpu.memref_slice %arg38[%multiple_of3A_149] : memref<102400xi32, #tpu.memory_space<vmem_shared>> -> memref<6400xi32, #tpu.memory_space<vmem_shared>>
      tpu.enqueue_dma source(%arg34 : memref<6400xi32, #tpu.memory_space<vmem>>) target(%dma_start3A_313 : memref<6400xi32, #tpu.memory_space<vmem_shared>>) target_semaphore(%run_scoped3A : memref<!tpu.dma_semaphore, #tpu.memory_space<semaphore_mem>>)
      %dma_wait3A_314 = tpu.memref_slice %arg38[%multiple_of3A_149] : memref<102400xi32, #tpu.memory_space<vmem_shared>> -> memref<6400xi32, #tpu.memory_space<vmem_shared>>
      %dma_wait3A_315 = tpu.memref_slice %arg38[%multiple_of3A_149] : memref<102400xi32, #tpu.memory_space<vmem_shared>> -> memref<6400xi32, #tpu.memory_space<vmem_shared>>
      tpu.wait_dma2 semaphore(%run_scoped3A : memref<!tpu.dma_semaphore, #tpu.memory_space<semaphore_mem>>) src(%arg34 : memref<6400xi32, #tpu.memory_space<vmem>>) dst(%dma_wait3A_315 : memref<6400xi32, #tpu.memory_space<vmem_shared>>)
      tpu.yield
    }) : () -> ()
    %barrier3A = arith.constant 0 : index
    tpu.barrier barrier_id(%barrier3A)
    "tpu.region"() ({
      %run_scoped3A = tpu.sem_alloc : memref<!tpu.dma_semaphore, #tpu.memory_space<semaphore_mem>>
      tpu.enqueue_dma source(%arg36 : memref<256xi32, #tpu.memory_space<vmem_shared>>) target(%arg26 : memref<256xi32, #tpu.memory_space<vmem>>) target_semaphore(%run_scoped3A : memref<!tpu.dma_semaphore, #tpu.memory_space<semaphore_mem>>)
      tpu.wait_dma2 semaphore(%run_scoped3A : memref<!tpu.dma_semaphore, #tpu.memory_space<semaphore_mem>>) src(%arg36 : memref<256xi32, #tpu.memory_space<vmem_shared>>) dst(%arg26 : memref<256xi32, #tpu.memory_space<vmem>>)
      tpu.yield
    }) : () -> ()
    %broadcast_in_dim3A_150 = arith.constant 0 : i32
    %broadcast_in_dim3A_151 = vector.broadcast %broadcast_in_dim3A_150 : i32 to vector<16xi32>
    %scan3A_152 = arith.constant 0 : i32
    %scan3A_153 = arith.constant 16 : i32
    %scan3A_154 = arith.addi %scan3A_152, %scan3A_153 : i32
    %scan3A_155 = arith.constant 1 : i32
    %scan3A_156 = scf.for %scan3A_312 = %scan3A_152 to %scan3A_154 step %scan3A_155 iter_args(%scan3A_313 = %broadcast_in_dim3A_151) -> (vector<16xi32>)  : i32 {
      %mul3A_314 = arith.constant 16 : i32
      %mul3A_315 = arith.muli %scan3A_312, %mul3A_314 : i32
      %get3A_316 = arith.index_cast %mul3A_315 : i32 to index
      %get3A_317 = tpu.vector_load %arg26[%get3A_316] {strides = array<i32>} : memref<256xi32, #tpu.memory_space<vmem>>, vector<16xi32>,
      %or3A_318 = arith.ori %scan3A_313, %get3A_317 : vector<16xi32>
      scf.yield %or3A_318 : vector<16xi32>
    }
    %scan3A_157 = arith.constant 16 : i32
    %reduce_max3A = arith.constant true
    %reduce_max3A_158 = vector.broadcast %reduce_max3A : i1 to vector<16xi1>
    %reduce_max3A_159 = arith.constant -2147483648 : i32
    %reduce_max3A_160 = vector.broadcast %reduce_max3A_159 : i32 to vector<16xi32>
    %reduce_max3A_161 = arith.xori %scan3A_156, %reduce_max3A_160 : vector<16xi32>
    %reduce_max3A_162 = tpu.scan <max>, %reduce_max3A_161 masked %reduce_max3A_158 : vector<16xi32>, vector<16xi1> -> vector<16xi32>
    %reduce_max3A_163 = arith.xori %reduce_max3A_162, %reduce_max3A_160 : vector<16xi32>
    %reduce_max3A_164 = vector.extract %reduce_max3A_163[15] : i32 from vector<16xi32>
    %gt3A = arith.constant 0 : i32
    %gt3A_165 = arith.cmpi sgt, %reduce_max3A_164, %gt3A : i32
    %convert_element_type3A_166 = arith.extui %gt3A_165 : i1 to i32
    %cond3A_167 = arith.constant 0 : i32
    %cond3A_168 = arith.cmpi ne, %convert_element_type3A_166, %cond3A_167 : i32
    scf.if %cond3A_168 {
      "tpu.region"() ({
        %run_scoped3A = tpu.sem_alloc : memref<!tpu.dma_semaphore, #tpu.memory_space<semaphore_mem>>
        tpu.enqueue_dma source(%arg35 : memref<25600xi32, #tpu.memory_space<vmem_shared>>) target(%arg27 : memref<25600xi32, #tpu.memory_space<vmem>>) target_semaphore(%run_scoped3A : memref<!tpu.dma_semaphore, #tpu.memory_space<semaphore_mem>>)
        tpu.wait_dma2 semaphore(%run_scoped3A : memref<!tpu.dma_semaphore, #tpu.memory_space<semaphore_mem>>) src(%arg35 : memref<25600xi32, #tpu.memory_space<vmem_shared>>) dst(%arg27 : memref<25600xi32, #tpu.memory_space<vmem>>)
        tpu.yield
      }) : () -> ()
    } else {
    }
    %multiple_of3A_169 = tpu.assume_multiple %mul3A_2, 8 : i32
    %dma_start3A_170 = tpu.memref_slice %arg7[%multiple_of3A_169] : memref<3200000xi32, #tpu.memory_space<hbm>> -> memref<10000xi32, #tpu.memory_space<hbm>>
    %dma_start3A_171 = tpu.memref_slice %arg7[%multiple_of3A_169] : memref<3200000xi32, #tpu.memory_space<hbm>> -> memref<10000xi32, #tpu.memory_space<hbm>>
    tpu.enqueue_dma source(%dma_start3A_171 : memref<10000xi32, #tpu.memory_space<hbm>>) target(%arg28 : memref<10000xi32, #tpu.memory_space<vmem>>) target_semaphore(%arg40 : memref<!tpu.dma_semaphore, #tpu.memory_space<semaphore_mem>>)
    %dma_wait3A_172 = tpu.memref_slice %arg7[%multiple_of3A_169] : memref<3200000xi32, #tpu.memory_space<hbm>> -> memref<10000xi32, #tpu.memory_space<hbm>>
    %dma_wait3A_173 = tpu.memref_slice %arg7[%multiple_of3A_169] : memref<3200000xi32, #tpu.memory_space<hbm>> -> memref<10000xi32, #tpu.memory_space<hbm>>
    tpu.wait_dma2 semaphore(%arg40 : memref<!tpu.dma_semaphore, #tpu.memory_space<semaphore_mem>>) src(%dma_wait3A_173 : memref<10000xi32, #tpu.memory_space<hbm>>) dst(%arg28 : memref<10000xi32, #tpu.memory_space<vmem>>)
    %add3A_174 = arith.constant 10000 : i32
    %add3A_175 = arith.addi %mul3A_2, %add3A_174 : i32
    %multiple_of3A_176 = tpu.assume_multiple %add3A_175, 8 : i32
    %dma_start3A_177 = tpu.memref_slice %arg7[%multiple_of3A_176] : memref<3200000xi32, #tpu.memory_space<hbm>> -> memref<10000xi32, #tpu.memory_space<hbm>>
    %dma_start3A_178 = tpu.memref_slice %arg7[%multiple_of3A_176] : memref<3200000xi32, #tpu.memory_space<hbm>> -> memref<10000xi32, #tpu.memory_space<hbm>>
    tpu.enqueue_dma source(%dma_start3A_178 : memref<10000xi32, #tpu.memory_space<hbm>>) target(%arg29 : memref<10000xi32, #tpu.memory_space<vmem>>) target_semaphore(%arg40 : memref<!tpu.dma_semaphore, #tpu.memory_space<semaphore_mem>>)
    %convert_element_type3A_179 = arith.extui %gt3A_165 : i1 to i32
    %cond3A_180 = arith.constant 0 : i32
    %cond3A_181 = arith.cmpi ne, %convert_element_type3A_179, %cond3A_180 : i32
    scf.if %cond3A_181 {
      %add3A_312 = arith.constant 0 : i32
      %add3A_313 = arith.addi %mul3A_2, %add3A_312 : i32
      %multiple_of3A_314 = tpu.assume_multiple %add3A_313, 8 : i32
      "tpu.region"() ({
        %run_scoped3A = tpu.sem_alloc : memref<!tpu.dma_semaphore, #tpu.memory_space<semaphore_mem>>
        %dma_start3A_336 = tpu.memref_slice %arg8[%multiple_of3A_314] : memref<3200000xi32, #tpu.memory_space<hbm>> -> memref<10000xi32, #tpu.memory_space<hbm>>
        %dma_start3A_337 = tpu.memref_slice %arg8[%multiple_of3A_314] : memref<3200000xi32, #tpu.memory_space<hbm>> -> memref<10000xi32, #tpu.memory_space<hbm>>
        tpu.enqueue_dma source(%dma_start3A_337 : memref<10000xi32, #tpu.memory_space<hbm>>) target(%arg31 : memref<10000xi32, #tpu.memory_space<vmem>>) target_semaphore(%run_scoped3A : memref<!tpu.dma_semaphore, #tpu.memory_space<semaphore_mem>>)
        %dma_wait3A_338 = tpu.memref_slice %arg8[%multiple_of3A_314] : memref<3200000xi32, #tpu.memory_space<hbm>> -> memref<10000xi32, #tpu.memory_space<hbm>>
        %dma_wait3A_339 = tpu.memref_slice %arg8[%multiple_of3A_314] : memref<3200000xi32, #tpu.memory_space<hbm>> -> memref<10000xi32, #tpu.memory_space<hbm>>
        tpu.wait_dma2 semaphore(%run_scoped3A : memref<!tpu.dma_semaphore, #tpu.memory_space<semaphore_mem>>) src(%dma_wait3A_339 : memref<10000xi32, #tpu.memory_space<hbm>>) dst(%arg31 : memref<10000xi32, #tpu.memory_space<vmem>>)
        tpu.yield
      }) : () -> ()
      %broadcast_in_dim3A_315 = arith.constant 0 : i32
      %broadcast_in_dim3A_316 = vector.broadcast %broadcast_in_dim3A_315 : i32 to vector<16xi32>
      %scan3A_317 = arith.constant 0 : i32
      %scan3A_318 = arith.constant 625 : i32
      %scan3A_319 = arith.addi %scan3A_317, %scan3A_318 : i32
      %scan3A_320 = arith.constant 1 : i32
      %scan3A_321 = scf.for %scan3A_336 = %scan3A_317 to %scan3A_319 step %scan3A_320 iter_args(%scan3A_337 = %broadcast_in_dim3A_316) -> (vector<16xi32>)  : i32 {
        %mul3A_338 = arith.constant 16 : i32
        %mul3A_339 = arith.muli %scan3A_336, %mul3A_338 : i32
        %get3A_340 = arith.index_cast %mul3A_339 : i32 to index
        %get3A_341 = tpu.vector_load %arg31[%get3A_340] {strides = array<i32>} : memref<10000xi32, #tpu.memory_space<vmem>>, vector<16xi32>,
        %ge3A = arith.constant 25600 : i32
        %ge3A_342 = vector.broadcast %ge3A : i32 to vector<16xi32>
        %ge3A_343 = arith.cmpi sge, %get3A_341, %ge3A_342 : vector<16xi32>
        %convert_element_type3A_344 = arith.extui %ge3A_343 : vector<16xi1> to vector<16xi32>
        %ge3A_345 = arith.constant 51200 : i32
        %ge3A_346 = vector.broadcast %ge3A_345 : i32 to vector<16xi32>
        %ge3A_347 = arith.cmpi sge, %get3A_341, %ge3A_346 : vector<16xi32>
        %convert_element_type3A_348 = arith.extui %ge3A_347 : vector<16xi1> to vector<16xi32>
        %add3A_349 = arith.addi %convert_element_type3A_344, %convert_element_type3A_348 : vector<16xi32>
        %ge3A_350 = arith.constant 76800 : i32
        %ge3A_351 = vector.broadcast %ge3A_350 : i32 to vector<16xi32>
        %ge3A_352 = arith.cmpi sge, %get3A_341, %ge3A_351 : vector<16xi32>
        %convert_element_type3A_353 = arith.extui %ge3A_352 : vector<16xi1> to vector<16xi32>
        %add3A_354 = arith.addi %add3A_349, %convert_element_type3A_353 : vector<16xi32>
        %mul3A_355 = arith.constant 25600 : i32
        %mul3A_356 = vector.broadcast %mul3A_355 : i32 to vector<16xi32>
        %mul3A_357 = arith.muli %add3A_354, %mul3A_356 : vector<16xi32>
        %sub3A = arith.subi %get3A_341, %mul3A_357 : vector<16xi32>
        %gather3A = tpu.vector_load_idx %arg27[%sub3A] : memref<25600xi32, #tpu.memory_space<vmem>>[vector<16xi32>], vector<16xi32>,
        %shift_left3A = arith.constant 3 : i32
        %shift_left3A_358 = vector.broadcast %shift_left3A : i32 to vector<16xi32>
        %shift_left3A_359 = arith.shli %add3A_354, %shift_left3A_358 : vector<16xi32>
        %shift_right_arithmetic3A = arith.shrsi %gather3A, %shift_left3A_359 : vector<16xi32>
        %and3A = arith.constant 1 : i32
        %and3A_360 = vector.broadcast %and3A : i32 to vector<16xi32>
        %and3A_361 = arith.andi %shift_right_arithmetic3A, %and3A_360 : vector<16xi32>
        %xor3A = arith.constant 1 : i32
        %xor3A_362 = vector.broadcast %xor3A : i32 to vector<16xi32>
        %xor3A_363 = arith.xori %and3A_361, %xor3A_362 : vector<16xi32>
        %swap3A_364 = arith.index_cast %mul3A_339 : i32 to index
        %swap3A_365 = tpu.vector_load %arg32[%swap3A_364] {strides = array<i32>} : memref<10000xi32, #tpu.memory_space<vmem>>, vector<16xi32>,
        tpu.vector_store %arg32[%swap3A_364], %xor3A_363 {strides = array<i32>} : memref<10000xi32, #tpu.memory_space<vmem>>, vector<16xi32>,
        %or3A_366 = arith.ori %scan3A_337, %xor3A_363 : vector<16xi32>
        scf.yield %or3A_366 : vector<16xi32>
      }
      %scan3A_322 = arith.constant 625 : i32
      %reduce_max3A_323 = arith.constant true
      %reduce_max3A_324 = vector.broadcast %reduce_max3A_323 : i1 to vector<16xi1>
      %reduce_max3A_325 = arith.constant -2147483648 : i32
      %reduce_max3A_326 = vector.broadcast %reduce_max3A_325 : i32 to vector<16xi32>
      %reduce_max3A_327 = arith.xori %scan3A_321, %reduce_max3A_326 : vector<16xi32>
      %reduce_max3A_328 = tpu.scan <max>, %reduce_max3A_327 masked %reduce_max3A_324 : vector<16xi32>, vector<16xi1> -> vector<16xi32>
      %reduce_max3A_329 = arith.xori %reduce_max3A_328, %reduce_max3A_326 : vector<16xi32>
      %reduce_max3A_330 = vector.extract %reduce_max3A_329[15] : i32 from vector<16xi32>
      %gt3A_331 = arith.constant 0 : i32
      %gt3A_332 = arith.cmpi sgt, %reduce_max3A_330, %gt3A_331 : i32
      %convert_element_type3A_333 = arith.extui %gt3A_332 : i1 to i32
      %cond3A_334 = arith.constant 0 : i32
      %cond3A_335 = arith.cmpi ne, %convert_element_type3A_333, %cond3A_334 : i32
      scf.if %cond3A_335 {
        "tpu.region"() ({
          %run_scoped3A = tpu.sem_alloc : memref<!tpu.dma_semaphore, #tpu.memory_space<semaphore_mem>>
          %dma_start3A_336 = arith.constant 0 : i32
          %dma_start3A_337 = tpu.memref_slice %arg38[%dma_start3A_336] : memref<102400xi32, #tpu.memory_space<vmem_shared>> -> memref<102400xi32, #tpu.memory_space<vmem_shared>>
          tpu.enqueue_indirect_dma source(%arg32 : memref<10000xi32, #tpu.memory_space<vmem>>) target(%dma_start3A_337 : memref<102400xi32, #tpu.memory_space<vmem_shared>>) offsets(%arg28 : memref<10000xi32, #tpu.memory_space<vmem>>) semaphore(%run_scoped3A : memref<!tpu.dma_semaphore, #tpu.memory_space<semaphore_mem>>) {add = true}
          %dma_wait3A_338 = arith.constant 0 : i32
          %dma_wait3A_339 = tpu.memref_slice %arg38[%dma_wait3A_338] : memref<102400xi32, #tpu.memory_space<vmem_shared>> -> memref<102400xi32, #tpu.memory_space<vmem_shared>>
          tpu.wait_indirect_dma semaphore(%run_scoped3A : memref<!tpu.dma_semaphore, #tpu.memory_space<semaphore_mem>>) src(%arg32 : memref<10000xi32, #tpu.memory_space<vmem>>) dst(%dma_wait3A_339 : memref<102400xi32, #tpu.memory_space<vmem_shared>>)
          tpu.yield
        }) : () -> ()
      } else {
      }
    } else {
    }
    %dma_start3A_182 = arith.constant 0 : i32
    %dma_start3A_183 = tpu.memref_slice %arg37[%dma_start3A_182] : memref<102400xi32, #tpu.memory_space<vmem_shared>> -> memref<102400xi32, #tpu.memory_space<vmem_shared>>
    tpu.enqueue_indirect_dma source(%arg33 : memref<10000xi32, #tpu.memory_space<vmem>>) target(%dma_start3A_183 : memref<102400xi32, #tpu.memory_space<vmem_shared>>) offsets(%arg28 : memref<10000xi32, #tpu.memory_space<vmem>>) semaphore(%arg41 : memref<!tpu.dma_semaphore, #tpu.memory_space<semaphore_mem>>)
    %dma_wait3A_184 = tpu.memref_slice %arg7[%multiple_of3A_176] : memref<3200000xi32, #tpu.memory_space<hbm>> -> memref<10000xi32, #tpu.memory_space<hbm>>
    %dma_wait3A_185 = tpu.memref_slice %arg7[%multiple_of3A_176] : memref<3200000xi32, #tpu.memory_space<hbm>> -> memref<10000xi32, #tpu.memory_space<hbm>>
    tpu.wait_dma2 semaphore(%arg40 : memref<!tpu.dma_semaphore, #tpu.memory_space<semaphore_mem>>) src(%dma_wait3A_185 : memref<10000xi32, #tpu.memory_space<hbm>>) dst(%arg29 : memref<10000xi32, #tpu.memory_space<vmem>>)
    %add3A_186 = arith.constant 20000 : i32
    %add3A_187 = arith.addi %mul3A_2, %add3A_186 : i32
    %multiple_of3A_188 = tpu.assume_multiple %add3A_187, 8 : i32
    %dma_start3A_189 = tpu.memref_slice %arg7[%multiple_of3A_188] : memref<3200000xi32, #tpu.memory_space<hbm>> -> memref<10000xi32, #tpu.memory_space<hbm>>
    %dma_start3A_190 = tpu.memref_slice %arg7[%multiple_of3A_188] : memref<3200000xi32, #tpu.memory_space<hbm>> -> memref<10000xi32, #tpu.memory_space<hbm>>
    tpu.enqueue_dma source(%dma_start3A_190 : memref<10000xi32, #tpu.memory_space<hbm>>) target(%arg30 : memref<10000xi32, #tpu.memory_space<vmem>>) target_semaphore(%arg40 : memref<!tpu.dma_semaphore, #tpu.memory_space<semaphore_mem>>)
    %convert_element_type3A_191 = arith.extui %gt3A_165 : i1 to i32
    %cond3A_192 = arith.constant 0 : i32
    %cond3A_193 = arith.cmpi ne, %convert_element_type3A_191, %cond3A_192 : i32
    scf.if %cond3A_193 {
      %add3A_312 = arith.constant 10000 : i32
      %add3A_313 = arith.addi %mul3A_2, %add3A_312 : i32
      %multiple_of3A_314 = tpu.assume_multiple %add3A_313, 8 : i32
      "tpu.region"() ({
        %run_scoped3A = tpu.sem_alloc : memref<!tpu.dma_semaphore, #tpu.memory_space<semaphore_mem>>
        %dma_start3A_336 = tpu.memref_slice %arg8[%multiple_of3A_314] : memref<3200000xi32, #tpu.memory_space<hbm>> -> memref<10000xi32, #tpu.memory_space<hbm>>
        %dma_start3A_337 = tpu.memref_slice %arg8[%multiple_of3A_314] : memref<3200000xi32, #tpu.memory_space<hbm>> -> memref<10000xi32, #tpu.memory_space<hbm>>
        tpu.enqueue_dma source(%dma_start3A_337 : memref<10000xi32, #tpu.memory_space<hbm>>) target(%arg31 : memref<10000xi32, #tpu.memory_space<vmem>>) target_semaphore(%run_scoped3A : memref<!tpu.dma_semaphore, #tpu.memory_space<semaphore_mem>>)
        %dma_wait3A_338 = tpu.memref_slice %arg8[%multiple_of3A_314] : memref<3200000xi32, #tpu.memory_space<hbm>> -> memref<10000xi32, #tpu.memory_space<hbm>>
        %dma_wait3A_339 = tpu.memref_slice %arg8[%multiple_of3A_314] : memref<3200000xi32, #tpu.memory_space<hbm>> -> memref<10000xi32, #tpu.memory_space<hbm>>
        tpu.wait_dma2 semaphore(%run_scoped3A : memref<!tpu.dma_semaphore, #tpu.memory_space<semaphore_mem>>) src(%dma_wait3A_339 : memref<10000xi32, #tpu.memory_space<hbm>>) dst(%arg31 : memref<10000xi32, #tpu.memory_space<vmem>>)
        tpu.yield
      }) : () -> ()
      %broadcast_in_dim3A_315 = arith.constant 0 : i32
      %broadcast_in_dim3A_316 = vector.broadcast %broadcast_in_dim3A_315 : i32 to vector<16xi32>
      %scan3A_317 = arith.constant 0 : i32
      %scan3A_318 = arith.constant 625 : i32
      %scan3A_319 = arith.addi %scan3A_317, %scan3A_318 : i32
      %scan3A_320 = arith.constant 1 : i32
      %scan3A_321 = scf.for %scan3A_336 = %scan3A_317 to %scan3A_319 step %scan3A_320 iter_args(%scan3A_337 = %broadcast_in_dim3A_316) -> (vector<16xi32>)  : i32 {
        %mul3A_338 = arith.constant 16 : i32
        %mul3A_339 = arith.muli %scan3A_336, %mul3A_338 : i32
        %get3A_340 = arith.index_cast %mul3A_339 : i32 to index
        %get3A_341 = tpu.vector_load %arg31[%get3A_340] {strides = array<i32>} : memref<10000xi32, #tpu.memory_space<vmem>>, vector<16xi32>,
        %ge3A = arith.constant 25600 : i32
        %ge3A_342 = vector.broadcast %ge3A : i32 to vector<16xi32>
        %ge3A_343 = arith.cmpi sge, %get3A_341, %ge3A_342 : vector<16xi32>
        %convert_element_type3A_344 = arith.extui %ge3A_343 : vector<16xi1> to vector<16xi32>
        %ge3A_345 = arith.constant 51200 : i32
        %ge3A_346 = vector.broadcast %ge3A_345 : i32 to vector<16xi32>
        %ge3A_347 = arith.cmpi sge, %get3A_341, %ge3A_346 : vector<16xi32>
        %convert_element_type3A_348 = arith.extui %ge3A_347 : vector<16xi1> to vector<16xi32>
        %add3A_349 = arith.addi %convert_element_type3A_344, %convert_element_type3A_348 : vector<16xi32>
        %ge3A_350 = arith.constant 76800 : i32
        %ge3A_351 = vector.broadcast %ge3A_350 : i32 to vector<16xi32>
        %ge3A_352 = arith.cmpi sge, %get3A_341, %ge3A_351 : vector<16xi32>
        %convert_element_type3A_353 = arith.extui %ge3A_352 : vector<16xi1> to vector<16xi32>
        %add3A_354 = arith.addi %add3A_349, %convert_element_type3A_353 : vector<16xi32>
        %mul3A_355 = arith.constant 25600 : i32
        %mul3A_356 = vector.broadcast %mul3A_355 : i32 to vector<16xi32>
        %mul3A_357 = arith.muli %add3A_354, %mul3A_356 : vector<16xi32>
        %sub3A = arith.subi %get3A_341, %mul3A_357 : vector<16xi32>
        %gather3A = tpu.vector_load_idx %arg27[%sub3A] : memref<25600xi32, #tpu.memory_space<vmem>>[vector<16xi32>], vector<16xi32>,
        %shift_left3A = arith.constant 3 : i32
        %shift_left3A_358 = vector.broadcast %shift_left3A : i32 to vector<16xi32>
        %shift_left3A_359 = arith.shli %add3A_354, %shift_left3A_358 : vector<16xi32>
        %shift_right_arithmetic3A = arith.shrsi %gather3A, %shift_left3A_359 : vector<16xi32>
        %and3A = arith.constant 1 : i32
        %and3A_360 = vector.broadcast %and3A : i32 to vector<16xi32>
        %and3A_361 = arith.andi %shift_right_arithmetic3A, %and3A_360 : vector<16xi32>
        %xor3A = arith.constant 1 : i32
        %xor3A_362 = vector.broadcast %xor3A : i32 to vector<16xi32>
        %xor3A_363 = arith.xori %and3A_361, %xor3A_362 : vector<16xi32>
        %swap3A_364 = arith.index_cast %mul3A_339 : i32 to index
        %swap3A_365 = tpu.vector_load %arg32[%swap3A_364] {strides = array<i32>} : memref<10000xi32, #tpu.memory_space<vmem>>, vector<16xi32>,
        tpu.vector_store %arg32[%swap3A_364], %xor3A_363 {strides = array<i32>} : memref<10000xi32, #tpu.memory_space<vmem>>, vector<16xi32>,
        %or3A_366 = arith.ori %scan3A_337, %xor3A_363 : vector<16xi32>
        scf.yield %or3A_366 : vector<16xi32>
      }
      %scan3A_322 = arith.constant 625 : i32
      %reduce_max3A_323 = arith.constant true
      %reduce_max3A_324 = vector.broadcast %reduce_max3A_323 : i1 to vector<16xi1>
      %reduce_max3A_325 = arith.constant -2147483648 : i32
      %reduce_max3A_326 = vector.broadcast %reduce_max3A_325 : i32 to vector<16xi32>
      %reduce_max3A_327 = arith.xori %scan3A_321, %reduce_max3A_326 : vector<16xi32>
      %reduce_max3A_328 = tpu.scan <max>, %reduce_max3A_327 masked %reduce_max3A_324 : vector<16xi32>, vector<16xi1> -> vector<16xi32>
      %reduce_max3A_329 = arith.xori %reduce_max3A_328, %reduce_max3A_326 : vector<16xi32>
      %reduce_max3A_330 = vector.extract %reduce_max3A_329[15] : i32 from vector<16xi32>
      %gt3A_331 = arith.constant 0 : i32
      %gt3A_332 = arith.cmpi sgt, %reduce_max3A_330, %gt3A_331 : i32
      %convert_element_type3A_333 = arith.extui %gt3A_332 : i1 to i32
      %cond3A_334 = arith.constant 0 : i32
      %cond3A_335 = arith.cmpi ne, %convert_element_type3A_333, %cond3A_334 : i32
      scf.if %cond3A_335 {
        "tpu.region"() ({
          %run_scoped3A = tpu.sem_alloc : memref<!tpu.dma_semaphore, #tpu.memory_space<semaphore_mem>>
          %dma_start3A_336 = arith.constant 0 : i32
          %dma_start3A_337 = tpu.memref_slice %arg38[%dma_start3A_336] : memref<102400xi32, #tpu.memory_space<vmem_shared>> -> memref<102400xi32, #tpu.memory_space<vmem_shared>>
          tpu.enqueue_indirect_dma source(%arg32 : memref<10000xi32, #tpu.memory_space<vmem>>) target(%dma_start3A_337 : memref<102400xi32, #tpu.memory_space<vmem_shared>>) offsets(%arg29 : memref<10000xi32, #tpu.memory_space<vmem>>) semaphore(%run_scoped3A : memref<!tpu.dma_semaphore, #tpu.memory_space<semaphore_mem>>) {add = true}
          %dma_wait3A_338 = arith.constant 0 : i32
          %dma_wait3A_339 = tpu.memref_slice %arg38[%dma_wait3A_338] : memref<102400xi32, #tpu.memory_space<vmem_shared>> -> memref<102400xi32, #tpu.memory_space<vmem_shared>>
          tpu.wait_indirect_dma semaphore(%run_scoped3A : memref<!tpu.dma_semaphore, #tpu.memory_space<semaphore_mem>>) src(%arg32 : memref<10000xi32, #tpu.memory_space<vmem>>) dst(%dma_wait3A_339 : memref<102400xi32, #tpu.memory_space<vmem_shared>>)
          tpu.yield
        }) : () -> ()
      } else {
      }
    } else {
    }
    %dma_start3A_194 = arith.constant 0 : i32
    %dma_start3A_195 = tpu.memref_slice %arg37[%dma_start3A_194] : memref<102400xi32, #tpu.memory_space<vmem_shared>> -> memref<102400xi32, #tpu.memory_space<vmem_shared>>
    tpu.enqueue_indirect_dma source(%arg33 : memref<10000xi32, #tpu.memory_space<vmem>>) target(%dma_start3A_195 : memref<102400xi32, #tpu.memory_space<vmem_shared>>) offsets(%arg29 : memref<10000xi32, #tpu.memory_space<vmem>>) semaphore(%arg41 : memref<!tpu.dma_semaphore, #tpu.memory_space<semaphore_mem>>)
    %dma_wait3A_196 = tpu.memref_slice %arg7[%multiple_of3A_188] : memref<3200000xi32, #tpu.memory_space<hbm>> -> memref<10000xi32, #tpu.memory_space<hbm>>
    %dma_wait3A_197 = tpu.memref_slice %arg7[%multiple_of3A_188] : memref<3200000xi32, #tpu.memory_space<hbm>> -> memref<10000xi32, #tpu.memory_space<hbm>>
    tpu.wait_dma2 semaphore(%arg40 : memref<!tpu.dma_semaphore, #tpu.memory_space<semaphore_mem>>) src(%dma_wait3A_197 : memref<10000xi32, #tpu.memory_space<hbm>>) dst(%arg30 : memref<10000xi32, #tpu.memory_space<vmem>>)
    %dma_wait3A_198 = arith.constant 0 : i32
    %dma_wait3A_199 = tpu.memref_slice %arg37[%dma_wait3A_198] : memref<102400xi32, #tpu.memory_space<vmem_shared>> -> memref<102400xi32, #tpu.memory_space<vmem_shared>>
    tpu.wait_indirect_dma semaphore(%arg41 : memref<!tpu.dma_semaphore, #tpu.memory_space<semaphore_mem>>) src(%arg33 : memref<10000xi32, #tpu.memory_space<vmem>>) dst(%dma_wait3A_199 : memref<102400xi32, #tpu.memory_space<vmem_shared>>)
    %add3A_200 = arith.constant 30000 : i32
    %add3A_201 = arith.addi %mul3A_2, %add3A_200 : i32
    %multiple_of3A_202 = tpu.assume_multiple %add3A_201, 8 : i32
    %dma_start3A_203 = tpu.memref_slice %arg7[%multiple_of3A_202] : memref<3200000xi32, #tpu.memory_space<hbm>> -> memref<10000xi32, #tpu.memory_space<hbm>>
    %dma_start3A_204 = tpu.memref_slice %arg7[%multiple_of3A_202] : memref<3200000xi32, #tpu.memory_space<hbm>> -> memref<10000xi32, #tpu.memory_space<hbm>>
    tpu.enqueue_dma source(%dma_start3A_204 : memref<10000xi32, #tpu.memory_space<hbm>>) target(%arg28 : memref<10000xi32, #tpu.memory_space<vmem>>) target_semaphore(%arg40 : memref<!tpu.dma_semaphore, #tpu.memory_space<semaphore_mem>>)
    %convert_element_type3A_205 = arith.extui %gt3A_165 : i1 to i32
    %cond3A_206 = arith.constant 0 : i32
    %cond3A_207 = arith.cmpi ne, %convert_element_type3A_205, %cond3A_206 : i32
    scf.if %cond3A_207 {
      %add3A_312 = arith.constant 20000 : i32
      %add3A_313 = arith.addi %mul3A_2, %add3A_312 : i32
      %multiple_of3A_314 = tpu.assume_multiple %add3A_313, 8 : i32
      "tpu.region"() ({
        %run_scoped3A = tpu.sem_alloc : memref<!tpu.dma_semaphore, #tpu.memory_space<semaphore_mem>>
        %dma_start3A_336 = tpu.memref_slice %arg8[%multiple_of3A_314] : memref<3200000xi32, #tpu.memory_space<hbm>> -> memref<10000xi32, #tpu.memory_space<hbm>>
        %dma_start3A_337 = tpu.memref_slice %arg8[%multiple_of3A_314] : memref<3200000xi32, #tpu.memory_space<hbm>> -> memref<10000xi32, #tpu.memory_space<hbm>>
        tpu.enqueue_dma source(%dma_start3A_337 : memref<10000xi32, #tpu.memory_space<hbm>>) target(%arg31 : memref<10000xi32, #tpu.memory_space<vmem>>) target_semaphore(%run_scoped3A : memref<!tpu.dma_semaphore, #tpu.memory_space<semaphore_mem>>)
        %dma_wait3A_338 = tpu.memref_slice %arg8[%multiple_of3A_314] : memref<3200000xi32, #tpu.memory_space<hbm>> -> memref<10000xi32, #tpu.memory_space<hbm>>
        %dma_wait3A_339 = tpu.memref_slice %arg8[%multiple_of3A_314] : memref<3200000xi32, #tpu.memory_space<hbm>> -> memref<10000xi32, #tpu.memory_space<hbm>>
        tpu.wait_dma2 semaphore(%run_scoped3A : memref<!tpu.dma_semaphore, #tpu.memory_space<semaphore_mem>>) src(%dma_wait3A_339 : memref<10000xi32, #tpu.memory_space<hbm>>) dst(%arg31 : memref<10000xi32, #tpu.memory_space<vmem>>)
        tpu.yield
      }) : () -> ()
      %broadcast_in_dim3A_315 = arith.constant 0 : i32
      %broadcast_in_dim3A_316 = vector.broadcast %broadcast_in_dim3A_315 : i32 to vector<16xi32>
      %scan3A_317 = arith.constant 0 : i32
      %scan3A_318 = arith.constant 625 : i32
      %scan3A_319 = arith.addi %scan3A_317, %scan3A_318 : i32
      %scan3A_320 = arith.constant 1 : i32
      %scan3A_321 = scf.for %scan3A_336 = %scan3A_317 to %scan3A_319 step %scan3A_320 iter_args(%scan3A_337 = %broadcast_in_dim3A_316) -> (vector<16xi32>)  : i32 {
        %mul3A_338 = arith.constant 16 : i32
        %mul3A_339 = arith.muli %scan3A_336, %mul3A_338 : i32
        %get3A_340 = arith.index_cast %mul3A_339 : i32 to index
        %get3A_341 = tpu.vector_load %arg31[%get3A_340] {strides = array<i32>} : memref<10000xi32, #tpu.memory_space<vmem>>, vector<16xi32>,
        %ge3A = arith.constant 25600 : i32
        %ge3A_342 = vector.broadcast %ge3A : i32 to vector<16xi32>
        %ge3A_343 = arith.cmpi sge, %get3A_341, %ge3A_342 : vector<16xi32>
        %convert_element_type3A_344 = arith.extui %ge3A_343 : vector<16xi1> to vector<16xi32>
        %ge3A_345 = arith.constant 51200 : i32
        %ge3A_346 = vector.broadcast %ge3A_345 : i32 to vector<16xi32>
        %ge3A_347 = arith.cmpi sge, %get3A_341, %ge3A_346 : vector<16xi32>
        %convert_element_type3A_348 = arith.extui %ge3A_347 : vector<16xi1> to vector<16xi32>
        %add3A_349 = arith.addi %convert_element_type3A_344, %convert_element_type3A_348 : vector<16xi32>
        %ge3A_350 = arith.constant 76800 : i32
        %ge3A_351 = vector.broadcast %ge3A_350 : i32 to vector<16xi32>
        %ge3A_352 = arith.cmpi sge, %get3A_341, %ge3A_351 : vector<16xi32>
        %convert_element_type3A_353 = arith.extui %ge3A_352 : vector<16xi1> to vector<16xi32>
        %add3A_354 = arith.addi %add3A_349, %convert_element_type3A_353 : vector<16xi32>
        %mul3A_355 = arith.constant 25600 : i32
        %mul3A_356 = vector.broadcast %mul3A_355 : i32 to vector<16xi32>
        %mul3A_357 = arith.muli %add3A_354, %mul3A_356 : vector<16xi32>
        %sub3A = arith.subi %get3A_341, %mul3A_357 : vector<16xi32>
        %gather3A = tpu.vector_load_idx %arg27[%sub3A] : memref<25600xi32, #tpu.memory_space<vmem>>[vector<16xi32>], vector<16xi32>,
        %shift_left3A = arith.constant 3 : i32
        %shift_left3A_358 = vector.broadcast %shift_left3A : i32 to vector<16xi32>
        %shift_left3A_359 = arith.shli %add3A_354, %shift_left3A_358 : vector<16xi32>
        %shift_right_arithmetic3A = arith.shrsi %gather3A, %shift_left3A_359 : vector<16xi32>
        %and3A = arith.constant 1 : i32
        %and3A_360 = vector.broadcast %and3A : i32 to vector<16xi32>
        %and3A_361 = arith.andi %shift_right_arithmetic3A, %and3A_360 : vector<16xi32>
        %xor3A = arith.constant 1 : i32
        %xor3A_362 = vector.broadcast %xor3A : i32 to vector<16xi32>
        %xor3A_363 = arith.xori %and3A_361, %xor3A_362 : vector<16xi32>
        %swap3A_364 = arith.index_cast %mul3A_339 : i32 to index
        %swap3A_365 = tpu.vector_load %arg32[%swap3A_364] {strides = array<i32>} : memref<10000xi32, #tpu.memory_space<vmem>>, vector<16xi32>,
        tpu.vector_store %arg32[%swap3A_364], %xor3A_363 {strides = array<i32>} : memref<10000xi32, #tpu.memory_space<vmem>>, vector<16xi32>,
        %or3A_366 = arith.ori %scan3A_337, %xor3A_363 : vector<16xi32>
        scf.yield %or3A_366 : vector<16xi32>
      }
      %scan3A_322 = arith.constant 625 : i32
      %reduce_max3A_323 = arith.constant true
      %reduce_max3A_324 = vector.broadcast %reduce_max3A_323 : i1 to vector<16xi1>
      %reduce_max3A_325 = arith.constant -2147483648 : i32
      %reduce_max3A_326 = vector.broadcast %reduce_max3A_325 : i32 to vector<16xi32>
      %reduce_max3A_327 = arith.xori %scan3A_321, %reduce_max3A_326 : vector<16xi32>
      %reduce_max3A_328 = tpu.scan <max>, %reduce_max3A_327 masked %reduce_max3A_324 : vector<16xi32>, vector<16xi1> -> vector<16xi32>
      %reduce_max3A_329 = arith.xori %reduce_max3A_328, %reduce_max3A_326 : vector<16xi32>
      %reduce_max3A_330 = vector.extract %reduce_max3A_329[15] : i32 from vector<16xi32>
      %gt3A_331 = arith.constant 0 : i32
      %gt3A_332 = arith.cmpi sgt, %reduce_max3A_330, %gt3A_331 : i32
      %convert_element_type3A_333 = arith.extui %gt3A_332 : i1 to i32
      %cond3A_334 = arith.constant 0 : i32
      %cond3A_335 = arith.cmpi ne, %convert_element_type3A_333, %cond3A_334 : i32
      scf.if %cond3A_335 {
        "tpu.region"() ({
          %run_scoped3A = tpu.sem_alloc : memref<!tpu.dma_semaphore, #tpu.memory_space<semaphore_mem>>
          %dma_start3A_336 = arith.constant 0 : i32
          %dma_start3A_337 = tpu.memref_slice %arg38[%dma_start3A_336] : memref<102400xi32, #tpu.memory_space<vmem_shared>> -> memref<102400xi32, #tpu.memory_space<vmem_shared>>
          tpu.enqueue_indirect_dma source(%arg32 : memref<10000xi32, #tpu.memory_space<vmem>>) target(%dma_start3A_337 : memref<102400xi32, #tpu.memory_space<vmem_shared>>) offsets(%arg30 : memref<10000xi32, #tpu.memory_space<vmem>>) semaphore(%run_scoped3A : memref<!tpu.dma_semaphore, #tpu.memory_space<semaphore_mem>>) {add = true}
          %dma_wait3A_338 = arith.constant 0 : i32
          %dma_wait3A_339 = tpu.memref_slice %arg38[%dma_wait3A_338] : memref<102400xi32, #tpu.memory_space<vmem_shared>> -> memref<102400xi32, #tpu.memory_space<vmem_shared>>
          tpu.wait_indirect_dma semaphore(%run_scoped3A : memref<!tpu.dma_semaphore, #tpu.memory_space<semaphore_mem>>) src(%arg32 : memref<10000xi32, #tpu.memory_space<vmem>>) dst(%dma_wait3A_339 : memref<102400xi32, #tpu.memory_space<vmem_shared>>)
          tpu.yield
        }) : () -> ()
      } else {
      }
    } else {
    }
    %dma_start3A_208 = arith.constant 0 : i32
    %dma_start3A_209 = tpu.memref_slice %arg37[%dma_start3A_208] : memref<102400xi32, #tpu.memory_space<vmem_shared>> -> memref<102400xi32, #tpu.memory_space<vmem_shared>>
    tpu.enqueue_indirect_dma source(%arg33 : memref<10000xi32, #tpu.memory_space<vmem>>) target(%dma_start3A_209 : memref<102400xi32, #tpu.memory_space<vmem_shared>>) offsets(%arg30 : memref<10000xi32, #tpu.memory_space<vmem>>) semaphore(%arg41 : memref<!tpu.dma_semaphore, #tpu.memory_space<semaphore_mem>>)
    %dma_wait3A_210 = tpu.memref_slice %arg7[%multiple_of3A_202] : memref<3200000xi32, #tpu.memory_space<hbm>> -> memref<10000xi32, #tpu.memory_space<hbm>>
    %dma_wait3A_211 = tpu.memref_slice %arg7[%multiple_of3A_202] : memref<3200000xi32, #tpu.memory_space<hbm>> -> memref<10000xi32, #tpu.memory_space<hbm>>
    tpu.wait_dma2 semaphore(%arg40 : memref<!tpu.dma_semaphore, #tpu.memory_space<semaphore_mem>>) src(%dma_wait3A_211 : memref<10000xi32, #tpu.memory_space<hbm>>) dst(%arg28 : memref<10000xi32, #tpu.memory_space<vmem>>)
    %dma_wait3A_212 = arith.constant 0 : i32
    %dma_wait3A_213 = tpu.memref_slice %arg37[%dma_wait3A_212] : memref<102400xi32, #tpu.memory_space<vmem_shared>> -> memref<102400xi32, #tpu.memory_space<vmem_shared>>
    tpu.wait_indirect_dma semaphore(%arg41 : memref<!tpu.dma_semaphore, #tpu.memory_space<semaphore_mem>>) src(%arg33 : memref<10000xi32, #tpu.memory_space<vmem>>) dst(%dma_wait3A_213 : memref<102400xi32, #tpu.memory_space<vmem_shared>>)
    %add3A_214 = arith.constant 40000 : i32
    %add3A_215 = arith.addi %mul3A_2, %add3A_214 : i32
    %multiple_of3A_216 = tpu.assume_multiple %add3A_215, 8 : i32
    %dma_start3A_217 = tpu.memref_slice %arg7[%multiple_of3A_216] : memref<3200000xi32, #tpu.memory_space<hbm>> -> memref<10000xi32, #tpu.memory_space<hbm>>
    %dma_start3A_218 = tpu.memref_slice %arg7[%multiple_of3A_216] : memref<3200000xi32, #tpu.memory_space<hbm>> -> memref<10000xi32, #tpu.memory_space<hbm>>
    tpu.enqueue_dma source(%dma_start3A_218 : memref<10000xi32, #tpu.memory_space<hbm>>) target(%arg29 : memref<10000xi32, #tpu.memory_space<vmem>>) target_semaphore(%arg40 : memref<!tpu.dma_semaphore, #tpu.memory_space<semaphore_mem>>)
    %convert_element_type3A_219 = arith.extui %gt3A_165 : i1 to i32
    %cond3A_220 = arith.constant 0 : i32
    %cond3A_221 = arith.cmpi ne, %convert_element_type3A_219, %cond3A_220 : i32
    scf.if %cond3A_221 {
      %add3A_312 = arith.constant 30000 : i32
      %add3A_313 = arith.addi %mul3A_2, %add3A_312 : i32
      %multiple_of3A_314 = tpu.assume_multiple %add3A_313, 8 : i32
      "tpu.region"() ({
        %run_scoped3A = tpu.sem_alloc : memref<!tpu.dma_semaphore, #tpu.memory_space<semaphore_mem>>
        %dma_start3A_336 = tpu.memref_slice %arg8[%multiple_of3A_314] : memref<3200000xi32, #tpu.memory_space<hbm>> -> memref<10000xi32, #tpu.memory_space<hbm>>
        %dma_start3A_337 = tpu.memref_slice %arg8[%multiple_of3A_314] : memref<3200000xi32, #tpu.memory_space<hbm>> -> memref<10000xi32, #tpu.memory_space<hbm>>
        tpu.enqueue_dma source(%dma_start3A_337 : memref<10000xi32, #tpu.memory_space<hbm>>) target(%arg31 : memref<10000xi32, #tpu.memory_space<vmem>>) target_semaphore(%run_scoped3A : memref<!tpu.dma_semaphore, #tpu.memory_space<semaphore_mem>>)
        %dma_wait3A_338 = tpu.memref_slice %arg8[%multiple_of3A_314] : memref<3200000xi32, #tpu.memory_space<hbm>> -> memref<10000xi32, #tpu.memory_space<hbm>>
        %dma_wait3A_339 = tpu.memref_slice %arg8[%multiple_of3A_314] : memref<3200000xi32, #tpu.memory_space<hbm>> -> memref<10000xi32, #tpu.memory_space<hbm>>
        tpu.wait_dma2 semaphore(%run_scoped3A : memref<!tpu.dma_semaphore, #tpu.memory_space<semaphore_mem>>) src(%dma_wait3A_339 : memref<10000xi32, #tpu.memory_space<hbm>>) dst(%arg31 : memref<10000xi32, #tpu.memory_space<vmem>>)
        tpu.yield
      }) : () -> ()
      %broadcast_in_dim3A_315 = arith.constant 0 : i32
      %broadcast_in_dim3A_316 = vector.broadcast %broadcast_in_dim3A_315 : i32 to vector<16xi32>
      %scan3A_317 = arith.constant 0 : i32
      %scan3A_318 = arith.constant 625 : i32
      %scan3A_319 = arith.addi %scan3A_317, %scan3A_318 : i32
      %scan3A_320 = arith.constant 1 : i32
      %scan3A_321 = scf.for %scan3A_336 = %scan3A_317 to %scan3A_319 step %scan3A_320 iter_args(%scan3A_337 = %broadcast_in_dim3A_316) -> (vector<16xi32>)  : i32 {
        %mul3A_338 = arith.constant 16 : i32
        %mul3A_339 = arith.muli %scan3A_336, %mul3A_338 : i32
        %get3A_340 = arith.index_cast %mul3A_339 : i32 to index
        %get3A_341 = tpu.vector_load %arg31[%get3A_340] {strides = array<i32>} : memref<10000xi32, #tpu.memory_space<vmem>>, vector<16xi32>,
        %ge3A = arith.constant 25600 : i32
        %ge3A_342 = vector.broadcast %ge3A : i32 to vector<16xi32>
        %ge3A_343 = arith.cmpi sge, %get3A_341, %ge3A_342 : vector<16xi32>
        %convert_element_type3A_344 = arith.extui %ge3A_343 : vector<16xi1> to vector<16xi32>
        %ge3A_345 = arith.constant 51200 : i32
        %ge3A_346 = vector.broadcast %ge3A_345 : i32 to vector<16xi32>
        %ge3A_347 = arith.cmpi sge, %get3A_341, %ge3A_346 : vector<16xi32>
        %convert_element_type3A_348 = arith.extui %ge3A_347 : vector<16xi1> to vector<16xi32>
        %add3A_349 = arith.addi %convert_element_type3A_344, %convert_element_type3A_348 : vector<16xi32>
        %ge3A_350 = arith.constant 76800 : i32
        %ge3A_351 = vector.broadcast %ge3A_350 : i32 to vector<16xi32>
        %ge3A_352 = arith.cmpi sge, %get3A_341, %ge3A_351 : vector<16xi32>
        %convert_element_type3A_353 = arith.extui %ge3A_352 : vector<16xi1> to vector<16xi32>
        %add3A_354 = arith.addi %add3A_349, %convert_element_type3A_353 : vector<16xi32>
        %mul3A_355 = arith.constant 25600 : i32
        %mul3A_356 = vector.broadcast %mul3A_355 : i32 to vector<16xi32>
        %mul3A_357 = arith.muli %add3A_354, %mul3A_356 : vector<16xi32>
        %sub3A = arith.subi %get3A_341, %mul3A_357 : vector<16xi32>
        %gather3A = tpu.vector_load_idx %arg27[%sub3A] : memref<25600xi32, #tpu.memory_space<vmem>>[vector<16xi32>], vector<16xi32>,
        %shift_left3A = arith.constant 3 : i32
        %shift_left3A_358 = vector.broadcast %shift_left3A : i32 to vector<16xi32>
        %shift_left3A_359 = arith.shli %add3A_354, %shift_left3A_358 : vector<16xi32>
        %shift_right_arithmetic3A = arith.shrsi %gather3A, %shift_left3A_359 : vector<16xi32>
        %and3A = arith.constant 1 : i32
        %and3A_360 = vector.broadcast %and3A : i32 to vector<16xi32>
        %and3A_361 = arith.andi %shift_right_arithmetic3A, %and3A_360 : vector<16xi32>
        %xor3A = arith.constant 1 : i32
        %xor3A_362 = vector.broadcast %xor3A : i32 to vector<16xi32>
        %xor3A_363 = arith.xori %and3A_361, %xor3A_362 : vector<16xi32>
        %swap3A_364 = arith.index_cast %mul3A_339 : i32 to index
        %swap3A_365 = tpu.vector_load %arg32[%swap3A_364] {strides = array<i32>} : memref<10000xi32, #tpu.memory_space<vmem>>, vector<16xi32>,
        tpu.vector_store %arg32[%swap3A_364], %xor3A_363 {strides = array<i32>} : memref<10000xi32, #tpu.memory_space<vmem>>, vector<16xi32>,
        %or3A_366 = arith.ori %scan3A_337, %xor3A_363 : vector<16xi32>
        scf.yield %or3A_366 : vector<16xi32>
      }
      %scan3A_322 = arith.constant 625 : i32
      %reduce_max3A_323 = arith.constant true
      %reduce_max3A_324 = vector.broadcast %reduce_max3A_323 : i1 to vector<16xi1>
      %reduce_max3A_325 = arith.constant -2147483648 : i32
      %reduce_max3A_326 = vector.broadcast %reduce_max3A_325 : i32 to vector<16xi32>
      %reduce_max3A_327 = arith.xori %scan3A_321, %reduce_max3A_326 : vector<16xi32>
      %reduce_max3A_328 = tpu.scan <max>, %reduce_max3A_327 masked %reduce_max3A_324 : vector<16xi32>, vector<16xi1> -> vector<16xi32>
      %reduce_max3A_329 = arith.xori %reduce_max3A_328, %reduce_max3A_326 : vector<16xi32>
      %reduce_max3A_330 = vector.extract %reduce_max3A_329[15] : i32 from vector<16xi32>
      %gt3A_331 = arith.constant 0 : i32
      %gt3A_332 = arith.cmpi sgt, %reduce_max3A_330, %gt3A_331 : i32
      %convert_element_type3A_333 = arith.extui %gt3A_332 : i1 to i32
      %cond3A_334 = arith.constant 0 : i32
      %cond3A_335 = arith.cmpi ne, %convert_element_type3A_333, %cond3A_334 : i32
      scf.if %cond3A_335 {
        "tpu.region"() ({
          %run_scoped3A = tpu.sem_alloc : memref<!tpu.dma_semaphore, #tpu.memory_space<semaphore_mem>>
          %dma_start3A_336 = arith.constant 0 : i32
          %dma_start3A_337 = tpu.memref_slice %arg38[%dma_start3A_336] : memref<102400xi32, #tpu.memory_space<vmem_shared>> -> memref<102400xi32, #tpu.memory_space<vmem_shared>>
          tpu.enqueue_indirect_dma source(%arg32 : memref<10000xi32, #tpu.memory_space<vmem>>) target(%dma_start3A_337 : memref<102400xi32, #tpu.memory_space<vmem_shared>>) offsets(%arg28 : memref<10000xi32, #tpu.memory_space<vmem>>) semaphore(%run_scoped3A : memref<!tpu.dma_semaphore, #tpu.memory_space<semaphore_mem>>) {add = true}
          %dma_wait3A_338 = arith.constant 0 : i32
          %dma_wait3A_339 = tpu.memref_slice %arg38[%dma_wait3A_338] : memref<102400xi32, #tpu.memory_space<vmem_shared>> -> memref<102400xi32, #tpu.memory_space<vmem_shared>>
          tpu.wait_indirect_dma semaphore(%run_scoped3A : memref<!tpu.dma_semaphore, #tpu.memory_space<semaphore_mem>>) src(%arg32 : memref<10000xi32, #tpu.memory_space<vmem>>) dst(%dma_wait3A_339 : memref<102400xi32, #tpu.memory_space<vmem_shared>>)
          tpu.yield
        }) : () -> ()
      } else {
      }
    } else {
    }
    %dma_start3A_222 = arith.constant 0 : i32
    %dma_start3A_223 = tpu.memref_slice %arg37[%dma_start3A_222] : memref<102400xi32, #tpu.memory_space<vmem_shared>> -> memref<102400xi32, #tpu.memory_space<vmem_shared>>
    tpu.enqueue_indirect_dma source(%arg33 : memref<10000xi32, #tpu.memory_space<vmem>>) target(%dma_start3A_223 : memref<102400xi32, #tpu.memory_space<vmem_shared>>) offsets(%arg28 : memref<10000xi32, #tpu.memory_space<vmem>>) semaphore(%arg41 : memref<!tpu.dma_semaphore, #tpu.memory_space<semaphore_mem>>)
    %dma_wait3A_224 = tpu.memref_slice %arg7[%multiple_of3A_216] : memref<3200000xi32, #tpu.memory_space<hbm>> -> memref<10000xi32, #tpu.memory_space<hbm>>
    %dma_wait3A_225 = tpu.memref_slice %arg7[%multiple_of3A_216] : memref<3200000xi32, #tpu.memory_space<hbm>> -> memref<10000xi32, #tpu.memory_space<hbm>>
    tpu.wait_dma2 semaphore(%arg40 : memref<!tpu.dma_semaphore, #tpu.memory_space<semaphore_mem>>) src(%dma_wait3A_225 : memref<10000xi32, #tpu.memory_space<hbm>>) dst(%arg29 : memref<10000xi32, #tpu.memory_space<vmem>>)
    %dma_wait3A_226 = arith.constant 0 : i32
    %dma_wait3A_227 = tpu.memref_slice %arg37[%dma_wait3A_226] : memref<102400xi32, #tpu.memory_space<vmem_shared>> -> memref<102400xi32, #tpu.memory_space<vmem_shared>>
    tpu.wait_indirect_dma semaphore(%arg41 : memref<!tpu.dma_semaphore, #tpu.memory_space<semaphore_mem>>) src(%arg33 : memref<10000xi32, #tpu.memory_space<vmem>>) dst(%dma_wait3A_227 : memref<102400xi32, #tpu.memory_space<vmem_shared>>)
    %add3A_228 = arith.constant 50000 : i32
    %add3A_229 = arith.addi %mul3A_2, %add3A_228 : i32
    %multiple_of3A_230 = tpu.assume_multiple %add3A_229, 8 : i32
    %dma_start3A_231 = tpu.memref_slice %arg7[%multiple_of3A_230] : memref<3200000xi32, #tpu.memory_space<hbm>> -> memref<10000xi32, #tpu.memory_space<hbm>>
    %dma_start3A_232 = tpu.memref_slice %arg7[%multiple_of3A_230] : memref<3200000xi32, #tpu.memory_space<hbm>> -> memref<10000xi32, #tpu.memory_space<hbm>>
    tpu.enqueue_dma source(%dma_start3A_232 : memref<10000xi32, #tpu.memory_space<hbm>>) target(%arg30 : memref<10000xi32, #tpu.memory_space<vmem>>) target_semaphore(%arg40 : memref<!tpu.dma_semaphore, #tpu.memory_space<semaphore_mem>>)
    %convert_element_type3A_233 = arith.extui %gt3A_165 : i1 to i32
    %cond3A_234 = arith.constant 0 : i32
    %cond3A_235 = arith.cmpi ne, %convert_element_type3A_233, %cond3A_234 : i32
    scf.if %cond3A_235 {
      %add3A_312 = arith.constant 40000 : i32
      %add3A_313 = arith.addi %mul3A_2, %add3A_312 : i32
      %multiple_of3A_314 = tpu.assume_multiple %add3A_313, 8 : i32
      "tpu.region"() ({
        %run_scoped3A = tpu.sem_alloc : memref<!tpu.dma_semaphore, #tpu.memory_space<semaphore_mem>>
        %dma_start3A_336 = tpu.memref_slice %arg8[%multiple_of3A_314] : memref<3200000xi32, #tpu.memory_space<hbm>> -> memref<10000xi32, #tpu.memory_space<hbm>>
        %dma_start3A_337 = tpu.memref_slice %arg8[%multiple_of3A_314] : memref<3200000xi32, #tpu.memory_space<hbm>> -> memref<10000xi32, #tpu.memory_space<hbm>>
        tpu.enqueue_dma source(%dma_start3A_337 : memref<10000xi32, #tpu.memory_space<hbm>>) target(%arg31 : memref<10000xi32, #tpu.memory_space<vmem>>) target_semaphore(%run_scoped3A : memref<!tpu.dma_semaphore, #tpu.memory_space<semaphore_mem>>)
        %dma_wait3A_338 = tpu.memref_slice %arg8[%multiple_of3A_314] : memref<3200000xi32, #tpu.memory_space<hbm>> -> memref<10000xi32, #tpu.memory_space<hbm>>
        %dma_wait3A_339 = tpu.memref_slice %arg8[%multiple_of3A_314] : memref<3200000xi32, #tpu.memory_space<hbm>> -> memref<10000xi32, #tpu.memory_space<hbm>>
        tpu.wait_dma2 semaphore(%run_scoped3A : memref<!tpu.dma_semaphore, #tpu.memory_space<semaphore_mem>>) src(%dma_wait3A_339 : memref<10000xi32, #tpu.memory_space<hbm>>) dst(%arg31 : memref<10000xi32, #tpu.memory_space<vmem>>)
        tpu.yield
      }) : () -> ()
      %broadcast_in_dim3A_315 = arith.constant 0 : i32
      %broadcast_in_dim3A_316 = vector.broadcast %broadcast_in_dim3A_315 : i32 to vector<16xi32>
      %scan3A_317 = arith.constant 0 : i32
      %scan3A_318 = arith.constant 625 : i32
      %scan3A_319 = arith.addi %scan3A_317, %scan3A_318 : i32
      %scan3A_320 = arith.constant 1 : i32
      %scan3A_321 = scf.for %scan3A_336 = %scan3A_317 to %scan3A_319 step %scan3A_320 iter_args(%scan3A_337 = %broadcast_in_dim3A_316) -> (vector<16xi32>)  : i32 {
        %mul3A_338 = arith.constant 16 : i32
        %mul3A_339 = arith.muli %scan3A_336, %mul3A_338 : i32
        %get3A_340 = arith.index_cast %mul3A_339 : i32 to index
        %get3A_341 = tpu.vector_load %arg31[%get3A_340] {strides = array<i32>} : memref<10000xi32, #tpu.memory_space<vmem>>, vector<16xi32>,
        %ge3A = arith.constant 25600 : i32
        %ge3A_342 = vector.broadcast %ge3A : i32 to vector<16xi32>
        %ge3A_343 = arith.cmpi sge, %get3A_341, %ge3A_342 : vector<16xi32>
        %convert_element_type3A_344 = arith.extui %ge3A_343 : vector<16xi1> to vector<16xi32>
        %ge3A_345 = arith.constant 51200 : i32
        %ge3A_346 = vector.broadcast %ge3A_345 : i32 to vector<16xi32>
        %ge3A_347 = arith.cmpi sge, %get3A_341, %ge3A_346 : vector<16xi32>
        %convert_element_type3A_348 = arith.extui %ge3A_347 : vector<16xi1> to vector<16xi32>
        %add3A_349 = arith.addi %convert_element_type3A_344, %convert_element_type3A_348 : vector<16xi32>
        %ge3A_350 = arith.constant 76800 : i32
        %ge3A_351 = vector.broadcast %ge3A_350 : i32 to vector<16xi32>
        %ge3A_352 = arith.cmpi sge, %get3A_341, %ge3A_351 : vector<16xi32>
        %convert_element_type3A_353 = arith.extui %ge3A_352 : vector<16xi1> to vector<16xi32>
        %add3A_354 = arith.addi %add3A_349, %convert_element_type3A_353 : vector<16xi32>
        %mul3A_355 = arith.constant 25600 : i32
        %mul3A_356 = vector.broadcast %mul3A_355 : i32 to vector<16xi32>
        %mul3A_357 = arith.muli %add3A_354, %mul3A_356 : vector<16xi32>
        %sub3A = arith.subi %get3A_341, %mul3A_357 : vector<16xi32>
        %gather3A = tpu.vector_load_idx %arg27[%sub3A] : memref<25600xi32, #tpu.memory_space<vmem>>[vector<16xi32>], vector<16xi32>,
        %shift_left3A = arith.constant 3 : i32
        %shift_left3A_358 = vector.broadcast %shift_left3A : i32 to vector<16xi32>
        %shift_left3A_359 = arith.shli %add3A_354, %shift_left3A_358 : vector<16xi32>
        %shift_right_arithmetic3A = arith.shrsi %gather3A, %shift_left3A_359 : vector<16xi32>
        %and3A = arith.constant 1 : i32
        %and3A_360 = vector.broadcast %and3A : i32 to vector<16xi32>
        %and3A_361 = arith.andi %shift_right_arithmetic3A, %and3A_360 : vector<16xi32>
        %xor3A = arith.constant 1 : i32
        %xor3A_362 = vector.broadcast %xor3A : i32 to vector<16xi32>
        %xor3A_363 = arith.xori %and3A_361, %xor3A_362 : vector<16xi32>
        %swap3A_364 = arith.index_cast %mul3A_339 : i32 to index
        %swap3A_365 = tpu.vector_load %arg32[%swap3A_364] {strides = array<i32>} : memref<10000xi32, #tpu.memory_space<vmem>>, vector<16xi32>,
        tpu.vector_store %arg32[%swap3A_364], %xor3A_363 {strides = array<i32>} : memref<10000xi32, #tpu.memory_space<vmem>>, vector<16xi32>,
        %or3A_366 = arith.ori %scan3A_337, %xor3A_363 : vector<16xi32>
        scf.yield %or3A_366 : vector<16xi32>
      }
      %scan3A_322 = arith.constant 625 : i32
      %reduce_max3A_323 = arith.constant true
      %reduce_max3A_324 = vector.broadcast %reduce_max3A_323 : i1 to vector<16xi1>
      %reduce_max3A_325 = arith.constant -2147483648 : i32
      %reduce_max3A_326 = vector.broadcast %reduce_max3A_325 : i32 to vector<16xi32>
      %reduce_max3A_327 = arith.xori %scan3A_321, %reduce_max3A_326 : vector<16xi32>
      %reduce_max3A_328 = tpu.scan <max>, %reduce_max3A_327 masked %reduce_max3A_324 : vector<16xi32>, vector<16xi1> -> vector<16xi32>
      %reduce_max3A_329 = arith.xori %reduce_max3A_328, %reduce_max3A_326 : vector<16xi32>
      %reduce_max3A_330 = vector.extract %reduce_max3A_329[15] : i32 from vector<16xi32>
      %gt3A_331 = arith.constant 0 : i32
      %gt3A_332 = arith.cmpi sgt, %reduce_max3A_330, %gt3A_331 : i32
      %convert_element_type3A_333 = arith.extui %gt3A_332 : i1 to i32
      %cond3A_334 = arith.constant 0 : i32
      %cond3A_335 = arith.cmpi ne, %convert_element_type3A_333, %cond3A_334 : i32
      scf.if %cond3A_335 {
        "tpu.region"() ({
          %run_scoped3A = tpu.sem_alloc : memref<!tpu.dma_semaphore, #tpu.memory_space<semaphore_mem>>
          %dma_start3A_336 = arith.constant 0 : i32
          %dma_start3A_337 = tpu.memref_slice %arg38[%dma_start3A_336] : memref<102400xi32, #tpu.memory_space<vmem_shared>> -> memref<102400xi32, #tpu.memory_space<vmem_shared>>
          tpu.enqueue_indirect_dma source(%arg32 : memref<10000xi32, #tpu.memory_space<vmem>>) target(%dma_start3A_337 : memref<102400xi32, #tpu.memory_space<vmem_shared>>) offsets(%arg29 : memref<10000xi32, #tpu.memory_space<vmem>>) semaphore(%run_scoped3A : memref<!tpu.dma_semaphore, #tpu.memory_space<semaphore_mem>>) {add = true}
          %dma_wait3A_338 = arith.constant 0 : i32
          %dma_wait3A_339 = tpu.memref_slice %arg38[%dma_wait3A_338] : memref<102400xi32, #tpu.memory_space<vmem_shared>> -> memref<102400xi32, #tpu.memory_space<vmem_shared>>
          tpu.wait_indirect_dma semaphore(%run_scoped3A : memref<!tpu.dma_semaphore, #tpu.memory_space<semaphore_mem>>) src(%arg32 : memref<10000xi32, #tpu.memory_space<vmem>>) dst(%dma_wait3A_339 : memref<102400xi32, #tpu.memory_space<vmem_shared>>)
          tpu.yield
        }) : () -> ()
      } else {
      }
    } else {
    }
    %dma_start3A_236 = arith.constant 0 : i32
    %dma_start3A_237 = tpu.memref_slice %arg37[%dma_start3A_236] : memref<102400xi32, #tpu.memory_space<vmem_shared>> -> memref<102400xi32, #tpu.memory_space<vmem_shared>>
    tpu.enqueue_indirect_dma source(%arg33 : memref<10000xi32, #tpu.memory_space<vmem>>) target(%dma_start3A_237 : memref<102400xi32, #tpu.memory_space<vmem_shared>>) offsets(%arg29 : memref<10000xi32, #tpu.memory_space<vmem>>) semaphore(%arg41 : memref<!tpu.dma_semaphore, #tpu.memory_space<semaphore_mem>>)
    %dma_wait3A_238 = tpu.memref_slice %arg7[%multiple_of3A_230] : memref<3200000xi32, #tpu.memory_space<hbm>> -> memref<10000xi32, #tpu.memory_space<hbm>>
    %dma_wait3A_239 = tpu.memref_slice %arg7[%multiple_of3A_230] : memref<3200000xi32, #tpu.memory_space<hbm>> -> memref<10000xi32, #tpu.memory_space<hbm>>
    tpu.wait_dma2 semaphore(%arg40 : memref<!tpu.dma_semaphore, #tpu.memory_space<semaphore_mem>>) src(%dma_wait3A_239 : memref<10000xi32, #tpu.memory_space<hbm>>) dst(%arg30 : memref<10000xi32, #tpu.memory_space<vmem>>)
    %dma_wait3A_240 = arith.constant 0 : i32
    %dma_wait3A_241 = tpu.memref_slice %arg37[%dma_wait3A_240] : memref<102400xi32, #tpu.memory_space<vmem_shared>> -> memref<102400xi32, #tpu.memory_space<vmem_shared>>
    tpu.wait_indirect_dma semaphore(%arg41 : memref<!tpu.dma_semaphore, #tpu.memory_space<semaphore_mem>>) src(%arg33 : memref<10000xi32, #tpu.memory_space<vmem>>) dst(%dma_wait3A_241 : memref<102400xi32, #tpu.memory_space<vmem_shared>>)
    %add3A_242 = arith.constant 60000 : i32
    %add3A_243 = arith.addi %mul3A_2, %add3A_242 : i32
    %multiple_of3A_244 = tpu.assume_multiple %add3A_243, 8 : i32
    %dma_start3A_245 = tpu.memref_slice %arg7[%multiple_of3A_244] : memref<3200000xi32, #tpu.memory_space<hbm>> -> memref<10000xi32, #tpu.memory_space<hbm>>
    %dma_start3A_246 = tpu.memref_slice %arg7[%multiple_of3A_244] : memref<3200000xi32, #tpu.memory_space<hbm>> -> memref<10000xi32, #tpu.memory_space<hbm>>
    tpu.enqueue_dma source(%dma_start3A_246 : memref<10000xi32, #tpu.memory_space<hbm>>) target(%arg28 : memref<10000xi32, #tpu.memory_space<vmem>>) target_semaphore(%arg40 : memref<!tpu.dma_semaphore, #tpu.memory_space<semaphore_mem>>)
    %convert_element_type3A_247 = arith.extui %gt3A_165 : i1 to i32
    %cond3A_248 = arith.constant 0 : i32
    %cond3A_249 = arith.cmpi ne, %convert_element_type3A_247, %cond3A_248 : i32
    scf.if %cond3A_249 {
      %add3A_312 = arith.constant 50000 : i32
      %add3A_313 = arith.addi %mul3A_2, %add3A_312 : i32
      %multiple_of3A_314 = tpu.assume_multiple %add3A_313, 8 : i32
      "tpu.region"() ({
        %run_scoped3A = tpu.sem_alloc : memref<!tpu.dma_semaphore, #tpu.memory_space<semaphore_mem>>
        %dma_start3A_336 = tpu.memref_slice %arg8[%multiple_of3A_314] : memref<3200000xi32, #tpu.memory_space<hbm>> -> memref<10000xi32, #tpu.memory_space<hbm>>
        %dma_start3A_337 = tpu.memref_slice %arg8[%multiple_of3A_314] : memref<3200000xi32, #tpu.memory_space<hbm>> -> memref<10000xi32, #tpu.memory_space<hbm>>
        tpu.enqueue_dma source(%dma_start3A_337 : memref<10000xi32, #tpu.memory_space<hbm>>) target(%arg31 : memref<10000xi32, #tpu.memory_space<vmem>>) target_semaphore(%run_scoped3A : memref<!tpu.dma_semaphore, #tpu.memory_space<semaphore_mem>>)
        %dma_wait3A_338 = tpu.memref_slice %arg8[%multiple_of3A_314] : memref<3200000xi32, #tpu.memory_space<hbm>> -> memref<10000xi32, #tpu.memory_space<hbm>>
        %dma_wait3A_339 = tpu.memref_slice %arg8[%multiple_of3A_314] : memref<3200000xi32, #tpu.memory_space<hbm>> -> memref<10000xi32, #tpu.memory_space<hbm>>
        tpu.wait_dma2 semaphore(%run_scoped3A : memref<!tpu.dma_semaphore, #tpu.memory_space<semaphore_mem>>) src(%dma_wait3A_339 : memref<10000xi32, #tpu.memory_space<hbm>>) dst(%arg31 : memref<10000xi32, #tpu.memory_space<vmem>>)
        tpu.yield
      }) : () -> ()
      %broadcast_in_dim3A_315 = arith.constant 0 : i32
      %broadcast_in_dim3A_316 = vector.broadcast %broadcast_in_dim3A_315 : i32 to vector<16xi32>
      %scan3A_317 = arith.constant 0 : i32
      %scan3A_318 = arith.constant 625 : i32
      %scan3A_319 = arith.addi %scan3A_317, %scan3A_318 : i32
      %scan3A_320 = arith.constant 1 : i32
      %scan3A_321 = scf.for %scan3A_336 = %scan3A_317 to %scan3A_319 step %scan3A_320 iter_args(%scan3A_337 = %broadcast_in_dim3A_316) -> (vector<16xi32>)  : i32 {
        %mul3A_338 = arith.constant 16 : i32
        %mul3A_339 = arith.muli %scan3A_336, %mul3A_338 : i32
        %get3A_340 = arith.index_cast %mul3A_339 : i32 to index
        %get3A_341 = tpu.vector_load %arg31[%get3A_340] {strides = array<i32>} : memref<10000xi32, #tpu.memory_space<vmem>>, vector<16xi32>,
        %ge3A = arith.constant 25600 : i32
        %ge3A_342 = vector.broadcast %ge3A : i32 to vector<16xi32>
        %ge3A_343 = arith.cmpi sge, %get3A_341, %ge3A_342 : vector<16xi32>
        %convert_element_type3A_344 = arith.extui %ge3A_343 : vector<16xi1> to vector<16xi32>
        %ge3A_345 = arith.constant 51200 : i32
        %ge3A_346 = vector.broadcast %ge3A_345 : i32 to vector<16xi32>
        %ge3A_347 = arith.cmpi sge, %get3A_341, %ge3A_346 : vector<16xi32>
        %convert_element_type3A_348 = arith.extui %ge3A_347 : vector<16xi1> to vector<16xi32>
        %add3A_349 = arith.addi %convert_element_type3A_344, %convert_element_type3A_348 : vector<16xi32>
        %ge3A_350 = arith.constant 76800 : i32
        %ge3A_351 = vector.broadcast %ge3A_350 : i32 to vector<16xi32>
        %ge3A_352 = arith.cmpi sge, %get3A_341, %ge3A_351 : vector<16xi32>
        %convert_element_type3A_353 = arith.extui %ge3A_352 : vector<16xi1> to vector<16xi32>
        %add3A_354 = arith.addi %add3A_349, %convert_element_type3A_353 : vector<16xi32>
        %mul3A_355 = arith.constant 25600 : i32
        %mul3A_356 = vector.broadcast %mul3A_355 : i32 to vector<16xi32>
        %mul3A_357 = arith.muli %add3A_354, %mul3A_356 : vector<16xi32>
        %sub3A = arith.subi %get3A_341, %mul3A_357 : vector<16xi32>
        %gather3A = tpu.vector_load_idx %arg27[%sub3A] : memref<25600xi32, #tpu.memory_space<vmem>>[vector<16xi32>], vector<16xi32>,
        %shift_left3A = arith.constant 3 : i32
        %shift_left3A_358 = vector.broadcast %shift_left3A : i32 to vector<16xi32>
        %shift_left3A_359 = arith.shli %add3A_354, %shift_left3A_358 : vector<16xi32>
        %shift_right_arithmetic3A = arith.shrsi %gather3A, %shift_left3A_359 : vector<16xi32>
        %and3A = arith.constant 1 : i32
        %and3A_360 = vector.broadcast %and3A : i32 to vector<16xi32>
        %and3A_361 = arith.andi %shift_right_arithmetic3A, %and3A_360 : vector<16xi32>
        %xor3A = arith.constant 1 : i32
        %xor3A_362 = vector.broadcast %xor3A : i32 to vector<16xi32>
        %xor3A_363 = arith.xori %and3A_361, %xor3A_362 : vector<16xi32>
        %swap3A_364 = arith.index_cast %mul3A_339 : i32 to index
        %swap3A_365 = tpu.vector_load %arg32[%swap3A_364] {strides = array<i32>} : memref<10000xi32, #tpu.memory_space<vmem>>, vector<16xi32>,
        tpu.vector_store %arg32[%swap3A_364], %xor3A_363 {strides = array<i32>} : memref<10000xi32, #tpu.memory_space<vmem>>, vector<16xi32>,
        %or3A_366 = arith.ori %scan3A_337, %xor3A_363 : vector<16xi32>
        scf.yield %or3A_366 : vector<16xi32>
      }
      %scan3A_322 = arith.constant 625 : i32
      %reduce_max3A_323 = arith.constant true
      %reduce_max3A_324 = vector.broadcast %reduce_max3A_323 : i1 to vector<16xi1>
      %reduce_max3A_325 = arith.constant -2147483648 : i32
      %reduce_max3A_326 = vector.broadcast %reduce_max3A_325 : i32 to vector<16xi32>
      %reduce_max3A_327 = arith.xori %scan3A_321, %reduce_max3A_326 : vector<16xi32>
      %reduce_max3A_328 = tpu.scan <max>, %reduce_max3A_327 masked %reduce_max3A_324 : vector<16xi32>, vector<16xi1> -> vector<16xi32>
      %reduce_max3A_329 = arith.xori %reduce_max3A_328, %reduce_max3A_326 : vector<16xi32>
      %reduce_max3A_330 = vector.extract %reduce_max3A_329[15] : i32 from vector<16xi32>
      %gt3A_331 = arith.constant 0 : i32
      %gt3A_332 = arith.cmpi sgt, %reduce_max3A_330, %gt3A_331 : i32
      %convert_element_type3A_333 = arith.extui %gt3A_332 : i1 to i32
      %cond3A_334 = arith.constant 0 : i32
      %cond3A_335 = arith.cmpi ne, %convert_element_type3A_333, %cond3A_334 : i32
      scf.if %cond3A_335 {
        "tpu.region"() ({
          %run_scoped3A = tpu.sem_alloc : memref<!tpu.dma_semaphore, #tpu.memory_space<semaphore_mem>>
          %dma_start3A_336 = arith.constant 0 : i32
          %dma_start3A_337 = tpu.memref_slice %arg38[%dma_start3A_336] : memref<102400xi32, #tpu.memory_space<vmem_shared>> -> memref<102400xi32, #tpu.memory_space<vmem_shared>>
          tpu.enqueue_indirect_dma source(%arg32 : memref<10000xi32, #tpu.memory_space<vmem>>) target(%dma_start3A_337 : memref<102400xi32, #tpu.memory_space<vmem_shared>>) offsets(%arg30 : memref<10000xi32, #tpu.memory_space<vmem>>) semaphore(%run_scoped3A : memref<!tpu.dma_semaphore, #tpu.memory_space<semaphore_mem>>) {add = true}
          %dma_wait3A_338 = arith.constant 0 : i32
          %dma_wait3A_339 = tpu.memref_slice %arg38[%dma_wait3A_338] : memref<102400xi32, #tpu.memory_space<vmem_shared>> -> memref<102400xi32, #tpu.memory_space<vmem_shared>>
          tpu.wait_indirect_dma semaphore(%run_scoped3A : memref<!tpu.dma_semaphore, #tpu.memory_space<semaphore_mem>>) src(%arg32 : memref<10000xi32, #tpu.memory_space<vmem>>) dst(%dma_wait3A_339 : memref<102400xi32, #tpu.memory_space<vmem_shared>>)
          tpu.yield
        }) : () -> ()
      } else {
      }
    } else {
    }
    %dma_start3A_250 = arith.constant 0 : i32
    %dma_start3A_251 = tpu.memref_slice %arg37[%dma_start3A_250] : memref<102400xi32, #tpu.memory_space<vmem_shared>> -> memref<102400xi32, #tpu.memory_space<vmem_shared>>
    tpu.enqueue_indirect_dma source(%arg33 : memref<10000xi32, #tpu.memory_space<vmem>>) target(%dma_start3A_251 : memref<102400xi32, #tpu.memory_space<vmem_shared>>) offsets(%arg30 : memref<10000xi32, #tpu.memory_space<vmem>>) semaphore(%arg41 : memref<!tpu.dma_semaphore, #tpu.memory_space<semaphore_mem>>)
    %dma_wait3A_252 = tpu.memref_slice %arg7[%multiple_of3A_244] : memref<3200000xi32, #tpu.memory_space<hbm>> -> memref<10000xi32, #tpu.memory_space<hbm>>
    %dma_wait3A_253 = tpu.memref_slice %arg7[%multiple_of3A_244] : memref<3200000xi32, #tpu.memory_space<hbm>> -> memref<10000xi32, #tpu.memory_space<hbm>>
    tpu.wait_dma2 semaphore(%arg40 : memref<!tpu.dma_semaphore, #tpu.memory_space<semaphore_mem>>) src(%dma_wait3A_253 : memref<10000xi32, #tpu.memory_space<hbm>>) dst(%arg28 : memref<10000xi32, #tpu.memory_space<vmem>>)
    %dma_wait3A_254 = arith.constant 0 : i32
    %dma_wait3A_255 = tpu.memref_slice %arg37[%dma_wait3A_254] : memref<102400xi32, #tpu.memory_space<vmem_shared>> -> memref<102400xi32, #tpu.memory_space<vmem_shared>>
    tpu.wait_indirect_dma semaphore(%arg41 : memref<!tpu.dma_semaphore, #tpu.memory_space<semaphore_mem>>) src(%arg33 : memref<10000xi32, #tpu.memory_space<vmem>>) dst(%dma_wait3A_255 : memref<102400xi32, #tpu.memory_space<vmem_shared>>)
    %add3A_256 = arith.constant 70000 : i32
    %add3A_257 = arith.addi %mul3A_2, %add3A_256 : i32
    %multiple_of3A_258 = tpu.assume_multiple %add3A_257, 8 : i32
    %dma_start3A_259 = tpu.memref_slice %arg7[%multiple_of3A_258] : memref<3200000xi32, #tpu.memory_space<hbm>> -> memref<10000xi32, #tpu.memory_space<hbm>>
    %dma_start3A_260 = tpu.memref_slice %arg7[%multiple_of3A_258] : memref<3200000xi32, #tpu.memory_space<hbm>> -> memref<10000xi32, #tpu.memory_space<hbm>>
    tpu.enqueue_dma source(%dma_start3A_260 : memref<10000xi32, #tpu.memory_space<hbm>>) target(%arg29 : memref<10000xi32, #tpu.memory_space<vmem>>) target_semaphore(%arg40 : memref<!tpu.dma_semaphore, #tpu.memory_space<semaphore_mem>>)
    %convert_element_type3A_261 = arith.extui %gt3A_165 : i1 to i32
    %cond3A_262 = arith.constant 0 : i32
    %cond3A_263 = arith.cmpi ne, %convert_element_type3A_261, %cond3A_262 : i32
    scf.if %cond3A_263 {
      %add3A_312 = arith.constant 60000 : i32
      %add3A_313 = arith.addi %mul3A_2, %add3A_312 : i32
      %multiple_of3A_314 = tpu.assume_multiple %add3A_313, 8 : i32
      "tpu.region"() ({
        %run_scoped3A = tpu.sem_alloc : memref<!tpu.dma_semaphore, #tpu.memory_space<semaphore_mem>>
        %dma_start3A_336 = tpu.memref_slice %arg8[%multiple_of3A_314] : memref<3200000xi32, #tpu.memory_space<hbm>> -> memref<10000xi32, #tpu.memory_space<hbm>>
        %dma_start3A_337 = tpu.memref_slice %arg8[%multiple_of3A_314] : memref<3200000xi32, #tpu.memory_space<hbm>> -> memref<10000xi32, #tpu.memory_space<hbm>>
        tpu.enqueue_dma source(%dma_start3A_337 : memref<10000xi32, #tpu.memory_space<hbm>>) target(%arg31 : memref<10000xi32, #tpu.memory_space<vmem>>) target_semaphore(%run_scoped3A : memref<!tpu.dma_semaphore, #tpu.memory_space<semaphore_mem>>)
        %dma_wait3A_338 = tpu.memref_slice %arg8[%multiple_of3A_314] : memref<3200000xi32, #tpu.memory_space<hbm>> -> memref<10000xi32, #tpu.memory_space<hbm>>
        %dma_wait3A_339 = tpu.memref_slice %arg8[%multiple_of3A_314] : memref<3200000xi32, #tpu.memory_space<hbm>> -> memref<10000xi32, #tpu.memory_space<hbm>>
        tpu.wait_dma2 semaphore(%run_scoped3A : memref<!tpu.dma_semaphore, #tpu.memory_space<semaphore_mem>>) src(%dma_wait3A_339 : memref<10000xi32, #tpu.memory_space<hbm>>) dst(%arg31 : memref<10000xi32, #tpu.memory_space<vmem>>)
        tpu.yield
      }) : () -> ()
      %broadcast_in_dim3A_315 = arith.constant 0 : i32
      %broadcast_in_dim3A_316 = vector.broadcast %broadcast_in_dim3A_315 : i32 to vector<16xi32>
      %scan3A_317 = arith.constant 0 : i32
      %scan3A_318 = arith.constant 625 : i32
      %scan3A_319 = arith.addi %scan3A_317, %scan3A_318 : i32
      %scan3A_320 = arith.constant 1 : i32
      %scan3A_321 = scf.for %scan3A_336 = %scan3A_317 to %scan3A_319 step %scan3A_320 iter_args(%scan3A_337 = %broadcast_in_dim3A_316) -> (vector<16xi32>)  : i32 {
        %mul3A_338 = arith.constant 16 : i32
        %mul3A_339 = arith.muli %scan3A_336, %mul3A_338 : i32
        %get3A_340 = arith.index_cast %mul3A_339 : i32 to index
        %get3A_341 = tpu.vector_load %arg31[%get3A_340] {strides = array<i32>} : memref<10000xi32, #tpu.memory_space<vmem>>, vector<16xi32>,
        %ge3A = arith.constant 25600 : i32
        %ge3A_342 = vector.broadcast %ge3A : i32 to vector<16xi32>
        %ge3A_343 = arith.cmpi sge, %get3A_341, %ge3A_342 : vector<16xi32>
        %convert_element_type3A_344 = arith.extui %ge3A_343 : vector<16xi1> to vector<16xi32>
        %ge3A_345 = arith.constant 51200 : i32
        %ge3A_346 = vector.broadcast %ge3A_345 : i32 to vector<16xi32>
        %ge3A_347 = arith.cmpi sge, %get3A_341, %ge3A_346 : vector<16xi32>
        %convert_element_type3A_348 = arith.extui %ge3A_347 : vector<16xi1> to vector<16xi32>
        %add3A_349 = arith.addi %convert_element_type3A_344, %convert_element_type3A_348 : vector<16xi32>
        %ge3A_350 = arith.constant 76800 : i32
        %ge3A_351 = vector.broadcast %ge3A_350 : i32 to vector<16xi32>
        %ge3A_352 = arith.cmpi sge, %get3A_341, %ge3A_351 : vector<16xi32>
        %convert_element_type3A_353 = arith.extui %ge3A_352 : vector<16xi1> to vector<16xi32>
        %add3A_354 = arith.addi %add3A_349, %convert_element_type3A_353 : vector<16xi32>
        %mul3A_355 = arith.constant 25600 : i32
        %mul3A_356 = vector.broadcast %mul3A_355 : i32 to vector<16xi32>
        %mul3A_357 = arith.muli %add3A_354, %mul3A_356 : vector<16xi32>
        %sub3A = arith.subi %get3A_341, %mul3A_357 : vector<16xi32>
        %gather3A = tpu.vector_load_idx %arg27[%sub3A] : memref<25600xi32, #tpu.memory_space<vmem>>[vector<16xi32>], vector<16xi32>,
        %shift_left3A = arith.constant 3 : i32
        %shift_left3A_358 = vector.broadcast %shift_left3A : i32 to vector<16xi32>
        %shift_left3A_359 = arith.shli %add3A_354, %shift_left3A_358 : vector<16xi32>
        %shift_right_arithmetic3A = arith.shrsi %gather3A, %shift_left3A_359 : vector<16xi32>
        %and3A = arith.constant 1 : i32
        %and3A_360 = vector.broadcast %and3A : i32 to vector<16xi32>
        %and3A_361 = arith.andi %shift_right_arithmetic3A, %and3A_360 : vector<16xi32>
        %xor3A = arith.constant 1 : i32
        %xor3A_362 = vector.broadcast %xor3A : i32 to vector<16xi32>
        %xor3A_363 = arith.xori %and3A_361, %xor3A_362 : vector<16xi32>
        %swap3A_364 = arith.index_cast %mul3A_339 : i32 to index
        %swap3A_365 = tpu.vector_load %arg32[%swap3A_364] {strides = array<i32>} : memref<10000xi32, #tpu.memory_space<vmem>>, vector<16xi32>,
        tpu.vector_store %arg32[%swap3A_364], %xor3A_363 {strides = array<i32>} : memref<10000xi32, #tpu.memory_space<vmem>>, vector<16xi32>,
        %or3A_366 = arith.ori %scan3A_337, %xor3A_363 : vector<16xi32>
        scf.yield %or3A_366 : vector<16xi32>
      }
      %scan3A_322 = arith.constant 625 : i32
      %reduce_max3A_323 = arith.constant true
      %reduce_max3A_324 = vector.broadcast %reduce_max3A_323 : i1 to vector<16xi1>
      %reduce_max3A_325 = arith.constant -2147483648 : i32
      %reduce_max3A_326 = vector.broadcast %reduce_max3A_325 : i32 to vector<16xi32>
      %reduce_max3A_327 = arith.xori %scan3A_321, %reduce_max3A_326 : vector<16xi32>
      %reduce_max3A_328 = tpu.scan <max>, %reduce_max3A_327 masked %reduce_max3A_324 : vector<16xi32>, vector<16xi1> -> vector<16xi32>
      %reduce_max3A_329 = arith.xori %reduce_max3A_328, %reduce_max3A_326 : vector<16xi32>
      %reduce_max3A_330 = vector.extract %reduce_max3A_329[15] : i32 from vector<16xi32>
      %gt3A_331 = arith.constant 0 : i32
      %gt3A_332 = arith.cmpi sgt, %reduce_max3A_330, %gt3A_331 : i32
      %convert_element_type3A_333 = arith.extui %gt3A_332 : i1 to i32
      %cond3A_334 = arith.constant 0 : i32
      %cond3A_335 = arith.cmpi ne, %convert_element_type3A_333, %cond3A_334 : i32
      scf.if %cond3A_335 {
        "tpu.region"() ({
          %run_scoped3A = tpu.sem_alloc : memref<!tpu.dma_semaphore, #tpu.memory_space<semaphore_mem>>
          %dma_start3A_336 = arith.constant 0 : i32
          %dma_start3A_337 = tpu.memref_slice %arg38[%dma_start3A_336] : memref<102400xi32, #tpu.memory_space<vmem_shared>> -> memref<102400xi32, #tpu.memory_space<vmem_shared>>
          tpu.enqueue_indirect_dma source(%arg32 : memref<10000xi32, #tpu.memory_space<vmem>>) target(%dma_start3A_337 : memref<102400xi32, #tpu.memory_space<vmem_shared>>) offsets(%arg28 : memref<10000xi32, #tpu.memory_space<vmem>>) semaphore(%run_scoped3A : memref<!tpu.dma_semaphore, #tpu.memory_space<semaphore_mem>>) {add = true}
          %dma_wait3A_338 = arith.constant 0 : i32
          %dma_wait3A_339 = tpu.memref_slice %arg38[%dma_wait3A_338] : memref<102400xi32, #tpu.memory_space<vmem_shared>> -> memref<102400xi32, #tpu.memory_space<vmem_shared>>
          tpu.wait_indirect_dma semaphore(%run_scoped3A : memref<!tpu.dma_semaphore, #tpu.memory_space<semaphore_mem>>) src(%arg32 : memref<10000xi32, #tpu.memory_space<vmem>>) dst(%dma_wait3A_339 : memref<102400xi32, #tpu.memory_space<vmem_shared>>)
          tpu.yield
        }) : () -> ()
      } else {
      }
    } else {
    }
    %dma_start3A_264 = arith.constant 0 : i32
    %dma_start3A_265 = tpu.memref_slice %arg37[%dma_start3A_264] : memref<102400xi32, #tpu.memory_space<vmem_shared>> -> memref<102400xi32, #tpu.memory_space<vmem_shared>>
    tpu.enqueue_indirect_dma source(%arg33 : memref<10000xi32, #tpu.memory_space<vmem>>) target(%dma_start3A_265 : memref<102400xi32, #tpu.memory_space<vmem_shared>>) offsets(%arg28 : memref<10000xi32, #tpu.memory_space<vmem>>) semaphore(%arg41 : memref<!tpu.dma_semaphore, #tpu.memory_space<semaphore_mem>>)
    %dma_wait3A_266 = tpu.memref_slice %arg7[%multiple_of3A_258] : memref<3200000xi32, #tpu.memory_space<hbm>> -> memref<10000xi32, #tpu.memory_space<hbm>>
    %dma_wait3A_267 = tpu.memref_slice %arg7[%multiple_of3A_258] : memref<3200000xi32, #tpu.memory_space<hbm>> -> memref<10000xi32, #tpu.memory_space<hbm>>
    tpu.wait_dma2 semaphore(%arg40 : memref<!tpu.dma_semaphore, #tpu.memory_space<semaphore_mem>>) src(%dma_wait3A_267 : memref<10000xi32, #tpu.memory_space<hbm>>) dst(%arg29 : memref<10000xi32, #tpu.memory_space<vmem>>)
    %dma_wait3A_268 = arith.constant 0 : i32
    %dma_wait3A_269 = tpu.memref_slice %arg37[%dma_wait3A_268] : memref<102400xi32, #tpu.memory_space<vmem_shared>> -> memref<102400xi32, #tpu.memory_space<vmem_shared>>
    tpu.wait_indirect_dma semaphore(%arg41 : memref<!tpu.dma_semaphore, #tpu.memory_space<semaphore_mem>>) src(%arg33 : memref<10000xi32, #tpu.memory_space<vmem>>) dst(%dma_wait3A_269 : memref<102400xi32, #tpu.memory_space<vmem_shared>>)
    %add3A_270 = arith.constant 80000 : i32
    %add3A_271 = arith.addi %mul3A_2, %add3A_270 : i32
    %multiple_of3A_272 = tpu.assume_multiple %add3A_271, 8 : i32
    %dma_start3A_273 = tpu.memref_slice %arg7[%multiple_of3A_272] : memref<3200000xi32, #tpu.memory_space<hbm>> -> memref<10000xi32, #tpu.memory_space<hbm>>
    %dma_start3A_274 = tpu.memref_slice %arg7[%multiple_of3A_272] : memref<3200000xi32, #tpu.memory_space<hbm>> -> memref<10000xi32, #tpu.memory_space<hbm>>
    tpu.enqueue_dma source(%dma_start3A_274 : memref<10000xi32, #tpu.memory_space<hbm>>) target(%arg30 : memref<10000xi32, #tpu.memory_space<vmem>>) target_semaphore(%arg40 : memref<!tpu.dma_semaphore, #tpu.memory_space<semaphore_mem>>)
    %convert_element_type3A_275 = arith.extui %gt3A_165 : i1 to i32
    %cond3A_276 = arith.constant 0 : i32
    %cond3A_277 = arith.cmpi ne, %convert_element_type3A_275, %cond3A_276 : i32
    scf.if %cond3A_277 {
      %add3A_312 = arith.constant 70000 : i32
      %add3A_313 = arith.addi %mul3A_2, %add3A_312 : i32
      %multiple_of3A_314 = tpu.assume_multiple %add3A_313, 8 : i32
      "tpu.region"() ({
        %run_scoped3A = tpu.sem_alloc : memref<!tpu.dma_semaphore, #tpu.memory_space<semaphore_mem>>
        %dma_start3A_336 = tpu.memref_slice %arg8[%multiple_of3A_314] : memref<3200000xi32, #tpu.memory_space<hbm>> -> memref<10000xi32, #tpu.memory_space<hbm>>
        %dma_start3A_337 = tpu.memref_slice %arg8[%multiple_of3A_314] : memref<3200000xi32, #tpu.memory_space<hbm>> -> memref<10000xi32, #tpu.memory_space<hbm>>
        tpu.enqueue_dma source(%dma_start3A_337 : memref<10000xi32, #tpu.memory_space<hbm>>) target(%arg31 : memref<10000xi32, #tpu.memory_space<vmem>>) target_semaphore(%run_scoped3A : memref<!tpu.dma_semaphore, #tpu.memory_space<semaphore_mem>>)
        %dma_wait3A_338 = tpu.memref_slice %arg8[%multiple_of3A_314] : memref<3200000xi32, #tpu.memory_space<hbm>> -> memref<10000xi32, #tpu.memory_space<hbm>>
        %dma_wait3A_339 = tpu.memref_slice %arg8[%multiple_of3A_314] : memref<3200000xi32, #tpu.memory_space<hbm>> -> memref<10000xi32, #tpu.memory_space<hbm>>
        tpu.wait_dma2 semaphore(%run_scoped3A : memref<!tpu.dma_semaphore, #tpu.memory_space<semaphore_mem>>) src(%dma_wait3A_339 : memref<10000xi32, #tpu.memory_space<hbm>>) dst(%arg31 : memref<10000xi32, #tpu.memory_space<vmem>>)
        tpu.yield
      }) : () -> ()
      %broadcast_in_dim3A_315 = arith.constant 0 : i32
      %broadcast_in_dim3A_316 = vector.broadcast %broadcast_in_dim3A_315 : i32 to vector<16xi32>
      %scan3A_317 = arith.constant 0 : i32
      %scan3A_318 = arith.constant 625 : i32
      %scan3A_319 = arith.addi %scan3A_317, %scan3A_318 : i32
      %scan3A_320 = arith.constant 1 : i32
      %scan3A_321 = scf.for %scan3A_336 = %scan3A_317 to %scan3A_319 step %scan3A_320 iter_args(%scan3A_337 = %broadcast_in_dim3A_316) -> (vector<16xi32>)  : i32 {
        %mul3A_338 = arith.constant 16 : i32
        %mul3A_339 = arith.muli %scan3A_336, %mul3A_338 : i32
        %get3A_340 = arith.index_cast %mul3A_339 : i32 to index
        %get3A_341 = tpu.vector_load %arg31[%get3A_340] {strides = array<i32>} : memref<10000xi32, #tpu.memory_space<vmem>>, vector<16xi32>,
        %ge3A = arith.constant 25600 : i32
        %ge3A_342 = vector.broadcast %ge3A : i32 to vector<16xi32>
        %ge3A_343 = arith.cmpi sge, %get3A_341, %ge3A_342 : vector<16xi32>
        %convert_element_type3A_344 = arith.extui %ge3A_343 : vector<16xi1> to vector<16xi32>
        %ge3A_345 = arith.constant 51200 : i32
        %ge3A_346 = vector.broadcast %ge3A_345 : i32 to vector<16xi32>
        %ge3A_347 = arith.cmpi sge, %get3A_341, %ge3A_346 : vector<16xi32>
        %convert_element_type3A_348 = arith.extui %ge3A_347 : vector<16xi1> to vector<16xi32>
        %add3A_349 = arith.addi %convert_element_type3A_344, %convert_element_type3A_348 : vector<16xi32>
        %ge3A_350 = arith.constant 76800 : i32
        %ge3A_351 = vector.broadcast %ge3A_350 : i32 to vector<16xi32>
        %ge3A_352 = arith.cmpi sge, %get3A_341, %ge3A_351 : vector<16xi32>
        %convert_element_type3A_353 = arith.extui %ge3A_352 : vector<16xi1> to vector<16xi32>
        %add3A_354 = arith.addi %add3A_349, %convert_element_type3A_353 : vector<16xi32>
        %mul3A_355 = arith.constant 25600 : i32
        %mul3A_356 = vector.broadcast %mul3A_355 : i32 to vector<16xi32>
        %mul3A_357 = arith.muli %add3A_354, %mul3A_356 : vector<16xi32>
        %sub3A = arith.subi %get3A_341, %mul3A_357 : vector<16xi32>
        %gather3A = tpu.vector_load_idx %arg27[%sub3A] : memref<25600xi32, #tpu.memory_space<vmem>>[vector<16xi32>], vector<16xi32>,
        %shift_left3A = arith.constant 3 : i32
        %shift_left3A_358 = vector.broadcast %shift_left3A : i32 to vector<16xi32>
        %shift_left3A_359 = arith.shli %add3A_354, %shift_left3A_358 : vector<16xi32>
        %shift_right_arithmetic3A = arith.shrsi %gather3A, %shift_left3A_359 : vector<16xi32>
        %and3A = arith.constant 1 : i32
        %and3A_360 = vector.broadcast %and3A : i32 to vector<16xi32>
        %and3A_361 = arith.andi %shift_right_arithmetic3A, %and3A_360 : vector<16xi32>
        %xor3A = arith.constant 1 : i32
        %xor3A_362 = vector.broadcast %xor3A : i32 to vector<16xi32>
        %xor3A_363 = arith.xori %and3A_361, %xor3A_362 : vector<16xi32>
        %swap3A_364 = arith.index_cast %mul3A_339 : i32 to index
        %swap3A_365 = tpu.vector_load %arg32[%swap3A_364] {strides = array<i32>} : memref<10000xi32, #tpu.memory_space<vmem>>, vector<16xi32>,
        tpu.vector_store %arg32[%swap3A_364], %xor3A_363 {strides = array<i32>} : memref<10000xi32, #tpu.memory_space<vmem>>, vector<16xi32>,
        %or3A_366 = arith.ori %scan3A_337, %xor3A_363 : vector<16xi32>
        scf.yield %or3A_366 : vector<16xi32>
      }
      %scan3A_322 = arith.constant 625 : i32
      %reduce_max3A_323 = arith.constant true
      %reduce_max3A_324 = vector.broadcast %reduce_max3A_323 : i1 to vector<16xi1>
      %reduce_max3A_325 = arith.constant -2147483648 : i32
      %reduce_max3A_326 = vector.broadcast %reduce_max3A_325 : i32 to vector<16xi32>
      %reduce_max3A_327 = arith.xori %scan3A_321, %reduce_max3A_326 : vector<16xi32>
      %reduce_max3A_328 = tpu.scan <max>, %reduce_max3A_327 masked %reduce_max3A_324 : vector<16xi32>, vector<16xi1> -> vector<16xi32>
      %reduce_max3A_329 = arith.xori %reduce_max3A_328, %reduce_max3A_326 : vector<16xi32>
      %reduce_max3A_330 = vector.extract %reduce_max3A_329[15] : i32 from vector<16xi32>
      %gt3A_331 = arith.constant 0 : i32
      %gt3A_332 = arith.cmpi sgt, %reduce_max3A_330, %gt3A_331 : i32
      %convert_element_type3A_333 = arith.extui %gt3A_332 : i1 to i32
      %cond3A_334 = arith.constant 0 : i32
      %cond3A_335 = arith.cmpi ne, %convert_element_type3A_333, %cond3A_334 : i32
      scf.if %cond3A_335 {
        "tpu.region"() ({
          %run_scoped3A = tpu.sem_alloc : memref<!tpu.dma_semaphore, #tpu.memory_space<semaphore_mem>>
          %dma_start3A_336 = arith.constant 0 : i32
          %dma_start3A_337 = tpu.memref_slice %arg38[%dma_start3A_336] : memref<102400xi32, #tpu.memory_space<vmem_shared>> -> memref<102400xi32, #tpu.memory_space<vmem_shared>>
          tpu.enqueue_indirect_dma source(%arg32 : memref<10000xi32, #tpu.memory_space<vmem>>) target(%dma_start3A_337 : memref<102400xi32, #tpu.memory_space<vmem_shared>>) offsets(%arg29 : memref<10000xi32, #tpu.memory_space<vmem>>) semaphore(%run_scoped3A : memref<!tpu.dma_semaphore, #tpu.memory_space<semaphore_mem>>) {add = true}
          %dma_wait3A_338 = arith.constant 0 : i32
          %dma_wait3A_339 = tpu.memref_slice %arg38[%dma_wait3A_338] : memref<102400xi32, #tpu.memory_space<vmem_shared>> -> memref<102400xi32, #tpu.memory_space<vmem_shared>>
          tpu.wait_indirect_dma semaphore(%run_scoped3A : memref<!tpu.dma_semaphore, #tpu.memory_space<semaphore_mem>>) src(%arg32 : memref<10000xi32, #tpu.memory_space<vmem>>) dst(%dma_wait3A_339 : memref<102400xi32, #tpu.memory_space<vmem_shared>>)
          tpu.yield
        }) : () -> ()
      } else {
      }
    } else {
    }
    %dma_start3A_278 = arith.constant 0 : i32
    %dma_start3A_279 = tpu.memref_slice %arg37[%dma_start3A_278] : memref<102400xi32, #tpu.memory_space<vmem_shared>> -> memref<102400xi32, #tpu.memory_space<vmem_shared>>
    tpu.enqueue_indirect_dma source(%arg33 : memref<10000xi32, #tpu.memory_space<vmem>>) target(%dma_start3A_279 : memref<102400xi32, #tpu.memory_space<vmem_shared>>) offsets(%arg29 : memref<10000xi32, #tpu.memory_space<vmem>>) semaphore(%arg41 : memref<!tpu.dma_semaphore, #tpu.memory_space<semaphore_mem>>)
    %dma_wait3A_280 = tpu.memref_slice %arg7[%multiple_of3A_272] : memref<3200000xi32, #tpu.memory_space<hbm>> -> memref<10000xi32, #tpu.memory_space<hbm>>
    %dma_wait3A_281 = tpu.memref_slice %arg7[%multiple_of3A_272] : memref<3200000xi32, #tpu.memory_space<hbm>> -> memref<10000xi32, #tpu.memory_space<hbm>>
    tpu.wait_dma2 semaphore(%arg40 : memref<!tpu.dma_semaphore, #tpu.memory_space<semaphore_mem>>) src(%dma_wait3A_281 : memref<10000xi32, #tpu.memory_space<hbm>>) dst(%arg30 : memref<10000xi32, #tpu.memory_space<vmem>>)
    %dma_wait3A_282 = arith.constant 0 : i32
    %dma_wait3A_283 = tpu.memref_slice %arg37[%dma_wait3A_282] : memref<102400xi32, #tpu.memory_space<vmem_shared>> -> memref<102400xi32, #tpu.memory_space<vmem_shared>>
    tpu.wait_indirect_dma semaphore(%arg41 : memref<!tpu.dma_semaphore, #tpu.memory_space<semaphore_mem>>) src(%arg33 : memref<10000xi32, #tpu.memory_space<vmem>>) dst(%dma_wait3A_283 : memref<102400xi32, #tpu.memory_space<vmem_shared>>)
    %add3A_284 = arith.constant 90000 : i32
    %add3A_285 = arith.addi %mul3A_2, %add3A_284 : i32
    %multiple_of3A_286 = tpu.assume_multiple %add3A_285, 8 : i32
    %dma_start3A_287 = tpu.memref_slice %arg7[%multiple_of3A_286] : memref<3200000xi32, #tpu.memory_space<hbm>> -> memref<10000xi32, #tpu.memory_space<hbm>>
    %dma_start3A_288 = tpu.memref_slice %arg7[%multiple_of3A_286] : memref<3200000xi32, #tpu.memory_space<hbm>> -> memref<10000xi32, #tpu.memory_space<hbm>>
    tpu.enqueue_dma source(%dma_start3A_288 : memref<10000xi32, #tpu.memory_space<hbm>>) target(%arg28 : memref<10000xi32, #tpu.memory_space<vmem>>) target_semaphore(%arg40 : memref<!tpu.dma_semaphore, #tpu.memory_space<semaphore_mem>>)
    %convert_element_type3A_289 = arith.extui %gt3A_165 : i1 to i32
    %cond3A_290 = arith.constant 0 : i32
    %cond3A_291 = arith.cmpi ne, %convert_element_type3A_289, %cond3A_290 : i32
    scf.if %cond3A_291 {
      %add3A_312 = arith.constant 80000 : i32
      %add3A_313 = arith.addi %mul3A_2, %add3A_312 : i32
      %multiple_of3A_314 = tpu.assume_multiple %add3A_313, 8 : i32
      "tpu.region"() ({
        %run_scoped3A = tpu.sem_alloc : memref<!tpu.dma_semaphore, #tpu.memory_space<semaphore_mem>>
        %dma_start3A_336 = tpu.memref_slice %arg8[%multiple_of3A_314] : memref<3200000xi32, #tpu.memory_space<hbm>> -> memref<10000xi32, #tpu.memory_space<hbm>>
        %dma_start3A_337 = tpu.memref_slice %arg8[%multiple_of3A_314] : memref<3200000xi32, #tpu.memory_space<hbm>> -> memref<10000xi32, #tpu.memory_space<hbm>>
        tpu.enqueue_dma source(%dma_start3A_337 : memref<10000xi32, #tpu.memory_space<hbm>>) target(%arg31 : memref<10000xi32, #tpu.memory_space<vmem>>) target_semaphore(%run_scoped3A : memref<!tpu.dma_semaphore, #tpu.memory_space<semaphore_mem>>)
        %dma_wait3A_338 = tpu.memref_slice %arg8[%multiple_of3A_314] : memref<3200000xi32, #tpu.memory_space<hbm>> -> memref<10000xi32, #tpu.memory_space<hbm>>
        %dma_wait3A_339 = tpu.memref_slice %arg8[%multiple_of3A_314] : memref<3200000xi32, #tpu.memory_space<hbm>> -> memref<10000xi32, #tpu.memory_space<hbm>>
        tpu.wait_dma2 semaphore(%run_scoped3A : memref<!tpu.dma_semaphore, #tpu.memory_space<semaphore_mem>>) src(%dma_wait3A_339 : memref<10000xi32, #tpu.memory_space<hbm>>) dst(%arg31 : memref<10000xi32, #tpu.memory_space<vmem>>)
        tpu.yield
      }) : () -> ()
      %broadcast_in_dim3A_315 = arith.constant 0 : i32
      %broadcast_in_dim3A_316 = vector.broadcast %broadcast_in_dim3A_315 : i32 to vector<16xi32>
      %scan3A_317 = arith.constant 0 : i32
      %scan3A_318 = arith.constant 625 : i32
      %scan3A_319 = arith.addi %scan3A_317, %scan3A_318 : i32
      %scan3A_320 = arith.constant 1 : i32
      %scan3A_321 = scf.for %scan3A_336 = %scan3A_317 to %scan3A_319 step %scan3A_320 iter_args(%scan3A_337 = %broadcast_in_dim3A_316) -> (vector<16xi32>)  : i32 {
        %mul3A_338 = arith.constant 16 : i32
        %mul3A_339 = arith.muli %scan3A_336, %mul3A_338 : i32
        %get3A_340 = arith.index_cast %mul3A_339 : i32 to index
        %get3A_341 = tpu.vector_load %arg31[%get3A_340] {strides = array<i32>} : memref<10000xi32, #tpu.memory_space<vmem>>, vector<16xi32>,
        %ge3A = arith.constant 25600 : i32
        %ge3A_342 = vector.broadcast %ge3A : i32 to vector<16xi32>
        %ge3A_343 = arith.cmpi sge, %get3A_341, %ge3A_342 : vector<16xi32>
        %convert_element_type3A_344 = arith.extui %ge3A_343 : vector<16xi1> to vector<16xi32>
        %ge3A_345 = arith.constant 51200 : i32
        %ge3A_346 = vector.broadcast %ge3A_345 : i32 to vector<16xi32>
        %ge3A_347 = arith.cmpi sge, %get3A_341, %ge3A_346 : vector<16xi32>
        %convert_element_type3A_348 = arith.extui %ge3A_347 : vector<16xi1> to vector<16xi32>
        %add3A_349 = arith.addi %convert_element_type3A_344, %convert_element_type3A_348 : vector<16xi32>
        %ge3A_350 = arith.constant 76800 : i32
        %ge3A_351 = vector.broadcast %ge3A_350 : i32 to vector<16xi32>
        %ge3A_352 = arith.cmpi sge, %get3A_341, %ge3A_351 : vector<16xi32>
        %convert_element_type3A_353 = arith.extui %ge3A_352 : vector<16xi1> to vector<16xi32>
        %add3A_354 = arith.addi %add3A_349, %convert_element_type3A_353 : vector<16xi32>
        %mul3A_355 = arith.constant 25600 : i32
        %mul3A_356 = vector.broadcast %mul3A_355 : i32 to vector<16xi32>
        %mul3A_357 = arith.muli %add3A_354, %mul3A_356 : vector<16xi32>
        %sub3A = arith.subi %get3A_341, %mul3A_357 : vector<16xi32>
        %gather3A = tpu.vector_load_idx %arg27[%sub3A] : memref<25600xi32, #tpu.memory_space<vmem>>[vector<16xi32>], vector<16xi32>,
        %shift_left3A = arith.constant 3 : i32
        %shift_left3A_358 = vector.broadcast %shift_left3A : i32 to vector<16xi32>
        %shift_left3A_359 = arith.shli %add3A_354, %shift_left3A_358 : vector<16xi32>
        %shift_right_arithmetic3A = arith.shrsi %gather3A, %shift_left3A_359 : vector<16xi32>
        %and3A = arith.constant 1 : i32
        %and3A_360 = vector.broadcast %and3A : i32 to vector<16xi32>
        %and3A_361 = arith.andi %shift_right_arithmetic3A, %and3A_360 : vector<16xi32>
        %xor3A = arith.constant 1 : i32
        %xor3A_362 = vector.broadcast %xor3A : i32 to vector<16xi32>
        %xor3A_363 = arith.xori %and3A_361, %xor3A_362 : vector<16xi32>
        %swap3A_364 = arith.index_cast %mul3A_339 : i32 to index
        %swap3A_365 = tpu.vector_load %arg32[%swap3A_364] {strides = array<i32>} : memref<10000xi32, #tpu.memory_space<vmem>>, vector<16xi32>,
        tpu.vector_store %arg32[%swap3A_364], %xor3A_363 {strides = array<i32>} : memref<10000xi32, #tpu.memory_space<vmem>>, vector<16xi32>,
        %or3A_366 = arith.ori %scan3A_337, %xor3A_363 : vector<16xi32>
        scf.yield %or3A_366 : vector<16xi32>
      }
      %scan3A_322 = arith.constant 625 : i32
      %reduce_max3A_323 = arith.constant true
      %reduce_max3A_324 = vector.broadcast %reduce_max3A_323 : i1 to vector<16xi1>
      %reduce_max3A_325 = arith.constant -2147483648 : i32
      %reduce_max3A_326 = vector.broadcast %reduce_max3A_325 : i32 to vector<16xi32>
      %reduce_max3A_327 = arith.xori %scan3A_321, %reduce_max3A_326 : vector<16xi32>
      %reduce_max3A_328 = tpu.scan <max>, %reduce_max3A_327 masked %reduce_max3A_324 : vector<16xi32>, vector<16xi1> -> vector<16xi32>
      %reduce_max3A_329 = arith.xori %reduce_max3A_328, %reduce_max3A_326 : vector<16xi32>
      %reduce_max3A_330 = vector.extract %reduce_max3A_329[15] : i32 from vector<16xi32>
      %gt3A_331 = arith.constant 0 : i32
      %gt3A_332 = arith.cmpi sgt, %reduce_max3A_330, %gt3A_331 : i32
      %convert_element_type3A_333 = arith.extui %gt3A_332 : i1 to i32
      %cond3A_334 = arith.constant 0 : i32
      %cond3A_335 = arith.cmpi ne, %convert_element_type3A_333, %cond3A_334 : i32
      scf.if %cond3A_335 {
        "tpu.region"() ({
          %run_scoped3A = tpu.sem_alloc : memref<!tpu.dma_semaphore, #tpu.memory_space<semaphore_mem>>
          %dma_start3A_336 = arith.constant 0 : i32
          %dma_start3A_337 = tpu.memref_slice %arg38[%dma_start3A_336] : memref<102400xi32, #tpu.memory_space<vmem_shared>> -> memref<102400xi32, #tpu.memory_space<vmem_shared>>
          tpu.enqueue_indirect_dma source(%arg32 : memref<10000xi32, #tpu.memory_space<vmem>>) target(%dma_start3A_337 : memref<102400xi32, #tpu.memory_space<vmem_shared>>) offsets(%arg30 : memref<10000xi32, #tpu.memory_space<vmem>>) semaphore(%run_scoped3A : memref<!tpu.dma_semaphore, #tpu.memory_space<semaphore_mem>>) {add = true}
          %dma_wait3A_338 = arith.constant 0 : i32
          %dma_wait3A_339 = tpu.memref_slice %arg38[%dma_wait3A_338] : memref<102400xi32, #tpu.memory_space<vmem_shared>> -> memref<102400xi32, #tpu.memory_space<vmem_shared>>
          tpu.wait_indirect_dma semaphore(%run_scoped3A : memref<!tpu.dma_semaphore, #tpu.memory_space<semaphore_mem>>) src(%arg32 : memref<10000xi32, #tpu.memory_space<vmem>>) dst(%dma_wait3A_339 : memref<102400xi32, #tpu.memory_space<vmem_shared>>)
          tpu.yield
        }) : () -> ()
      } else {
      }
    } else {
    }
    %dma_start3A_292 = arith.constant 0 : i32
    %dma_start3A_293 = tpu.memref_slice %arg37[%dma_start3A_292] : memref<102400xi32, #tpu.memory_space<vmem_shared>> -> memref<102400xi32, #tpu.memory_space<vmem_shared>>
    tpu.enqueue_indirect_dma source(%arg33 : memref<10000xi32, #tpu.memory_space<vmem>>) target(%dma_start3A_293 : memref<102400xi32, #tpu.memory_space<vmem_shared>>) offsets(%arg30 : memref<10000xi32, #tpu.memory_space<vmem>>) semaphore(%arg41 : memref<!tpu.dma_semaphore, #tpu.memory_space<semaphore_mem>>)
    %dma_wait3A_294 = tpu.memref_slice %arg7[%multiple_of3A_286] : memref<3200000xi32, #tpu.memory_space<hbm>> -> memref<10000xi32, #tpu.memory_space<hbm>>
    %dma_wait3A_295 = tpu.memref_slice %arg7[%multiple_of3A_286] : memref<3200000xi32, #tpu.memory_space<hbm>> -> memref<10000xi32, #tpu.memory_space<hbm>>
    tpu.wait_dma2 semaphore(%arg40 : memref<!tpu.dma_semaphore, #tpu.memory_space<semaphore_mem>>) src(%dma_wait3A_295 : memref<10000xi32, #tpu.memory_space<hbm>>) dst(%arg28 : memref<10000xi32, #tpu.memory_space<vmem>>)
    %convert_element_type3A_296 = arith.extui %gt3A_165 : i1 to i32
    %cond3A_297 = arith.constant 0 : i32
    %cond3A_298 = arith.cmpi ne, %convert_element_type3A_296, %cond3A_297 : i32
    scf.if %cond3A_298 {
      %add3A_312 = arith.constant 90000 : i32
      %add3A_313 = arith.addi %mul3A_2, %add3A_312 : i32
      %multiple_of3A_314 = tpu.assume_multiple %add3A_313, 8 : i32
      "tpu.region"() ({
        %run_scoped3A = tpu.sem_alloc : memref<!tpu.dma_semaphore, #tpu.memory_space<semaphore_mem>>
        %dma_start3A_336 = tpu.memref_slice %arg8[%multiple_of3A_314] : memref<3200000xi32, #tpu.memory_space<hbm>> -> memref<10000xi32, #tpu.memory_space<hbm>>
        %dma_start3A_337 = tpu.memref_slice %arg8[%multiple_of3A_314] : memref<3200000xi32, #tpu.memory_space<hbm>> -> memref<10000xi32, #tpu.memory_space<hbm>>
        tpu.enqueue_dma source(%dma_start3A_337 : memref<10000xi32, #tpu.memory_space<hbm>>) target(%arg31 : memref<10000xi32, #tpu.memory_space<vmem>>) target_semaphore(%run_scoped3A : memref<!tpu.dma_semaphore, #tpu.memory_space<semaphore_mem>>)
        %dma_wait3A_338 = tpu.memref_slice %arg8[%multiple_of3A_314] : memref<3200000xi32, #tpu.memory_space<hbm>> -> memref<10000xi32, #tpu.memory_space<hbm>>
        %dma_wait3A_339 = tpu.memref_slice %arg8[%multiple_of3A_314] : memref<3200000xi32, #tpu.memory_space<hbm>> -> memref<10000xi32, #tpu.memory_space<hbm>>
        tpu.wait_dma2 semaphore(%run_scoped3A : memref<!tpu.dma_semaphore, #tpu.memory_space<semaphore_mem>>) src(%dma_wait3A_339 : memref<10000xi32, #tpu.memory_space<hbm>>) dst(%arg31 : memref<10000xi32, #tpu.memory_space<vmem>>)
        tpu.yield
      }) : () -> ()
      %broadcast_in_dim3A_315 = arith.constant 0 : i32
      %broadcast_in_dim3A_316 = vector.broadcast %broadcast_in_dim3A_315 : i32 to vector<16xi32>
      %scan3A_317 = arith.constant 0 : i32
      %scan3A_318 = arith.constant 625 : i32
      %scan3A_319 = arith.addi %scan3A_317, %scan3A_318 : i32
      %scan3A_320 = arith.constant 1 : i32
      %scan3A_321 = scf.for %scan3A_336 = %scan3A_317 to %scan3A_319 step %scan3A_320 iter_args(%scan3A_337 = %broadcast_in_dim3A_316) -> (vector<16xi32>)  : i32 {
        %mul3A_338 = arith.constant 16 : i32
        %mul3A_339 = arith.muli %scan3A_336, %mul3A_338 : i32
        %get3A_340 = arith.index_cast %mul3A_339 : i32 to index
        %get3A_341 = tpu.vector_load %arg31[%get3A_340] {strides = array<i32>} : memref<10000xi32, #tpu.memory_space<vmem>>, vector<16xi32>,
        %ge3A = arith.constant 25600 : i32
        %ge3A_342 = vector.broadcast %ge3A : i32 to vector<16xi32>
        %ge3A_343 = arith.cmpi sge, %get3A_341, %ge3A_342 : vector<16xi32>
        %convert_element_type3A_344 = arith.extui %ge3A_343 : vector<16xi1> to vector<16xi32>
        %ge3A_345 = arith.constant 51200 : i32
        %ge3A_346 = vector.broadcast %ge3A_345 : i32 to vector<16xi32>
        %ge3A_347 = arith.cmpi sge, %get3A_341, %ge3A_346 : vector<16xi32>
        %convert_element_type3A_348 = arith.extui %ge3A_347 : vector<16xi1> to vector<16xi32>
        %add3A_349 = arith.addi %convert_element_type3A_344, %convert_element_type3A_348 : vector<16xi32>
        %ge3A_350 = arith.constant 76800 : i32
        %ge3A_351 = vector.broadcast %ge3A_350 : i32 to vector<16xi32>
        %ge3A_352 = arith.cmpi sge, %get3A_341, %ge3A_351 : vector<16xi32>
        %convert_element_type3A_353 = arith.extui %ge3A_352 : vector<16xi1> to vector<16xi32>
        %add3A_354 = arith.addi %add3A_349, %convert_element_type3A_353 : vector<16xi32>
        %mul3A_355 = arith.constant 25600 : i32
        %mul3A_356 = vector.broadcast %mul3A_355 : i32 to vector<16xi32>
        %mul3A_357 = arith.muli %add3A_354, %mul3A_356 : vector<16xi32>
        %sub3A = arith.subi %get3A_341, %mul3A_357 : vector<16xi32>
        %gather3A = tpu.vector_load_idx %arg27[%sub3A] : memref<25600xi32, #tpu.memory_space<vmem>>[vector<16xi32>], vector<16xi32>,
        %shift_left3A = arith.constant 3 : i32
        %shift_left3A_358 = vector.broadcast %shift_left3A : i32 to vector<16xi32>
        %shift_left3A_359 = arith.shli %add3A_354, %shift_left3A_358 : vector<16xi32>
        %shift_right_arithmetic3A = arith.shrsi %gather3A, %shift_left3A_359 : vector<16xi32>
        %and3A = arith.constant 1 : i32
        %and3A_360 = vector.broadcast %and3A : i32 to vector<16xi32>
        %and3A_361 = arith.andi %shift_right_arithmetic3A, %and3A_360 : vector<16xi32>
        %xor3A = arith.constant 1 : i32
        %xor3A_362 = vector.broadcast %xor3A : i32 to vector<16xi32>
        %xor3A_363 = arith.xori %and3A_361, %xor3A_362 : vector<16xi32>
        %swap3A_364 = arith.index_cast %mul3A_339 : i32 to index
        %swap3A_365 = tpu.vector_load %arg32[%swap3A_364] {strides = array<i32>} : memref<10000xi32, #tpu.memory_space<vmem>>, vector<16xi32>,
        tpu.vector_store %arg32[%swap3A_364], %xor3A_363 {strides = array<i32>} : memref<10000xi32, #tpu.memory_space<vmem>>, vector<16xi32>,
        %or3A_366 = arith.ori %scan3A_337, %xor3A_363 : vector<16xi32>
        scf.yield %or3A_366 : vector<16xi32>
      }
      %scan3A_322 = arith.constant 625 : i32
      %reduce_max3A_323 = arith.constant true
      %reduce_max3A_324 = vector.broadcast %reduce_max3A_323 : i1 to vector<16xi1>
      %reduce_max3A_325 = arith.constant -2147483648 : i32
      %reduce_max3A_326 = vector.broadcast %reduce_max3A_325 : i32 to vector<16xi32>
      %reduce_max3A_327 = arith.xori %scan3A_321, %reduce_max3A_326 : vector<16xi32>
      %reduce_max3A_328 = tpu.scan <max>, %reduce_max3A_327 masked %reduce_max3A_324 : vector<16xi32>, vector<16xi1> -> vector<16xi32>
      %reduce_max3A_329 = arith.xori %reduce_max3A_328, %reduce_max3A_326 : vector<16xi32>
      %reduce_max3A_330 = vector.extract %reduce_max3A_329[15] : i32 from vector<16xi32>
      %gt3A_331 = arith.constant 0 : i32
      %gt3A_332 = arith.cmpi sgt, %reduce_max3A_330, %gt3A_331 : i32
      %convert_element_type3A_333 = arith.extui %gt3A_332 : i1 to i32
      %cond3A_334 = arith.constant 0 : i32
      %cond3A_335 = arith.cmpi ne, %convert_element_type3A_333, %cond3A_334 : i32
      scf.if %cond3A_335 {
        "tpu.region"() ({
          %run_scoped3A = tpu.sem_alloc : memref<!tpu.dma_semaphore, #tpu.memory_space<semaphore_mem>>
          %dma_start3A_336 = arith.constant 0 : i32
          %dma_start3A_337 = tpu.memref_slice %arg38[%dma_start3A_336] : memref<102400xi32, #tpu.memory_space<vmem_shared>> -> memref<102400xi32, #tpu.memory_space<vmem_shared>>
          tpu.enqueue_indirect_dma source(%arg32 : memref<10000xi32, #tpu.memory_space<vmem>>) target(%dma_start3A_337 : memref<102400xi32, #tpu.memory_space<vmem_shared>>) offsets(%arg28 : memref<10000xi32, #tpu.memory_space<vmem>>) semaphore(%run_scoped3A : memref<!tpu.dma_semaphore, #tpu.memory_space<semaphore_mem>>) {add = true}
          %dma_wait3A_338 = arith.constant 0 : i32
          %dma_wait3A_339 = tpu.memref_slice %arg38[%dma_wait3A_338] : memref<102400xi32, #tpu.memory_space<vmem_shared>> -> memref<102400xi32, #tpu.memory_space<vmem_shared>>
          tpu.wait_indirect_dma semaphore(%run_scoped3A : memref<!tpu.dma_semaphore, #tpu.memory_space<semaphore_mem>>) src(%arg32 : memref<10000xi32, #tpu.memory_space<vmem>>) dst(%dma_wait3A_339 : memref<102400xi32, #tpu.memory_space<vmem_shared>>)
          tpu.yield
        }) : () -> ()
      } else {
      }
    } else {
    }
    %dma_start3A_299 = arith.constant 0 : i32
    %dma_start3A_300 = tpu.memref_slice %arg37[%dma_start3A_299] : memref<102400xi32, #tpu.memory_space<vmem_shared>> -> memref<102400xi32, #tpu.memory_space<vmem_shared>>
    tpu.enqueue_indirect_dma source(%arg33 : memref<10000xi32, #tpu.memory_space<vmem>>) target(%dma_start3A_300 : memref<102400xi32, #tpu.memory_space<vmem_shared>>) offsets(%arg28 : memref<10000xi32, #tpu.memory_space<vmem>>) semaphore(%arg41 : memref<!tpu.dma_semaphore, #tpu.memory_space<semaphore_mem>>)
    %dma_wait3A_301 = arith.constant 0 : i32
    %dma_wait3A_302 = tpu.memref_slice %arg37[%dma_wait3A_301] : memref<102400xi32, #tpu.memory_space<vmem_shared>> -> memref<102400xi32, #tpu.memory_space<vmem_shared>>
    tpu.wait_indirect_dma semaphore(%arg41 : memref<!tpu.dma_semaphore, #tpu.memory_space<semaphore_mem>>) src(%arg33 : memref<10000xi32, #tpu.memory_space<vmem>>) dst(%dma_wait3A_302 : memref<102400xi32, #tpu.memory_space<vmem_shared>>)
    %dma_wait3A_303 = arith.constant 0 : i32
    %dma_wait3A_304 = tpu.memref_slice %arg37[%dma_wait3A_303] : memref<102400xi32, #tpu.memory_space<vmem_shared>> -> memref<102400xi32, #tpu.memory_space<vmem_shared>>
    tpu.wait_indirect_dma semaphore(%arg41 : memref<!tpu.dma_semaphore, #tpu.memory_space<semaphore_mem>>) src(%arg33 : memref<10000xi32, #tpu.memory_space<vmem>>) dst(%dma_wait3A_304 : memref<102400xi32, #tpu.memory_space<vmem_shared>>)
    %dma_wait3A_305 = arith.constant 0 : i32
    %dma_wait3A_306 = tpu.memref_slice %arg37[%dma_wait3A_305] : memref<102400xi32, #tpu.memory_space<vmem_shared>> -> memref<102400xi32, #tpu.memory_space<vmem_shared>>
    tpu.wait_indirect_dma semaphore(%arg41 : memref<!tpu.dma_semaphore, #tpu.memory_space<semaphore_mem>>) src(%arg33 : memref<10000xi32, #tpu.memory_space<vmem>>) dst(%dma_wait3A_306 : memref<102400xi32, #tpu.memory_space<vmem_shared>>)
    %barrier3A_307 = arith.constant 0 : index
    tpu.barrier barrier_id(%barrier3A_307)
    %mul3A_308 = arith.constant 102400 : i32
    %mul3A_309 = arith.muli %arg0, %mul3A_308 : i32
    %add3A_310 = arith.addi %mul3A_309, %multiple_of3A_149 : i32
    %multiple_of3A_311 = tpu.assume_multiple %add3A_310, 8 : i32
    "tpu.region"() ({
      %run_scoped3A = tpu.sem_alloc : memref<!tpu.dma_semaphore, #tpu.memory_space<semaphore_mem>>
      %dma_start3A_312 = tpu.memref_slice %arg10[%multiple_of3A_311] : memref<204800xi32, #tpu.memory_space<hbm>> -> memref<6400xi32, #tpu.memory_space<hbm>>
      %dma_start3A_313 = tpu.memref_slice %arg37[%multiple_of3A_149] : memref<102400xi32, #tpu.memory_space<vmem_shared>> -> memref<6400xi32, #tpu.memory_space<vmem_shared>>
      tpu.enqueue_dma source(%dma_start3A_313 : memref<6400xi32, #tpu.memory_space<vmem_shared>>) target(%dma_start3A_312 : memref<6400xi32, #tpu.memory_space<hbm>>) target_semaphore(%run_scoped3A : memref<!tpu.dma_semaphore, #tpu.memory_space<semaphore_mem>>)
      %dma_wait3A_314 = tpu.memref_slice %arg10[%multiple_of3A_311] : memref<204800xi32, #tpu.memory_space<hbm>> -> memref<6400xi32, #tpu.memory_space<hbm>>
      %dma_wait3A_315 = tpu.memref_slice %arg37[%multiple_of3A_149] : memref<102400xi32, #tpu.memory_space<vmem_shared>> -> memref<6400xi32, #tpu.memory_space<vmem_shared>>
      tpu.wait_dma2 semaphore(%run_scoped3A : memref<!tpu.dma_semaphore, #tpu.memory_space<semaphore_mem>>) src(%dma_wait3A_315 : memref<6400xi32, #tpu.memory_space<vmem_shared>>) dst(%dma_wait3A_314 : memref<6400xi32, #tpu.memory_space<hbm>>)
      tpu.yield
    }) : () -> ()
    "tpu.region"() ({
      %run_scoped3A = tpu.sem_alloc : memref<!tpu.dma_semaphore, #tpu.memory_space<semaphore_mem>>
      %dma_start3A_312 = tpu.memref_slice %arg11[%multiple_of3A_311] : memref<204800xi32, #tpu.memory_space<hbm>> -> memref<6400xi32, #tpu.memory_space<hbm>>
      %dma_start3A_313 = tpu.memref_slice %arg38[%multiple_of3A_149] : memref<102400xi32, #tpu.memory_space<vmem_shared>> -> memref<6400xi32, #tpu.memory_space<vmem_shared>>
      tpu.enqueue_dma source(%dma_start3A_313 : memref<6400xi32, #tpu.memory_space<vmem_shared>>) target(%dma_start3A_312 : memref<6400xi32, #tpu.memory_space<hbm>>) target_semaphore(%run_scoped3A : memref<!tpu.dma_semaphore, #tpu.memory_space<semaphore_mem>>)
      %dma_wait3A_314 = tpu.memref_slice %arg11[%multiple_of3A_311] : memref<204800xi32, #tpu.memory_space<hbm>> -> memref<6400xi32, #tpu.memory_space<hbm>>
      %dma_wait3A_315 = tpu.memref_slice %arg38[%multiple_of3A_149] : memref<102400xi32, #tpu.memory_space<vmem_shared>> -> memref<6400xi32, #tpu.memory_space<vmem_shared>>
      tpu.wait_dma2 semaphore(%run_scoped3A : memref<!tpu.dma_semaphore, #tpu.memory_space<semaphore_mem>>) src(%dma_wait3A_315 : memref<6400xi32, #tpu.memory_space<vmem_shared>>) dst(%dma_wait3A_314 : memref<6400xi32, #tpu.memory_space<hbm>>)
      tpu.yield
    }) : () -> ()
    return
  }
}

#map = affine_map<(d0, d1) -> (0)>
module attributes {stable_mosaic.version = 14 : i64} {
  func.func @_neuron_kernel(%arg0: i32, %arg1: i32, %arg2: memref<204800xi32, #tpu.memory_space<hbm>>, %arg3: memref<204800xi32, #tpu.memory_space<hbm>>, %arg4: memref<102400xi32, #tpu.memory_space<hbm>>, %arg5: memref<102400xi32, #tpu.memory_space<hbm>>, %arg6: memref<3200xi32, #tpu.memory_space<vmem>>, %arg7: memref<3200xi32, #tpu.memory_space<vmem>>, %arg8: memref<3200xi32, #tpu.memory_space<vmem>>, %arg9: memref<3200xi32, #tpu.memory_space<vmem>>, %arg10: memref<3200xi32, #tpu.memory_space<vmem>>, %arg11: memref<3200xi32, #tpu.memory_space<vmem>>, %arg12: memref<!tpu.dma_semaphore, #tpu.memory_space<semaphore_mem>>) attributes {dimension_semantics = [#tpu.dimension_semantics<core_parallel>, #tpu.dimension_semantics<subcore_parallel>], iteration_bounds = array<i64: 2, 16>, scalar_prefetch = 0 : i64, scratch_operands = 7 : i64, tpu.core_type = #tpu.core_type<sc_vector_subcore>, window_params = [{transform_indices = #map}, {transform_indices = #map}, {transform_indices = #map}, {transform_indices = #map}]} {
    %mul3A = arith.constant 2 : i32
    %mul3A_0 = arith.muli %arg1, %mul3A : i32
    %add3A = arith.addi %mul3A_0, %arg0 : i32
    %mul3A_1 = arith.constant 3200 : i32
    %mul3A_2 = arith.muli %add3A, %mul3A_1 : i32
    %multiple_of3A = tpu.assume_multiple %mul3A_2, 8 : i32
    %dma_start3A = tpu.memref_slice %arg2[%multiple_of3A] : memref<204800xi32, #tpu.memory_space<hbm>> -> memref<3200xi32, #tpu.memory_space<hbm>>
    %dma_start3A_3 = tpu.memref_slice %arg2[%multiple_of3A] : memref<204800xi32, #tpu.memory_space<hbm>> -> memref<3200xi32, #tpu.memory_space<hbm>>
    tpu.enqueue_dma source(%dma_start3A_3 : memref<3200xi32, #tpu.memory_space<hbm>>) target(%arg6 : memref<3200xi32, #tpu.memory_space<vmem>>) target_semaphore(%arg12 : memref<!tpu.dma_semaphore, #tpu.memory_space<semaphore_mem>>)
    %add3A_4 = arith.constant 102400 : i32
    %add3A_5 = arith.addi %add3A_4, %multiple_of3A : i32
    %dma_start3A_6 = tpu.memref_slice %arg2[%add3A_5] : memref<204800xi32, #tpu.memory_space<hbm>> -> memref<3200xi32, #tpu.memory_space<hbm>>
    %dma_start3A_7 = tpu.memref_slice %arg2[%add3A_5] : memref<204800xi32, #tpu.memory_space<hbm>> -> memref<3200xi32, #tpu.memory_space<hbm>>
    tpu.enqueue_dma source(%dma_start3A_7 : memref<3200xi32, #tpu.memory_space<hbm>>) target(%arg7 : memref<3200xi32, #tpu.memory_space<vmem>>) target_semaphore(%arg12 : memref<!tpu.dma_semaphore, #tpu.memory_space<semaphore_mem>>)
    %dma_start3A_8 = tpu.memref_slice %arg3[%multiple_of3A] : memref<204800xi32, #tpu.memory_space<hbm>> -> memref<3200xi32, #tpu.memory_space<hbm>>
    %dma_start3A_9 = tpu.memref_slice %arg3[%multiple_of3A] : memref<204800xi32, #tpu.memory_space<hbm>> -> memref<3200xi32, #tpu.memory_space<hbm>>
    tpu.enqueue_dma source(%dma_start3A_9 : memref<3200xi32, #tpu.memory_space<hbm>>) target(%arg8 : memref<3200xi32, #tpu.memory_space<vmem>>) target_semaphore(%arg12 : memref<!tpu.dma_semaphore, #tpu.memory_space<semaphore_mem>>)
    %add3A_10 = arith.constant 102400 : i32
    %add3A_11 = arith.addi %add3A_10, %multiple_of3A : i32
    %dma_start3A_12 = tpu.memref_slice %arg3[%add3A_11] : memref<204800xi32, #tpu.memory_space<hbm>> -> memref<3200xi32, #tpu.memory_space<hbm>>
    %dma_start3A_13 = tpu.memref_slice %arg3[%add3A_11] : memref<204800xi32, #tpu.memory_space<hbm>> -> memref<3200xi32, #tpu.memory_space<hbm>>
    tpu.enqueue_dma source(%dma_start3A_13 : memref<3200xi32, #tpu.memory_space<hbm>>) target(%arg9 : memref<3200xi32, #tpu.memory_space<vmem>>) target_semaphore(%arg12 : memref<!tpu.dma_semaphore, #tpu.memory_space<semaphore_mem>>)
    %dma_start3A_14 = tpu.memref_slice %arg4[%multiple_of3A] : memref<102400xi32, #tpu.memory_space<hbm>> -> memref<3200xi32, #tpu.memory_space<hbm>>
    %dma_start3A_15 = tpu.memref_slice %arg4[%multiple_of3A] : memref<102400xi32, #tpu.memory_space<hbm>> -> memref<3200xi32, #tpu.memory_space<hbm>>
    tpu.enqueue_dma source(%dma_start3A_15 : memref<3200xi32, #tpu.memory_space<hbm>>) target(%arg10 : memref<3200xi32, #tpu.memory_space<vmem>>) target_semaphore(%arg12 : memref<!tpu.dma_semaphore, #tpu.memory_space<semaphore_mem>>)
    %dma_wait3A = tpu.memref_slice %arg2[%multiple_of3A] : memref<204800xi32, #tpu.memory_space<hbm>> -> memref<3200xi32, #tpu.memory_space<hbm>>
    %dma_wait3A_16 = tpu.memref_slice %arg2[%multiple_of3A] : memref<204800xi32, #tpu.memory_space<hbm>> -> memref<3200xi32, #tpu.memory_space<hbm>>
    tpu.wait_dma2 semaphore(%arg12 : memref<!tpu.dma_semaphore, #tpu.memory_space<semaphore_mem>>) src(%dma_wait3A_16 : memref<3200xi32, #tpu.memory_space<hbm>>) dst(%arg6 : memref<3200xi32, #tpu.memory_space<vmem>>)
    %dma_wait3A_17 = tpu.memref_slice %arg2[%add3A_5] : memref<204800xi32, #tpu.memory_space<hbm>> -> memref<3200xi32, #tpu.memory_space<hbm>>
    %dma_wait3A_18 = tpu.memref_slice %arg2[%add3A_5] : memref<204800xi32, #tpu.memory_space<hbm>> -> memref<3200xi32, #tpu.memory_space<hbm>>
    tpu.wait_dma2 semaphore(%arg12 : memref<!tpu.dma_semaphore, #tpu.memory_space<semaphore_mem>>) src(%dma_wait3A_18 : memref<3200xi32, #tpu.memory_space<hbm>>) dst(%arg7 : memref<3200xi32, #tpu.memory_space<vmem>>)
    %dma_wait3A_19 = tpu.memref_slice %arg3[%multiple_of3A] : memref<204800xi32, #tpu.memory_space<hbm>> -> memref<3200xi32, #tpu.memory_space<hbm>>
    %dma_wait3A_20 = tpu.memref_slice %arg3[%multiple_of3A] : memref<204800xi32, #tpu.memory_space<hbm>> -> memref<3200xi32, #tpu.memory_space<hbm>>
    tpu.wait_dma2 semaphore(%arg12 : memref<!tpu.dma_semaphore, #tpu.memory_space<semaphore_mem>>) src(%dma_wait3A_20 : memref<3200xi32, #tpu.memory_space<hbm>>) dst(%arg8 : memref<3200xi32, #tpu.memory_space<vmem>>)
    %dma_wait3A_21 = tpu.memref_slice %arg3[%add3A_11] : memref<204800xi32, #tpu.memory_space<hbm>> -> memref<3200xi32, #tpu.memory_space<hbm>>
    %dma_wait3A_22 = tpu.memref_slice %arg3[%add3A_11] : memref<204800xi32, #tpu.memory_space<hbm>> -> memref<3200xi32, #tpu.memory_space<hbm>>
    tpu.wait_dma2 semaphore(%arg12 : memref<!tpu.dma_semaphore, #tpu.memory_space<semaphore_mem>>) src(%dma_wait3A_22 : memref<3200xi32, #tpu.memory_space<hbm>>) dst(%arg9 : memref<3200xi32, #tpu.memory_space<vmem>>)
    %dma_wait3A_23 = tpu.memref_slice %arg4[%multiple_of3A] : memref<102400xi32, #tpu.memory_space<hbm>> -> memref<3200xi32, #tpu.memory_space<hbm>>
    %dma_wait3A_24 = tpu.memref_slice %arg4[%multiple_of3A] : memref<102400xi32, #tpu.memory_space<hbm>> -> memref<3200xi32, #tpu.memory_space<hbm>>
    tpu.wait_dma2 semaphore(%arg12 : memref<!tpu.dma_semaphore, #tpu.memory_space<semaphore_mem>>) src(%dma_wait3A_24 : memref<3200xi32, #tpu.memory_space<hbm>>) dst(%arg10 : memref<3200xi32, #tpu.memory_space<vmem>>)
    %scan3A = arith.constant 0 : i32
    %scan3A_25 = arith.constant 0 : i32
    %scan3A_26 = arith.constant 200 : i32
    %scan3A_27 = arith.addi %scan3A_25, %scan3A_26 : i32
    %scan3A_28 = arith.constant 1 : i32
    %scan3A_29 = scf.for %scan3A_31 = %scan3A_25 to %scan3A_27 step %scan3A_28 iter_args(%scan3A_32 = %scan3A) -> (i32)  : i32 {
      %mul3A_33 = arith.constant 16 : i32
      %mul3A_34 = arith.muli %scan3A_31, %mul3A_33 : i32
      %get3A = arith.index_cast %mul3A_34 : i32 to index
      %get3A_35 = tpu.vector_load %arg6[%get3A] {strides = array<i32>} : memref<3200xi32, #tpu.memory_space<vmem>>, vector<16xi32>,
      %get3A_36 = arith.index_cast %mul3A_34 : i32 to index
      %get3A_37 = tpu.vector_load %arg7[%get3A_36] {strides = array<i32>} : memref<3200xi32, #tpu.memory_space<vmem>>, vector<16xi32>,
      %add3A_38 = arith.addi %get3A_35, %get3A_37 : vector<16xi32>
      %get3A_39 = arith.index_cast %mul3A_34 : i32 to index
      %get3A_40 = tpu.vector_load %arg8[%get3A_39] {strides = array<i32>} : memref<3200xi32, #tpu.memory_space<vmem>>, vector<16xi32>,
      %get3A_41 = arith.index_cast %mul3A_34 : i32 to index
      %get3A_42 = tpu.vector_load %arg9[%get3A_41] {strides = array<i32>} : memref<3200xi32, #tpu.memory_space<vmem>>, vector<16xi32>,
      %add3A_43 = arith.addi %get3A_40, %get3A_42 : vector<16xi32>
      %sub3A = arith.subi %add3A_38, %add3A_43 : vector<16xi32>
      %get3A_44 = arith.index_cast %mul3A_34 : i32 to index
      %get3A_45 = tpu.vector_load %arg10[%get3A_44] {strides = array<i32>} : memref<3200xi32, #tpu.memory_space<vmem>>, vector<16xi32>,
      %gt3A = arith.constant 0 : i32
      %gt3A_46 = vector.broadcast %gt3A : i32 to vector<16xi32>
      %gt3A_47 = arith.cmpi sgt, %add3A_38, %gt3A_46 : vector<16xi32>
      %convert_element_type3A = arith.sitofp %add3A_38 : vector<16xi32> to vector<16xf32>
      %convert_element_type3A_48 = arith.sitofp %sub3A : vector<16xi32> to vector<16xf32>
      %jit3A = arith.constant 1.000000e+00 : f32
      %broadcast_in_dim3A = vector.broadcast %jit3A : f32 to vector<16xf32>
      %select_n3A = arith.select %gt3A_47, %convert_element_type3A, %broadcast_in_dim3A : vector<16xi1>, vector<16xf32>
      %div3A = arith.divf %convert_element_type3A_48, %select_n3A : vector<16xf32>
      %sub3A_49 = arith.constant 1.000000e+00 : f32
      %sub3A_50 = vector.broadcast %sub3A_49 : f32 to vector<16xf32>
      %sub3A_51 = arith.subf %sub3A_50, %div3A : vector<16xf32>
      %jit3A_52 = arith.constant 0.000000e+00 : f32
      %broadcast_in_dim3A_53 = vector.broadcast %jit3A_52 : f32 to vector<16xf32>
      %select_n3A_54 = arith.select %gt3A_47, %sub3A_51, %broadcast_in_dim3A_53 : vector<16xi1>, vector<16xf32>
      %gt3A_55 = arith.constant 0.899999976 : f32
      %gt3A_56 = vector.broadcast %gt3A_55 : f32 to vector<16xf32>
      %gt3A_57 = arith.cmpf ogt, %select_n3A_54, %gt3A_56 : vector<16xf32>
      %ne3A = arith.constant 0 : i32
      %ne3A_58 = vector.broadcast %ne3A : i32 to vector<16xi32>
      %ne3A_59 = arith.cmpi ne, %get3A_45, %ne3A_58 : vector<16xi32>
      %and3A = arith.andi %gt3A_57, %ne3A_59 : vector<16xi1>
      %jit3A_60 = arith.constant 0 : i32
      %broadcast_in_dim3A_61 = vector.broadcast %jit3A_60 : i32 to vector<16xi32>
      %select_n3A_62 = arith.select %and3A, %broadcast_in_dim3A_61, %get3A_45 : vector<16xi1>, vector<16xi32>
      %swap3A = arith.index_cast %mul3A_34 : i32 to index
      %swap3A_63 = tpu.vector_load %arg11[%swap3A] {strides = array<i32>} : memref<3200xi32, #tpu.memory_space<vmem>>, vector<16xi32>,
      tpu.vector_store %arg11[%swap3A], %select_n3A_62 {strides = array<i32>} : memref<3200xi32, #tpu.memory_space<vmem>>, vector<16xi32>,
      %scan3A_64 = arith.constant 0 : i32
      scf.yield %scan3A_64 : i32
    }
    %scan3A_30 = arith.constant 200 : i32
    "tpu.region"() ({
      %run_scoped3A = tpu.sem_alloc : memref<!tpu.dma_semaphore, #tpu.memory_space<semaphore_mem>>
      %dma_start3A_31 = tpu.memref_slice %arg5[%multiple_of3A] : memref<102400xi32, #tpu.memory_space<hbm>> -> memref<3200xi32, #tpu.memory_space<hbm>>
      %dma_start3A_32 = tpu.memref_slice %arg5[%multiple_of3A] : memref<102400xi32, #tpu.memory_space<hbm>> -> memref<3200xi32, #tpu.memory_space<hbm>>
      tpu.enqueue_dma source(%arg11 : memref<3200xi32, #tpu.memory_space<vmem>>) target(%dma_start3A_32 : memref<3200xi32, #tpu.memory_space<hbm>>) target_semaphore(%run_scoped3A : memref<!tpu.dma_semaphore, #tpu.memory_space<semaphore_mem>>)
      %dma_wait3A_33 = tpu.memref_slice %arg5[%multiple_of3A] : memref<102400xi32, #tpu.memory_space<hbm>> -> memref<3200xi32, #tpu.memory_space<hbm>>
      %dma_wait3A_34 = tpu.memref_slice %arg5[%multiple_of3A] : memref<102400xi32, #tpu.memory_space<hbm>> -> memref<3200xi32, #tpu.memory_space<hbm>>
      tpu.wait_dma2 semaphore(%run_scoped3A : memref<!tpu.dma_semaphore, #tpu.memory_space<semaphore_mem>>) src(%arg11 : memref<3200xi32, #tpu.memory_space<vmem>>) dst(%dma_wait3A_34 : memref<3200xi32, #tpu.memory_space<hbm>>)
      tpu.yield
    }) : () -> ()
    return
  }
}

</mosaic_0001>

<sc_bundles>
// kernel: kernel.4.cloned.1.call-start
scs
__scs_entry_jumppad:
0x0: {  	(pc) =	sbr.rel $0x88, $3  }
0x1: {  	(tag) =	ssettag $0x0;
	lr =	simm.s32 $0x1  }
0x2: {  	[smem:$0x3F9A] =	sst lr;
	_ =	strace $0xD0000000  }
0x3: {  	_ = 	snop  }
0x4: {  	_ = 	snop  }
0x5: {  	_ = 	snop  }
0x6: {  	_ = 	snop  }
0x7: {  	_ = 	snop  }
__scs_overlays_trampoline_lowered:
0x8: {  	[smem:$0x3FA9] =	sst s0  }
0x9: {  	[smem:$0x3FAA] =	sst s1  }
0xa: {  	[smem:$0x3FAB] =	sst s2  }
0xb: {  	[smem:$0x3FAC] =	sst s3  }
0xc: {  	[smem:$0x3FAD] =	sst s4  }
0xd: {  	[smem:$0x3FAE] =	sst s5  }
0xe: {  	[smem:$0x3FAF] =	sst s6  }
0xf: {  	[smem:$0x3FB0] =	sst s7  }
0x10: {  	[smem:$0x3FB1] =	sst s8  }
0x11: {  	[smem:$0x3FB2] =	sst s9;
	s0 =	simm.s32 @!p0 $0x0  }
0x12: {  	s1 =	sld [smem:$0x3F98];
	s0 =	simm.s32 @p0 $0x1  }
0x13: {  	[smem:$0x3FB3] =	sst s0;
	s0 =	simm.s32 @!p1 $0x0  }
0x14: {  	s2 =	sld [smem:$0x3F97];
	s0 =	simm.s32 @p1 $0x1  }
0x15: {  	[smem:$0x3FB4] =	sst s0;
	s0 =	simm.s32 @!p2 $0x0  }
0x16: {  	s3 =	sld [smem:$0x3FDB];
	s0 =	simm.s32 @p2 $0x1  }
0x17: {  	s4 =	simm.s32 $0x1BF5;
	[smem:$0x3FB6] =	sst s0  }
0x18: {  	s0 =	sld [smem:$0x3F99];
	_ =	swait.ge [sflag:s4], $0x0  }
0x19: {  	s7 =	sld [smem:$0x3F9A]  }
0x1a: {  	s8 =	sadd.s32 $0xFFFFE003, lr  }
0x1b: {  	s9 =	sadd.s32 $0xFFFFFEF7, lr;
	s5 =	simm.s32 $0xFFFFFFFF;
	p2 =	slt.u32 s8, $0xFFFFF086  }
0x1c: {  	p1 =	slt.u32 s9, $0xF7A;
	s5 =	simm.s32 @!p2 $0x0  }
0x1d: {  	s5 =	simm.s32 @p1 $0x1;
	p0 =	seq.s32 s7, s2  }
0x1e: {  	s7 =	smul.u32 @!p0 $0xF7A, s2;
	p2 =	seq.s32 @!p0 s5, $0x0  }
0x1f: {  	s9 =	smul.u32 $0xF7A, s1;
	s8 =	simm.s32 @!p0 $0x1BF5;
	p2 =	por !p2, p0  }
0x20: {  	[sflag:s8] =	ssyncset.s32 @!p0 $0xFFFFF086;
	s6 =	sadd.s32 @!p0 s3, s7;
	s7 =	simm.s32 @!p0 $0x108  }
0x21: {  	s3 =	sadd.s32 s3, s9;
	s6 =	sadd.s32 @!p0 $0x88, s6;
	s7 =	simm.s32 @p2 $0x1082  }
0x22: {  	[simem:s7], [sflag:s8] =	dma.local @!p0 [hbm:s6], $0xF7A  }
0x23: {  	s9 =	sor.u32 $0xD0000000, s2;
	s6 =	simm.s32 $0x108;
	_ =	swait.ge @!p0 [sflag:s8], $0x0  }
0x24: {  	s3 =	sadd.s32 $0x88, s3;
	s6 =	simm.s32 @!p1 $0x1082;
	[sflag:s4] =	ssyncset.s32 $0xFFFFF086  }
0x25: {  	[simem:s6], [sflag:s4] =	dma.local [hbm:s3], $0xF7A  }
0x26: {  	[smem:$0x3F9A] =	sst s1;
	(tag) =	ssettag s2;
	_ =	strace s9  }
0x27: {  	s1 =	sld [smem:$0x3FAA]  }
0x28: {  	s2 =	sld [smem:$0x3FAB]  }
0x29: {  	s4 =	sld [smem:$0x3FAD]  }
0x2a: {  	p0 =	seq.s32 s5, $0x0;
	s5 =	sld [smem:$0x3FAE]  }
0x2b: {  	s6 =	sld [smem:$0x3FAF]  }
0x2c: {  	s7 =	sld [smem:$0x3FB0]  }
0x2d: {  	s3 =	simm.s32 $0x108;
	s8 =	sld [smem:$0x3FB1]  }
0x2e: {  	s3 =	simm.s32 @!p0 $0x1082;
	s9 =	sld [smem:$0x3FB2]  }
0x2f: {  	lr =	sadd.s32 s0, s3;
	s0 =	sld [smem:$0x3FA9]  }
0x30: {  	s3 =	sld [smem:$0x3FAC]  }
0x31: {  	[smem:$0x3FB5] =	sst s10  }
0x32: {  	s10 =	sld [smem:$0x3FB3];
	_ =	sdelay $0x3  }
0x33: {  	p0 =	seq.s32 s10, $0x1;
	s10 =	sld [smem:$0x3FB5];
	_ =	sdelay $0x3  }
0x34: {  	[smem:$0x3FB5] =	sst s10  }
0x35: {  	s10 =	sld [smem:$0x3FB4];
	_ =	sdelay $0x3  }
0x36: {  	p1 =	seq.s32 s10, $0x1;
	s10 =	sld [smem:$0x3FB5];
	_ =	sdelay $0x3  }
0x37: {  	[smem:$0x3FB5] =	sst s10  }
0x38: {  	s10 =	sld [smem:$0x3FB6]  }
0x39: {  	_ = 	snop;
	(pc) =	sbr.ind lr, $3  }
0x3a: {  	_ = 	snop  }
0x3b: {  	_ = 	snop  }
0x3c: {  	p2 =	seq.s32 s10, $0x1;
	s10 =	sld [smem:$0x3FB5]  }
0x3d: {  	_ =	shalt  }
0x3e: {  	_ =	shalt  }
0x3f: {  	_ =	shalt  }
0x40: {  	_ =	shalt  }
0x41: {  	_ =	shalt  }
0x42: {  	_ =	shalt  }
0x43: {  	_ =	shalt  }
0x44: {  	_ =	shalt  }
0x45: {  	_ =	shalt  }
0x46: {  	_ =	shalt  }
0x47: {  	_ =	shalt  }
0x48: {  	_ =	shalt  }
0x49: {  	_ =	shalt  }
0x4a: {  	_ =	shalt  }
0x4b: {  	_ =	shalt  }
0x4c: {  	_ =	shalt  }
0x4d: {  	_ =	shalt  }
0x4e: {  	_ =	shalt  }
0x4f: {  	_ =	shalt  }
0x50: {  	_ =	shalt  }
0x51: {  	_ =	shalt  }
0x52: {  	_ =	shalt  }
0x53: {  	_ =	shalt  }
0x54: {  	_ =	shalt  }
0x55: {  	_ =	shalt  }
0x56: {  	_ =	shalt  }
0x57: {  	_ =	shalt  }
0x58: {  	_ =	shalt  }
0x59: {  	_ =	shalt  }
0x5a: {  	_ =	shalt  }
0x5b: {  	_ =	shalt  }
0x5c: {  	_ =	shalt  }
0x5d: {  	_ =	shalt  }
0x5e: {  	_ =	shalt  }
0x5f: {  	_ =	shalt  }
0x60: {  	_ =	shalt  }
0x61: {  	_ =	shalt  }
0x62: {  	_ =	shalt  }
0x63: {  	_ =	shalt  }
0x64: {  	_ =	shalt  }
0x65: {  	_ =	shalt  }
0x66: {  	_ =	shalt  }
0x67: {  	_ =	shalt  }
0x68: {  	_ =	shalt  }
0x69: {  	_ =	shalt  }
0x6a: {  	_ =	shalt  }
0x6b: {  	_ =	shalt  }
0x6c: {  	_ =	shalt  }
0x6d: {  	_ =	shalt  }
0x6e: {  	_ =	shalt  }
0x6f: {  	_ =	shalt  }
0x70: {  	_ =	shalt  }
0x71: {  	_ =	shalt  }
0x72: {  	_ =	shalt  }
0x73: {  	_ =	shalt  }
0x74: {  	_ =	shalt  }
0x75: {  	_ =	shalt  }
0x76: {  	_ =	shalt  }
0x77: {  	_ =	shalt  }
0x78: {  	_ =	shalt  }
0x79: {  	_ =	shalt  }
0x7a: {  	_ =	shalt  }
0x7b: {  	_ =	shalt  }
0x7c: {  	_ =	shalt  }
0x7d: {  	_ =	shalt  }
0x7e: {  	_ =	shalt  }
0x7f: {  	_ =	shalt  }
0x80: {  	_ =	shalt  }
0x81: {  	_ =	shalt  }
0x82: {  	_ =	shalt  }
0x83: {  	_ =	shalt  }
0x84: {  	_ =	shalt  }
0x85: {  	_ =	shalt  }
0x86: {  	_ =	shalt  }
0x87: {  	_ =	shalt  }
.Lfunc_end0:
.L_simem_size_0:
called_computation.2_lowered:
.L_overlay_start_0:
0x88: {  	s2 =	sld [smem:$0x3FD9]  }
0x89: {  	s3 =	sld [smem:$0x3FFE];
	_ =	sdelay $0x1  }
0x8a: {  	s1 =	srdreg.scid  }
0x8b: {  	s0 =	sand.u32 $0x1, s1  }
0x8c: {  	s14 =	sshll.u32 s0, $0xA;
	s2 =	sadd.s32 s3, s2  }
0x8d: {  	s2 =	sadd.s32 s2, s14  }
0x8e: {  	[smem:$0x3FC1] =	sst s2  }
0x8f: {  	_ = 	snop  }
0x90: {  	s2 =	sld [smem:$0x3FD0];
	_ =	sdelay $0x2  }
0x91: {  	s15 =	simm.s32 $0xA;
	s4 =	simm.s32 $0x10  }
0x92: {  	[smem:s4], [sflag:s15] =	dma.local [hbm:s2], $0x1  }
0x93: {  	_ =	swait.eq [sflag:s15], $0x1  }
0x94: {  	[sflag:s15] =	ssyncset.done $0x0  }
0x95: {  	[sflag:s15] =	ssyncadd.s32 $0xFFFFFFFF  }
0x96: {  	s16 =	sld [smem:$0x11];
	(tm) =	ssettm $0x1  }
0x97: {  	s17 =	sld [smem:$0x3FFB];
	_ =	sdelay $0x3  }
0x98: {  	_ =	strace s17  }
0x99: {  	s3 =	sld [smem:$0x3FFC];
	_ =	sdelay $0x3  }
0x9a: {  	_ =	strace s3  }
0x9b: {  	s3 =	sld [smem:$0x3FFD];
	_ =	sdelay $0x3  }
0x9c: {  	_ =	strace s3  }
0x9d: {  	_ =	strace $0x8FFFFFFF  }
0x9e: {  	s18 =	sld [smem:$0x3FDB];
	_ =	sdelay $0x1  }
0x9f: {  	s19 =	simm.s32 $_scs_section_size  }
0xa0: {  	s5 =	simm.s32 $_size__tile_overlayer_lowered;
	s6 =	simm.s32 $_tile_overlayer_lowered  }
0xa1: {  	s22 =	simm.s32 $0x1BFF;
	s21 =	sshll.u32 s6, $0x1;
	s3 =	sadd.s32 s19, s18  }
0xa2: {  	s7 =	simm.s32 $0x0;
	s20 =	sshll.u32 s5, $0x1;
	s5 =	sadd.s32 s21, s3  }
0xa3: {  	[timem:s7], [sflag:s22] =	dma.local [hbm:s5], s20  }
0xa4: {  	_ =	swait.ge [sflag:s22], s20  }
0xa5: {  	s4 =	ssub.s32 $0x0, s20;
	[sflag:s22] =	ssyncset.done $0x0  }
0xa6: {  	[sflag:s22] =	ssyncadd.s32 s4;
	_ =	sdelay $0x1  }
0xa7: {  	s23 =	simm.s32 $0x1B8B  }
0xa8: {  	_ =	swait.ge [sflag:s23], $0x1  }
0xa9: {  	[sflag:s23] =	ssyncset.done $0x0  }
0xaa: {  	s25 =	simm.s32 $0x1B8E;
	s24 =	sld [smem:$0x3FFE];
	[sflag:s23] =	ssyncadd.s32 $0xFFFFFFFF  }
0xab: {  	s26 =	simm.s32 $execute0_lowered;
	[smem:$0x3FD2] =	sst s25  }
0xac: {  	s5 =	sshll.u32 s26, $0x1;
	_ =	strace $0x80000049;
	[dreg:$0x1] =	wrdreg $0xFFFFFFFF  }
0xad: {  	s28 =	simm.s32 $_size_execute0_lowered;
	s3 =	sadd.s32 s3, s5;
	[dreg:$0x0] =	wrdreg $0x0  }
0xae: {  	s5 =	sshll.u32 s28, $0x1;
	[dreg:$0x2] =	wrdreg s3  }
0xaf: {  	[dreg:$0x3] =	wrdreg s5  }
0xb0: {  	[dreg:$0x4] =	wrdreg $0xC0  }
0xb1: {  	_ =	task [dreg:s7], $0x5FFFF  }
0xb2: {  	[dreg:$0x1] =	wrdreg $0xFFFFFFFF  }
0xb3: {  	[dreg:$0x0] =	wrdreg $0x60  }
0xb4: {  	[dreg:$0x2] =	wrdreg s24  }
0xb5: {  	[dreg:$0x3] =	wrdreg s16  }
0xb6: {  	[dreg:$0x4] =	wrdreg $0x1C0000  }
0xb7: {  	[dreg:$0x5] =	wrdreg $0x1C6400  }
0xb8: {  	[dreg:$0x6] =	wrdreg $0x1C6500  }
0xb9: {  	[dreg:$0x7] =	wrdreg $0x1DF500  }
0xba: {  	[dreg:$0x8] =	wrdreg $0x9  }
0xbb: {  	_ =	task.clear_ibuf [dreg:s7], $0x9FFFF;
	_ =	strace $0x90000049  }
0xbc: {  	s29 =	simm.s32 $0x9;
	_ =	strace $0x8000004B  }
0xbd: {  	_ =	swait.ge [sflag:s29], $0x1  }
0xbe: {  	[sflag:s29] =	ssyncadd.s32 $0xFFFFFFFF  }
0xbf: {  	_ =	strace $0x9000004B  }
0xc0: {  	_ =	sfence  }
0xc1: {  	s30 =	sld [smem:$0x0];
	_ =	sdelay $0x2  }
0xc2: {  	s31 =	sshll.u32 s1, $0xD;
	s1 =	sshrl.u32 s1, $0x2  }
0xc3: {  	s3 =	sand.u32 $0x4000, s31;
	s1 =	sadd.s32 s1, s30  }
0xc4: {  	s0 =	sor.u32 s3, s0;
	s1 =	sshll.u32 s1, $0x11  }
0xc5: {  	s0 =	sor.u32 s1, s0  }
0xc6: {  	s0 =	sadd.s32 $0x8F2B, s0  }
0xc7: {  	[sflag:s0] =	ssyncadd.remote.s32 $0x1  }
0xc8: {  	_ =	sfence.sel $0xFFFF  }
0xc9: {  	[dreg:$0x0] =	wrdreg $0xFFFFFFFF;
	(pc) =	sbr.abs _section_cstart, $3  }
0xca: {  	[dreg:$0x1] =	wrdreg $0xFFFFFFFF  }
0xcb: {  	_ =	task.clear_ibuf [dreg:s7], $0x2FFFF;
	_ =	strace $0x9FFFFFFF  }
0xcc: {  	(tm) =	ssettm $0x7FFFFFFF  }
0xcd: {  	_ =	shalt  }
tec
execute0_lowered:
.L_overlay_start_1:
0x0: {  	(tag) =	ssettag $0x1  }
0x1: {  	s2 =	srdreg.scid  }
0x2: {  	s3 =	rddreg [dreg:$0x0];
	s13 =	stileid.u32;
	s4 =	sand.u32 $0x1, s2  }
0x3: {  	s7 =	sshll.u32 s13, $0x1;
	s5 =	smul.u32 $0x640, s13;
	s2 =	ssub.s32 $0x2, s4  }
0x4: {  	s0 =	sadd.s32 $0xC9C00, s3;
	s7 =	sor.u32 s4, s7;
	s9 =	sshrl.u32 s2, $0x1  }
0x5: {  	s9 =	ssub.s32 s2, s9;
	s2 =	smul.u32 $0x186A0, s7;
	s7 =	sshrl.u32 s5, $0x3  }
0x6: {  	s30 =	rddreg [dreg:$0x4];
	s1 =	sadd.s32 $0xC6A00, s3;
	s10 =	sadd.s32 s0, s7  }
0x7: {  	s6 =	sadd.s32 $0xC3800, s3;
	s16 =	sadd.s32 s1, s7;
	[dreg:$0x7] =	wrdreg s10  }
0x8: {  	s8 =	sadd.s32 $0xCCE00, s3;
	s11 =	sadd.s32 s6, s7;
	[dreg:$0x8] =	wrdreg s16  }
0x9: {  	s17 =	sadd.s32 $0xC80, s7;
	s18 =	sadd.s32 s8, s7;
	[dreg:$0x9] =	wrdreg s11  }
0xa: {  	[dreg:$0xa] =	wrdreg s18;
	s19 =	sadd.s32 s0, s17  }
0xb: {  	s20 =	sadd.s32 s1, s17;
	[dreg:$0xb] =	wrdreg s19  }
0xc: {  	s21 =	sadd.s32 s6, s17;
	[dreg:$0xc] =	wrdreg s20  }
0xd: {  	s22 =	sadd.s32 $0x1900, s7;
	s12 =	sadd.s32 s8, s17;
	[dreg:$0xd] =	wrdreg s21  }
0xe: {  	s23 =	sadd.s32 s0, s22;
	[dreg:$0xe] =	wrdreg s12  }
0xf: {  	s24 =	sadd.s32 s1, s22;
	[dreg:$0xf] =	wrdreg s23  }
0x10: {  	s25 =	sadd.s32 s6, s22;
	[dreg:$0x10] =	wrdreg s24  }
0x11: {  	s28 =	sadd.s32 $0x2580, s7;
	s26 =	sadd.s32 s8, s22;
	[dreg:$0x11] =	wrdreg s25  }
0x12: {  	s0 =	sadd.s32 s0, s28;
	[dreg:$0x12] =	wrdreg s26  }
0x13: {  	s1 =	sadd.s32 s1, s28;
	[dreg:$0x13] =	wrdreg s0  }
0x14: {  	s6 =	sadd.s32 s6, s28;
	[dreg:$0x14] =	wrdreg s1  }
0x15: {  	s15 =	sadd.s32 $0xD0000, s3;
	s14 =	sadd.s32 s8, s28;
	[dreg:$0x15] =	wrdreg s6  }
0x16: {  	s29 =	simm.s32 $0xE180;
	s16 =	sadd.s32 s15, s7;
	[dreg:$0x16] =	wrdreg s14  }
0x17: {  	s31 =	simm.s32 $0x13080;
	s17 =	sadd.s32 s15, s17;
	[dreg:$0x17] =	wrdreg s16  }
0x18: {  	p0 =	sne.s32 s4, $0x0;
	s18 =	smul.u32 $0x19000, s4;
	[dreg:$0x18] =	wrdreg s17  }
0x19: {  	s19 =	sadd.s32 s15, s22;
	s0 =	sadd.s32 s15, s28;
	s17 =	rddreg [dreg:$0x2]  }
0x1a: {  	s21 =	simm.s32 $0x0;
	s1 =	sshrl.u32 s2, $0x3;
	[dreg:$0x19] =	wrdreg s19  }
0x1b: {  	s2 =	sadd.s32 $0x61C00, s3;
	[dreg:$0x1a] =	wrdreg s0;
	s22 =	sadd.s32 $0x4E2, s1  }
0x1c: {  	s6 =	smul.u32 $0x1900, s13;
	[smem:$0x7FF] =	sst s21;
	s23 =	sadd.s32 s2, s22  }
0x1d: {  	s24 =	sadd.s32 $0x9C4, s1;
	s7 =	sadd.s32 s3, s22;
	[dreg:$0x1b] =	wrdreg s23  }
0x1e: {  	s26 =	sadd.s32 $0xEA6, s1;
	s25 =	sadd.s32 s2, s24;
	[dreg:$0x1c] =	wrdreg s7  }
0x1f: {  	s10 =	sadd.s32 $0x1388, s1;
	s28 =	sadd.s32 s2, s26;
	[dreg:$0x1d] =	wrdreg s25  }
0x20: {  	s12 =	sadd.s32 $0x186A, s1;
	s11 =	sadd.s32 s2, s10;
	[dreg:$0x1f] =	wrdreg s28  }
0x21: {  	s15 =	sadd.s32 $0x1D4C, s1;
	s14 =	sadd.s32 s2, s12;
	[smem:$0x7F2] =	sst s11  }
0x22: {  	s9 =	smax.u32 s9, $0x1;
	s16 =	sadd.s32 s2, s15;
	[smem:$0x7F4] =	sst s14  }
0x23: {  	s20 =	sadd.s32 s6, s18;
	s18 =	sadd.s32 $0x222E, s1;
	[smem:$0x7F6] =	sst s16  }
0x24: {  	s22 =	sadd.s32 s2, s1;
	s0 =	sshrl.u32 s20, $0x3;
	s20 =	rddreg [dreg:$0x3]  }
0x25: {  	s7 =	sadd.s32 s3, s26;
	s19 =	sadd.s32 s2, s18;
	[smem:$0x7FA] =	sst s22  }
0x26: {  	s23 =	sadd.s32 s3, s1;
	s25 =	sadd.s32 $0x2BF2, s1;
	s28 =	sshll.u32 s13, $0x4  }
0x27: {  	s22 =	simm.s32 $0x1A700;
	s11 =	simm.s32 $0x2710;
	s13 =	simm.s32 $0x10900  }
0x28: {  	s14 =	simm.s32 $0x0;
	s8 =	sadd.s32 s0, s3;
	[smem:$0x7F1] =	sst s7  }
0x29: {  	s0 =	sadd.s32 s3, s24;
	s7 =	sadd.s32 s3, s12;
	[smem:$0x7F8] =	sst s19  }
0x2a: {  	[smem:$0x7FB] =	sst s23;
	s24 =	sadd.s32 $0x2710, s1;
	s1 =	sadd.s32 s2, s25  }
0x2b: {  	s4 =	sadd.s32 s28, s20;
	s20 =	simm.s32 $0x80;
	s19 =	simm.s32 $0x1  }
0x2c: {  	s12 =	simm.s32 $0x17F80;
	s23 =	simm.s32 $0x3;
	[dreg:$0x1e] =	wrdreg s0  }
0x2d: {  	s0 =	sadd.s32 s3, s10;
	[smem:$0x7F5] =	sst s7;
	s26 =	sadd.s32 s3, s24  }
0x2e: {  	s7 =	sadd.s32 $0xD3200, s8;
	s8 =	sadd.s32 $0xD9600, s8;
	[smem:$0x7F3] =	sst s0  }
0x2f: {  	s10 =	simm.s32 $0x4;
	s0 =	sadd.s32 s3, s15;
	[smem:$0x7FC] =	sst s26  }
.Ltmp0:
0x30: {  	[smem:$0x7F7] =	sst s0;
	s0 =	sadd.s32 s3, s18;
	(pc) =	sbr.rel .LBB2_1-.Ltmp0, $4  }
0x31: {  	s26 =	simm.s32 $0x2;
	s3 =	sadd.s32 s3, s25;
	[smem:$0x7F9] =	sst s0  }
0x32: {  	s25 =	simm.s32 $0x5600;
	s0 =	sadd.s32 s2, s24;
	s2 =	rddreg [dreg:$0x5]  }
0x33: {  	[smem:$0x7FD] =	sst s3;
	s3 =	sadd.s32 s5, s17;
	s5 =	sadd.s32 s6, s30  }
0x34: {  	v0 =	vimm.s32 $0x0;
	v1 =	vimm.s32 $0x1;
	s24 =	simm.s32 $0xBA00;
	_ =	strace $0x8000004A;
	s6 =	sadd.s32 s6, s2  }
.LBB2_53:
0x35: {  	[spmem:s30] =	stream.indirect.scatter [tilespmem:s12], [sflag:$0x3], $0x1, s13, s11, $0xb8;
	[tilespmem:$0x1F850] =	vst v63  }
0x36: {  	s15 =	simm.s32 $0x2  }
.LBB2_54:
0x37: {  	_ =	swait.ge [sflag:s15], $0x2710  }
0x38: {  	[sflag:s15] =	ssyncset.done $0x0  }
0x39: {  	[sflag:s15] =	ssyncadd.s32 $0xFFFFD8F0  }
.LBB2_55:
0x3a: {  	[spmem:s30] =	stream.indirect.scatter [tilespmem:s12], [sflag:$0x3], $0x1, s24, s11, $0xb8;
	[tilespmem:$0x1F850] =	vst v63  }
0x3b: {  	_ =	swait.ge [sflag:s23], $0x2710  }
0x3c: {  	[sflag:s23] =	ssyncset.done $0x0  }
0x3d: {  	[sflag:s23] =	ssyncadd.s32 $0xFFFFD8F0  }
0x3e: {  	_ =	swait.ge [sflag:s23], $0x2710  }
0x3f: {  	[sflag:s23] =	ssyncset.done $0x0  }
0x40: {  	[sflag:s23] =	ssyncadd.s32 $0xFFFFD8F0  }
0x41: {  	_ =	swait.ge [sflag:s23], $0x2710  }
0x42: {  	s15 =	stileid.u32;
	[sflag:s23] =	ssyncset.done $0x0  }
0x43: {  	s15 =	sshll.u32 s15, $0x6;
	[sflag:s23] =	ssyncadd.s32 $0xFFFFD8F0  }
0x44: {  	s16 =	sshrl.u32 s5, $0x3;
	s15 =	sor.u32 $0x1C04, s15;
	[bflag:$0x0] =	sbarrier.arrive $0xFFFF  }
0x45: {  	[hbm:s7], [sflag:s15] =	dma.local [spmem:s16], $0x320  }
0x46: {  	s14 =	sadd.s32 $0x1, s14;
	_ =	swait.ge [sflag:s10], $0x320  }
0x47: {  	p1 =	sne.s32 s14, s9;
	[sflag:s10] =	ssyncset.done $0x0  }
.Ltmp1:
0x48: {  	s28 =	sshrl.u32 s6, $0x3;
	[sflag:s10] =	ssyncadd.s32 $0xFFFFFCE0;
	(pc) =	sbr.rel @!p1 .LBB2_56-.Ltmp1, $4  }
0x49: {  	[hbm:s8], [sflag:s15] =	dma.local [spmem:s28], $0x320  }
0x4a: {  	_ =	swait.ge [sflag:s10], $0x320  }
0x4b: {  	[sflag:s10] =	ssyncset.done $0x0  }
0x4c: {  	[sflag:s10] =	ssyncadd.s32 $0xFFFFFCE0  }
.LBB2_1:
0x4d: {  	s15 =	rddreg [dreg:$0x1]  }
0x4e: {  	[tilespmem:s21], [sflag:$0x4] =	stream.linear.gather [hbm4b:s15+s21], $0x80, $0x38;
	[tilespmem:$0x1F850] =	vst v63  }
0x4f: {  	_ =	swait.ge [sflag:s10], $0x80  }
0x50: {  	[sflag:s10] =	ssyncset.done $0x0  }
0x51: {  	s18 =	rddreg [dreg:$0x7];
	[sflag:s10] =	ssyncadd.s32 $0xFFFFFF80  }
0x52: {  	v2 =	vld [tilespmem:$0x0];
	[tilespmem:s20], [sflag:$0x1] =	stream.linear.gather [hbm4b:s18+s21], $0x640, $0x38  }
0x53: {  	s16 =	simm.s32 $0xD80;
	s28 =	rddreg [dreg:$0x8]  }
0x54: {  	[tilespmem:s16], [sflag:$0x1] =	stream.linear.gather [hbm4b:s28+s21], $0x640, $0x38;
	[tilespmem:$0x1F850] =	vst v63  }
0x55: {  	s17 =	simm.s32 $0x1A80;
	s16 =	rddreg [dreg:$0x9]  }
0x56: {  	[tilespmem:s17], [sflag:$0x1] =	stream.linear.gather [hbm4b:s16+s21], $0x640, $0x38;
	[tilespmem:$0x1F850] =	vst v63  }
0x57: {  	s18 =	rddreg [dreg:$0xa];
	s28 =	simm.s32 $0x2780  }
0x58: {  	[tilespmem:s28], [sflag:$0x1] =	stream.linear.gather [hbm4b:s18+s21], $0x640, $0x38;
	[tilespmem:$0x1F850] =	vst v63  }
0x59: {  	s16 =	rddreg [dreg:$0xb];
	s17 =	simm.s32 $0x700  }
0x5a: {  	[tilespmem:s17], [sflag:$0x1] =	stream.linear.gather [hbm4b:s16+s21], $0x640, $0x38;
	[tilespmem:$0x1F850] =	vst v63  }
0x5b: {  	s18 =	rddreg [dreg:$0xc];
	s28 =	simm.s32 $0x1400  }
0x5c: {  	[tilespmem:s28], [sflag:$0x1] =	stream.linear.gather [hbm4b:s18+s21], $0x640, $0x38;
	[tilespmem:$0x1F850] =	vst v63  }
0x5d: {  	s16 =	rddreg [dreg:$0xd];
	s17 =	simm.s32 $0x2100  }
0x5e: {  	[tilespmem:s17], [sflag:$0x1] =	stream.linear.gather [hbm4b:s16+s21], $0x640, $0x38;
	[tilespmem:$0x1F850] =	vst v63  }
0x5f: {  	s18 =	rddreg [dreg:$0xe];
	s28 =	simm.s32 $0x2E00  }
0x60: {  	[tilespmem:s28], [sflag:$0x1] =	stream.linear.gather [hbm4b:s18+s21], $0x640, $0x38;
	[tilespmem:$0x1F850] =	vst v63  }
0x61: {  	_ =	swait.ge [sflag:s19], $0x640  }
0x62: {  	[sflag:s19] =	ssyncset.done $0x0  }
0x63: {  	[sflag:s19] =	ssyncadd.s32 $0xFFFFF9C0  }
0x64: {  	_ =	swait.ge [sflag:s19], $0x640  }
0x65: {  	[sflag:s19] =	ssyncset.done $0x0  }
0x66: {  	[sflag:s19] =	ssyncadd.s32 $0xFFFFF9C0  }
0x67: {  	_ =	swait.ge [sflag:s19], $0x640  }
0x68: {  	[sflag:s19] =	ssyncset.done $0x0  }
0x69: {  	[sflag:s19] =	ssyncadd.s32 $0xFFFFF9C0  }
0x6a: {  	_ =	swait.ge [sflag:s19], $0x640  }
0x6b: {  	[sflag:s19] =	ssyncset.done $0x0  }
0x6c: {  	s16 =	simm.s32 $0x0;
	[sflag:s19] =	ssyncadd.s32 $0xFFFFF9C0  }
0x6d: {  	v3 =	vld [tilespmem:s16+$0x80]  }
0x6e: {  	v4 =	vld [tilespmem:s16+$0x2780];
	_ =	sdelay $0x1  }
0x6f: {  	v5 =	vld [tilespmem:s16+$0xD80];
	_ =	sdelay $0x1  }
0x70: {  	s15 =	simm.s32 $0x10;
	v8 =	vld [tilespmem:s16+$0x1A80];
	v3 =	vsub.f32 v3, v2  }
0x71: {  	v6 =	vld [tilespmem:s15+$0x80];
	v4 =	vadd.s32 $0x1, v4  }
0x72: {  	v7 =	vld [tilespmem:s15+$0x2780];
	vm1 =	vgt.s32 v4, $0x9;
	vm0 =	vle.f32 v3, $0.0e+00  }
0x73: {  	vm15 =	veq.s32 v5, $0x0;
	vm0 =	vmand vm0, vm1  }
0x74: {  	v5 =	vld [tilespmem:s15+$0xD80];
	vm0 =	vmand vm15, vm0  }
0x75: {  	s17 =	simm.s32 $0x80;
	v3 =	vimm.s32 $0x0;
	v4 =	vsel vm0, $0x0, v8  }
.LBB2_2:
0x76: {  	s18 =	sshra.s32 s17, $0x2;
	p1 =	sne.s32 s17, $0x18C0;
	s17 =	sadd.s32 $0x40, s17;
	v8 =	vld [tilespmem:s15+$0x1A80];
	v9 =	vsub.f32 v6, v2;
	[tilespmem:s16+$0x3480] =	vst v4;
	vm0 =	veq.s32 v4, $0x0  }
.Ltmp2:
0x77: {  	s16 =	smov.u32 s15;
	v6 =	vld [tilespmem:s18+$0x80];
	v4 =	vadd.s32 $0x1, v7;
	v10 =	vsel vm0, $0x1, v0;
	s15 =	smov.u32 s18;
	(pc) =	sbr.rel @p1 .LBB2_2-.Ltmp2, $4  }
0x78: {  	v7 =	vld [tilespmem:s15+$0x2780];
	vm0 =	vle.f32 v9, $0.0e+00;
	vm1 =	vgt.s32 v4, $0x9;
	v3 =	vor.u32 v10, v3  }
0x79: {  	vm0 =	vmand vm0, vm1;
	vm1 =	veq.s32 v5, $0x0  }
0x7a: {  	v5 =	vld [tilespmem:s15+$0xD80];
	vm0 =	vmand vm1, vm0  }
0x7b: {  	v4 =	vsel vm0, $0x0, v8  }
0x7c: {  	v8 =	vld [tilespmem:s15+$0x1A80];
	v6 =	vsub.f32 v6, v2  }
0x7d: {  	v7 =	vadd.s32 $0x1, v7  }
0x7e: {  	vm0 =	vle.f32 v6, $0.0e+00;
	vm1 =	vgt.s32 v7, $0x9  }
0x7f: {  	vm0 =	vmand vm0, vm1;
	vm11 =	veq.s32 v5, $0x0  }
0x80: {  	vm0 =	vmand vm11, vm0  }
0x81: {  	[tilespmem:s16+$0x3480] =	vst v4;
	v5 =	vsel vm0, $0x0, v8  }
0x82: {  	s18 =	rddreg [dreg:$0xf];
	[tilespmem:s15+$0x3480] =	vst v5;
	s15 =	simm.s32 $0x0  }
0x83: {  	[tilespmem:s20], [sflag:$0x1] =	stream.linear.gather [hbm4b:s18+s15], $0x640, $0x38;
	[tilespmem:$0x1F850] =	vst v63  }
0x84: {  	s28 =	rddreg [dreg:$0x10];
	s17 =	simm.s32 $0xD80  }
0x85: {  	[tilespmem:s17], [sflag:$0x1] =	stream.linear.gather [hbm4b:s28+s15], $0x640, $0x38;
	[tilespmem:$0x1F850] =	vst v63  }
0x86: {  	s18 =	simm.s32 $0x1A80;
	s17 =	rddreg [dreg:$0x11]  }
0x87: {  	[tilespmem:s18], [sflag:$0x1] =	stream.linear.gather [hbm4b:s17+s15], $0x640, $0x38;
	[tilespmem:$0x1F850] =	vst v63  }
0x88: {  	s20 =	rddreg [dreg:$0x12];
	s28 =	simm.s32 $0x2780  }
0x89: {  	[tilespmem:s28], [sflag:$0x1] =	stream.linear.gather [hbm4b:s20+s15], $0x640, $0x38;
	[tilespmem:$0x1F850] =	vst v63  }
0x8a: {  	_ =	swait.ge [sflag:s19], $0x640  }
0x8b: {  	[sflag:s19] =	ssyncset.done $0x0  }
0x8c: {  	[sflag:s19] =	ssyncadd.s32 $0xFFFFF9C0  }
0x8d: {  	_ =	swait.ge [sflag:s19], $0x640  }
0x8e: {  	[sflag:s19] =	ssyncset.done $0x0  }
0x8f: {  	[sflag:s19] =	ssyncadd.s32 $0xFFFFF9C0  }
0x90: {  	_ =	swait.ge [sflag:s19], $0x640  }
0x91: {  	[sflag:s19] =	ssyncset.done $0x0  }
0x92: {  	[sflag:s19] =	ssyncadd.s32 $0xFFFFF9C0  }
0x93: {  	_ =	swait.ge [sflag:s19], $0x640  }
0x94: {  	[sflag:s19] =	ssyncset.done $0x0  }
0x95: {  	s15 =	simm.s32 $0x0;
	[sflag:s19] =	ssyncadd.s32 $0xFFFFF9C0  }
0x96: {  	v6 =	vld [tilespmem:s15+$0x700];
	_ =	sdelay $0x1  }
0x97: {  	v7 =	vld [tilespmem:s15+$0x2E00]  }
0x98: {  	v8 =	vld [tilespmem:s15+$0x1400];
	_ =	sdelay $0x1  }
0x99: {  	v6 =	vsub.f32 v6, v2  }
0x9a: {  	s16 =	simm.s32 $0x10;
	v9 =	vld [tilespmem:s15+$0x2100]  }
0x9b: {  	vm12 =	veq.s32 v4, $0x0;
	v4 =	vadd.s32 $0x1, v7;
	vm13 =	vle.f32 v6, $0.0e+00;
	v6 =	vld [tilespmem:s16+$0x700]  }
0x9c: {  	vm15 =	veq.s32 v8, $0x0;
	v8 =	vld [tilespmem:s16+$0x2E00];
	vm14 =	vgt.s32 v4, $0x9  }
0x9d: {  	vm2 =	veq.s32 v5, $0x0;
	v7 =	vsel vm12, $0x1, v0;
	vm0 =	vmand vm13, vm14  }
0x9e: {  	v4 =	vsel vm2, $0x1, v0;
	v3 =	vor.u32 v7, v3;
	v7 =	vld [tilespmem:s16+$0x1400];
	vm0 =	vmand vm15, vm0  }
0x9f: {  	s17 =	simm.s32 $0x80;
	v3 =	vor.u32 v4, v3;
	v4 =	vimm.s32 $0x0;
	v5 =	vsel vm0, $0x0, v9  }
.LBB2_4:
0xa0: {  	s18 =	sshra.s32 s17, $0x2;
	p1 =	sne.s32 s17, $0x18C0;
	s17 =	sadd.s32 $0x40, s17;
	v9 =	vld [tilespmem:s16+$0x2100];
	v10 =	vsub.f32 v6, v2;
	[tilespmem:s15+$0x3B00] =	vst v5;
	vm0 =	veq.s32 v5, $0x0  }
.Ltmp3:
0xa1: {  	s15 =	smov.u32 s16;
	v6 =	vld [tilespmem:s18+$0x700];
	v5 =	vadd.s32 $0x1, v8;
	v11 =	vsel vm0, $0x1, v0;
	s16 =	smov.u32 s18;
	(pc) =	sbr.rel @p1 .LBB2_4-.Ltmp3, $4  }
0xa2: {  	v8 =	vld [tilespmem:s16+$0x2E00];
	vm0 =	vle.f32 v10, $0.0e+00;
	vm1 =	vgt.s32 v5, $0x9;
	v4 =	vor.u32 v11, v4  }
0xa3: {  	vm0 =	vmand vm0, vm1;
	vm1 =	veq.s32 v7, $0x0  }
0xa4: {  	v7 =	vld [tilespmem:s16+$0x1400];
	vm0 =	vmand vm1, vm0  }
0xa5: {  	v5 =	vsel vm0, $0x0, v9  }
0xa6: {  	v9 =	vld [tilespmem:s16+$0x2100];
	v6 =	vsub.f32 v6, v2  }
0xa7: {  	v8 =	vadd.s32 $0x1, v8  }
0xa8: {  	vm0 =	vle.f32 v6, $0.0e+00;
	vm1 =	vgt.s32 v8, $0x9  }
0xa9: {  	vm0 =	vmand vm0, vm1;
	vm11 =	veq.s32 v7, $0x0  }
0xaa: {  	vm0 =	vmand vm11, vm0  }
0xab: {  	[tilespmem:s15+$0x3B00] =	vst v5;
	v6 =	vsel vm0, $0x0, v9  }
0xac: {  	s15 =	simm.s32 $0x0;
	s18 =	rddreg [dreg:$0x13];
	s17 =	simm.s32 $0x700;
	[tilespmem:s16+$0x3B00] =	vst v6  }
0xad: {  	[tilespmem:s17], [sflag:$0x1] =	stream.linear.gather [hbm4b:s18+s15], $0x640, $0x38;
	[tilespmem:$0x1F850] =	vst v63  }
0xae: {  	s20 =	rddreg [dreg:$0x14];
	s28 =	simm.s32 $0x1400  }
0xaf: {  	[tilespmem:s28], [sflag:$0x1] =	stream.linear.gather [hbm4b:s20+s15], $0x640, $0x38;
	[tilespmem:$0x1F850] =	vst v63  }
0xb0: {  	s17 =	rddreg [dreg:$0x15];
	s18 =	simm.s32 $0x2100  }
0xb1: {  	[tilespmem:s18], [sflag:$0x1] =	stream.linear.gather [hbm4b:s17+s15], $0x640, $0x38;
	[tilespmem:$0x1F850] =	vst v63  }
0xb2: {  	s20 =	rddreg [dreg:$0x16];
	s28 =	simm.s32 $0x2E00  }
0xb3: {  	[tilespmem:s28], [sflag:$0x1] =	stream.linear.gather [hbm4b:s20+s15], $0x640, $0x38;
	[tilespmem:$0x1F850] =	vst v63  }
0xb4: {  	_ =	swait.ge [sflag:s19], $0x640  }
0xb5: {  	[sflag:s19] =	ssyncset.done $0x0  }
0xb6: {  	[sflag:s19] =	ssyncadd.s32 $0xFFFFF9C0  }
0xb7: {  	_ =	swait.ge [sflag:s19], $0x640  }
0xb8: {  	[sflag:s19] =	ssyncset.done $0x0  }
0xb9: {  	[sflag:s19] =	ssyncadd.s32 $0xFFFFF9C0  }
0xba: {  	_ =	swait.ge [sflag:s19], $0x640  }
0xbb: {  	[sflag:s19] =	ssyncset.done $0x0  }
0xbc: {  	[sflag:s19] =	ssyncadd.s32 $0xFFFFF9C0  }
0xbd: {  	_ =	swait.ge [sflag:s19], $0x640  }
0xbe: {  	[sflag:s19] =	ssyncset.done $0x0  }
0xbf: {  	s15 =	simm.s32 $0x0;
	[sflag:s19] =	ssyncadd.s32 $0xFFFFF9C0  }
0xc0: {  	v7 =	vld [tilespmem:s15+$0x80];
	_ =	sdelay $0x1  }
0xc1: {  	v8 =	vld [tilespmem:s15+$0x2780]  }
0xc2: {  	v9 =	vld [tilespmem:s15+$0xD80];
	_ =	sdelay $0x1  }
0xc3: {  	v7 =	vsub.f32 v7, v2  }
0xc4: {  	s16 =	simm.s32 $0x10;
	v10 =	vld [tilespmem:s15+$0x1A80]  }
0xc5: {  	vm12 =	veq.s32 v5, $0x0;
	v5 =	vadd.s32 $0x1, v8;
	vm13 =	vle.f32 v7, $0.0e+00;
	v7 =	vld [tilespmem:s16+$0x80]  }
0xc6: {  	vm15 =	veq.s32 v9, $0x0;
	v9 =	vld [tilespmem:s16+$0x2780];
	vm14 =	vgt.s32 v5, $0x9  }
0xc7: {  	vm2 =	veq.s32 v6, $0x0;
	v8 =	vsel vm12, $0x1, v0;
	vm0 =	vmand vm13, vm14  }
0xc8: {  	v5 =	vsel vm2, $0x1, v0;
	v4 =	vor.u32 v8, v4;
	v8 =	vld [tilespmem:s16+$0xD80];
	vm0 =	vmand vm15, vm0  }
0xc9: {  	s17 =	simm.s32 $0x80;
	v4 =	vor.u32 v5, v4;
	v5 =	vimm.s32 $0x0;
	v6 =	vsel vm0, $0x0, v10  }
.LBB2_6:
0xca: {  	s18 =	sshra.s32 s17, $0x2;
	p1 =	sne.s32 s17, $0x18C0;
	s17 =	sadd.s32 $0x40, s17;
	v10 =	vld [tilespmem:s16+$0x1A80];
	v11 =	vsub.f32 v7, v2;
	[tilespmem:s15+$0x4180] =	vst v6;
	vm0 =	veq.s32 v6, $0x0  }
.Ltmp4:
0xcb: {  	s15 =	smov.u32 s16;
	v7 =	vld [tilespmem:s18+$0x80];
	v6 =	vadd.s32 $0x1, v9;
	v12 =	vsel vm0, $0x1, v0;
	s16 =	smov.u32 s18;
	(pc) =	sbr.rel @p1 .LBB2_6-.Ltmp4, $4  }
0xcc: {  	v9 =	vld [tilespmem:s16+$0x2780];
	vm0 =	vle.f32 v11, $0.0e+00;
	vm1 =	vgt.s32 v6, $0x9;
	v5 =	vor.u32 v12, v5  }
0xcd: {  	vm0 =	vmand vm0, vm1;
	vm1 =	veq.s32 v8, $0x0  }
0xce: {  	v8 =	vld [tilespmem:s16+$0xD80];
	vm0 =	vmand vm1, vm0  }
0xcf: {  	v6 =	vsel vm0, $0x0, v10  }
0xd0: {  	v10 =	vld [tilespmem:s16+$0x1A80];
	v7 =	vsub.f32 v7, v2  }
0xd1: {  	v9 =	vadd.s32 $0x1, v9  }
0xd2: {  	vm0 =	vle.f32 v7, $0.0e+00;
	vm1 =	vgt.s32 v9, $0x9  }
0xd3: {  	vm0 =	vmand vm0, vm1;
	vm11 =	veq.s32 v8, $0x0  }
0xd4: {  	vm0 =	vmand vm11, vm0  }
0xd5: {  	[tilespmem:s15+$0x4180] =	vst v6;
	v7 =	vsel vm0, $0x0, v10  }
0xd6: {  	[tilespmem:s16+$0x4180] =	vst v7  }
0xd7: {  	_ =	swait.ge [sflag:s19], $0x640  }
0xd8: {  	[sflag:s19] =	ssyncset.done $0x0  }
0xd9: {  	[sflag:s19] =	ssyncadd.s32 $0xFFFFF9C0  }
0xda: {  	_ =	swait.ge [sflag:s19], $0x640  }
0xdb: {  	[sflag:s19] =	ssyncset.done $0x0  }
0xdc: {  	[sflag:s19] =	ssyncadd.s32 $0xFFFFF9C0  }
0xdd: {  	_ =	swait.ge [sflag:s19], $0x640  }
0xde: {  	[sflag:s19] =	ssyncset.done $0x0  }
0xdf: {  	[sflag:s19] =	ssyncadd.s32 $0xFFFFF9C0  }
0xe0: {  	_ =	swait.ge [sflag:s19], $0x640  }
0xe1: {  	[sflag:s19] =	ssyncset.done $0x0  }
0xe2: {  	s15 =	simm.s32 $0x0;
	[sflag:s19] =	ssyncadd.s32 $0xFFFFF9C0  }
0xe3: {  	v8 =	vld [tilespmem:s15+$0x700]  }
0xe4: {  	v9 =	vld [tilespmem:s15+$0x2E00];
	_ =	sdelay $0x1  }
0xe5: {  	v10 =	vld [tilespmem:s15+$0x1400];
	_ =	sdelay $0x1  }
0xe6: {  	vm12 =	veq.s32 v6, $0x0;
	s28 =	simm.s32 $0x10;
	v11 =	vld [tilespmem:s15+$0x2100];
	v8 =	vsub.f32 v8, v2  }
0xe7: {  	vm2 =	veq.s32 v7, $0x0;
	v7 =	vld [tilespmem:s28+$0x700];
	v6 =	vadd.s32 $0x1, v9;
	v9 =	vsel vm12, $0x1, v0  }
0xe8: {  	vm14 =	vgt.s32 v6, $0x9;
	v5 =	vor.u32 v9, v5;
	v9 =	vld [tilespmem:s28+$0x2E00];
	vm13 =	vle.f32 v8, $0.0e+00  }
0xe9: {  	vm15 =	veq.s32 v10, $0x0;
	vm0 =	vmand vm13, vm14  }
0xea: {  	v6 =	vsel vm2, $0x1, v0;
	v8 =	vld [tilespmem:s28+$0x1400];
	vm0 =	vmand vm15, vm0  }
0xeb: {  	s18 =	simm.s32 $0x80;
	s17 =	simm.s32 $0x0;
	s16 =	simm.s32 $0x40;
	v5 =	vor.u32 v6, v5;
	v6 =	vimm.s32 $0x0;
	v10 =	vsel vm0, $0x0, v11  }
.LBB2_8:
0xec: {  	s20 =	sshra.s32 s18, $0x2;
	p1 =	sne.s32 s18, $0x18C0;
	s18 =	sadd.s32 $0x40, s18;
	v11 =	vld [tilespmem:s28+$0x2100];
	v12 =	vsub.f32 v7, v2;
	[tilespmem:s17+$0x4800] =	vst v10;
	vm0 =	veq.s32 v10, $0x0  }
.Ltmp5:
0xed: {  	s17 =	smov.u32 s28;
	v7 =	vld [tilespmem:s20+$0x700];
	v10 =	vadd.s32 $0x1, v9;
	v13 =	vsel vm0, $0x1, v0;
	s28 =	smov.u32 s20;
	(pc) =	sbr.rel @p1 .LBB2_8-.Ltmp5, $4  }
0xee: {  	v9 =	vld [tilespmem:s28+$0x2E00];
	vm0 =	vle.f32 v12, $0.0e+00;
	vm1 =	vgt.s32 v10, $0x9;
	v6 =	vor.u32 v13, v6  }
0xef: {  	vm0 =	vmand vm0, vm1;
	vm1 =	veq.s32 v8, $0x0  }
0xf0: {  	v8 =	vld [tilespmem:s28+$0x1400];
	vm0 =	vmand vm1, vm0  }
0xf1: {  	v10 =	vsel vm0, $0x0, v11  }
0xf2: {  	v11 =	vld [tilespmem:s28+$0x2100];
	v2 =	vsub.f32 v7, v2  }
0xf3: {  	v7 =	vadd.s32 $0x1, v9  }
0xf4: {  	vm0 =	vle.f32 v2, $0.0e+00;
	vm1 =	vgt.s32 v7, $0x9  }
0xf5: {  	vm0 =	vmand vm0, vm1;
	vm13 =	veq.s32 v8, $0x0  }
0xf6: {  	vm0 =	vmand vm13, vm0  }
0xf7: {  	[tilespmem:s17+$0x4800] =	vst v10;
	v2 =	vsel vm0, $0x0, v11  }
0xf8: {  	[tilespmem:s28+$0x4800] =	vst v2  }
0xf9: {  	vm14 =	veq.s32 v10, $0x0;
	v7 =	vld [tilespmem:s15+$0x3480]  }
0xfa: {  	v9 =	vsel vm14, $0x1, v0;
	vm15 =	veq.s32 v2, $0x0;
	v8 =	vld [tilespmem:s15+$0x3B00]  }
0xfb: {  	v2 =	vor.u32 v9, v6;
	v9 =	vsel vm15, $0x1, v0;
	v6 =	vld [tilespmem:s15+$0x4180]  }
0xfc: {  	v2 =	vor.u32 v9, v2;
	v9 =	vld [tilespmem:s15+$0x4800]  }
.LBB2_10:
0xfd: {  	s17 =	sshra.s32 s16, $0x2;
	v10 =	vmov v7;
	p1 =	sne.s32 s16, $0x18C0  }
.Ltmp6:
0xfe: {  	s16 =	sadd.s32 $0x40, s16;
	v7 =	vld [tilespmem:s17+$0x3480];
	v11 =	vshll.u32 v8, $0x8;
	(pc) =	sbr.rel @p1 .LBB2_10-.Ltmp6, $4  }
0xff: {  	v8 =	vld [tilespmem:s17+$0x3B00];
	v10 =	vor.u32 v10, v11;
	v11 =	vshll.u32 v6, $0x10  }
0x100: {  	v6 =	vld [tilespmem:s17+$0x4180];
	v10 =	vor.u32 v11, v10;
	v11 =	vshll.u32 v9, $0x18  }
0x101: {  	v9 =	vld [tilespmem:s17+$0x4800];
	v10 =	vor.u32 v11, v10  }
0x102: {  	[tilespmem:s15+$0x4E80] =	vst v10;
	s15 =	smov.u32 s17  }
0x103: {  	_ = 	snop  }
0x104: {  	v8 =	vshll.u32 v8, $0x8  }
0x105: {  	v7 =	vor.u32 v7, v8;
	v6 =	vshll.u32 v6, $0x10  }
0x106: {  	v3 =	vor.u32 v3, v4;
	v6 =	vor.u32 v6, v7;
	v62 =	vshll.u32 v9, $0x18  }
0x107: {  	v3 =	vor.u32 v5, v3;
	v63 =	vor.u32 v62, v6  }
0x108: {  	v2 =	vor.u32 v2, v3;
	[tilespmem:s15+$0x4E80] =	vst v63  }
0x109: {  	s20 =	simm.s32 $0x4E80;
	[tilespmem:$0x5500] =	vst v2  }
0x10a: {  	[spmem:s3] =	stream.linear.scatter [tilespmem:s20], [sflag:$0x4], $0x640, $0x38;
	[tilespmem:$0x1F850] =	vst v63  }
0x10b: {  	_ =	swait.ge [sflag:s10], $0x640  }
0x10c: {  	[sflag:s10] =	ssyncset.done $0x0  }
0x10d: {  	s28 =	simm.s32 $0x5500;
	[sflag:s10] =	ssyncadd.s32 $0xFFFFF9C0  }
0x10e: {  	[spmem:s4] =	stream.linear.scatter [tilespmem:s28], [sflag:$0x4], $0x10, $0x38;
	[tilespmem:$0x1F850] =	vst v63  }
0x10f: {  	_ =	swait.ge [sflag:s10], $0x10  }
0x110: {  	s16 =	simm.s32 @!p0 $0x3480;
	[sflag:s10] =	ssyncset.done $0x0  }
0x111: {  	s15 =	simm.s32 @!p0 $0x0;
	s17 =	rddreg [dreg:$0x17];
	[sflag:s10] =	ssyncadd.s32 $0xFFFFFFF0  }
0x112: {  	[hbm4b:s17+s15] =	stream.linear.scatter @!p0 [tilespmem:s16], [sflag:$0x4], $0x640, $0x38;
	[tilespmem:$0x1F850] =	vst v63  }
0x113: {  	s16 =	simm.s32 @!p0 $0x4  }
0x114: {  	_ =	swait.ge @!p0 [sflag:s16], $0x640  }
0x115: {  	[sflag:s16] =	ssyncset.done @!p0 $0x0  }
0x116: {  	s17 =	simm.s32 @!p0 $0x3B00;
	s18 =	rddreg [dreg:$0x18];
	[sflag:s16] =	ssyncadd.s32 @!p0 $0xFFFFF9C0  }
0x117: {  	[hbm4b:s18+s15] =	stream.linear.scatter @!p0 [tilespmem:s17], [sflag:$0x4], $0x640, $0x38;
	[tilespmem:$0x1F850] =	vst v63  }
0x118: {  	_ =	swait.ge @!p0 [sflag:s16], $0x640  }
0x119: {  	[sflag:s16] =	ssyncset.done @!p0 $0x0  }
0x11a: {  	s17 =	simm.s32 @!p0 $0x4180;
	s18 =	rddreg [dreg:$0x19];
	[sflag:s16] =	ssyncadd.s32 @!p0 $0xFFFFF9C0  }
0x11b: {  	[hbm4b:s18+s15] =	stream.linear.scatter @!p0 [tilespmem:s17], [sflag:$0x4], $0x640, $0x38;
	[tilespmem:$0x1F850] =	vst v63  }
0x11c: {  	_ =	swait.ge @!p0 [sflag:s16], $0x640  }
0x11d: {  	[sflag:s16] =	ssyncset.done @!p0 $0x0  }
0x11e: {  	s17 =	simm.s32 @!p0 $0x4800;
	s18 =	rddreg [dreg:$0x1a];
	[sflag:s16] =	ssyncadd.s32 @!p0 $0xFFFFF9C0  }
0x11f: {  	[hbm4b:s18+s15] =	stream.linear.scatter @!p0 [tilespmem:s17], [sflag:$0x4], $0x640, $0x38;
	[tilespmem:$0x1F850] =	vst v63  }
0x120: {  	_ =	swait.ge @!p0 [sflag:s16], $0x640  }
0x121: {  	[sflag:s16] =	ssyncset.done @!p0 $0x0  }
0x122: {  	s15 =	simm.s32 $0x40;
	[sflag:s16] =	ssyncadd.s32 @!p0 $0xFFFFF9C0;
	s16 =	simm.s32 $0x0  }
.LBB2_12:
0x123: {  	p1 =	sne.s32 s15, $0x63C0;
	[tilespmem:s16+$0x1A700] =	vst v0;
	s16 =	smov.u32 s15;
	s15 =	sadd.s32 $0x40, s15  }
.Ltmp7:
0x124: {  	(pc) =	sbr.rel @p1 .LBB2_12-.Ltmp7, $2  }
0x125: {  	_ =	sdelay $0x2  }
0x126: {  	s16 =	sshra.s32 s16, $0x2  }
0x127: {  	[tilespmem:s16+$0x1A700] =	vst v0;
	s15 =	simm.s32 $0x40;
	s16 =	simm.s32 $0x0  }
.LBB2_14:
0x128: {  	p1 =	sne.s32 s15, $0x9C00;
	[tilespmem:s16+$0x17F80] =	vst v1;
	s16 =	smov.u32 s15;
	s15 =	sadd.s32 $0x40, s15  }
.Ltmp8:
0x129: {  	(pc) =	sbr.rel @p1 .LBB2_14-.Ltmp8, $2  }
0x12a: {  	_ =	sdelay $0x2  }
0x12b: {  	s16 =	sshra.s32 s16, $0x2  }
0x12c: {  	[tilespmem:s16+$0x17F80] =	vst v1  }
0x12d: {  	[spmem:s5] =	stream.linear.scatter [tilespmem:s22], [sflag:$0x4], $0x1900, $0x38;
	[tilespmem:$0x1F850] =	vst v63  }
0x12e: {  	_ =	swait.ge [sflag:s10], $0x1900  }
0x12f: {  	[sflag:s10] =	ssyncset.done $0x0  }
0x130: {  	[sflag:s10] =	ssyncadd.s32 $0xFFFFE700  }
0x131: {  	[spmem:s6] =	stream.linear.scatter [tilespmem:s22], [sflag:$0x4], $0x1900, $0x38;
	[tilespmem:$0x1F850] =	vst v63  }
0x132: {  	_ =	swait.ge [sflag:s10], $0x1900  }
0x133: {  	[sflag:s10] =	ssyncset.done $0x0  }
0x134: {  	[sflag:s10] =	ssyncadd.s32 $0xFFFFE700  }
0x135: {  	[bflag:$0x0] =	sbarrier.arrive $0xFFFF  }
0x136: {  	s17 =	simm.s32 $0x5500;
	s15 =	rddreg [dreg:$0x3]  }
0x137: {  	[tilespmem:s17], [sflag:$0x4] =	stream.linear.gather [spmem:s15], $0x100, $0x38;
	[tilespmem:$0x1F850] =	vst v63  }
0x138: {  	_ =	swait.ge [sflag:s10], $0x100  }
0x139: {  	[sflag:s10] =	ssyncset.done $0x0  }
0x13a: {  	[sflag:s10] =	ssyncadd.s32 $0xFFFFFF00  }
0x13b: {  	v2 =	vld [tilespmem:$0x5500]  }
0x13c: {  	v3 =	vld [tilespmem:$0x5510]  }
0x13d: {  	v4 =	vld [tilespmem:$0x5520]  }
0x13e: {  	v5 =	vld [tilespmem:$0x5530]  }
0x13f: {  	v6 =	vld [tilespmem:$0x5540]  }
0x140: {  	v7 =	vld [tilespmem:$0x5550]  }
0x141: {  	v2 =	vor.u32 v2, v3;
	v3 =	vld [tilespmem:$0x5560]  }
0x142: {  	v56 =	vld [tilespmem:$0x5570];
	v2 =	vor.u32 v2, v4  }
0x143: {  	v57 =	vld [tilespmem:$0x5580];
	v2 =	vor.u32 v2, v5  }
0x144: {  	v58 =	vld [tilespmem:$0x5590];
	v2 =	vor.u32 v2, v6  }
0x145: {  	v59 =	vld [tilespmem:$0x55A0];
	v2 =	vor.u32 v2, v7  }
0x146: {  	v2 =	vor.u32 v2, v3;
	v3 =	vld [tilespmem:$0x55B0]  }
0x147: {  	v60 =	vld [tilespmem:$0x55C0];
	v2 =	vor.u32 v2, v56  }
0x148: {  	v61 =	vld [tilespmem:$0x55D0];
	v2 =	vor.u32 v2, v57  }
0x149: {  	v62 =	vld [tilespmem:$0x55E0];
	v2 =	vor.u32 v2, v58  }
0x14a: {  	v63 =	vld [tilespmem:$0x55F0];
	v2 =	vor.u32 v2, v59  }
0x14b: {  	v2 =	vor.u32 v2, v3  }
0x14c: {  	v2 =	vor.u32 v2, v60  }
0x14d: {  	v2 =	vor.u32 v2, v61  }
0x14e: {  	v2 =	vor.u32 v2, v62  }
0x14f: {  	v2 =	vor.u32 v2, v63  }
0x150: {  	v2 =	vxor.u32 $0x80000000, v2  }
0x151: {  	(xrf0) =	vmax.scan.msk.u32 $0xffff, v2;
	_ =	sdelay $0x5  }
0x152: {  	v2, _, _ =	vpop (xrf0)  }
0x153: {  	(v2sf) =	vpush v2, $0xF;
	_ =	sdelay $0xe  }
0x154: {  	s18 =	spop (v2sf)  }
0x155: {  	p1 =	slt.u32 s18, $0x80000001  }
0x156: {  	s16 =	rddreg [dreg:$0x2];
	s15 =	simm.s32 @!p1 $0x5600  }
0x157: {  	[tilespmem:s15], [sflag:$0x4] =	stream.linear.gather @!p1 [spmem:s16], $0x6400, $0x38;
	[tilespmem:$0x1F850] =	vst v63  }
0x158: {  	s15 =	simm.s32 @!p1 $0x4  }
0x159: {  	_ =	swait.ge @!p1 [sflag:s15], $0x6400  }
0x15a: {  	s20 =	sld [smem:$0x7FA]  }
0x15b: {  	[sflag:s15] =	ssyncset.done @!p1 $0x0  }
0x15c: {  	[sflag:s15] =	ssyncadd.s32 @!p1 $0xFFFF9C00  }
0x15d: {  	[tilespmem:s24], [sflag:$0x2] =	stream.linear.gather [hbm4b:s20+s21], $0x2710, $0x38;
	[tilespmem:$0x1F850] =	vst v63  }
.Ltmp9:
0x15e: {  	_ = 	snop;
	(pc) =	sbr.rel @p1 .LBB2_21-.Ltmp9, $4  }
0x15f: {  	_ =	swait.ge [sflag:s26], $0x2710  }
0x160: {  	[sflag:s26] =	ssyncset.done $0x0  }
0x161: {  	s20 =	simm.s32 $0x80;
	s28 =	rddreg [dreg:$0x1b];
	[sflag:s26] =	ssyncadd.s32 $0xFFFFD8F0  }
0x162: {  	[tilespmem:s29], [sflag:$0x2] =	stream.linear.gather [hbm4b:s28+s21], $0x2710, $0x38;
	[tilespmem:$0x1F850] =	vst v63  }
0x163: {  	s16 =	sld [smem:$0x7FB];
	_ =	sdelay $0x1  }
0x164: {  	s15 =	simm.s32 $0x0  }
0x165: {  	[tilespmem:s31], [sflag:$0x4] =	stream.linear.gather [hbm4b:s16+s15], $0x2710, $0x38;
	[tilespmem:$0x1F850] =	vst v63  }
0x166: {  	_ =	swait.ge [sflag:s10], $0x2710  }
0x167: {  	[sflag:s10] =	ssyncset.done $0x0  }
0x168: {  	s16 =	simm.s32 $0x0;
	[sflag:s10] =	ssyncadd.s32 $0xFFFFD8F0  }
0x169: {  	v2 =	vld [tilespmem:s16+$0x13080];
	_ =	sdelay $0x4  }
0x16a: {  	vm0 =	vgt.s32 v2, $0x63FF;
	vm1 =	vgt.s32 v2, $0xC7FF  }
0x16b: {  	vm12 =	vgt.s32 v2, $0x12BFF;
	v3 =	vsel vm0, $0x1, v0;
	v4 =	vsel vm1, $0x1, v0  }
0x16c: {  	s15 =	simm.s32 $0x10;
	v3 =	vadd.s32 v4, v3;
	v4 =	vsel vm12, $0x1, v0  }
0x16d: {  	v3 =	vadd.s32 v4, v3;
	v4 =	vld [tilespmem:s15+$0x13080]  }
0x16e: {  	v5 =	vmul.u32 $0xFFFF9C00, v3;
	_ =	sdelay $0x1  }
0x16f: {  	v5 =	vadd.s32 v2, v5;
	_ =	sdelay $0x1  }
0x170: {  	vm13 =	vgt.s32 v4, $0x63FF;
	vm14 =	vgt.s32 v4, $0xC7FF  }
0x171: {  	vm15 =	vgt.s32 v4, $0x12BFF;
	v2 =	vsel vm13, $0x1, v0;
	v6 =	vsel vm14, $0x1, v0  }
0x172: {  	v8 =	vsel vm15, $0x1, v0;
	v7 =	vadd.s32 v6, v2  }
0x173: {  	s28 =	simm.s32 $0x20;
	s17 =	simm.s32 $0xC0;
	v2 =	vimm.s32 $0x0;
	v6 =	vld.idx.msk [tilespmem:v5+s25+$0x0], $0xffff;
	v5 =	vadd.s32 v8, v7  }
.LBB2_17:
0x174: {  	p2 =	sne.s32 s17, $0x9C00;
	v7 =	vld [tilespmem:s28+$0x13080];
	v8 =	vmul.u32 $0xFFFF9C00, v5;
	_ =	sdelay $0x1  }
0x175: {  	v8 =	vadd.s32 v4, v8  }
0x176: {  	v9 =	vshll.u32 v3, $0x3;
	v3 =	vmov v5  }
.Ltmp10:
0x177: {  	v6 =	vshrl.u32 v6, v9;
	(pc) =	sbr.rel @p2 .LBB2_17-.Ltmp10, $4  }
0x178: {  	v5 =	vandn.u32 $0x1, v6;
	vm0 =	vgt.s32 v7, $0x63FF;
	vm1 =	vgt.s32 v7, $0xC7FF;
	v4 =	vmovc v7  }
0x179: {  	v6 =	vsel vm0, $0x1, v0;
	v7 =	vsel vm1, $0x1, v0;
	vm0 =	vgt.s32 v4, $0x12BFF;
	[tilespmem:s16+$0x15800] =	vst v5;
	s16 =	smov.u32 s15;
	s15 =	smov.u32 s28  }
0x17a: {  	v2 =	vor.u32 v2, v5;
	v7 =	vadd.s32 v7, v6;
	v9 =	vsel vm0, $0x1, v0;
	v6 =	vld.idx.msk [tilespmem:v8+s25+$0x0], $0xffff  }
0x17b: {  	s28 =	sshra.s32 s17, $0x2;
	s17 =	sadd.s32 $0x40, s17;
	v5 =	vadd.s32 v9, v7  }
0x17c: {  	v7 =	vld [tilespmem:s28+$0x13080]  }
0x17d: {  	v8 =	vmul.u32 $0xFFFF9C00, v5;
	_ =	sdelay $0x1  }
0x17e: {  	v3 =	vshll.u32 v3, $0x3;
	v4 =	vadd.s32 v4, v8  }
0x17f: {  	v3 =	vshrl.u32 v6, v3  }
0x180: {  	v3 =	vandn.u32 $0x1, v3;
	vm0 =	vgt.s32 v7, $0x63FF;
	vm1 =	vgt.s32 v7, $0xC7FF  }
0x181: {  	vm9 =	vgt.s32 v7, $0x12BFF;
	v6 =	vsel vm0, $0x1, v0;
	v8 =	vsel vm1, $0x1, v0  }
0x182: {  	[tilespmem:s16+$0x15800] =	vst v3;
	v6 =	vadd.s32 v8, v6;
	v8 =	vsel vm9, $0x1, v0  }
0x183: {  	v4 =	vld.idx.msk [tilespmem:v4+s25+$0x0], $0xffff;
	v6 =	vadd.s32 v8, v6  }
0x184: {  	v8 =	vmul.u32 $0xFFFF9C00, v6;
	_ =	sdelay $0x1  }
0x185: {  	v7 =	vadd.s32 v7, v8  }
0x186: {  	v5 =	vshll.u32 v5, $0x3  }
0x187: {  	v4 =	vshrl.u32 v4, v5  }
0x188: {  	v4 =	vandn.u32 $0x1, v4  }
0x189: {  	[tilespmem:s15+$0x15800] =	vst v4  }
0x18a: {  	v5 =	vld.idx.msk [tilespmem:v7+s25+$0x0], $0xffff;
	_ =	sdelay $0x3  }
0x18b: {  	v6 =	vshll.u32 v6, $0x3  }
0x18c: {  	v2 =	vor.u32 v2, v3;
	v3 =	vshrl.u32 v5, v6  }
0x18d: {  	v2 =	vor.u32 v2, v4;
	v3 =	vandn.u32 $0x1, v3  }
0x18e: {  	v2 =	vor.u32 v2, v3  }
0x18f: {  	v2 =	vxor.u32 $0x80000000, v2  }
0x190: {  	(xrf0) =	vmax.scan.msk.u32 $0xffff, v2;
	_ =	sdelay $0x5  }
0x191: {  	v2, _, _ =	vpop (xrf0)  }
0x192: {  	(v2sf) =	vpush v2, $0xF;
	_ =	sdelay $0xe  }
0x193: {  	s16 =	spop (v2sf)  }
0x194: {  	p2 =	slt.u32 s16, $0x80000001  }
0x195: {  	[tilespmem:s28+$0x15800] =	vst v3;
	s15 =	simm.s32 @!p2 $0x2710;
	s16 =	simm.s32 @!p2 $0xBA00;
	s17 =	simm.s32 @!p2 $0x15800  }
0x196: {  	[spmem:s2] =	stream.indirect.scatter.add.s32 @!p2 [tilespmem:s17], [sflag:$0x4], $0x1, s16, s15, $0xb8;
	[tilespmem:$0x1F850] =	vst v63  }
0x197: {  	s15 =	simm.s32 @!p2 $0x4  }
0x198: {  	_ =	swait.ge @!p2 [sflag:s15], $0x2710  }
0x199: {  	[sflag:s15] =	ssyncset.done @!p2 $0x0  }
0x19a: {  	[sflag:s15] =	ssyncadd.s32 @!p2 $0xFFFFD8F0  }
0x19b: {  	[spmem:s30] =	stream.indirect.scatter [tilespmem:s12], [sflag:$0x3], $0x1, s24, s11, $0xb8;
	[tilespmem:$0x1F850] =	vst v63  }
0x19c: {  	_ =	swait.ge [sflag:s26], $0x2710  }
0x19d: {  	[sflag:s26] =	ssyncset.done $0x0  }
0x19e: {  	s15 =	simm.s32 $0x0;
	s17 =	rddreg [dreg:$0x1d];
	[sflag:s26] =	ssyncadd.s32 $0xFFFFD8F0  }
0x19f: {  	[tilespmem:s13], [sflag:$0x2] =	stream.linear.gather [hbm4b:s17+s15], $0x2710, $0x38;
	[tilespmem:$0x1F850] =	vst v63  }
0x1a0: {  	s18 =	rddreg [dreg:$0x1c]  }
0x1a1: {  	[tilespmem:s31], [sflag:$0x4] =	stream.linear.gather [hbm4b:s18+s15], $0x2710, $0x38;
	[tilespmem:$0x1F850] =	vst v63  }
0x1a2: {  	_ =	swait.ge [sflag:s10], $0x2710  }
0x1a3: {  	[sflag:s10] =	ssyncset.done $0x0  }
0x1a4: {  	s16 =	simm.s32 $0x0;
	[sflag:s10] =	ssyncadd.s32 $0xFFFFD8F0  }
0x1a5: {  	v2 =	vld [tilespmem:s16+$0x13080];
	_ =	sdelay $0x4  }
0x1a6: {  	vm10 =	vgt.s32 v2, $0x63FF;
	vm11 =	vgt.s32 v2, $0xC7FF  }
0x1a7: {  	vm12 =	vgt.s32 v2, $0x12BFF;
	v3 =	vsel vm10, $0x1, v0;
	v4 =	vsel vm11, $0x1, v0  }
0x1a8: {  	s15 =	simm.s32 $0x10;
	v3 =	vadd.s32 v4, v3;
	v4 =	vsel vm12, $0x1, v0  }
0x1a9: {  	v3 =	vadd.s32 v4, v3;
	v4 =	vld [tilespmem:s15+$0x13080]  }
0x1aa: {  	v5 =	vmul.u32 $0xFFFF9C00, v3;
	_ =	sdelay $0x1  }
0x1ab: {  	v5 =	vadd.s32 v2, v5;
	_ =	sdelay $0x1  }
0x1ac: {  	vm13 =	vgt.s32 v4, $0x63FF;
	vm14 =	vgt.s32 v4, $0xC7FF  }
0x1ad: {  	vm15 =	vgt.s32 v4, $0x12BFF;
	v2 =	vsel vm13, $0x1, v0;
	v6 =	vsel vm14, $0x1, v0  }
0x1ae: {  	v8 =	vsel vm15, $0x1, v0;
	v7 =	vadd.s32 v6, v2  }
0x1af: {  	s28 =	simm.s32 $0x20;
	s17 =	simm.s32 $0xC0;
	v2 =	vimm.s32 $0x0;
	v6 =	vld.idx.msk [tilespmem:v5+s25+$0x0], $0xffff;
	v5 =	vadd.s32 v8, v7  }
.LBB2_19:
0x1b0: {  	p2 =	sne.s32 s17, $0x9C00;
	v7 =	vld [tilespmem:s28+$0x13080];
	v8 =	vmul.u32 $0xFFFF9C00, v5;
	_ =	sdelay $0x1  }
0x1b1: {  	v8 =	vadd.s32 v4, v8  }
0x1b2: {  	v9 =	vshll.u32 v3, $0x3;
	v3 =	vmov v5  }
.Ltmp11:
0x1b3: {  	v6 =	vshrl.u32 v6, v9;
	(pc) =	sbr.rel @p2 .LBB2_19-.Ltmp11, $4  }
0x1b4: {  	v5 =	vandn.u32 $0x1, v6;
	vm0 =	vgt.s32 v7, $0x63FF;
	vm1 =	vgt.s32 v7, $0xC7FF;
	v4 =	vmovc v7  }
0x1b5: {  	v6 =	vsel vm0, $0x1, v0;
	v7 =	vsel vm1, $0x1, v0;
	vm0 =	vgt.s32 v4, $0x12BFF;
	[tilespmem:s16+$0x15800] =	vst v5;
	s16 =	smov.u32 s15;
	s15 =	smov.u32 s28  }
0x1b6: {  	v2 =	vor.u32 v2, v5;
	v7 =	vadd.s32 v7, v6;
	v9 =	vsel vm0, $0x1, v0;
	v6 =	vld.idx.msk [tilespmem:v8+s25+$0x0], $0xffff  }
0x1b7: {  	s28 =	sshra.s32 s17, $0x2;
	s17 =	sadd.s32 $0x40, s17;
	v5 =	vadd.s32 v9, v7  }
0x1b8: {  	v7 =	vld [tilespmem:s28+$0x13080]  }
0x1b9: {  	v8 =	vmul.u32 $0xFFFF9C00, v5;
	_ =	sdelay $0x1  }
0x1ba: {  	v3 =	vshll.u32 v3, $0x3;
	v4 =	vadd.s32 v4, v8  }
0x1bb: {  	v3 =	vshrl.u32 v6, v3  }
0x1bc: {  	v3 =	vandn.u32 $0x1, v3;
	vm0 =	vgt.s32 v7, $0x63FF;
	vm1 =	vgt.s32 v7, $0xC7FF  }
0x1bd: {  	vm15 =	vgt.s32 v7, $0x12BFF;
	v59 =	vsel vm0, $0x1, v0;
	v60 =	vsel vm1, $0x1, v0  }
0x1be: {  	[tilespmem:s16+$0x15800] =	vst v3;
	v61 =	vsel vm15, $0x1, v0;
	v6 =	vadd.s32 v60, v59  }
0x1bf: {  	v4 =	vld.idx.msk [tilespmem:v4+s25+$0x0], $0xffff;
	v6 =	vadd.s32 v61, v6  }
0x1c0: {  	v8 =	vmul.u32 $0xFFFF9C00, v6;
	_ =	sdelay $0x1  }
0x1c1: {  	v7 =	vadd.s32 v7, v8  }
0x1c2: {  	v62 =	vshll.u32 v5, $0x3  }
0x1c3: {  	v4 =	vshrl.u32 v4, v62  }
0x1c4: {  	v4 =	vandn.u32 $0x1, v4  }
0x1c5: {  	[tilespmem:s15+$0x15800] =	vst v4  }
0x1c6: {  	v63 =	vld.idx.msk [tilespmem:v7+s25+$0x0], $0xffff;
	_ =	sdelay $0x3  }
0x1c7: {  	v6 =	vshll.u32 v6, $0x3  }
0x1c8: {  	v2 =	vor.u32 v2, v3;
	v3 =	vshrl.u32 v63, v6  }
0x1c9: {  	v2 =	vor.u32 v2, v4;
	v3 =	vandn.u32 $0x1, v3  }
0x1ca: {  	v2 =	vor.u32 v2, v3  }
0x1cb: {  	v2 =	vxor.u32 $0x80000000, v2  }
0x1cc: {  	(xrf0) =	vmax.scan.msk.u32 $0xffff, v2;
	_ =	sdelay $0x5  }
0x1cd: {  	v2, _, _ =	vpop (xrf0)  }
0x1ce: {  	(v2sf) =	vpush v2, $0xF;
	_ =	sdelay $0xe  }
0x1cf: {  	s18 =	spop (v2sf)  }
0x1d0: {  	p2 =	slt.u32 s18, $0x80000001  }
0x1d1: {  	[tilespmem:s28+$0x15800] =	vst v3;
	s15 =	simm.s32 @!p2 $0x2710;
	s16 =	simm.s32 @!p2 $0xE180;
	s17 =	simm.s32 @!p2 $0x15800  }
0x1d2: {  	[spmem:s2] =	stream.indirect.scatter.add.s32 @!p2 [tilespmem:s17], [sflag:$0x4], $0x1, s16, s15, $0xb8;
	[tilespmem:$0x1F850] =	vst v63  }
.Ltmp12:
0x1d3: {  	_ = 	snop;
	(pc) =	sbr.rel .LBB2_22-.Ltmp12, $4  }
0x1d4: {  	s15 =	simm.s32 @!p2 $0x4  }
0x1d5: {  	_ =	swait.ge @!p2 [sflag:s15], $0x2710  }
0x1d6: {  	[sflag:s15] =	ssyncset.done @!p2 $0x0  }
0x1d7: {  	[sflag:s15] =	ssyncadd.s32 @!p2 $0xFFFFD8F0  }
.LBB2_21:
0x1d8: {  	[spmem:s30] =	stream.indirect.scatter [tilespmem:s12], [sflag:$0x3], $0x1, s24, s11, $0xb8;
	[tilespmem:$0x1F850] =	vst v63  }
0x1d9: {  	_ =	swait.ge [sflag:s26], $0x2710  }
0x1da: {  	[sflag:s26] =	ssyncset.done $0x0  }
0x1db: {  	s15 =	rddreg [dreg:$0x1d];
	[sflag:s26] =	ssyncadd.s32 $0xFFFFD8F0  }
0x1dc: {  	[tilespmem:s13], [sflag:$0x2] =	stream.linear.gather [hbm4b:s15+s21], $0x2710, $0x38;
	[tilespmem:$0x1F850] =	vst v63  }
.LBB2_22:
0x1dd: {  	[spmem:s30] =	stream.indirect.scatter [tilespmem:s12], [sflag:$0x3], $0x1, s29, s11, $0xb8;
	[tilespmem:$0x1F850] =	vst v63  }
0x1de: {  	_ =	swait.ge [sflag:s26], $0x2710  }
0x1df: {  	[sflag:s26] =	ssyncset.done $0x0  }
.Ltmp13:
0x1e0: {  	[sflag:s26] =	ssyncadd.s32 $0xFFFFD8F0;
	(pc) =	sbr.rel @p1 .LBB2_26-.Ltmp13, $4  }
0x1e1: {  	_ =	swait.ge [sflag:s23], $0x2710  }
0x1e2: {  	[sflag:s23] =	ssyncset.done $0x0  }
0x1e3: {  	s15 =	rddreg [dreg:$0x1f];
	[sflag:s23] =	ssyncadd.s32 $0xFFFFD8F0  }
0x1e4: {  	[tilespmem:s24], [sflag:$0x2] =	stream.linear.gather [hbm4b:s15+s21], $0x2710, $0x38;
	[tilespmem:$0x1F850] =	vst v63  }
0x1e5: {  	s15 =	simm.s32 $0x0;
	s16 =	rddreg [dreg:$0x1e]  }
0x1e6: {  	[tilespmem:s31], [sflag:$0x4] =	stream.linear.gather [hbm4b:s16+s15], $0x2710, $0x38;
	[tilespmem:$0x1F850] =	vst v63  }
0x1e7: {  	_ =	swait.ge [sflag:s10], $0x2710  }
0x1e8: {  	[sflag:s10] =	ssyncset.done $0x0  }
0x1e9: {  	s16 =	simm.s32 $0x0;
	[sflag:s10] =	ssyncadd.s32 $0xFFFFD8F0  }
0x1ea: {  	v2 =	vld [tilespmem:s16+$0x13080];
	_ =	sdelay $0x4  }
0x1eb: {  	vm0 =	vgt.s32 v2, $0x63FF;
	vm1 =	vgt.s32 v2, $0xC7FF  }
0x1ec: {  	vm12 =	vgt.s32 v2, $0x12BFF;
	v3 =	vsel vm0, $0x1, v0;
	v4 =	vsel vm1, $0x1, v0  }
0x1ed: {  	s15 =	simm.s32 $0x10;
	v3 =	vadd.s32 v4, v3;
	v4 =	vsel vm12, $0x1, v0  }
0x1ee: {  	v3 =	vadd.s32 v4, v3;
	v4 =	vld [tilespmem:s15+$0x13080]  }
0x1ef: {  	v5 =	vmul.u32 $0xFFFF9C00, v3;
	_ =	sdelay $0x1  }
0x1f0: {  	v5 =	vadd.s32 v2, v5;
	_ =	sdelay $0x1  }
0x1f1: {  	vm13 =	vgt.s32 v4, $0x63FF;
	vm14 =	vgt.s32 v4, $0xC7FF  }
0x1f2: {  	vm15 =	vgt.s32 v4, $0x12BFF;
	v2 =	vsel vm13, $0x1, v0;
	v6 =	vsel vm14, $0x1, v0  }
0x1f3: {  	v8 =	vsel vm15, $0x1, v0;
	v7 =	vadd.s32 v6, v2  }
0x1f4: {  	s28 =	simm.s32 $0x20;
	s17 =	simm.s32 $0xC0;
	v2 =	vimm.s32 $0x0;
	v6 =	vld.idx.msk [tilespmem:v5+s25+$0x0], $0xffff;
	v5 =	vadd.s32 v8, v7  }
.LBB2_24:
0x1f5: {  	p2 =	sne.s32 s17, $0x9C00;
	v7 =	vld [tilespmem:s28+$0x13080];
	v8 =	vmul.u32 $0xFFFF9C00, v5;
	_ =	sdelay $0x1  }
0x1f6: {  	v8 =	vadd.s32 v4, v8  }
0x1f7: {  	v9 =	vshll.u32 v3, $0x3;
	v3 =	vmov v5  }
.Ltmp14:
0x1f8: {  	v6 =	vshrl.u32 v6, v9;
	(pc) =	sbr.rel @p2 .LBB2_24-.Ltmp14, $4  }
0x1f9: {  	v5 =	vandn.u32 $0x1, v6;
	vm0 =	vgt.s32 v7, $0x63FF;
	vm1 =	vgt.s32 v7, $0xC7FF;
	v4 =	vmovc v7  }
0x1fa: {  	v6 =	vsel vm0, $0x1, v0;
	v7 =	vsel vm1, $0x1, v0;
	vm0 =	vgt.s32 v4, $0x12BFF;
	[tilespmem:s16+$0x15800] =	vst v5;
	s16 =	smov.u32 s15;
	s15 =	smov.u32 s28  }
0x1fb: {  	v2 =	vor.u32 v2, v5;
	v7 =	vadd.s32 v7, v6;
	v9 =	vsel vm0, $0x1, v0;
	v6 =	vld.idx.msk [tilespmem:v8+s25+$0x0], $0xffff  }
0x1fc: {  	s28 =	sshra.s32 s17, $0x2;
	s17 =	sadd.s32 $0x40, s17;
	v5 =	vadd.s32 v9, v7  }
0x1fd: {  	v7 =	vld [tilespmem:s28+$0x13080]  }
0x1fe: {  	v8 =	vmul.u32 $0xFFFF9C00, v5;
	_ =	sdelay $0x1  }
0x1ff: {  	v3 =	vshll.u32 v3, $0x3;
	v4 =	vadd.s32 v4, v8  }
0x200: {  	v3 =	vshrl.u32 v6, v3  }
0x201: {  	v3 =	vandn.u32 $0x1, v3;
	vm0 =	vgt.s32 v7, $0x63FF;
	vm1 =	vgt.s32 v7, $0xC7FF  }
0x202: {  	vm15 =	vgt.s32 v7, $0x12BFF;
	v59 =	vsel vm0, $0x1, v0;
	v60 =	vsel vm1, $0x1, v0  }
0x203: {  	[tilespmem:s16+$0x15800] =	vst v3;
	v61 =	vsel vm15, $0x1, v0;
	v6 =	vadd.s32 v60, v59  }
0x204: {  	v4 =	vld.idx.msk [tilespmem:v4+s25+$0x0], $0xffff;
	v6 =	vadd.s32 v61, v6  }
0x205: {  	v8 =	vmul.u32 $0xFFFF9C00, v6;
	_ =	sdelay $0x1  }
0x206: {  	v7 =	vadd.s32 v7, v8  }
0x207: {  	v62 =	vshll.u32 v5, $0x3  }
0x208: {  	v4 =	vshrl.u32 v4, v62  }
0x209: {  	v4 =	vandn.u32 $0x1, v4  }
0x20a: {  	[tilespmem:s15+$0x15800] =	vst v4  }
0x20b: {  	v63 =	vld.idx.msk [tilespmem:v7+s25+$0x0], $0xffff;
	_ =	sdelay $0x3  }
0x20c: {  	v6 =	vshll.u32 v6, $0x3  }
0x20d: {  	v2 =	vor.u32 v2, v3;
	v3 =	vshrl.u32 v63, v6  }
0x20e: {  	v2 =	vor.u32 v2, v4;
	v3 =	vandn.u32 $0x1, v3  }
0x20f: {  	v2 =	vor.u32 v2, v3  }
0x210: {  	v2 =	vxor.u32 $0x80000000, v2  }
0x211: {  	(xrf0) =	vmax.scan.msk.u32 $0xffff, v2;
	_ =	sdelay $0x5  }
0x212: {  	v2, _, _ =	vpop (xrf0)  }
0x213: {  	(v2sf) =	vpush v2, $0xF;
	_ =	sdelay $0xe  }
0x214: {  	s18 =	spop (v2sf)  }
0x215: {  	p2 =	slt.u32 s18, $0x80000001  }
0x216: {  	[tilespmem:s28+$0x15800] =	vst v3;
	s15 =	simm.s32 @!p2 $0x2710;
	s16 =	simm.s32 @!p2 $0x10900;
	s17 =	simm.s32 @!p2 $0x15800  }
0x217: {  	[spmem:s2] =	stream.indirect.scatter.add.s32 @!p2 [tilespmem:s17], [sflag:$0x4], $0x1, s16, s15, $0xb8;
	[tilespmem:$0x1F850] =	vst v63  }
0x218: {  	s15 =	simm.s32 @!p2 $0x4  }
0x219: {  	_ =	swait.ge @!p2 [sflag:s15], $0x2710  }
0x21a: {  	[sflag:s15] =	ssyncset.done @!p2 $0x0  }
0x21b: {  	[sflag:s15] =	ssyncadd.s32 @!p2 $0xFFFFD8F0  }
.LBB2_26:
0x21c: {  	[spmem:s30] =	stream.indirect.scatter [tilespmem:s12], [sflag:$0x3], $0x1, s13, s11, $0xb8;
	[tilespmem:$0x1F850] =	vst v63  }
0x21d: {  	_ =	swait.ge [sflag:s26], $0x2710  }
0x21e: {  	[sflag:s26] =	ssyncset.done $0x0  }
0x21f: {  	[sflag:s26] =	ssyncadd.s32 $0xFFFFD8F0  }
.Ltmp15:
0x220: {  	_ =	swait.ge [sflag:s23], $0x2710;
	(pc) =	sbr.rel @p1 .LBB2_30-.Ltmp15, $4  }
0x221: {  	s15 =	sld [smem:$0x7F2]  }
0x222: {  	[sflag:s23] =	ssyncset.done $0x0  }
0x223: {  	[sflag:s23] =	ssyncadd.s32 $0xFFFFD8F0  }
0x224: {  	[tilespmem:s29], [sflag:$0x2] =	stream.linear.gather [hbm4b:s15+s21], $0x2710, $0x38;
	[tilespmem:$0x1F850] =	vst v63  }
0x225: {  	s16 =	sld [smem:$0x7F1];
	_ =	sdelay $0x1  }
0x226: {  	s15 =	simm.s32 $0x0  }
0x227: {  	[tilespmem:s31], [sflag:$0x4] =	stream.linear.gather [hbm4b:s16+s15], $0x2710, $0x38;
	[tilespmem:$0x1F850] =	vst v63  }
0x228: {  	_ =	swait.ge [sflag:s10], $0x2710  }
0x229: {  	[sflag:s10] =	ssyncset.done $0x0  }
0x22a: {  	s16 =	simm.s32 $0x0;
	[sflag:s10] =	ssyncadd.s32 $0xFFFFD8F0  }
0x22b: {  	v2 =	vld [tilespmem:s16+$0x13080];
	_ =	sdelay $0x4  }
0x22c: {  	vm0 =	vgt.s32 v2, $0x63FF;
	vm1 =	vgt.s32 v2, $0xC7FF  }
0x22d: {  	vm12 =	vgt.s32 v2, $0x12BFF;
	v3 =	vsel vm0, $0x1, v0;
	v4 =	vsel vm1, $0x1, v0  }
0x22e: {  	s15 =	simm.s32 $0x10;
	v3 =	vadd.s32 v4, v3;
	v4 =	vsel vm12, $0x1, v0  }
0x22f: {  	v3 =	vadd.s32 v4, v3;
	v4 =	vld [tilespmem:s15+$0x13080]  }
0x230: {  	v5 =	vmul.u32 $0xFFFF9C00, v3;
	_ =	sdelay $0x1  }
0x231: {  	v5 =	vadd.s32 v2, v5;
	_ =	sdelay $0x1  }
0x232: {  	vm13 =	vgt.s32 v4, $0x63FF;
	vm14 =	vgt.s32 v4, $0xC7FF  }
0x233: {  	vm15 =	vgt.s32 v4, $0x12BFF;
	v2 =	vsel vm13, $0x1, v0;
	v6 =	vsel vm14, $0x1, v0  }
0x234: {  	v8 =	vsel vm15, $0x1, v0;
	v7 =	vadd.s32 v6, v2  }
0x235: {  	s28 =	simm.s32 $0x20;
	s17 =	simm.s32 $0xC0;
	v2 =	vimm.s32 $0x0;
	v6 =	vld.idx.msk [tilespmem:v5+s25+$0x0], $0xffff;
	v5 =	vadd.s32 v8, v7  }
.LBB2_28:
0x236: {  	p2 =	sne.s32 s17, $0x9C00;
	v7 =	vld [tilespmem:s28+$0x13080];
	v8 =	vmul.u32 $0xFFFF9C00, v5;
	_ =	sdelay $0x1  }
0x237: {  	v8 =	vadd.s32 v4, v8  }
0x238: {  	v9 =	vshll.u32 v3, $0x3;
	v3 =	vmov v5  }
.Ltmp16:
0x239: {  	v6 =	vshrl.u32 v6, v9;
	(pc) =	sbr.rel @p2 .LBB2_28-.Ltmp16, $4  }
0x23a: {  	v5 =	vandn.u32 $0x1, v6;
	vm0 =	vgt.s32 v7, $0x63FF;
	vm1 =	vgt.s32 v7, $0xC7FF;
	v4 =	vmovc v7  }
0x23b: {  	v6 =	vsel vm0, $0x1, v0;
	v7 =	vsel vm1, $0x1, v0;
	vm0 =	vgt.s32 v4, $0x12BFF;
	[tilespmem:s16+$0x15800] =	vst v5;
	s16 =	smov.u32 s15;
	s15 =	smov.u32 s28  }
0x23c: {  	v2 =	vor.u32 v2, v5;
	v7 =	vadd.s32 v7, v6;
	v9 =	vsel vm0, $0x1, v0;
	v6 =	vld.idx.msk [tilespmem:v8+s25+$0x0], $0xffff  }
0x23d: {  	s28 =	sshra.s32 s17, $0x2;
	s17 =	sadd.s32 $0x40, s17;
	v5 =	vadd.s32 v9, v7  }
0x23e: {  	v7 =	vld [tilespmem:s28+$0x13080]  }
0x23f: {  	v8 =	vmul.u32 $0xFFFF9C00, v5;
	_ =	sdelay $0x1  }
0x240: {  	v3 =	vshll.u32 v3, $0x3;
	v4 =	vadd.s32 v4, v8  }
0x241: {  	v3 =	vshrl.u32 v6, v3  }
0x242: {  	v3 =	vandn.u32 $0x1, v3;
	vm0 =	vgt.s32 v7, $0x63FF;
	vm1 =	vgt.s32 v7, $0xC7FF  }
0x243: {  	vm15 =	vgt.s32 v7, $0x12BFF;
	v59 =	vsel vm0, $0x1, v0;
	v60 =	vsel vm1, $0x1, v0  }
0x244: {  	[tilespmem:s16+$0x15800] =	vst v3;
	v61 =	vsel vm15, $0x1, v0;
	v6 =	vadd.s32 v60, v59  }
0x245: {  	v4 =	vld.idx.msk [tilespmem:v4+s25+$0x0], $0xffff;
	v6 =	vadd.s32 v61, v6  }
0x246: {  	v8 =	vmul.u32 $0xFFFF9C00, v6;
	_ =	sdelay $0x1  }
0x247: {  	v7 =	vadd.s32 v7, v8  }
0x248: {  	v62 =	vshll.u32 v5, $0x3  }
0x249: {  	v4 =	vshrl.u32 v4, v62  }
0x24a: {  	v4 =	vandn.u32 $0x1, v4  }
0x24b: {  	[tilespmem:s15+$0x15800] =	vst v4  }
0x24c: {  	v63 =	vld.idx.msk [tilespmem:v7+s25+$0x0], $0xffff;
	_ =	sdelay $0x3  }
0x24d: {  	v6 =	vshll.u32 v6, $0x3  }
0x24e: {  	v2 =	vor.u32 v2, v3;
	v3 =	vshrl.u32 v63, v6  }
0x24f: {  	v2 =	vor.u32 v2, v4;
	v3 =	vandn.u32 $0x1, v3  }
0x250: {  	v2 =	vor.u32 v2, v3  }
0x251: {  	v2 =	vxor.u32 $0x80000000, v2  }
0x252: {  	(xrf0) =	vmax.scan.msk.u32 $0xffff, v2;
	_ =	sdelay $0x5  }
0x253: {  	v2, _, _ =	vpop (xrf0)  }
0x254: {  	(v2sf) =	vpush v2, $0xF;
	_ =	sdelay $0xe  }
0x255: {  	s18 =	spop (v2sf)  }
0x256: {  	p2 =	slt.u32 s18, $0x80000001  }
0x257: {  	[tilespmem:s28+$0x15800] =	vst v3;
	s15 =	simm.s32 @!p2 $0x2710;
	s16 =	simm.s32 @!p2 $0xBA00;
	s17 =	simm.s32 @!p2 $0x15800  }
0x258: {  	[spmem:s2] =	stream.indirect.scatter.add.s32 @!p2 [tilespmem:s17], [sflag:$0x4], $0x1, s16, s15, $0xb8;
	[tilespmem:$0x1F850] =	vst v63  }
0x259: {  	s15 =	simm.s32 @!p2 $0x4  }
0x25a: {  	_ =	swait.ge @!p2 [sflag:s15], $0x2710  }
0x25b: {  	[sflag:s15] =	ssyncset.done @!p2 $0x0  }
0x25c: {  	[sflag:s15] =	ssyncadd.s32 @!p2 $0xFFFFD8F0  }
.LBB2_30:
0x25d: {  	[spmem:s30] =	stream.indirect.scatter [tilespmem:s12], [sflag:$0x3], $0x1, s24, s11, $0xb8;
	[tilespmem:$0x1F850] =	vst v63  }
0x25e: {  	_ =	swait.ge [sflag:s26], $0x2710  }
0x25f: {  	[sflag:s26] =	ssyncset.done $0x0  }
0x260: {  	[sflag:s26] =	ssyncadd.s32 $0xFFFFD8F0  }
.Ltmp17:
0x261: {  	_ =	swait.ge [sflag:s23], $0x2710;
	(pc) =	sbr.rel @p1 .LBB2_34-.Ltmp17, $4  }
0x262: {  	s15 =	sld [smem:$0x7F4]  }
0x263: {  	[sflag:s23] =	ssyncset.done $0x0  }
0x264: {  	[sflag:s23] =	ssyncadd.s32 $0xFFFFD8F0  }
0x265: {  	[tilespmem:s13], [sflag:$0x2] =	stream.linear.gather [hbm4b:s15+s21], $0x2710, $0x38;
	[tilespmem:$0x1F850] =	vst v63  }
0x266: {  	s16 =	sld [smem:$0x7F3];
	_ =	sdelay $0x1  }
0x267: {  	s15 =	simm.s32 $0x0  }
0x268: {  	[tilespmem:s31], [sflag:$0x4] =	stream.linear.gather [hbm4b:s16+s15], $0x2710, $0x38;
	[tilespmem:$0x1F850] =	vst v63  }
0x269: {  	_ =	swait.ge [sflag:s10], $0x2710  }
0x26a: {  	[sflag:s10] =	ssyncset.done $0x0  }
0x26b: {  	s16 =	simm.s32 $0x0;
	[sflag:s10] =	ssyncadd.s32 $0xFFFFD8F0  }
0x26c: {  	v2 =	vld [tilespmem:s16+$0x13080];
	_ =	sdelay $0x4  }
0x26d: {  	vm0 =	vgt.s32 v2, $0x63FF;
	vm1 =	vgt.s32 v2, $0xC7FF  }
0x26e: {  	vm12 =	vgt.s32 v2, $0x12BFF;
	v3 =	vsel vm0, $0x1, v0;
	v4 =	vsel vm1, $0x1, v0  }
0x26f: {  	s15 =	simm.s32 $0x10;
	v3 =	vadd.s32 v4, v3;
	v4 =	vsel vm12, $0x1, v0  }
0x270: {  	v3 =	vadd.s32 v4, v3;
	v4 =	vld [tilespmem:s15+$0x13080]  }
0x271: {  	v5 =	vmul.u32 $0xFFFF9C00, v3;
	_ =	sdelay $0x1  }
0x272: {  	v5 =	vadd.s32 v2, v5;
	_ =	sdelay $0x1  }
0x273: {  	vm13 =	vgt.s32 v4, $0x63FF;
	vm14 =	vgt.s32 v4, $0xC7FF  }
0x274: {  	vm15 =	vgt.s32 v4, $0x12BFF;
	v2 =	vsel vm13, $0x1, v0;
	v6 =	vsel vm14, $0x1, v0  }
0x275: {  	v8 =	vsel vm15, $0x1, v0;
	v7 =	vadd.s32 v6, v2  }
0x276: {  	s28 =	simm.s32 $0x20;
	s17 =	simm.s32 $0xC0;
	v2 =	vimm.s32 $0x0;
	v6 =	vld.idx.msk [tilespmem:v5+s25+$0x0], $0xffff;
	v5 =	vadd.s32 v8, v7  }
.LBB2_32:
0x277: {  	p2 =	sne.s32 s17, $0x9C00;
	v7 =	vld [tilespmem:s28+$0x13080];
	v8 =	vmul.u32 $0xFFFF9C00, v5;
	_ =	sdelay $0x1  }
0x278: {  	v8 =	vadd.s32 v4, v8  }
0x279: {  	v9 =	vshll.u32 v3, $0x3;
	v3 =	vmov v5  }
.Ltmp18:
0x27a: {  	v6 =	vshrl.u32 v6, v9;
	(pc) =	sbr.rel @p2 .LBB2_32-.Ltmp18, $4  }
0x27b: {  	v5 =	vandn.u32 $0x1, v6;
	vm0 =	vgt.s32 v7, $0x63FF;
	vm1 =	vgt.s32 v7, $0xC7FF;
	v4 =	vmovc v7  }
0x27c: {  	v6 =	vsel vm0, $0x1, v0;
	v7 =	vsel vm1, $0x1, v0;
	vm0 =	vgt.s32 v4, $0x12BFF;
	[tilespmem:s16+$0x15800] =	vst v5;
	s16 =	smov.u32 s15;
	s15 =	smov.u32 s28  }
0x27d: {  	v2 =	vor.u32 v2, v5;
	v7 =	vadd.s32 v7, v6;
	v9 =	vsel vm0, $0x1, v0;
	v6 =	vld.idx.msk [tilespmem:v8+s25+$0x0], $0xffff  }
0x27e: {  	s28 =	sshra.s32 s17, $0x2;
	s17 =	sadd.s32 $0x40, s17;
	v5 =	vadd.s32 v9, v7  }
0x27f: {  	v7 =	vld [tilespmem:s28+$0x13080]  }
0x280: {  	v8 =	vmul.u32 $0xFFFF9C00, v5;
	_ =	sdelay $0x1  }
0x281: {  	v3 =	vshll.u32 v3, $0x3;
	v4 =	vadd.s32 v4, v8  }
0x282: {  	v3 =	vshrl.u32 v6, v3  }
0x283: {  	v3 =	vandn.u32 $0x1, v3;
	vm0 =	vgt.s32 v7, $0x63FF;
	vm1 =	vgt.s32 v7, $0xC7FF  }
0x284: {  	vm15 =	vgt.s32 v7, $0x12BFF;
	v59 =	vsel vm0, $0x1, v0;
	v60 =	vsel vm1, $0x1, v0  }
0x285: {  	[tilespmem:s16+$0x15800] =	vst v3;
	v61 =	vsel vm15, $0x1, v0;
	v6 =	vadd.s32 v60, v59  }
0x286: {  	v4 =	vld.idx.msk [tilespmem:v4+s25+$0x0], $0xffff;
	v6 =	vadd.s32 v61, v6  }
0x287: {  	v8 =	vmul.u32 $0xFFFF9C00, v6;
	_ =	sdelay $0x1  }
0x288: {  	v7 =	vadd.s32 v7, v8  }
0x289: {  	v62 =	vshll.u32 v5, $0x3  }
0x28a: {  	v4 =	vshrl.u32 v4, v62  }
0x28b: {  	v4 =	vandn.u32 $0x1, v4  }
0x28c: {  	[tilespmem:s15+$0x15800] =	vst v4  }
0x28d: {  	v63 =	vld.idx.msk [tilespmem:v7+s25+$0x0], $0xffff;
	_ =	sdelay $0x3  }
0x28e: {  	v6 =	vshll.u32 v6, $0x3  }
0x28f: {  	v2 =	vor.u32 v2, v3;
	v3 =	vshrl.u32 v63, v6  }
0x290: {  	v2 =	vor.u32 v2, v4;
	v3 =	vandn.u32 $0x1, v3  }
0x291: {  	v2 =	vor.u32 v2, v3  }
0x292: {  	v2 =	vxor.u32 $0x80000000, v2  }
0x293: {  	(xrf0) =	vmax.scan.msk.u32 $0xffff, v2;
	_ =	sdelay $0x5  }
0x294: {  	v2, _, _ =	vpop (xrf0)  }
0x295: {  	(v2sf) =	vpush v2, $0xF;
	_ =	sdelay $0xe  }
0x296: {  	s18 =	spop (v2sf)  }
0x297: {  	p2 =	slt.u32 s18, $0x80000001  }
0x298: {  	[tilespmem:s28+$0x15800] =	vst v3;
	s15 =	simm.s32 @!p2 $0x2710;
	s16 =	simm.s32 @!p2 $0xE180;
	s17 =	simm.s32 @!p2 $0x15800  }
0x299: {  	[spmem:s2] =	stream.indirect.scatter.add.s32 @!p2 [tilespmem:s17], [sflag:$0x4], $0x1, s16, s15, $0xb8;
	[tilespmem:$0x1F850] =	vst v63  }
0x29a: {  	s15 =	simm.s32 @!p2 $0x4  }
0x29b: {  	_ =	swait.ge @!p2 [sflag:s15], $0x2710  }
0x29c: {  	[sflag:s15] =	ssyncset.done @!p2 $0x0  }
0x29d: {  	[sflag:s15] =	ssyncadd.s32 @!p2 $0xFFFFD8F0  }
.LBB2_34:
0x29e: {  	[spmem:s30] =	stream.indirect.scatter [tilespmem:s12], [sflag:$0x3], $0x1, s29, s11, $0xb8;
	[tilespmem:$0x1F850] =	vst v63  }
0x29f: {  	_ =	swait.ge [sflag:s26], $0x2710  }
0x2a0: {  	[sflag:s26] =	ssyncset.done $0x0  }
0x2a1: {  	[sflag:s26] =	ssyncadd.s32 $0xFFFFD8F0  }
.Ltmp19:
0x2a2: {  	_ =	swait.ge [sflag:s23], $0x2710;
	(pc) =	sbr.rel @p1 .LBB2_38-.Ltmp19, $4  }
0x2a3: {  	s15 =	sld [smem:$0x7F6]  }
0x2a4: {  	[sflag:s23] =	ssyncset.done $0x0  }
0x2a5: {  	[sflag:s23] =	ssyncadd.s32 $0xFFFFD8F0  }
0x2a6: {  	[tilespmem:s24], [sflag:$0x2] =	stream.linear.gather [hbm4b:s15+s21], $0x2710, $0x38;
	[tilespmem:$0x1F850] =	vst v63  }
0x2a7: {  	s16 =	sld [smem:$0x7F5];
	_ =	sdelay $0x1  }
0x2a8: {  	s15 =	simm.s32 $0x0  }
0x2a9: {  	[tilespmem:s31], [sflag:$0x4] =	stream.linear.gather [hbm4b:s16+s15], $0x2710, $0x38;
	[tilespmem:$0x1F850] =	vst v63  }
0x2aa: {  	_ =	swait.ge [sflag:s10], $0x2710  }
0x2ab: {  	[sflag:s10] =	ssyncset.done $0x0  }
0x2ac: {  	s16 =	simm.s32 $0x0;
	[sflag:s10] =	ssyncadd.s32 $0xFFFFD8F0  }
0x2ad: {  	v2 =	vld [tilespmem:s16+$0x13080];
	_ =	sdelay $0x4  }
0x2ae: {  	vm0 =	vgt.s32 v2, $0x63FF;
	vm1 =	vgt.s32 v2, $0xC7FF  }
0x2af: {  	vm12 =	vgt.s32 v2, $0x12BFF;
	v3 =	vsel vm0, $0x1, v0;
	v4 =	vsel vm1, $0x1, v0  }
0x2b0: {  	s15 =	simm.s32 $0x10;
	v3 =	vadd.s32 v4, v3;
	v4 =	vsel vm12, $0x1, v0  }
0x2b1: {  	v3 =	vadd.s32 v4, v3;
	v4 =	vld [tilespmem:s15+$0x13080]  }
0x2b2: {  	v5 =	vmul.u32 $0xFFFF9C00, v3;
	_ =	sdelay $0x1  }
0x2b3: {  	v5 =	vadd.s32 v2, v5;
	_ =	sdelay $0x1  }
0x2b4: {  	vm13 =	vgt.s32 v4, $0x63FF;
	vm14 =	vgt.s32 v4, $0xC7FF  }
0x2b5: {  	vm15 =	vgt.s32 v4, $0x12BFF;
	v2 =	vsel vm13, $0x1, v0;
	v6 =	vsel vm14, $0x1, v0  }
0x2b6: {  	v8 =	vsel vm15, $0x1, v0;
	v7 =	vadd.s32 v6, v2  }
0x2b7: {  	s28 =	simm.s32 $0x20;
	s17 =	simm.s32 $0xC0;
	v2 =	vimm.s32 $0x0;
	v6 =	vld.idx.msk [tilespmem:v5+s25+$0x0], $0xffff;
	v5 =	vadd.s32 v8, v7  }
.LBB2_36:
0x2b8: {  	p2 =	sne.s32 s17, $0x9C00;
	v7 =	vld [tilespmem:s28+$0x13080];
	v8 =	vmul.u32 $0xFFFF9C00, v5;
	_ =	sdelay $0x1  }
0x2b9: {  	v8 =	vadd.s32 v4, v8  }
0x2ba: {  	v9 =	vshll.u32 v3, $0x3;
	v3 =	vmov v5  }
.Ltmp20:
0x2bb: {  	v6 =	vshrl.u32 v6, v9;
	(pc) =	sbr.rel @p2 .LBB2_36-.Ltmp20, $4  }
0x2bc: {  	v5 =	vandn.u32 $0x1, v6;
	vm0 =	vgt.s32 v7, $0x63FF;
	vm1 =	vgt.s32 v7, $0xC7FF;
	v4 =	vmovc v7  }
0x2bd: {  	v6 =	vsel vm0, $0x1, v0;
	v7 =	vsel vm1, $0x1, v0;
	vm0 =	vgt.s32 v4, $0x12BFF;
	[tilespmem:s16+$0x15800] =	vst v5;
	s16 =	smov.u32 s15;
	s15 =	smov.u32 s28  }
0x2be: {  	v2 =	vor.u32 v2, v5;
	v7 =	vadd.s32 v7, v6;
	v9 =	vsel vm0, $0x1, v0;
	v6 =	vld.idx.msk [tilespmem:v8+s25+$0x0], $0xffff  }
0x2bf: {  	s28 =	sshra.s32 s17, $0x2;
	s17 =	sadd.s32 $0x40, s17;
	v5 =	vadd.s32 v9, v7  }
0x2c0: {  	v7 =	vld [tilespmem:s28+$0x13080]  }
0x2c1: {  	v8 =	vmul.u32 $0xFFFF9C00, v5;
	_ =	sdelay $0x1  }
0x2c2: {  	v3 =	vshll.u32 v3, $0x3;
	v4 =	vadd.s32 v4, v8  }
0x2c3: {  	v3 =	vshrl.u32 v6, v3  }
0x2c4: {  	v3 =	vandn.u32 $0x1, v3;
	vm0 =	vgt.s32 v7, $0x63FF;
	vm1 =	vgt.s32 v7, $0xC7FF  }
0x2c5: {  	vm15 =	vgt.s32 v7, $0x12BFF;
	v59 =	vsel vm0, $0x1, v0;
	v60 =	vsel vm1, $0x1, v0  }
0x2c6: {  	[tilespmem:s16+$0x15800] =	vst v3;
	v61 =	vsel vm15, $0x1, v0;
	v6 =	vadd.s32 v60, v59  }
0x2c7: {  	v4 =	vld.idx.msk [tilespmem:v4+s25+$0x0], $0xffff;
	v6 =	vadd.s32 v61, v6  }
0x2c8: {  	v8 =	vmul.u32 $0xFFFF9C00, v6;
	_ =	sdelay $0x1  }
0x2c9: {  	v7 =	vadd.s32 v7, v8  }
0x2ca: {  	v62 =	vshll.u32 v5, $0x3  }
0x2cb: {  	v4 =	vshrl.u32 v4, v62  }
0x2cc: {  	v4 =	vandn.u32 $0x1, v4  }
0x2cd: {  	[tilespmem:s15+$0x15800] =	vst v4  }
0x2ce: {  	v63 =	vld.idx.msk [tilespmem:v7+s25+$0x0], $0xffff;
	_ =	sdelay $0x3  }
0x2cf: {  	v6 =	vshll.u32 v6, $0x3  }
0x2d0: {  	v2 =	vor.u32 v2, v3;
	v3 =	vshrl.u32 v63, v6  }
0x2d1: {  	v2 =	vor.u32 v2, v4;
	v3 =	vandn.u32 $0x1, v3  }
0x2d2: {  	v2 =	vor.u32 v2, v3  }
0x2d3: {  	v2 =	vxor.u32 $0x80000000, v2  }
0x2d4: {  	(xrf0) =	vmax.scan.msk.u32 $0xffff, v2;
	_ =	sdelay $0x5  }
0x2d5: {  	v2, _, _ =	vpop (xrf0)  }
0x2d6: {  	(v2sf) =	vpush v2, $0xF;
	_ =	sdelay $0xe  }
0x2d7: {  	s18 =	spop (v2sf)  }
0x2d8: {  	p2 =	slt.u32 s18, $0x80000001  }
0x2d9: {  	[tilespmem:s28+$0x15800] =	vst v3;
	s15 =	simm.s32 @!p2 $0x2710;
	s16 =	simm.s32 @!p2 $0x10900;
	s17 =	simm.s32 @!p2 $0x15800  }
0x2da: {  	[spmem:s2] =	stream.indirect.scatter.add.s32 @!p2 [tilespmem:s17], [sflag:$0x4], $0x1, s16, s15, $0xb8;
	[tilespmem:$0x1F850] =	vst v63  }
0x2db: {  	s15 =	simm.s32 @!p2 $0x4  }
0x2dc: {  	_ =	swait.ge @!p2 [sflag:s15], $0x2710  }
0x2dd: {  	[sflag:s15] =	ssyncset.done @!p2 $0x0  }
0x2de: {  	[sflag:s15] =	ssyncadd.s32 @!p2 $0xFFFFD8F0  }
.LBB2_38:
0x2df: {  	[spmem:s30] =	stream.indirect.scatter [tilespmem:s12], [sflag:$0x3], $0x1, s13, s11, $0xb8;
	[tilespmem:$0x1F850] =	vst v63  }
0x2e0: {  	_ =	swait.ge [sflag:s26], $0x2710  }
0x2e1: {  	[sflag:s26] =	ssyncset.done $0x0  }
0x2e2: {  	[sflag:s26] =	ssyncadd.s32 $0xFFFFD8F0  }
.Ltmp21:
0x2e3: {  	_ =	swait.ge [sflag:s23], $0x2710;
	(pc) =	sbr.rel @p1 .LBB2_42-.Ltmp21, $4  }
0x2e4: {  	s15 =	sld [smem:$0x7F8]  }
0x2e5: {  	[sflag:s23] =	ssyncset.done $0x0  }
0x2e6: {  	[sflag:s23] =	ssyncadd.s32 $0xFFFFD8F0  }
0x2e7: {  	[tilespmem:s29], [sflag:$0x2] =	stream.linear.gather [hbm4b:s15+s21], $0x2710, $0x38;
	[tilespmem:$0x1F850] =	vst v63  }
0x2e8: {  	s16 =	sld [smem:$0x7F7];
	_ =	sdelay $0x1  }
0x2e9: {  	s15 =	simm.s32 $0x0  }
0x2ea: {  	[tilespmem:s31], [sflag:$0x4] =	stream.linear.gather [hbm4b:s16+s15], $0x2710, $0x38;
	[tilespmem:$0x1F850] =	vst v63  }
0x2eb: {  	_ =	swait.ge [sflag:s10], $0x2710  }
0x2ec: {  	[sflag:s10] =	ssyncset.done $0x0  }
0x2ed: {  	s16 =	simm.s32 $0x0;
	[sflag:s10] =	ssyncadd.s32 $0xFFFFD8F0  }
0x2ee: {  	v2 =	vld [tilespmem:s16+$0x13080];
	_ =	sdelay $0x4  }
0x2ef: {  	vm0 =	vgt.s32 v2, $0x63FF;
	vm1 =	vgt.s32 v2, $0xC7FF  }
0x2f0: {  	vm12 =	vgt.s32 v2, $0x12BFF;
	v3 =	vsel vm0, $0x1, v0;
	v4 =	vsel vm1, $0x1, v0  }
0x2f1: {  	s15 =	simm.s32 $0x10;
	v3 =	vadd.s32 v4, v3;
	v4 =	vsel vm12, $0x1, v0  }
0x2f2: {  	v3 =	vadd.s32 v4, v3;
	v4 =	vld [tilespmem:s15+$0x13080]  }
0x2f3: {  	v5 =	vmul.u32 $0xFFFF9C00, v3;
	_ =	sdelay $0x1  }
0x2f4: {  	v5 =	vadd.s32 v2, v5;
	_ =	sdelay $0x1  }
0x2f5: {  	vm13 =	vgt.s32 v4, $0x63FF;
	vm14 =	vgt.s32 v4, $0xC7FF  }
0x2f6: {  	vm15 =	vgt.s32 v4, $0x12BFF;
	v2 =	vsel vm13, $0x1, v0;
	v6 =	vsel vm14, $0x1, v0  }
0x2f7: {  	v8 =	vsel vm15, $0x1, v0;
	v7 =	vadd.s32 v6, v2  }
0x2f8: {  	s28 =	simm.s32 $0x20;
	s17 =	simm.s32 $0xC0;
	v2 =	vimm.s32 $0x0;
	v6 =	vld.idx.msk [tilespmem:v5+s25+$0x0], $0xffff;
	v5 =	vadd.s32 v8, v7  }
.LBB2_40:
0x2f9: {  	p2 =	sne.s32 s17, $0x9C00;
	v7 =	vld [tilespmem:s28+$0x13080];
	v8 =	vmul.u32 $0xFFFF9C00, v5;
	_ =	sdelay $0x1  }
0x2fa: {  	v8 =	vadd.s32 v4, v8  }
0x2fb: {  	v9 =	vshll.u32 v3, $0x3;
	v3 =	vmov v5  }
.Ltmp22:
0x2fc: {  	v6 =	vshrl.u32 v6, v9;
	(pc) =	sbr.rel @p2 .LBB2_40-.Ltmp22, $4  }
0x2fd: {  	v5 =	vandn.u32 $0x1, v6;
	vm0 =	vgt.s32 v7, $0x63FF;
	vm1 =	vgt.s32 v7, $0xC7FF;
	v4 =	vmovc v7  }
0x2fe: {  	v6 =	vsel vm0, $0x1, v0;
	v7 =	vsel vm1, $0x1, v0;
	vm0 =	vgt.s32 v4, $0x12BFF;
	[tilespmem:s16+$0x15800] =	vst v5;
	s16 =	smov.u32 s15;
	s15 =	smov.u32 s28  }
0x2ff: {  	v2 =	vor.u32 v2, v5;
	v7 =	vadd.s32 v7, v6;
	v9 =	vsel vm0, $0x1, v0;
	v6 =	vld.idx.msk [tilespmem:v8+s25+$0x0], $0xffff  }
0x300: {  	s28 =	sshra.s32 s17, $0x2;
	s17 =	sadd.s32 $0x40, s17;
	v5 =	vadd.s32 v9, v7  }
0x301: {  	v7 =	vld [tilespmem:s28+$0x13080]  }
0x302: {  	v8 =	vmul.u32 $0xFFFF9C00, v5;
	_ =	sdelay $0x1  }
0x303: {  	v3 =	vshll.u32 v3, $0x3;
	v4 =	vadd.s32 v4, v8  }
0x304: {  	v3 =	vshrl.u32 v6, v3  }
0x305: {  	v3 =	vandn.u32 $0x1, v3;
	vm0 =	vgt.s32 v7, $0x63FF;
	vm1 =	vgt.s32 v7, $0xC7FF  }
0x306: {  	vm15 =	vgt.s32 v7, $0x12BFF;
	v59 =	vsel vm0, $0x1, v0;
	v60 =	vsel vm1, $0x1, v0  }
0x307: {  	[tilespmem:s16+$0x15800] =	vst v3;
	v61 =	vsel vm15, $0x1, v0;
	v6 =	vadd.s32 v60, v59  }
0x308: {  	v4 =	vld.idx.msk [tilespmem:v4+s25+$0x0], $0xffff;
	v6 =	vadd.s32 v61, v6  }
0x309: {  	v8 =	vmul.u32 $0xFFFF9C00, v6;
	_ =	sdelay $0x1  }
0x30a: {  	v7 =	vadd.s32 v7, v8  }
0x30b: {  	v62 =	vshll.u32 v5, $0x3  }
0x30c: {  	v4 =	vshrl.u32 v4, v62  }
0x30d: {  	v4 =	vandn.u32 $0x1, v4  }
0x30e: {  	[tilespmem:s15+$0x15800] =	vst v4  }
0x30f: {  	v63 =	vld.idx.msk [tilespmem:v7+s25+$0x0], $0xffff;
	_ =	sdelay $0x3  }
0x310: {  	v6 =	vshll.u32 v6, $0x3  }
0x311: {  	v2 =	vor.u32 v2, v3;
	v3 =	vshrl.u32 v63, v6  }
0x312: {  	v2 =	vor.u32 v2, v4;
	v3 =	vandn.u32 $0x1, v3  }
0x313: {  	v2 =	vor.u32 v2, v3  }
0x314: {  	v2 =	vxor.u32 $0x80000000, v2  }
0x315: {  	(xrf0) =	vmax.scan.msk.u32 $0xffff, v2;
	_ =	sdelay $0x5  }
0x316: {  	v2, _, _ =	vpop (xrf0)  }
0x317: {  	(v2sf) =	vpush v2, $0xF;
	_ =	sdelay $0xe  }
0x318: {  	s18 =	spop (v2sf)  }
0x319: {  	p2 =	slt.u32 s18, $0x80000001  }
0x31a: {  	[tilespmem:s28+$0x15800] =	vst v3;
	s15 =	simm.s32 @!p2 $0x2710;
	s16 =	simm.s32 @!p2 $0xBA00;
	s17 =	simm.s32 @!p2 $0x15800  }
0x31b: {  	[spmem:s2] =	stream.indirect.scatter.add.s32 @!p2 [tilespmem:s17], [sflag:$0x4], $0x1, s16, s15, $0xb8;
	[tilespmem:$0x1F850] =	vst v63  }
0x31c: {  	s15 =	simm.s32 @!p2 $0x4  }
0x31d: {  	_ =	swait.ge @!p2 [sflag:s15], $0x2710  }
0x31e: {  	[sflag:s15] =	ssyncset.done @!p2 $0x0  }
0x31f: {  	[sflag:s15] =	ssyncadd.s32 @!p2 $0xFFFFD8F0  }
.LBB2_42:
0x320: {  	[spmem:s30] =	stream.indirect.scatter [tilespmem:s12], [sflag:$0x3], $0x1, s24, s11, $0xb8;
	[tilespmem:$0x1F850] =	vst v63  }
0x321: {  	_ =	swait.ge [sflag:s26], $0x2710  }
0x322: {  	[sflag:s26] =	ssyncset.done $0x0  }
.Ltmp23:
0x323: {  	[sflag:s26] =	ssyncadd.s32 $0xFFFFD8F0;
	(pc) =	sbr.rel @p1 .LBB2_46-.Ltmp23, $4  }
0x324: {  	_ =	swait.ge [sflag:s23], $0x2710  }
0x325: {  	[sflag:s23] =	ssyncset.done $0x0  }
0x326: {  	[sflag:s23] =	ssyncadd.s32 $0xFFFFD8F0  }
0x327: {  	[tilespmem:s13], [sflag:$0x2] =	stream.linear.gather [hbm4b:s0+s21], $0x2710, $0x38;
	[tilespmem:$0x1F850] =	vst v63  }
0x328: {  	s16 =	sld [smem:$0x7F9];
	_ =	sdelay $0x1  }
0x329: {  	s15 =	simm.s32 $0x0  }
0x32a: {  	[tilespmem:s31], [sflag:$0x4] =	stream.linear.gather [hbm4b:s16+s15], $0x2710, $0x38;
	[tilespmem:$0x1F850] =	vst v63  }
0x32b: {  	_ =	swait.ge [sflag:s10], $0x2710  }
0x32c: {  	[sflag:s10] =	ssyncset.done $0x0  }
0x32d: {  	s16 =	simm.s32 $0x0;
	[sflag:s10] =	ssyncadd.s32 $0xFFFFD8F0  }
0x32e: {  	v2 =	vld [tilespmem:s16+$0x13080];
	_ =	sdelay $0x4  }
0x32f: {  	vm0 =	vgt.s32 v2, $0x63FF;
	vm1 =	vgt.s32 v2, $0xC7FF  }
0x330: {  	vm12 =	vgt.s32 v2, $0x12BFF;
	v3 =	vsel vm0, $0x1, v0;
	v4 =	vsel vm1, $0x1, v0  }
0x331: {  	s15 =	simm.s32 $0x10;
	v3 =	vadd.s32 v4, v3;
	v4 =	vsel vm12, $0x1, v0  }
0x332: {  	v3 =	vadd.s32 v4, v3;
	v4 =	vld [tilespmem:s15+$0x13080]  }
0x333: {  	v5 =	vmul.u32 $0xFFFF9C00, v3;
	_ =	sdelay $0x1  }
0x334: {  	v5 =	vadd.s32 v2, v5;
	_ =	sdelay $0x1  }
0x335: {  	vm13 =	vgt.s32 v4, $0x63FF;
	vm14 =	vgt.s32 v4, $0xC7FF  }
0x336: {  	vm15 =	vgt.s32 v4, $0x12BFF;
	v2 =	vsel vm13, $0x1, v0;
	v6 =	vsel vm14, $0x1, v0  }
0x337: {  	v8 =	vsel vm15, $0x1, v0;
	v7 =	vadd.s32 v6, v2  }
0x338: {  	s28 =	simm.s32 $0x20;
	s17 =	simm.s32 $0xC0;
	v2 =	vimm.s32 $0x0;
	v6 =	vld.idx.msk [tilespmem:v5+s25+$0x0], $0xffff;
	v5 =	vadd.s32 v8, v7  }
.LBB2_44:
0x339: {  	p2 =	sne.s32 s17, $0x9C00;
	v7 =	vld [tilespmem:s28+$0x13080];
	v8 =	vmul.u32 $0xFFFF9C00, v5;
	_ =	sdelay $0x1  }
0x33a: {  	v8 =	vadd.s32 v4, v8  }
0x33b: {  	v9 =	vshll.u32 v3, $0x3;
	v3 =	vmov v5  }
.Ltmp24:
0x33c: {  	v6 =	vshrl.u32 v6, v9;
	(pc) =	sbr.rel @p2 .LBB2_44-.Ltmp24, $4  }
0x33d: {  	v5 =	vandn.u32 $0x1, v6;
	vm0 =	vgt.s32 v7, $0x63FF;
	vm1 =	vgt.s32 v7, $0xC7FF;
	v4 =	vmovc v7  }
0x33e: {  	v6 =	vsel vm0, $0x1, v0;
	v7 =	vsel vm1, $0x1, v0;
	vm0 =	vgt.s32 v4, $0x12BFF;
	[tilespmem:s16+$0x15800] =	vst v5;
	s16 =	smov.u32 s15;
	s15 =	smov.u32 s28  }
0x33f: {  	v2 =	vor.u32 v2, v5;
	v7 =	vadd.s32 v7, v6;
	v9 =	vsel vm0, $0x1, v0;
	v6 =	vld.idx.msk [tilespmem:v8+s25+$0x0], $0xffff  }
0x340: {  	s28 =	sshra.s32 s17, $0x2;
	s17 =	sadd.s32 $0x40, s17;
	v5 =	vadd.s32 v9, v7  }
0x341: {  	v7 =	vld [tilespmem:s28+$0x13080]  }
0x342: {  	v8 =	vmul.u32 $0xFFFF9C00, v5;
	_ =	sdelay $0x1  }
0x343: {  	v3 =	vshll.u32 v3, $0x3;
	v4 =	vadd.s32 v4, v8  }
0x344: {  	v3 =	vshrl.u32 v6, v3  }
0x345: {  	v3 =	vandn.u32 $0x1, v3;
	vm0 =	vgt.s32 v7, $0x63FF;
	vm1 =	vgt.s32 v7, $0xC7FF  }
0x346: {  	vm15 =	vgt.s32 v7, $0x12BFF;
	v59 =	vsel vm0, $0x1, v0;
	v60 =	vsel vm1, $0x1, v0  }
0x347: {  	[tilespmem:s16+$0x15800] =	vst v3;
	v61 =	vsel vm15, $0x1, v0;
	v6 =	vadd.s32 v60, v59  }
0x348: {  	v4 =	vld.idx.msk [tilespmem:v4+s25+$0x0], $0xffff;
	v6 =	vadd.s32 v61, v6  }
0x349: {  	v8 =	vmul.u32 $0xFFFF9C00, v6;
	_ =	sdelay $0x1  }
0x34a: {  	v7 =	vadd.s32 v7, v8  }
0x34b: {  	v62 =	vshll.u32 v5, $0x3  }
0x34c: {  	v4 =	vshrl.u32 v4, v62  }
0x34d: {  	v4 =	vandn.u32 $0x1, v4  }
0x34e: {  	[tilespmem:s15+$0x15800] =	vst v4  }
0x34f: {  	v63 =	vld.idx.msk [tilespmem:v7+s25+$0x0], $0xffff;
	_ =	sdelay $0x3  }
0x350: {  	v6 =	vshll.u32 v6, $0x3  }
0x351: {  	v2 =	vor.u32 v2, v3;
	v3 =	vshrl.u32 v63, v6  }
0x352: {  	v2 =	vor.u32 v2, v4;
	v3 =	vandn.u32 $0x1, v3  }
0x353: {  	v2 =	vor.u32 v2, v3  }
0x354: {  	v2 =	vxor.u32 $0x80000000, v2  }
0x355: {  	(xrf0) =	vmax.scan.msk.u32 $0xffff, v2;
	_ =	sdelay $0x5  }
0x356: {  	v2, _, _ =	vpop (xrf0)  }
0x357: {  	(v2sf) =	vpush v2, $0xF;
	_ =	sdelay $0xe  }
0x358: {  	s18 =	spop (v2sf)  }
0x359: {  	p2 =	slt.u32 s18, $0x80000001  }
0x35a: {  	[tilespmem:s28+$0x15800] =	vst v3;
	s15 =	simm.s32 @!p2 $0x2710;
	s16 =	simm.s32 @!p2 $0xE180;
	s17 =	simm.s32 @!p2 $0x15800  }
0x35b: {  	[spmem:s2] =	stream.indirect.scatter.add.s32 @!p2 [tilespmem:s17], [sflag:$0x4], $0x1, s16, s15, $0xb8;
	[tilespmem:$0x1F850] =	vst v63  }
0x35c: {  	s15 =	simm.s32 @!p2 $0x4  }
0x35d: {  	_ =	swait.ge @!p2 [sflag:s15], $0x2710  }
0x35e: {  	[sflag:s15] =	ssyncset.done @!p2 $0x0  }
0x35f: {  	[sflag:s15] =	ssyncadd.s32 @!p2 $0xFFFFD8F0  }
.LBB2_46:
0x360: {  	[spmem:s30] =	stream.indirect.scatter [tilespmem:s12], [sflag:$0x3], $0x1, s29, s11, $0xb8;
	[tilespmem:$0x1F850] =	vst v63  }
0x361: {  	_ =	swait.ge [sflag:s26], $0x2710  }
0x362: {  	[sflag:s26] =	ssyncset.done $0x0  }
.Ltmp25:
0x363: {  	[sflag:s26] =	ssyncadd.s32 $0xFFFFD8F0;
	(pc) =	sbr.rel @p1 .LBB2_53-.Ltmp25, $4  }
0x364: {  	_ =	swait.ge [sflag:s23], $0x2710  }
0x365: {  	[sflag:s23] =	ssyncset.done $0x0  }
0x366: {  	[sflag:s23] =	ssyncadd.s32 $0xFFFFD8F0  }
0x367: {  	[tilespmem:s24], [sflag:$0x2] =	stream.linear.gather [hbm4b:s1+s21], $0x2710, $0x38;
	[tilespmem:$0x1F850] =	vst v63  }
0x368: {  	s16 =	sld [smem:$0x7FC];
	_ =	sdelay $0x1  }
0x369: {  	s15 =	simm.s32 $0x0  }
0x36a: {  	[tilespmem:s31], [sflag:$0x4] =	stream.linear.gather [hbm4b:s16+s15], $0x2710, $0x38;
	[tilespmem:$0x1F850] =	vst v63  }
0x36b: {  	_ =	swait.ge [sflag:s10], $0x2710  }
0x36c: {  	[sflag:s10] =	ssyncset.done $0x0  }
0x36d: {  	s16 =	simm.s32 $0x0;
	[sflag:s10] =	ssyncadd.s32 $0xFFFFD8F0  }
0x36e: {  	v2 =	vld [tilespmem:s16+$0x13080];
	_ =	sdelay $0x4  }
0x36f: {  	vm0 =	vgt.s32 v2, $0x63FF;
	vm1 =	vgt.s32 v2, $0xC7FF  }
0x370: {  	vm12 =	vgt.s32 v2, $0x12BFF;
	v3 =	vsel vm0, $0x1, v0;
	v4 =	vsel vm1, $0x1, v0  }
0x371: {  	s15 =	simm.s32 $0x10;
	v3 =	vadd.s32 v4, v3;
	v4 =	vsel vm12, $0x1, v0  }
0x372: {  	v3 =	vadd.s32 v4, v3;
	v4 =	vld [tilespmem:s15+$0x13080]  }
0x373: {  	v5 =	vmul.u32 $0xFFFF9C00, v3;
	_ =	sdelay $0x1  }
0x374: {  	v5 =	vadd.s32 v2, v5;
	_ =	sdelay $0x1  }
0x375: {  	vm13 =	vgt.s32 v4, $0x63FF;
	vm14 =	vgt.s32 v4, $0xC7FF  }
0x376: {  	vm15 =	vgt.s32 v4, $0x12BFF;
	v2 =	vsel vm13, $0x1, v0;
	v6 =	vsel vm14, $0x1, v0  }
0x377: {  	v8 =	vsel vm15, $0x1, v0;
	v7 =	vadd.s32 v6, v2  }
0x378: {  	s28 =	simm.s32 $0x20;
	s17 =	simm.s32 $0xC0;
	v2 =	vimm.s32 $0x0;
	v6 =	vld.idx.msk [tilespmem:v5+s25+$0x0], $0xffff;
	v5 =	vadd.s32 v8, v7  }
.LBB2_48:
0x379: {  	p1 =	sne.s32 s17, $0x9C00;
	v7 =	vld [tilespmem:s28+$0x13080];
	v8 =	vmul.u32 $0xFFFF9C00, v5;
	_ =	sdelay $0x1  }
0x37a: {  	v8 =	vadd.s32 v4, v8  }
0x37b: {  	v9 =	vshll.u32 v3, $0x3;
	v3 =	vmov v5  }
.Ltmp26:
0x37c: {  	v6 =	vshrl.u32 v6, v9;
	(pc) =	sbr.rel @p1 .LBB2_48-.Ltmp26, $4  }
0x37d: {  	v5 =	vandn.u32 $0x1, v6;
	vm0 =	vgt.s32 v7, $0x63FF;
	vm1 =	vgt.s32 v7, $0xC7FF;
	v4 =	vmovc v7  }
0x37e: {  	v6 =	vsel vm0, $0x1, v0;
	v7 =	vsel vm1, $0x1, v0;
	vm0 =	vgt.s32 v4, $0x12BFF;
	[tilespmem:s16+$0x15800] =	vst v5;
	s16 =	smov.u32 s15;
	s15 =	smov.u32 s28  }
0x37f: {  	v2 =	vor.u32 v2, v5;
	v7 =	vadd.s32 v7, v6;
	v9 =	vsel vm0, $0x1, v0;
	v6 =	vld.idx.msk [tilespmem:v8+s25+$0x0], $0xffff  }
0x380: {  	s28 =	sshra.s32 s17, $0x2;
	s17 =	sadd.s32 $0x40, s17;
	v5 =	vadd.s32 v9, v7  }
0x381: {  	v7 =	vld [tilespmem:s28+$0x13080]  }
0x382: {  	v8 =	vmul.u32 $0xFFFF9C00, v5;
	_ =	sdelay $0x1  }
0x383: {  	v3 =	vshll.u32 v3, $0x3;
	v4 =	vadd.s32 v4, v8  }
0x384: {  	v3 =	vshrl.u32 v6, v3  }
0x385: {  	v3 =	vandn.u32 $0x1, v3;
	vm0 =	vgt.s32 v7, $0x63FF;
	vm1 =	vgt.s32 v7, $0xC7FF  }
0x386: {  	vm9 =	vgt.s32 v7, $0x12BFF;
	v6 =	vsel vm0, $0x1, v0;
	v8 =	vsel vm1, $0x1, v0  }
0x387: {  	[tilespmem:s16+$0x15800] =	vst v3;
	v6 =	vadd.s32 v8, v6;
	v8 =	vsel vm9, $0x1, v0  }
0x388: {  	v4 =	vld.idx.msk [tilespmem:v4+s25+$0x0], $0xffff;
	v6 =	vadd.s32 v8, v6  }
0x389: {  	v8 =	vmul.u32 $0xFFFF9C00, v6;
	_ =	sdelay $0x1  }
0x38a: {  	v7 =	vadd.s32 v7, v8  }
0x38b: {  	v5 =	vshll.u32 v5, $0x3  }
0x38c: {  	v4 =	vshrl.u32 v4, v5  }
0x38d: {  	v4 =	vandn.u32 $0x1, v4  }
0x38e: {  	[tilespmem:s15+$0x15800] =	vst v4  }
0x38f: {  	v5 =	vld.idx.msk [tilespmem:v7+s25+$0x0], $0xffff;
	_ =	sdelay $0x3  }
0x390: {  	v6 =	vshll.u32 v6, $0x3  }
0x391: {  	v2 =	vor.u32 v2, v3;
	v3 =	vshrl.u32 v5, v6  }
0x392: {  	v2 =	vor.u32 v2, v4;
	v3 =	vandn.u32 $0x1, v3  }
0x393: {  	v2 =	vor.u32 v2, v3  }
0x394: {  	v2 =	vxor.u32 $0x80000000, v2  }
0x395: {  	(xrf0) =	vmax.scan.msk.u32 $0xffff, v2;
	_ =	sdelay $0x5  }
0x396: {  	v2, _, _ =	vpop (xrf0)  }
0x397: {  	(v2sf) =	vpush v2, $0xF;
	_ =	sdelay $0xe  }
0x398: {  	s16 =	spop (v2sf)  }
0x399: {  	p1 =	slt.u32 s16, $0x80000001  }
0x39a: {  	[tilespmem:s28+$0x15800] =	vst v3;
	s15 =	simm.s32 @!p1 $0x2710;
	s16 =	simm.s32 @!p1 $0x10900;
	s17 =	simm.s32 @!p1 $0x15800  }
0x39b: {  	[spmem:s2] =	stream.indirect.scatter.add.s32 @!p1 [tilespmem:s17], [sflag:$0x4], $0x1, s16, s15, $0xb8;
	[tilespmem:$0x1F850] =	vst v63  }
0x39c: {  	s15 =	simm.s32 @!p1 $0x4  }
0x39d: {  	_ =	swait.ge @!p1 [sflag:s15], $0x2710  }
0x39e: {  	[sflag:s15] =	ssyncset.done @!p1 $0x0  }
0x39f: {  	[sflag:s15] =	ssyncadd.s32 @!p1 $0xFFFFD8F0  }
0x3a0: {  	[spmem:s30] =	stream.indirect.scatter [tilespmem:s12], [sflag:$0x3], $0x1, s13, s11, $0xb8;
	[tilespmem:$0x1F850] =	vst v63  }
0x3a1: {  	_ =	swait.ge [sflag:s26], $0x2710  }
0x3a2: {  	s18 =	sld [smem:$0x7FD]  }
0x3a3: {  	[sflag:s26] =	ssyncset.done $0x0  }
0x3a4: {  	s17 =	simm.s32 $0x0;
	[sflag:s26] =	ssyncadd.s32 $0xFFFFD8F0  }
0x3a5: {  	[tilespmem:s31], [sflag:$0x4] =	stream.linear.gather [hbm4b:s18+s17], $0x2710, $0x38;
	[tilespmem:$0x1F850] =	vst v63  }
0x3a6: {  	_ =	swait.ge [sflag:s10], $0x2710  }
0x3a7: {  	[sflag:s10] =	ssyncset.done $0x0  }
0x3a8: {  	s16 =	simm.s32 $0x0;
	[sflag:s10] =	ssyncadd.s32 $0xFFFFD8F0  }
0x3a9: {  	v2 =	vld [tilespmem:s16+$0x13080];
	_ =	sdelay $0x4  }
0x3aa: {  	vm10 =	vgt.s32 v2, $0x63FF;
	vm11 =	vgt.s32 v2, $0xC7FF  }
0x3ab: {  	vm12 =	vgt.s32 v2, $0x12BFF;
	v3 =	vsel vm10, $0x1, v0;
	v4 =	vsel vm11, $0x1, v0  }
0x3ac: {  	s15 =	simm.s32 $0x10;
	v3 =	vadd.s32 v4, v3;
	v4 =	vsel vm12, $0x1, v0  }
0x3ad: {  	v3 =	vadd.s32 v4, v3;
	v4 =	vld [tilespmem:s15+$0x13080]  }
0x3ae: {  	v5 =	vmul.u32 $0xFFFF9C00, v3;
	_ =	sdelay $0x1  }
0x3af: {  	v5 =	vadd.s32 v2, v5;
	_ =	sdelay $0x1  }
0x3b0: {  	vm13 =	vgt.s32 v4, $0x63FF;
	vm14 =	vgt.s32 v4, $0xC7FF  }
0x3b1: {  	vm15 =	vgt.s32 v4, $0x12BFF;
	v2 =	vsel vm13, $0x1, v0;
	v6 =	vsel vm14, $0x1, v0  }
0x3b2: {  	v8 =	vsel vm15, $0x1, v0;
	v7 =	vadd.s32 v6, v2  }
0x3b3: {  	s28 =	simm.s32 $0x20;
	s17 =	simm.s32 $0xC0;
	v2 =	vimm.s32 $0x0;
	v6 =	vld.idx.msk [tilespmem:v5+s25+$0x0], $0xffff;
	v5 =	vadd.s32 v8, v7  }
.LBB2_50:
0x3b4: {  	p1 =	sne.s32 s17, $0x9C00;
	v7 =	vld [tilespmem:s28+$0x13080];
	v8 =	vmul.u32 $0xFFFF9C00, v5;
	_ =	sdelay $0x1  }
0x3b5: {  	v8 =	vadd.s32 v4, v8  }
0x3b6: {  	v9 =	vshll.u32 v3, $0x3;
	v3 =	vmov v5  }
.Ltmp27:
0x3b7: {  	v6 =	vshrl.u32 v6, v9;
	(pc) =	sbr.rel @p1 .LBB2_50-.Ltmp27, $4  }
0x3b8: {  	v5 =	vandn.u32 $0x1, v6;
	vm0 =	vgt.s32 v7, $0x63FF;
	vm1 =	vgt.s32 v7, $0xC7FF;
	v4 =	vmovc v7  }
0x3b9: {  	v6 =	vsel vm0, $0x1, v0;
	v7 =	vsel vm1, $0x1, v0;
	vm0 =	vgt.s32 v4, $0x12BFF;
	[tilespmem:s16+$0x15800] =	vst v5;
	s16 =	smov.u32 s15;
	s15 =	smov.u32 s28  }
0x3ba: {  	v2 =	vor.u32 v2, v5;
	v7 =	vadd.s32 v7, v6;
	v9 =	vsel vm0, $0x1, v0;
	v6 =	vld.idx.msk [tilespmem:v8+s25+$0x0], $0xffff  }
0x3bb: {  	s28 =	sshra.s32 s17, $0x2;
	s17 =	sadd.s32 $0x40, s17;
	v5 =	vadd.s32 v9, v7  }
0x3bc: {  	v7 =	vld [tilespmem:s28+$0x13080]  }
0x3bd: {  	v8 =	vmul.u32 $0xFFFF9C00, v5;
	_ =	sdelay $0x1  }
0x3be: {  	v3 =	vshll.u32 v3, $0x3;
	v4 =	vadd.s32 v4, v8  }
0x3bf: {  	v3 =	vshrl.u32 v6, v3  }
0x3c0: {  	v3 =	vandn.u32 $0x1, v3;
	vm0 =	vgt.s32 v7, $0x63FF;
	vm1 =	vgt.s32 v7, $0xC7FF  }
0x3c1: {  	vm15 =	vgt.s32 v7, $0x12BFF;
	v59 =	vsel vm0, $0x1, v0;
	v60 =	vsel vm1, $0x1, v0  }
0x3c2: {  	[tilespmem:s16+$0x15800] =	vst v3;
	v61 =	vsel vm15, $0x1, v0;
	v6 =	vadd.s32 v60, v59  }
0x3c3: {  	v4 =	vld.idx.msk [tilespmem:v4+s25+$0x0], $0xffff;
	v6 =	vadd.s32 v61, v6  }
0x3c4: {  	v8 =	vmul.u32 $0xFFFF9C00, v6;
	_ =	sdelay $0x1  }
0x3c5: {  	v7 =	vadd.s32 v7, v8  }
0x3c6: {  	v62 =	vshll.u32 v5, $0x3  }
0x3c7: {  	v4 =	vshrl.u32 v4, v62  }
0x3c8: {  	v4 =	vandn.u32 $0x1, v4  }
0x3c9: {  	[tilespmem:s15+$0x15800] =	vst v4  }
0x3ca: {  	v63 =	vld.idx.msk [tilespmem:v7+s25+$0x0], $0xffff;
	_ =	sdelay $0x3  }
0x3cb: {  	v6 =	vshll.u32 v6, $0x3  }
0x3cc: {  	v2 =	vor.u32 v2, v3;
	v3 =	vshrl.u32 v63, v6  }
0x3cd: {  	v2 =	vor.u32 v2, v4;
	v3 =	vandn.u32 $0x1, v3  }
0x3ce: {  	v2 =	vor.u32 v2, v3  }
0x3cf: {  	v2 =	vxor.u32 $0x80000000, v2  }
0x3d0: {  	(xrf0) =	vmax.scan.msk.u32 $0xffff, v2;
	_ =	sdelay $0x5  }
0x3d1: {  	v2, _, _ =	vpop (xrf0)  }
0x3d2: {  	(v2sf) =	vpush v2, $0xF;
	_ =	sdelay $0xe  }
0x3d3: {  	s18 =	spop (v2sf)  }
0x3d4: {  	p1 =	slt.u32 s18, $0x80000001  }
.Ltmp28:
0x3d5: {  	_ = 	snop;
	(pc) =	sbr.rel @p1 .LBB2_55-.Ltmp28, $2  }
0x3d6: {  	_ =	sdelay $0x2  }
0x3d7: {  	[tilespmem:s28+$0x15800] =	vst v3  }
.Ltmp29:
0x3d8: {  	(pc) =	sbr.rel .LBB2_54-.Ltmp29, $4  }
0x3d9: {  	_ = 	snop  }
0x3da: {  	s15 =	simm.s32 $0x15800  }
0x3db: {  	[spmem:s2] =	stream.indirect.scatter.add.s32 [tilespmem:s15], [sflag:$0x4], $0x1, s24, s11, $0xb8;
	[tilespmem:$0x1F850] =	vst v63  }
0x3dc: {  	s15 =	simm.s32 $0x4  }
.LBB2_56:
0x3dd: {  	_ =	sfence.sel $0x180000  }
0x3de: {  	[bflag:$0x0] =	sbarrier.arrive $0xFFFF  }
0x3df: {  	_ =	strace $0x9000004A  }
0x3e0: {  	s0 =	stileid.u32;
	[bflag:$0x2] =	sbarrier.arrive $0xFFFF  }
0x3e1: {  	p0 =	sne.s32 s0, $0x0;
	s0 =	rddreg [dreg:$0x6]  }
0x3e2: {  	s0 =	sadd.s32 @!p0 $0x100000, s0  }
0x3e3: {  	[sflag:s0] =	ssyncadd.tile.s32 @!p0 $0x1;
	_ =	shalt  }
.Lfunc_end2:
_tile_overlayer_lowered:
.L_overlay_start_2:
0x3e4: {  	(tag) =	ssettag $0x2  }
0x3e5: {  	s0 =	rddreg [dreg:$0x0];
	s2 =	stileid.u32  }
0x3e6: {  	s1 =	rddreg [dreg:$0x1];
	p0 =	sne.s32 s2, $0x0  }
0x3e7: {  	s3 =	rddreg [dreg:$0x2];
	[bflag:$0x3] =	sbarrier.arrive $0xFFFF;
	s2 =	simm.s32 @!p0 $0x1C04  }
0x3e8: {  	[timem:s3], [sflag:s2] =	dma.local @!p0 [hbm:s0], s1  }
0x3e9: {  	s0 =	simm.s32 @!p0 $0x4  }
0x3ea: {  	_ =	swait.ge @!p0 [sflag:s0], s1  }
0x3eb: {  	s1 =	ssub.s32 @!p0 $0x0, s1;
	[sflag:s0] =	ssyncset.done @!p0 $0x0  }
0x3ec: {  	[sflag:s0] =	ssyncadd.s32 @!p0 s1  }
0x3ed: {  	[bflag:$0x3] =	sbarrier.arrive $0xFFFF  }
0x3ee: {  	_ =	shalt  }

// kernel: kernel.7.cloned.1.call-start
scs
__scs_entry_jumppad:
0x0: {  	(pc) =	sbr.rel $0x88, $3  }
0x1: {  	(tag) =	ssettag $0x0;
	lr =	simm.s32 $0x1  }
0x2: {  	[smem:$0x3F9A] =	sst lr;
	_ =	strace $0xD0000000  }
0x3: {  	_ = 	snop  }
0x4: {  	_ = 	snop  }
0x5: {  	_ = 	snop  }
0x6: {  	_ = 	snop  }
0x7: {  	_ = 	snop  }
__scs_overlays_trampoline_lowered:
0x8: {  	[smem:$0x3FA9] =	sst s0  }
0x9: {  	[smem:$0x3FAA] =	sst s1  }
0xa: {  	[smem:$0x3FAB] =	sst s2  }
0xb: {  	[smem:$0x3FAC] =	sst s3  }
0xc: {  	[smem:$0x3FAD] =	sst s4  }
0xd: {  	[smem:$0x3FAE] =	sst s5  }
0xe: {  	[smem:$0x3FAF] =	sst s6  }
0xf: {  	[smem:$0x3FB0] =	sst s7  }
0x10: {  	[smem:$0x3FB1] =	sst s8  }
0x11: {  	[smem:$0x3FB2] =	sst s9;
	s0 =	simm.s32 @!p0 $0x0  }
0x12: {  	s1 =	sld [smem:$0x3F98];
	s0 =	simm.s32 @p0 $0x1  }
0x13: {  	[smem:$0x3FB3] =	sst s0;
	s0 =	simm.s32 @!p1 $0x0  }
0x14: {  	s2 =	sld [smem:$0x3F97];
	s0 =	simm.s32 @p1 $0x1  }
0x15: {  	[smem:$0x3FB4] =	sst s0;
	s0 =	simm.s32 @!p2 $0x0  }
0x16: {  	s3 =	sld [smem:$0x3FDB];
	s0 =	simm.s32 @p2 $0x1  }
0x17: {  	s4 =	simm.s32 $0x1BF5;
	[smem:$0x3FB6] =	sst s0  }
0x18: {  	s0 =	sld [smem:$0x3F99];
	_ =	swait.ge [sflag:s4], $0x0  }
0x19: {  	s7 =	sld [smem:$0x3F9A]  }
0x1a: {  	s8 =	sadd.s32 $0xFFFFE003, lr  }
0x1b: {  	s9 =	sadd.s32 $0xFFFFFEF7, lr;
	s5 =	simm.s32 $0xFFFFFFFF;
	p2 =	slt.u32 s8, $0xFFFFF086  }
0x1c: {  	p1 =	slt.u32 s9, $0xF7A;
	s5 =	simm.s32 @!p2 $0x0  }
0x1d: {  	s5 =	simm.s32 @p1 $0x1;
	p0 =	seq.s32 s7, s2  }
0x1e: {  	s7 =	smul.u32 @!p0 $0xF7A, s2;
	p2 =	seq.s32 @!p0 s5, $0x0  }
0x1f: {  	s9 =	smul.u32 $0xF7A, s1;
	s8 =	simm.s32 @!p0 $0x1BF5;
	p2 =	por !p2, p0  }
0x20: {  	[sflag:s8] =	ssyncset.s32 @!p0 $0xFFFFF086;
	s6 =	sadd.s32 @!p0 s3, s7;
	s7 =	simm.s32 @!p0 $0x108  }
0x21: {  	s3 =	sadd.s32 s3, s9;
	s6 =	sadd.s32 @!p0 $0x88, s6;
	s7 =	simm.s32 @p2 $0x1082  }
0x22: {  	[simem:s7], [sflag:s8] =	dma.local @!p0 [hbm:s6], $0xF7A  }
0x23: {  	s9 =	sor.u32 $0xD0000000, s2;
	s6 =	simm.s32 $0x108;
	_ =	swait.ge @!p0 [sflag:s8], $0x0  }
0x24: {  	s3 =	sadd.s32 $0x88, s3;
	s6 =	simm.s32 @!p1 $0x1082;
	[sflag:s4] =	ssyncset.s32 $0xFFFFF086  }
0x25: {  	[simem:s6], [sflag:s4] =	dma.local [hbm:s3], $0xF7A  }
0x26: {  	[smem:$0x3F9A] =	sst s1;
	(tag) =	ssettag s2;
	_ =	strace s9  }
0x27: {  	s1 =	sld [smem:$0x3FAA]  }
0x28: {  	s2 =	sld [smem:$0x3FAB]  }
0x29: {  	s4 =	sld [smem:$0x3FAD]  }
0x2a: {  	p0 =	seq.s32 s5, $0x0;
	s5 =	sld [smem:$0x3FAE]  }
0x2b: {  	s6 =	sld [smem:$0x3FAF]  }
0x2c: {  	s7 =	sld [smem:$0x3FB0]  }
0x2d: {  	s3 =	simm.s32 $0x108;
	s8 =	sld [smem:$0x3FB1]  }
0x2e: {  	s3 =	simm.s32 @!p0 $0x1082;
	s9 =	sld [smem:$0x3FB2]  }
0x2f: {  	lr =	sadd.s32 s0, s3;
	s0 =	sld [smem:$0x3FA9]  }
0x30: {  	s3 =	sld [smem:$0x3FAC]  }
0x31: {  	[smem:$0x3FB5] =	sst s10  }
0x32: {  	s10 =	sld [smem:$0x3FB3];
	_ =	sdelay $0x3  }
0x33: {  	p0 =	seq.s32 s10, $0x1;
	s10 =	sld [smem:$0x3FB5];
	_ =	sdelay $0x3  }
0x34: {  	[smem:$0x3FB5] =	sst s10  }
0x35: {  	s10 =	sld [smem:$0x3FB4];
	_ =	sdelay $0x3  }
0x36: {  	p1 =	seq.s32 s10, $0x1;
	s10 =	sld [smem:$0x3FB5];
	_ =	sdelay $0x3  }
0x37: {  	[smem:$0x3FB5] =	sst s10  }
0x38: {  	s10 =	sld [smem:$0x3FB6]  }
0x39: {  	_ = 	snop;
	(pc) =	sbr.ind lr, $3  }
0x3a: {  	_ = 	snop  }
0x3b: {  	_ = 	snop  }
0x3c: {  	p2 =	seq.s32 s10, $0x1;
	s10 =	sld [smem:$0x3FB5]  }
0x3d: {  	_ =	shalt  }
0x3e: {  	_ =	shalt  }
0x3f: {  	_ =	shalt  }
0x40: {  	_ =	shalt  }
0x41: {  	_ =	shalt  }
0x42: {  	_ =	shalt  }
0x43: {  	_ =	shalt  }
0x44: {  	_ =	shalt  }
0x45: {  	_ =	shalt  }
0x46: {  	_ =	shalt  }
0x47: {  	_ =	shalt  }
0x48: {  	_ =	shalt  }
0x49: {  	_ =	shalt  }
0x4a: {  	_ =	shalt  }
0x4b: {  	_ =	shalt  }
0x4c: {  	_ =	shalt  }
0x4d: {  	_ =	shalt  }
0x4e: {  	_ =	shalt  }
0x4f: {  	_ =	shalt  }
0x50: {  	_ =	shalt  }
0x51: {  	_ =	shalt  }
0x52: {  	_ =	shalt  }
0x53: {  	_ =	shalt  }
0x54: {  	_ =	shalt  }
0x55: {  	_ =	shalt  }
0x56: {  	_ =	shalt  }
0x57: {  	_ =	shalt  }
0x58: {  	_ =	shalt  }
0x59: {  	_ =	shalt  }
0x5a: {  	_ =	shalt  }
0x5b: {  	_ =	shalt  }
0x5c: {  	_ =	shalt  }
0x5d: {  	_ =	shalt  }
0x5e: {  	_ =	shalt  }
0x5f: {  	_ =	shalt  }
0x60: {  	_ =	shalt  }
0x61: {  	_ =	shalt  }
0x62: {  	_ =	shalt  }
0x63: {  	_ =	shalt  }
0x64: {  	_ =	shalt  }
0x65: {  	_ =	shalt  }
0x66: {  	_ =	shalt  }
0x67: {  	_ =	shalt  }
0x68: {  	_ =	shalt  }
0x69: {  	_ =	shalt  }
0x6a: {  	_ =	shalt  }
0x6b: {  	_ =	shalt  }
0x6c: {  	_ =	shalt  }
0x6d: {  	_ =	shalt  }
0x6e: {  	_ =	shalt  }
0x6f: {  	_ =	shalt  }
0x70: {  	_ =	shalt  }
0x71: {  	_ =	shalt  }
0x72: {  	_ =	shalt  }
0x73: {  	_ =	shalt  }
0x74: {  	_ =	shalt  }
0x75: {  	_ =	shalt  }
0x76: {  	_ =	shalt  }
0x77: {  	_ =	shalt  }
0x78: {  	_ =	shalt  }
0x79: {  	_ =	shalt  }
0x7a: {  	_ =	shalt  }
0x7b: {  	_ =	shalt  }
0x7c: {  	_ =	shalt  }
0x7d: {  	_ =	shalt  }
0x7e: {  	_ =	shalt  }
0x7f: {  	_ =	shalt  }
0x80: {  	_ =	shalt  }
0x81: {  	_ =	shalt  }
0x82: {  	_ =	shalt  }
0x83: {  	_ =	shalt  }
0x84: {  	_ =	shalt  }
0x85: {  	_ =	shalt  }
0x86: {  	_ =	shalt  }
0x87: {  	_ =	shalt  }
.Lfunc_end0:
.L_simem_size_0:
called_computation.3_lowered:
.L_overlay_start_0:
0x88: {  	s2 =	sld [smem:$0x3FD9]  }
0x89: {  	s3 =	sld [smem:$0x3FFE];
	_ =	sdelay $0x1  }
0x8a: {  	s1 =	srdreg.scid  }
0x8b: {  	s0 =	sand.u32 $0x1, s1  }
0x8c: {  	s16 =	sshll.u32 s0, $0xA;
	s2 =	sadd.s32 s3, s2  }
0x8d: {  	s2 =	sadd.s32 s2, s16  }
0x8e: {  	[smem:$0x3FC1] =	sst s2  }
0x8f: {  	_ = 	snop  }
0x90: {  	(tm) =	ssettm $0x1  }
0x91: {  	s17 =	sld [smem:$0x3FFB];
	_ =	sdelay $0x3  }
0x92: {  	_ =	strace s17  }
0x93: {  	s2 =	sld [smem:$0x3FFC];
	_ =	sdelay $0x3  }
0x94: {  	_ =	strace s2  }
0x95: {  	s2 =	sld [smem:$0x3FFD];
	_ =	sdelay $0x3  }
0x96: {  	_ =	strace s2  }
0x97: {  	_ =	strace $0x8FFFFFFF  }
0x98: {  	s18 =	sld [smem:$0x3FDB];
	_ =	sdelay $0x1  }
0x99: {  	s19 =	simm.s32 $_scs_section_size  }
0x9a: {  	s4 =	simm.s32 $_size__tile_overlayer_lowered;
	s5 =	simm.s32 $_tile_overlayer_lowered  }
0x9b: {  	s22 =	simm.s32 $0x1BFF;
	s21 =	sshll.u32 s5, $0x1;
	s2 =	sadd.s32 s19, s18  }
0x9c: {  	s6 =	simm.s32 $0x0;
	s20 =	sshll.u32 s4, $0x1;
	s4 =	sadd.s32 s21, s2  }
0x9d: {  	[timem:s6], [sflag:s22] =	dma.local [hbm:s4], s20  }
0x9e: {  	_ =	swait.ge [sflag:s22], s20  }
0x9f: {  	s3 =	ssub.s32 $0x0, s20;
	[sflag:s22] =	ssyncset.done $0x0  }
0xa0: {  	[sflag:s22] =	ssyncadd.s32 s3;
	_ =	sdelay $0x1  }
0xa1: {  	s23 =	simm.s32 $0x1B8B  }
0xa2: {  	_ =	swait.ge [sflag:s23], $0x1  }
0xa3: {  	[sflag:s23] =	ssyncset.done $0x0  }
0xa4: {  	s25 =	simm.s32 $0x1B8E;
	s24 =	sld [smem:$0x3FFE];
	[sflag:s23] =	ssyncadd.s32 $0xFFFFFFFF  }
0xa5: {  	s26 =	simm.s32 $execute0_lowered;
	[smem:$0x3FD2] =	sst s25  }
0xa6: {  	s4 =	sshll.u32 s26, $0x1;
	_ =	strace $0x8000004C;
	[dreg:$0x1] =	wrdreg $0xFFFFFFFF  }
0xa7: {  	s28 =	simm.s32 $_size_execute0_lowered;
	s2 =	sadd.s32 s2, s4;
	[dreg:$0x0] =	wrdreg $0x0  }
0xa8: {  	s4 =	sshll.u32 s28, $0x1;
	[dreg:$0x2] =	wrdreg s2  }
0xa9: {  	[dreg:$0x3] =	wrdreg s4  }
0xaa: {  	[dreg:$0x4] =	wrdreg $0xC0  }
0xab: {  	_ =	task [dreg:s6], $0x5FFFF  }
0xac: {  	[dreg:$0x1] =	wrdreg $0xFFFFFFFF  }
0xad: {  	[dreg:$0x0] =	wrdreg $0x60  }
0xae: {  	[dreg:$0x2] =	wrdreg s24  }
0xaf: {  	[dreg:$0x3] =	wrdreg $0x9  }
0xb0: {  	_ =	task.clear_ibuf [dreg:s6], $0x4FFFF;
	_ =	strace $0x9000004C  }
0xb1: {  	s29 =	simm.s32 $0x9;
	_ =	strace $0x8000004E  }
0xb2: {  	_ =	swait.ge [sflag:s29], $0x1  }
0xb3: {  	[sflag:s29] =	ssyncadd.s32 $0xFFFFFFFF  }
0xb4: {  	_ =	strace $0x9000004E  }
0xb5: {  	_ =	sfence  }
0xb6: {  	s30 =	sld [smem:$0x0];
	_ =	sdelay $0x2  }
0xb7: {  	s31 =	sshll.u32 s1, $0xD;
	s1 =	sshrl.u32 s1, $0x2  }
0xb8: {  	s3 =	sand.u32 $0x4000, s31;
	s1 =	sadd.s32 s1, s30  }
0xb9: {  	s0 =	sor.u32 s3, s0;
	s1 =	sshll.u32 s1, $0x11  }
0xba: {  	s0 =	sor.u32 s1, s0  }
0xbb: {  	s0 =	sadd.s32 $0x8F2B, s0  }
0xbc: {  	[sflag:s0] =	ssyncadd.remote.s32 $0x1  }
0xbd: {  	_ =	sfence.sel $0xFFFF  }
0xbe: {  	[dreg:$0x0] =	wrdreg $0xFFFFFFFF;
	(pc) =	sbr.abs _section_cstart, $3  }
0xbf: {  	[dreg:$0x1] =	wrdreg $0xFFFFFFFF  }
0xc0: {  	_ =	task.clear_ibuf [dreg:s6], $0x2FFFF;
	_ =	strace $0x9FFFFFFF  }
0xc1: {  	(tm) =	ssettm $0x7FFFFFFF  }
tec
execute0_lowered:
.L_overlay_start_1:
0x0: {  	(tag) =	ssettag $0x1  }
0x1: {  	s1 =	srdreg.scid  }
0x2: {  	s0 =	stileid.u32;
	s3 =	rddreg [dreg:$0x0];
	s2 =	simm.s32 $0x0  }
0x3: {  	s11 =	simm.s32 $0x1900;
	s12 =	simm.s32 $0x2580;
	s13 =	simm.s32 $0x3200  }
0x4: {  	s14 =	simm.s32 $0x1;
	s4 =	sand.u32 $0x1, s1;
	s5 =	sshll.u32 s0, $0x1  }
0x5: {  	s15 =	simm.s32 $0x3E80;
	s16 =	simm.s32 $0x2;
	s5 =	sor.u32 s4, s5  }
0x6: {  	s17 =	simm.s32 $0x0;
	s1 =	rddreg [dreg:$0x1];
	s5 =	smul.u32 $0xC80, s5  }
0x7: {  	[smem:$0x7FF] =	sst s2;
	s6 =	sadd.s32 $0xD3200, s3;
	s4 =	ssub.s32 $0x2, s4  }
0x8: {  	s7 =	sadd.s32 $0xD9600, s3;
	s8 =	sshrl.u32 s4, $0x1;
	s5 =	sshrl.u32 s5, $0x3  }
0x9: {  	_ =	strace $0x8000004D;
	s10 =	ssub.s32 s4, s8;
	s9 =	sadd.s32 s5, s3  }
0xa: {  	s31 =	sadd.s32 $0x3200, s5;
	s3 =	sadd.s32 s6, s5;
	s5 =	sadd.s32 s7, s5  }
0xb: {  	s4 =	sadd.s32 s6, s31;
	s6 =	sadd.s32 s7, s31;
	s7 =	sadd.s32 $0xDFA00, s9  }
0xc: {  	s8 =	sadd.s32 $0xC3800, s9;
	s9 =	smax.u32 s10, $0x1;
	s10 =	simm.s32 $0xC80  }
.LBB2_1:
0xd: {  	[tilespmem:s2], [sflag:$0x1] =	stream.linear.gather [hbm4b:s3+s2], $0xC80, $0x38;
	[tilespmem:$0x4B00] =	vst v63  }
0xe: {  	_ = 	snop  }
0xf: {  	[tilespmem:s10], [sflag:$0x1] =	stream.linear.gather [hbm4b:s4+s2], $0xC80, $0x38;
	[tilespmem:$0x4B00] =	vst v63  }
0x10: {  	_ = 	snop  }
0x11: {  	[tilespmem:s11], [sflag:$0x1] =	stream.linear.gather [hbm4b:s5+s2], $0xC80, $0x38;
	[tilespmem:$0x4B00] =	vst v63  }
0x12: {  	_ = 	snop  }
0x13: {  	[tilespmem:s12], [sflag:$0x1] =	stream.linear.gather [hbm4b:s6+s2], $0xC80, $0x38;
	[tilespmem:$0x4B00] =	vst v63  }
0x14: {  	_ = 	snop  }
0x15: {  	[tilespmem:s13], [sflag:$0x1] =	stream.linear.gather [hbm4b:s7+s2], $0xC80, $0x38;
	[tilespmem:$0x4B00] =	vst v63  }
0x16: {  	_ =	swait.ge [sflag:s14], $0xC80  }
0x17: {  	[sflag:s14] =	ssyncset.done $0x0  }
0x18: {  	[sflag:s14] =	ssyncadd.s32 $0xFFFFF380  }
0x19: {  	_ =	swait.ge [sflag:s14], $0xC80  }
0x1a: {  	[sflag:s14] =	ssyncset.done $0x0  }
0x1b: {  	[sflag:s14] =	ssyncadd.s32 $0xFFFFF380  }
0x1c: {  	_ =	swait.ge [sflag:s14], $0xC80  }
0x1d: {  	[sflag:s14] =	ssyncset.done $0x0  }
0x1e: {  	[sflag:s14] =	ssyncadd.s32 $0xFFFFF380  }
0x1f: {  	_ =	swait.ge [sflag:s14], $0xC80  }
0x20: {  	[sflag:s14] =	ssyncset.done $0x0  }
0x21: {  	[sflag:s14] =	ssyncadd.s32 $0xFFFFF380  }
0x22: {  	_ =	swait.ge [sflag:s14], $0xC80  }
0x23: {  	[sflag:s14] =	ssyncset.done $0x0  }
0x24: {  	s21 =	simm.s32 $0x0;
	[sflag:s14] =	ssyncadd.s32 $0xFFFFF380  }
0x25: {  	v0 =	vld [tilespmem:s21+$0x0]  }
0x26: {  	v1 =	vld [tilespmem:s21+$0xC80];
	_ =	sdelay $0x4  }
0x27: {  	s19 =	simm.s32 $0x10;
	v1 =	vadd.s32 v0, v1  }
0x28: {  	v2 =	vld [tilespmem:s19+$0x0];
	v0 =	vcvt.s32.f32 v1  }
0x29: {  	v3 =	vld [tilespmem:s19+$0xC80];
	vm0 =	vgt.s32 v1, $0x0  }
0x2a: {  	v4 =	vld [tilespmem:s21+$0x1900];
	v0 =	vnsel vm0, $0x3F800000, v0  }
0x2b: {  	s18 =	simm.s32 $0x20;
	v5 =	vld [tilespmem:s21+$0x2580];
	(erf) = vrcp.f32 v0  }
0x2c: {  	v6 =	vld [tilespmem:s18+$0x0]  }
0x2d: {  	v7 =	vld [tilespmem:s18+$0xC80];
	_ =	sdelay $0x1  }
0x2e: {  	v0 =	vadd.s32 v2, v3  }
0x2f: {  	v3 =	vadd.s32 v5, v4;
	v2 =	vcvt.s32.f32 v0  }
0x30: {  	vm0 =	vmmov vm0;
	vm1 =	vgt.s32 v0, $0x0;
	v3 =	vsub.s32 v1, v3  }
0x31: {  	v1 =	vadd.s32 v6, v7;
	v4 =	vcvt.s32.f32 v3;
	v2 =	vnsel vm1, $0x3F800000, v2  }
0x32: {  	v8 =	vld [tilespmem:s19+$0x1900];
	vm0 =	vmmov vm0;
	(erf) = vrcp.f32 v2;
	v2 =	vcvt.s32.f32 v1  }
0x33: {  	s20 =	simm.s32 $0x30;
	v9 =	vld [tilespmem:s19+$0x2580];
	vm2 =	vmmov vm0;
	vm0 =	vgt.s32 v1, $0x0;
	v6 =	vpop (erf)  }
0x34: {  	v5 =	vld [tilespmem:s20+$0xC80];
	v7 =	vmul.f32 v4, v6;
	v6 =	vnsel vm0, $0x3F800000, v2  }
0x35: {  	v3 =	vld [tilespmem:s20+$0x0];
	(erf) = vrcp.f32 v6  }
0x36: {  	vm1 =	vmmov vm1  }
0x37: {  	vm1 =	vmmov vm1;
	v4 =	vld [tilespmem:s21+$0x3200]  }
0x38: {  	s22 =	simm.s32 $0x100;
	vm0 =	vmmov vm0;
	v2 =	vld [tilespmem:s18+$0x1900];
	v6 =	vadd.s32 v9, v8;
	v7 =	vsub.f32 $1.000000000e+00, v7  }
.LBB2_2:
0x39: {  	s23 =	sshra.s32 s22, $0x2;
	v8 =	vld [tilespmem:s18+$0x2580];
	v6 =	vsub.s32 v0, v6;
	v0 =	vmov v1;
	p0 =	sne.s32 s22, $0x31C0  }
.Ltmp0:
0x3a: {  	s22 =	sadd.s32 $0x40, s22;
	v1 =	vadd.s32 v3, v5;
	v3 =	vld [tilespmem:s23+$0x0];
	v6 =	vcvt.s32.f32 v6;
	vm3 =	vgt.f32 v7, $8.999999760e-01;
	(pc) =	sbr.rel @p0 .LBB2_2-.Ltmp0, $4  }
0x3b: {  	v5 =	vld [tilespmem:s23+$0xC80];
	v7 =	vcvt.s32.f32 v1;
	v9 =	vpop (erf);
	vm3 =	vmand vm2, vm3;
	vm2 =	vmmov vm1  }
0x3c: {  	vm4 =	vgt.s32 v1, $0x0;
	v9 =	vmul.f32 v6, v9;
	v6 =	vsel vm3, $0x0, v4  }
0x3d: {  	vm1 =	vmmov vm0;
	vm0 =	vmmov vm4;
	v7 =	vnsel vm4, $0x3F800000, v7;
	v4 =	vld [tilespmem:s19+$0x3200];
	[tilespmem:s21+$0x3E80] =	vst v6;
	s21 =	smov.u32 s19;
	s19 =	smov.u32 s18;
	s18 =	smov.u32 s20  }
0x3e: {  	s20 =	smov.u32 s23;
	(erf) = vrcp.f32 v7;
	v6 =	vadd.s32 v8, v2;
	v2 =	vld [tilespmem:s18+$0x1900];
	v7 =	vsub.f32 $1.000000000e+00, v9  }
0x3f: {  	_ = 	snop  }
0x40: {  	v3 =	vadd.s32 v3, v5;
	vm3 =	vgt.f32 v7, $8.999999760e-01  }
0x41: {  	v53 =	vcvt.s32.f32 v3;
	vm2 =	vmand vm2, vm3  }
0x42: {  	v52 =	vld [tilespmem:s18+$0x2580];
	vm10 =	vgt.s32 v3, $0x0;
	v4 =	vsel vm2, $0x0, v4  }
0x43: {  	v8 =	vld [tilespmem:s19+$0x3200];
	v7 =	vnsel vm10, $0x3F800000, v53;
	[tilespmem:s21+$0x3E80] =	vst v4  }
0x44: {  	v0 =	vsub.s32 v0, v6;
	v4 =	vld [tilespmem:s20+$0x1900];
	(erf) = vrcp.f32 v7  }
0x45: {  	v0 =	vcvt.s32.f32 v0;
	v54 =	vld [tilespmem:s20+$0x2580]  }
0x46: {  	v55 =	vpop (erf)  }
0x47: {  	v0 =	vmul.f32 v0, v55;
	_ =	sdelay $0x1  }
0x48: {  	v2 =	vadd.s32 v52, v2;
	v0 =	vsub.f32 $1.000000000e+00, v0  }
0x49: {  	vm1 =	vmmov vm1;
	v1 =	vsub.s32 v1, v2;
	v56 =	vadd.s32 v54, v4  }
0x4a: {  	v1 =	vcvt.s32.f32 v1;
	vm11 =	vgt.f32 v0, $8.999999760e-01;
	v57 =	vsub.s32 v3, v56  }
0x4b: {  	v58 =	vpop (erf);
	vm1 =	vmand vm1, vm11;
	v0 =	vcvt.s32.f32 v57  }
0x4c: {  	v1 =	vmul.f32 v1, v58;
	v59 =	vsel vm1, $0x0, v8;
	v61 =	vpop (erf)  }
0x4d: {  	v60 =	vld [tilespmem:s18+$0x3200];
	[tilespmem:s19+$0x3E80] =	vst v59;
	v0 =	vmul.f32 v0, v61  }
0x4e: {  	v1 =	vsub.f32 $1.000000000e+00, v1;
	v2 =	vld [tilespmem:s20+$0x3200]  }
0x4f: {  	vm0 =	vmmov vm0;
	vm12 =	vmmov vm10;
	v0 =	vsub.f32 $1.000000000e+00, v0  }
0x50: {  	vm0 =	vmmov vm0;
	vm1 =	vmmov vm12;
	vm13 =	vgt.f32 v1, $8.999999760e-01  }
0x51: {  	vm1 =	vmmov vm1;
	vm0 =	vmand vm0, vm13;
	vm14 =	vgt.f32 v0, $8.999999760e-01  }
0x52: {  	s17 =	sadd.s32 $0x1, s17;
	v62 =	vsel vm0, $0x0, v60;
	vm15 =	vmand vm1, vm14  }
0x53: {  	p0 =	sne.s32 s17, s9;
	[tilespmem:s18+$0x3E80] =	vst v62;
	v63 =	vsel vm15, $0x0, v2  }
.Ltmp1:
0x54: {  	[tilespmem:s20+$0x3E80] =	vst v63;
	(pc) =	sbr.rel @p0 .LBB2_1-.Ltmp1, $4  }
0x55: {  	[hbm4b:s8+s2] =	stream.linear.scatter [tilespmem:s15], [sflag:$0x2], $0xC80, $0x38;
	[tilespmem:$0x4B00] =	vst v63  }
0x56: {  	_ =	swait.ge [sflag:s16], $0xC80  }
0x57: {  	[sflag:s16] =	ssyncset.done $0x0  }
0x58: {  	[sflag:s16] =	ssyncadd.s32 $0xFFFFF380  }
0x59: {  	_ =	sfence.sel $0x180000  }
0x5a: {  	[bflag:$0x0] =	sbarrier.arrive $0xFFFF  }
0x5b: {  	p0 =	sne.s32 s0, $0x0;
	_ =	strace $0x9000004D  }
0x5c: {  	s0 =	sadd.s32 @!p0 $0x100000, s1;
	[bflag:$0x2] =	sbarrier.arrive $0xFFFF  }
0x5d: {  	[sflag:s0] =	ssyncadd.tile.s32 @!p0 $0x1;
	_ =	shalt  }
.Lfunc_end2:
_tile_overlayer_lowered:
.L_overlay_start_2:
0x5e: {  	(tag) =	ssettag $0x2  }
0x5f: {  	s0 =	rddreg [dreg:$0x0];
	s2 =	stileid.u32  }
0x60: {  	s1 =	rddreg [dreg:$0x1];
	p0 =	sne.s32 s2, $0x0  }
0x61: {  	s3 =	rddreg [dreg:$0x2];
	[bflag:$0x3] =	sbarrier.arrive $0xFFFF;
	s2 =	simm.s32 @!p0 $0x1C02  }
0x62: {  	[timem:s3], [sflag:s2] =	dma.local @!p0 [hbm:s0], s1  }
0x63: {  	s0 =	simm.s32 @!p0 $0x2  }
0x64: {  	_ =	swait.ge @!p0 [sflag:s0], s1  }
0x65: {  	s1 =	ssub.s32 @!p0 $0x0, s1;
	[sflag:s0] =	ssyncset.done @!p0 $0x0  }
0x66: {  	[sflag:s0] =	ssyncadd.s32 @!p0 s1  }
0x67: {  	[bflag:$0x3] =	sbarrier.arrive $0xFFFF  }
0x68: {  	_ =	shalt  }

// kernel: scatter_offload_async_start.3
scs
__scs_entry_jumppad:
0x0: {  	(pc) =	sbr.rel $0x88, $3  }
0x1: {  	(tag) =	ssettag $0x0;
	lr =	simm.s32 $0x1  }
0x2: {  	[smem:$0x3F9A] =	sst lr;
	_ =	strace $0xD0000000  }
0x3: {  	_ = 	snop  }
0x4: {  	_ = 	snop  }
0x5: {  	_ = 	snop  }
0x6: {  	_ = 	snop  }
0x7: {  	_ = 	snop  }
__scs_overlays_trampoline_lowered:
0x8: {  	[smem:$0x3FA9] =	sst s0  }
0x9: {  	[smem:$0x3FAA] =	sst s1  }
0xa: {  	[smem:$0x3FAB] =	sst s2  }
0xb: {  	[smem:$0x3FAC] =	sst s3  }
0xc: {  	[smem:$0x3FAD] =	sst s4  }
0xd: {  	[smem:$0x3FAE] =	sst s5  }
0xe: {  	[smem:$0x3FAF] =	sst s6  }
0xf: {  	[smem:$0x3FB0] =	sst s7  }
0x10: {  	[smem:$0x3FB1] =	sst s8  }
0x11: {  	[smem:$0x3FB2] =	sst s9;
	s0 =	simm.s32 @!p0 $0x0  }
0x12: {  	s1 =	sld [smem:$0x3F98];
	s0 =	simm.s32 @p0 $0x1  }
0x13: {  	[smem:$0x3FB3] =	sst s0;
	s0 =	simm.s32 @!p1 $0x0  }
0x14: {  	s2 =	sld [smem:$0x3F97];
	s0 =	simm.s32 @p1 $0x1  }
0x15: {  	[smem:$0x3FB4] =	sst s0;
	s0 =	simm.s32 @!p2 $0x0  }
0x16: {  	s3 =	sld [smem:$0x3FDB];
	s0 =	simm.s32 @p2 $0x1  }
0x17: {  	s4 =	simm.s32 $0x1BF5;
	[smem:$0x3FB6] =	sst s0  }
0x18: {  	s0 =	sld [smem:$0x3F99];
	_ =	swait.ge [sflag:s4], $0x0  }
0x19: {  	s7 =	sld [smem:$0x3F9A]  }
0x1a: {  	s8 =	sadd.s32 $0xFFFFE003, lr  }
0x1b: {  	s9 =	sadd.s32 $0xFFFFFEF7, lr;
	s5 =	simm.s32 $0xFFFFFFFF;
	p2 =	slt.u32 s8, $0xFFFFF086  }
0x1c: {  	p1 =	slt.u32 s9, $0xF7A;
	s5 =	simm.s32 @!p2 $0x0  }
0x1d: {  	s5 =	simm.s32 @p1 $0x1;
	p0 =	seq.s32 s7, s2  }
0x1e: {  	s7 =	smul.u32 @!p0 $0xF7A, s2;
	p2 =	seq.s32 @!p0 s5, $0x0  }
0x1f: {  	s9 =	smul.u32 $0xF7A, s1;
	s8 =	simm.s32 @!p0 $0x1BF5;
	p2 =	por !p2, p0  }
0x20: {  	[sflag:s8] =	ssyncset.s32 @!p0 $0xFFFFF086;
	s6 =	sadd.s32 @!p0 s3, s7;
	s7 =	simm.s32 @!p0 $0x108  }
0x21: {  	s3 =	sadd.s32 s3, s9;
	s6 =	sadd.s32 @!p0 $0x88, s6;
	s7 =	simm.s32 @p2 $0x1082  }
0x22: {  	[simem:s7], [sflag:s8] =	dma.local @!p0 [hbm:s6], $0xF7A  }
0x23: {  	s9 =	sor.u32 $0xD0000000, s2;
	s6 =	simm.s32 $0x108;
	_ =	swait.ge @!p0 [sflag:s8], $0x0  }
0x24: {  	s3 =	sadd.s32 $0x88, s3;
	s6 =	simm.s32 @!p1 $0x1082;
	[sflag:s4] =	ssyncset.s32 $0xFFFFF086  }
0x25: {  	[simem:s6], [sflag:s4] =	dma.local [hbm:s3], $0xF7A  }
0x26: {  	[smem:$0x3F9A] =	sst s1;
	(tag) =	ssettag s2;
	_ =	strace s9  }
0x27: {  	s1 =	sld [smem:$0x3FAA]  }
0x28: {  	s2 =	sld [smem:$0x3FAB]  }
0x29: {  	s4 =	sld [smem:$0x3FAD]  }
0x2a: {  	p0 =	seq.s32 s5, $0x0;
	s5 =	sld [smem:$0x3FAE]  }
0x2b: {  	s6 =	sld [smem:$0x3FAF]  }
0x2c: {  	s7 =	sld [smem:$0x3FB0]  }
0x2d: {  	s3 =	simm.s32 $0x108;
	s8 =	sld [smem:$0x3FB1]  }
0x2e: {  	s3 =	simm.s32 @!p0 $0x1082;
	s9 =	sld [smem:$0x3FB2]  }
0x2f: {  	lr =	sadd.s32 s0, s3;
	s0 =	sld [smem:$0x3FA9]  }
0x30: {  	s3 =	sld [smem:$0x3FAC]  }
0x31: {  	[smem:$0x3FB5] =	sst s10  }
0x32: {  	s10 =	sld [smem:$0x3FB3];
	_ =	sdelay $0x3  }
0x33: {  	p0 =	seq.s32 s10, $0x1;
	s10 =	sld [smem:$0x3FB5];
	_ =	sdelay $0x3  }
0x34: {  	[smem:$0x3FB5] =	sst s10  }
0x35: {  	s10 =	sld [smem:$0x3FB4];
	_ =	sdelay $0x3  }
0x36: {  	p1 =	seq.s32 s10, $0x1;
	s10 =	sld [smem:$0x3FB5];
	_ =	sdelay $0x3  }
0x37: {  	[smem:$0x3FB5] =	sst s10  }
0x38: {  	s10 =	sld [smem:$0x3FB6]  }
0x39: {  	_ = 	snop;
	(pc) =	sbr.ind lr, $3  }
0x3a: {  	_ = 	snop  }
0x3b: {  	_ = 	snop  }
0x3c: {  	p2 =	seq.s32 s10, $0x1;
	s10 =	sld [smem:$0x3FB5]  }
0x3d: {  	_ =	shalt  }
0x3e: {  	_ =	shalt  }
0x3f: {  	_ =	shalt  }
0x40: {  	_ =	shalt  }
0x41: {  	_ =	shalt  }
0x42: {  	_ =	shalt  }
0x43: {  	_ =	shalt  }
0x44: {  	_ =	shalt  }
0x45: {  	_ =	shalt  }
0x46: {  	_ =	shalt  }
0x47: {  	_ =	shalt  }
0x48: {  	_ =	shalt  }
0x49: {  	_ =	shalt  }
0x4a: {  	_ =	shalt  }
0x4b: {  	_ =	shalt  }
0x4c: {  	_ =	shalt  }
0x4d: {  	_ =	shalt  }
0x4e: {  	_ =	shalt  }
0x4f: {  	_ =	shalt  }
0x50: {  	_ =	shalt  }
0x51: {  	_ =	shalt  }
0x52: {  	_ =	shalt  }
0x53: {  	_ =	shalt  }
0x54: {  	_ =	shalt  }
0x55: {  	_ =	shalt  }
0x56: {  	_ =	shalt  }
0x57: {  	_ =	shalt  }
0x58: {  	_ =	shalt  }
0x59: {  	_ =	shalt  }
0x5a: {  	_ =	shalt  }
0x5b: {  	_ =	shalt  }
0x5c: {  	_ =	shalt  }
0x5d: {  	_ =	shalt  }
0x5e: {  	_ =	shalt  }
0x5f: {  	_ =	shalt  }
0x60: {  	_ =	shalt  }
0x61: {  	_ =	shalt  }
0x62: {  	_ =	shalt  }
0x63: {  	_ =	shalt  }
0x64: {  	_ =	shalt  }
0x65: {  	_ =	shalt  }
0x66: {  	_ =	shalt  }
0x67: {  	_ =	shalt  }
0x68: {  	_ =	shalt  }
0x69: {  	_ =	shalt  }
0x6a: {  	_ =	shalt  }
0x6b: {  	_ =	shalt  }
0x6c: {  	_ =	shalt  }
0x6d: {  	_ =	shalt  }
0x6e: {  	_ =	shalt  }
0x6f: {  	_ =	shalt  }
0x70: {  	_ =	shalt  }
0x71: {  	_ =	shalt  }
0x72: {  	_ =	shalt  }
0x73: {  	_ =	shalt  }
0x74: {  	_ =	shalt  }
0x75: {  	_ =	shalt  }
0x76: {  	_ =	shalt  }
0x77: {  	_ =	shalt  }
0x78: {  	_ =	shalt  }
0x79: {  	_ =	shalt  }
0x7a: {  	_ =	shalt  }
0x7b: {  	_ =	shalt  }
0x7c: {  	_ =	shalt  }
0x7d: {  	_ =	shalt  }
0x7e: {  	_ =	shalt  }
0x7f: {  	_ =	shalt  }
0x80: {  	_ =	shalt  }
0x81: {  	_ =	shalt  }
0x82: {  	_ =	shalt  }
0x83: {  	_ =	shalt  }
0x84: {  	_ =	shalt  }
0x85: {  	_ =	shalt  }
0x86: {  	_ =	shalt  }
0x87: {  	_ =	shalt  }
.Lfunc_end0:
.L_simem_size_0:
called_computation.1_lowered:
.L_overlay_start_0:
0x88: {  	s0 =	sld [smem:$0x3FD9]  }
0x89: {  	s1 =	sld [smem:$0x3FFE];
	_ =	sdelay $0x3  }
0x8a: {  	s0 =	sadd.s32 s1, s0  }
0x8b: {  	[smem:$0x3FC1] =	sst s0  }
0x8c: {  	_ = 	snop  }
0x8d: {  	(tm) =	ssettm $0x1  }
0x8e: {  	s15 =	sld [smem:$0x3FFB];
	_ =	sdelay $0x3  }
0x8f: {  	_ =	strace s15  }
0x90: {  	s0 =	sld [smem:$0x3FFC];
	_ =	sdelay $0x3  }
0x91: {  	_ =	strace s0  }
0x92: {  	s0 =	sld [smem:$0x3FFD];
	_ =	sdelay $0x3  }
0x93: {  	_ =	strace s0  }
0x94: {  	_ =	strace $0x8FFFFFFF  }
0x95: {  	s16 =	sld [smem:$0x3FDB];
	_ =	sdelay $0x1  }
0x96: {  	s17 =	simm.s32 $_scs_section_size  }
0x97: {  	s2 =	simm.s32 $_size__tile_overlayer_lowered;
	s3 =	simm.s32 $_tile_overlayer_lowered  }
0x98: {  	s20 =	simm.s32 $0x1BFF;
	s19 =	sshll.u32 s3, $0x1;
	s0 =	sadd.s32 s17, s16  }
0x99: {  	s4 =	simm.s32 $0x0;
	s18 =	sshll.u32 s2, $0x1;
	s2 =	sadd.s32 s19, s0  }
0x9a: {  	[timem:s4], [sflag:s20] =	dma.local [hbm:s2], s18  }
0x9b: {  	_ =	swait.ge [sflag:s20], s18  }
0x9c: {  	s1 =	ssub.s32 $0x0, s18;
	[sflag:s20] =	ssyncset.done $0x0  }
0x9d: {  	[sflag:s20] =	ssyncadd.s32 s1;
	_ =	sdelay $0x1  }
0x9e: {  	s21 =	simm.s32 $0x1B8B  }
0x9f: {  	_ =	swait.ge [sflag:s21], $0x1  }
0xa0: {  	[sflag:s21] =	ssyncset.done $0x0  }
0xa1: {  	s23 =	simm.s32 $0x1B8E;
	s22 =	sld [smem:$0x3FFE];
	[sflag:s21] =	ssyncadd.s32 $0xFFFFFFFF  }
0xa2: {  	s24 =	simm.s32 $execute0_lowered;
	[smem:$0x3FD2] =	sst s23  }
0xa3: {  	s2 =	sshll.u32 s24, $0x1;
	_ =	strace $0x8000004F;
	[dreg:$0x1] =	wrdreg $0xFFFFFFFF  }
0xa4: {  	s25 =	simm.s32 $_size_execute0_lowered;
	s0 =	sadd.s32 s0, s2;
	[dreg:$0x0] =	wrdreg $0x0  }
0xa5: {  	s2 =	sshll.u32 s25, $0x1;
	[dreg:$0x2] =	wrdreg s0  }
0xa6: {  	[dreg:$0x3] =	wrdreg s2  }
0xa7: {  	[dreg:$0x4] =	wrdreg $0xC0  }
0xa8: {  	_ =	task [dreg:s4], $0x5FFFF  }
0xa9: {  	[dreg:$0x1] =	wrdreg $0xFFFFFFFF  }
0xaa: {  	[dreg:$0x0] =	wrdreg $0x60  }
0xab: {  	[dreg:$0x2] =	wrdreg s22  }
0xac: {  	[dreg:$0x3] =	wrdreg $0x9  }
0xad: {  	_ =	task.clear_ibuf [dreg:s4], $0x4FFFF;
	_ =	strace $0x9000004F  }
0xae: {  	s26 =	simm.s32 $0x9;
	_ =	strace $0x80000051  }
0xaf: {  	_ =	swait.ge [sflag:s26], $0x1  }
0xb0: {  	[sflag:s26] =	ssyncadd.s32 $0xFFFFFFFF  }
0xb1: {  	_ =	strace $0x90000051  }
0xb2: {  	_ =	sfence  }
0xb3: {  	s28 =	sld [smem:$0x0];
	_ =	sdelay $0x1  }
0xb4: {  	s29 =	srdreg.scid  }
0xb5: {  	s30 =	sshll.u32 s29, $0xD;
	s31 =	sshrl.u32 s29, $0x2  }
0xb6: {  	s1 =	sand.u32 $0x1, s29;
	s2 =	sand.u32 $0x4000, s30;
	s0 =	sadd.s32 s31, s28  }
0xb7: {  	s1 =	sor.u32 s2, s1;
	s0 =	sshll.u32 s0, $0x11  }
0xb8: {  	s0 =	sor.u32 s0, s1  }
0xb9: {  	s0 =	sadd.s32 $0x8F2B, s0  }
0xba: {  	[sflag:s0] =	ssyncadd.remote.s32 $0x1  }
0xbb: {  	_ =	sfence.sel $0xFFFF  }
0xbc: {  	[dreg:$0x0] =	wrdreg $0xFFFFFFFF;
	(pc) =	sbr.abs _section_cstart, $3  }
0xbd: {  	[dreg:$0x1] =	wrdreg $0xFFFFFFFF  }
0xbe: {  	_ =	task.clear_ibuf [dreg:s4], $0x2FFFF;
	_ =	strace $0x9FFFFFFF  }
0xbf: {  	(tm) =	ssettm $0x7FFFFFFF  }
tec
execute0_lowered:
.L_overlay_start_1:
0x0: {  	(tag) =	ssettag $0x1  }
0x1: {  	s5 =	rddreg [dreg:$0x0]  }
0x2: {  	s0 =	rddreg [dreg:$0x1];
	_ =	strace $0x80000050;
	s3 =	stileid.u32  }
0x3: {  	s2 =	simm.s32 $0x3E;
	s1 =	sadd.s32 $0x188200, s5;
	p0 =	sne.s32 s3, $0x0  }
0x4: {  	[sflag:s2] =	ssyncpa.u1 $0x0;
	s4 =	simm.s32 @!p0 $0x1C3E;
	s6 =	simm.s32 @!p0 $0x0  }
0x5: {  	[spmem:s6], [sflag:s4] =	dma.local @!p0 [hbm:s1], $0x3100  }
0x6: {  	s4 =	simm.s32 @!p0 $0x3E  }
0x7: {  	_ =	swait.ge @!p0 [sflag:s4], $0x3100  }
0x8: {  	s3 =	smul.u32 $0x30D40, s3;
	[sflag:s4] =	ssyncset.done @!p0 $0x0  }
.Ltmp0:
0x9: {  	s7 =	simm.s32 $0x2;
	[sflag:s4] =	ssyncadd.s32 @!p0 $0xFFFFCF00;
	(pc) =	sbr.rel .LBB2_1-.Ltmp0, $4  }
0xa: {  	s8 =	simm.s32 $0x0;
	s9 =	simm.s32 $0x0;
	[bflag:$0x0] =	sbarrier.arrive $0xFFFF  }
0xb: {  	s6 =	sadd.s32 $0x30D40, s3;
	[sflag:s2] =	ssyncpa.u1 $0x1;
	s2 =	simm.s32 $0x1  }
0xc: {  	s10 =	smov.u32 s3;
	s4 =	sadd.s32 $0xC4A00, s5;
	[sflag:s2] =	ssyncpa.u1 $0x0  }
0xd: {  	vm0 =	vmmov $0xffff;
	s5 =	sadd.s32 $0x126600, s5;
	(ifvalue) =	ssetifvalue $0x18800;
	[sflag:s7] =	ssyncpa.u1 $0x0  }
.LBB2_5:
0xe: {  	s9 =	sadd.s32 $0x1, s9  }
0xf: {  	p2 =	sne.s32 s9, $0x1A  }
.Ltmp1:
0x10: {  	_ = 	snop;
	(pc) =	sbr.rel @!p2 .LBB2_6-.Ltmp1, $4  }
0x11: {  	_ = 	snop  }
0x12: {  	s11 =	sadd.s32 $0x1F40, s10  }
0x13: {  	s10 =	smov.u32 s3;
	p1 =	slt.s32 s11, s6  }
0x14: {  	s10 =	smov.u32 @p1 s11  }
.LBB2_1:
0x15: {  	p1 =	seq.s32 s9, $0x19  }
0x16: {  	s11 =	sxor.u32 @!p1 $0xFFFFFFFF, s9  }
0x17: {  	s11 =	sand.u32 @!p1 $0x1, s11  }
0x18: {  	s11 =	smul.u32 @!p1 $0x1F40, s11  }
0x19: {  	s12 =	sshrl.u32 @!p1 s10, $0x3  }
0x1a: {  	s15 =	sand.u32 @!p1 $0x7, s10;
	s13 =	sadd.s32 @!p1 s4, s12;
	s14 =	sadd.s32 @!p1 $0x1880, s11  }
0x1b: {  	[tilespmem:s14], [sflag:$0x2] =	stream.linear.gather @!p1 [hbm4b:s13+s15], $0x1F40, $0x38;
	[tilespmem:$0x9580] =	vst v63  }
0x1c: {  	p2 =	seq.s32 @!p1 s9, $0x0;
	s12 =	sadd.s32 @!p1 s5, s12;
	s11 =	sadd.s32 @!p1 $0x5700, s11  }
0x1d: {  	[tilespmem:s11], [sflag:$0x2] =	stream.linear.gather @!p1 [hbm4b:s12+s15], $0x1F40, $0x38;
	[tilespmem:$0x9580] =	vst v63  }
0x1e: {  	p1 =	por p1, !p2  }
.Ltmp2:
0x1f: {  	_ = 	snop;
	(pc) =	sbr.rel @!p1 .LBB2_5-.Ltmp2, $1  }
0x20: {  	_ =	sdelay $0x3  }
0x21: {  	s11 =	sand.u32 $0x1, s9  }
0x22: {  	_ =	swait.ge [sflag:s7], $0x3E80;
	p1 =	seq.s32 s11, $0x1;
	s11 =	simm.s32 $0x1F40  }
0x23: {  	[sflag:s7] =	ssyncset.done $0x0;
	s11 =	simm.s32 @!p1 $0x0  }
0x24: {  	[sflag:s7] =	ssyncadd.s32 $0xFFFFC180;
	s13 =	sadd.s32 $0x1880, s11  }
0x25: {  	v0 =	vld.msk [tilespmem:s13+$0x0 ss:$0x1], $0xffff;
	_ =	sdelay $0x4  }
0x26: {  	v0 =	vmin.u32 v0, $0x18800;
	_ =	sdelay $0x3  }
0x27: {  	s12 =	simm.s32 $0x0;
	s11 =	sadd.s32 $0x5700, s11;
	s13 =	sadd.s32 $0x10, s13  }
0x28: {  	[spmem:s8] =	stream.indirect_vreg.scatter.add.s32 [tilespmem:s11], [sflag:$0x1], $0x1, v0, vm0, $0x4038;
	[tilespmem:$0x9580] =	vst v63  }
.LBB2_3:
0x29: {  	v0 =	vld.msk [tilespmem:s13+$0x0 ss:$0x1], $0xffff;
	s12 =	sadd.s32 $0x10, s12  }
0x2a: {  	p1 =	slt.u32 s12, $0x1F30;
	_ =	sdelay $0x4  }
0x2b: {  	v0 =	vmin.u32 v0, $0x18800  }
.Ltmp3:
0x2c: {  	(pc) =	sbr.rel @p1 .LBB2_3-.Ltmp3, $3  }
0x2d: {  	_ =	sdelay $0x1  }
0x2e: {  	s13 =	sadd.s32 $0x10, s13;
	s11 =	sadd.s32 $0x10, s11  }
0x2f: {  	[spmem:s8] =	stream.indirect_vreg.scatter.add.s32 [tilespmem:s11], [sflag:$0x1], $0x1, v0, vm0, $0x4038;
	[tilespmem:$0x9580] =	vst v63  }
.Ltmp4:
0x30: {  	(pc) =	sbr.rel .LBB2_5-.Ltmp4, $4  }
0x31: {  	_ = 	snop  }
0x32: {  	_ =	swait.ge [sflag:s2], $0x1F40  }
0x33: {  	[sflag:s2] =	ssyncset.done $0x0  }
0x34: {  	[sflag:s2] =	ssyncadd.s32 $0xFFFFE0C0  }
.LBB2_6:
0x35: {  	_ =	sfence.sel $0x180000  }
0x36: {  	s2 =	simm.s32 $0x2;
	[bflag:$0x0] =	sbarrier.arrive $0xFFFF  }
0x37: {  	s30 =	simm.s32 $0x1;
	[sflag:s2] =	ssyncpa.u1 $0x1  }
0x38: {  	[sflag:s30] =	ssyncpa.u1 $0x1  }
0x39: {  	_ =	sfence.stream.spmem  }
0x3a: {  	s31 =	simm.s32 $0x3D;
	[bflag:$0x0] =	sbarrier.arrive $0xFFFF  }
0x3b: {  	s2 =	simm.s32 @p0 $0x3D;
	[sflag:s31] =	ssyncpa.u1 $0x0  }
0x3c: {  	[sflag:s2] =	ssyncpa.u1 @p0 $0x1  }
0x3d: {  	[bflag:$0x0] =	sbarrier.arrive @p0 $0xFFFF  }
0x3e: {  	_ =	strace @p0 $0x90000050  }
0x3f: {  	s3 =	simm.s32 @!p0 $0x1C3D;
	s2 =	simm.s32 @!p0 $0x0;
	[bflag:$0x2] =	sbarrier.arrive @p0 $0xFFFF  }
0x40: {  	[hbm:s1], [sflag:s3] =	dma.local @!p0 [spmem:s2], $0x3100  }
0x41: {  	s1 =	simm.s32 @!p0 $0x3D  }
0x42: {  	_ =	swait.ge @!p0 [sflag:s1], $0x3100  }
0x43: {  	[sflag:s1] =	ssyncset.done @!p0 $0x0  }
0x44: {  	[sflag:s1] =	ssyncadd.s32 @!p0 $0xFFFFCF00  }
0x45: {  	[sflag:s1] =	ssyncpa.u1 @!p0 $0x1  }
0x46: {  	[bflag:$0x0] =	sbarrier.arrive @!p0 $0xFFFF  }
0x47: {  	_ =	strace @!p0 $0x90000050  }
0x48: {  	s0 =	sadd.s32 @!p0 $0x100000, s0;
	[bflag:$0x2] =	sbarrier.arrive @!p0 $0xFFFF  }
0x49: {  	[sflag:s0] =	ssyncadd.tile.s32 @!p0 $0x1;
	_ =	shalt  }
.Lfunc_end2:
_tile_overlayer_lowered:
.L_overlay_start_2:
0x4a: {  	(tag) =	ssettag $0x2  }
0x4b: {  	s0 =	rddreg [dreg:$0x0];
	s2 =	stileid.u32  }
0x4c: {  	s1 =	rddreg [dreg:$0x1];
	p0 =	sne.s32 s2, $0x0  }
0x4d: {  	s3 =	rddreg [dreg:$0x2];
	[bflag:$0x3] =	sbarrier.arrive $0xFFFF;
	s2 =	simm.s32 @!p0 $0x1C01  }
0x4e: {  	[timem:s3], [sflag:s2] =	dma.local @!p0 [hbm:s0], s1  }
0x4f: {  	s0 =	simm.s32 @!p0 $0x1  }
0x50: {  	_ =	swait.ge @!p0 [sflag:s0], s1  }
0x51: {  	s1 =	ssub.s32 @!p0 $0x0, s1;
	[sflag:s0] =	ssyncset.done @!p0 $0x0  }
0x52: {  	[sflag:s0] =	ssyncadd.s32 @!p0 s1  }
0x53: {  	[bflag:$0x3] =	sbarrier.arrive $0xFFFF  }
0x54: {  	_ =	shalt  }

// kernel: scatter_offload_async_start
scs
__scs_entry_jumppad:
0x0: {  	(pc) =	sbr.rel $0x88, $3  }
0x1: {  	(tag) =	ssettag $0x0;
	lr =	simm.s32 $0x1  }
0x2: {  	[smem:$0x3F9A] =	sst lr;
	_ =	strace $0xD0000000  }
0x3: {  	_ = 	snop  }
0x4: {  	_ = 	snop  }
0x5: {  	_ = 	snop  }
0x6: {  	_ = 	snop  }
0x7: {  	_ = 	snop  }
__scs_overlays_trampoline_lowered:
0x8: {  	[smem:$0x3FA9] =	sst s0  }
0x9: {  	[smem:$0x3FAA] =	sst s1  }
0xa: {  	[smem:$0x3FAB] =	sst s2  }
0xb: {  	[smem:$0x3FAC] =	sst s3  }
0xc: {  	[smem:$0x3FAD] =	sst s4  }
0xd: {  	[smem:$0x3FAE] =	sst s5  }
0xe: {  	[smem:$0x3FAF] =	sst s6  }
0xf: {  	[smem:$0x3FB0] =	sst s7  }
0x10: {  	[smem:$0x3FB1] =	sst s8  }
0x11: {  	[smem:$0x3FB2] =	sst s9;
	s0 =	simm.s32 @!p0 $0x0  }
0x12: {  	s1 =	sld [smem:$0x3F98];
	s0 =	simm.s32 @p0 $0x1  }
0x13: {  	[smem:$0x3FB3] =	sst s0;
	s0 =	simm.s32 @!p1 $0x0  }
0x14: {  	s2 =	sld [smem:$0x3F97];
	s0 =	simm.s32 @p1 $0x1  }
0x15: {  	[smem:$0x3FB4] =	sst s0;
	s0 =	simm.s32 @!p2 $0x0  }
0x16: {  	s3 =	sld [smem:$0x3FDB];
	s0 =	simm.s32 @p2 $0x1  }
0x17: {  	s4 =	simm.s32 $0x1BF5;
	[smem:$0x3FB6] =	sst s0  }
0x18: {  	s0 =	sld [smem:$0x3F99];
	_ =	swait.ge [sflag:s4], $0x0  }
0x19: {  	s7 =	sld [smem:$0x3F9A]  }
0x1a: {  	s8 =	sadd.s32 $0xFFFFE003, lr  }
0x1b: {  	s9 =	sadd.s32 $0xFFFFFEF7, lr;
	s5 =	simm.s32 $0xFFFFFFFF;
	p2 =	slt.u32 s8, $0xFFFFF086  }
0x1c: {  	p1 =	slt.u32 s9, $0xF7A;
	s5 =	simm.s32 @!p2 $0x0  }
0x1d: {  	s5 =	simm.s32 @p1 $0x1;
	p0 =	seq.s32 s7, s2  }
0x1e: {  	s7 =	smul.u32 @!p0 $0xF7A, s2;
	p2 =	seq.s32 @!p0 s5, $0x0  }
0x1f: {  	s9 =	smul.u32 $0xF7A, s1;
	s8 =	simm.s32 @!p0 $0x1BF5;
	p2 =	por !p2, p0  }
0x20: {  	[sflag:s8] =	ssyncset.s32 @!p0 $0xFFFFF086;
	s6 =	sadd.s32 @!p0 s3, s7;
	s7 =	simm.s32 @!p0 $0x108  }
0x21: {  	s3 =	sadd.s32 s3, s9;
	s6 =	sadd.s32 @!p0 $0x88, s6;
	s7 =	simm.s32 @p2 $0x1082  }
0x22: {  	[simem:s7], [sflag:s8] =	dma.local @!p0 [hbm:s6], $0xF7A  }
0x23: {  	s9 =	sor.u32 $0xD0000000, s2;
	s6 =	simm.s32 $0x108;
	_ =	swait.ge @!p0 [sflag:s8], $0x0  }
0x24: {  	s3 =	sadd.s32 $0x88, s3;
	s6 =	simm.s32 @!p1 $0x1082;
	[sflag:s4] =	ssyncset.s32 $0xFFFFF086  }
0x25: {  	[simem:s6], [sflag:s4] =	dma.local [hbm:s3], $0xF7A  }
0x26: {  	[smem:$0x3F9A] =	sst s1;
	(tag) =	ssettag s2;
	_ =	strace s9  }
0x27: {  	s1 =	sld [smem:$0x3FAA]  }
0x28: {  	s2 =	sld [smem:$0x3FAB]  }
0x29: {  	s4 =	sld [smem:$0x3FAD]  }
0x2a: {  	p0 =	seq.s32 s5, $0x0;
	s5 =	sld [smem:$0x3FAE]  }
0x2b: {  	s6 =	sld [smem:$0x3FAF]  }
0x2c: {  	s7 =	sld [smem:$0x3FB0]  }
0x2d: {  	s3 =	simm.s32 $0x108;
	s8 =	sld [smem:$0x3FB1]  }
0x2e: {  	s3 =	simm.s32 @!p0 $0x1082;
	s9 =	sld [smem:$0x3FB2]  }
0x2f: {  	lr =	sadd.s32 s0, s3;
	s0 =	sld [smem:$0x3FA9]  }
0x30: {  	s3 =	sld [smem:$0x3FAC]  }
0x31: {  	[smem:$0x3FB5] =	sst s10  }
0x32: {  	s10 =	sld [smem:$0x3FB3];
	_ =	sdelay $0x3  }
0x33: {  	p0 =	seq.s32 s10, $0x1;
	s10 =	sld [smem:$0x3FB5];
	_ =	sdelay $0x3  }
0x34: {  	[smem:$0x3FB5] =	sst s10  }
0x35: {  	s10 =	sld [smem:$0x3FB4];
	_ =	sdelay $0x3  }
0x36: {  	p1 =	seq.s32 s10, $0x1;
	s10 =	sld [smem:$0x3FB5];
	_ =	sdelay $0x3  }
0x37: {  	[smem:$0x3FB5] =	sst s10  }
0x38: {  	s10 =	sld [smem:$0x3FB6]  }
0x39: {  	_ = 	snop;
	(pc) =	sbr.ind lr, $3  }
0x3a: {  	_ = 	snop  }
0x3b: {  	_ = 	snop  }
0x3c: {  	p2 =	seq.s32 s10, $0x1;
	s10 =	sld [smem:$0x3FB5]  }
0x3d: {  	_ =	shalt  }
0x3e: {  	_ =	shalt  }
0x3f: {  	_ =	shalt  }
0x40: {  	_ =	shalt  }
0x41: {  	_ =	shalt  }
0x42: {  	_ =	shalt  }
0x43: {  	_ =	shalt  }
0x44: {  	_ =	shalt  }
0x45: {  	_ =	shalt  }
0x46: {  	_ =	shalt  }
0x47: {  	_ =	shalt  }
0x48: {  	_ =	shalt  }
0x49: {  	_ =	shalt  }
0x4a: {  	_ =	shalt  }
0x4b: {  	_ =	shalt  }
0x4c: {  	_ =	shalt  }
0x4d: {  	_ =	shalt  }
0x4e: {  	_ =	shalt  }
0x4f: {  	_ =	shalt  }
0x50: {  	_ =	shalt  }
0x51: {  	_ =	shalt  }
0x52: {  	_ =	shalt  }
0x53: {  	_ =	shalt  }
0x54: {  	_ =	shalt  }
0x55: {  	_ =	shalt  }
0x56: {  	_ =	shalt  }
0x57: {  	_ =	shalt  }
0x58: {  	_ =	shalt  }
0x59: {  	_ =	shalt  }
0x5a: {  	_ =	shalt  }
0x5b: {  	_ =	shalt  }
0x5c: {  	_ =	shalt  }
0x5d: {  	_ =	shalt  }
0x5e: {  	_ =	shalt  }
0x5f: {  	_ =	shalt  }
0x60: {  	_ =	shalt  }
0x61: {  	_ =	shalt  }
0x62: {  	_ =	shalt  }
0x63: {  	_ =	shalt  }
0x64: {  	_ =	shalt  }
0x65: {  	_ =	shalt  }
0x66: {  	_ =	shalt  }
0x67: {  	_ =	shalt  }
0x68: {  	_ =	shalt  }
0x69: {  	_ =	shalt  }
0x6a: {  	_ =	shalt  }
0x6b: {  	_ =	shalt  }
0x6c: {  	_ =	shalt  }
0x6d: {  	_ =	shalt  }
0x6e: {  	_ =	shalt  }
0x6f: {  	_ =	shalt  }
0x70: {  	_ =	shalt  }
0x71: {  	_ =	shalt  }
0x72: {  	_ =	shalt  }
0x73: {  	_ =	shalt  }
0x74: {  	_ =	shalt  }
0x75: {  	_ =	shalt  }
0x76: {  	_ =	shalt  }
0x77: {  	_ =	shalt  }
0x78: {  	_ =	shalt  }
0x79: {  	_ =	shalt  }
0x7a: {  	_ =	shalt  }
0x7b: {  	_ =	shalt  }
0x7c: {  	_ =	shalt  }
0x7d: {  	_ =	shalt  }
0x7e: {  	_ =	shalt  }
0x7f: {  	_ =	shalt  }
0x80: {  	_ =	shalt  }
0x81: {  	_ =	shalt  }
0x82: {  	_ =	shalt  }
0x83: {  	_ =	shalt  }
0x84: {  	_ =	shalt  }
0x85: {  	_ =	shalt  }
0x86: {  	_ =	shalt  }
0x87: {  	_ =	shalt  }
.Lfunc_end0:
.L_simem_size_0:
called_computation_lowered:
.L_overlay_start_0:
0x88: {  	s0 =	sld [smem:$0x3FD9]  }
0x89: {  	s1 =	sld [smem:$0x3FFE];
	_ =	sdelay $0x3  }
0x8a: {  	s0 =	sadd.s32 s1, s0  }
0x8b: {  	[smem:$0x3FC1] =	sst s0  }
0x8c: {  	_ = 	snop  }
0x8d: {  	(tm) =	ssettm $0x1  }
0x8e: {  	s15 =	sld [smem:$0x3FFB];
	_ =	sdelay $0x3  }
0x8f: {  	_ =	strace s15  }
0x90: {  	s0 =	sld [smem:$0x3FFC];
	_ =	sdelay $0x3  }
0x91: {  	_ =	strace s0  }
0x92: {  	s0 =	sld [smem:$0x3FFD];
	_ =	sdelay $0x3  }
0x93: {  	_ =	strace s0  }
0x94: {  	_ =	strace $0x8FFFFFFF  }
0x95: {  	s16 =	sld [smem:$0x3FDB];
	_ =	sdelay $0x1  }
0x96: {  	s17 =	simm.s32 $_scs_section_size  }
0x97: {  	s2 =	simm.s32 $_size__tile_overlayer_lowered;
	s3 =	simm.s32 $_tile_overlayer_lowered  }
0x98: {  	s20 =	simm.s32 $0x1BFF;
	s19 =	sshll.u32 s3, $0x1;
	s0 =	sadd.s32 s17, s16  }
0x99: {  	s4 =	simm.s32 $0x0;
	s18 =	sshll.u32 s2, $0x1;
	s2 =	sadd.s32 s19, s0  }
0x9a: {  	[timem:s4], [sflag:s20] =	dma.local [hbm:s2], s18  }
0x9b: {  	_ =	swait.ge [sflag:s20], s18  }
0x9c: {  	s1 =	ssub.s32 $0x0, s18;
	[sflag:s20] =	ssyncset.done $0x0  }
0x9d: {  	[sflag:s20] =	ssyncadd.s32 s1;
	_ =	sdelay $0x1  }
0x9e: {  	s21 =	simm.s32 $0x1B8B  }
0x9f: {  	_ =	swait.ge [sflag:s21], $0x1  }
0xa0: {  	[sflag:s21] =	ssyncset.done $0x0  }
0xa1: {  	s23 =	simm.s32 $0x1B8E;
	s22 =	sld [smem:$0x3FFE];
	[sflag:s21] =	ssyncadd.s32 $0xFFFFFFFF  }
0xa2: {  	s24 =	simm.s32 $execute0_lowered;
	[smem:$0x3FD2] =	sst s23  }
0xa3: {  	s2 =	sshll.u32 s24, $0x1;
	_ =	strace $0x80000046;
	[dreg:$0x1] =	wrdreg $0xFFFFFFFF  }
0xa4: {  	s25 =	simm.s32 $_size_execute0_lowered;
	s0 =	sadd.s32 s0, s2;
	[dreg:$0x0] =	wrdreg $0x0  }
0xa5: {  	s2 =	sshll.u32 s25, $0x1;
	[dreg:$0x2] =	wrdreg s0  }
0xa6: {  	[dreg:$0x3] =	wrdreg s2  }
0xa7: {  	[dreg:$0x4] =	wrdreg $0xC0  }
0xa8: {  	_ =	task [dreg:s4], $0x5FFFF  }
0xa9: {  	[dreg:$0x1] =	wrdreg $0xFFFFFFFF  }
0xaa: {  	[dreg:$0x0] =	wrdreg $0x60  }
0xab: {  	[dreg:$0x2] =	wrdreg s22  }
0xac: {  	[dreg:$0x3] =	wrdreg $0x9  }
0xad: {  	_ =	task.clear_ibuf [dreg:s4], $0x4FFFF;
	_ =	strace $0x90000046  }
0xae: {  	s26 =	simm.s32 $0x9;
	_ =	strace $0x80000048  }
0xaf: {  	_ =	swait.ge [sflag:s26], $0x1  }
0xb0: {  	[sflag:s26] =	ssyncadd.s32 $0xFFFFFFFF  }
0xb1: {  	_ =	strace $0x90000048  }
0xb2: {  	_ =	sfence  }
0xb3: {  	s28 =	sld [smem:$0x0];
	_ =	sdelay $0x1  }
0xb4: {  	s29 =	srdreg.scid  }
0xb5: {  	s30 =	sshll.u32 s29, $0xD;
	s31 =	sshrl.u32 s29, $0x2  }
0xb6: {  	s1 =	sand.u32 $0x1, s29;
	s2 =	sand.u32 $0x4000, s30;
	s0 =	sadd.s32 s31, s28  }
0xb7: {  	s1 =	sor.u32 s2, s1;
	s0 =	sshll.u32 s0, $0x11  }
0xb8: {  	s0 =	sor.u32 s0, s1  }
0xb9: {  	s0 =	sadd.s32 $0x8F2B, s0  }
0xba: {  	[sflag:s0] =	ssyncadd.remote.s32 $0x1  }
0xbb: {  	_ =	sfence.sel $0xFFFF  }
0xbc: {  	[dreg:$0x0] =	wrdreg $0xFFFFFFFF;
	(pc) =	sbr.abs _section_cstart, $3  }
0xbd: {  	[dreg:$0x1] =	wrdreg $0xFFFFFFFF  }
0xbe: {  	_ =	task.clear_ibuf [dreg:s4], $0x2FFFF;
	_ =	strace $0x9FFFFFFF  }
0xbf: {  	(tm) =	ssettm $0x7FFFFFFF  }
tec
execute0_lowered:
.L_overlay_start_1:
0x0: {  	(tag) =	ssettag $0x1  }
0x1: {  	s8 =	rddreg [dreg:$0x0]  }
0x2: {  	s0 =	rddreg [dreg:$0x1];
	_ =	strace $0x80000047;
	s2 =	simm.s32 $0x1  }
0x3: {  	v1 =	vimm.s32 $0xFFFFFFFF;
	[sflag:s2] =	ssyncpa.u1 $0x0  }
0x4: {  	[tilespmem:$0x10] =	vst v1  }
0x5: {  	v0 =	vimm.f32 $0.0e+00;
	[tilespmem:$0x20] =	vst v1  }
0x6: {  	[tilespmem:$0x30] =	vst v0  }
0x7: {  	[tilespmem:$0x40] =	vst v0  }
0x8: {  	[tilespmem:$0x50] =	vst v0  }
0x9: {  	s3 =	simm.s32 $0x2;
	s5 =	simm.s32 $0x7;
	[tilespmem:$0x60] =	vst v1  }
0xa: {  	s7 =	simm.s32 $0x8;
	s10 =	simm.s32 $0x9;
	s14 =	simm.s32 $0x0;
	[tilespmem:$0x70] =	vst v1  }
0xb: {  	s15 =	simm.s32 $0xFF;
	p0 =	por $0x0, $0x0;
	s16 =	simm.s32 $0xFFFFC280;
	[tilespmem:$0x80] =	vst v1  }
0xc: {  	s17 =	simm.s32 $0xFFFFFFFE;
	s18 =	simm.s32 $0xF;
	s19 =	simm.s32 $0x30;
	v1 =	vimm.s32 $0x0;
	[tilespmem:$0xB0] =	vst v0  }
0xd: {  	s22 =	simm.s32 $0x0;
	s20 =	simm.s32 $0x0;
	s1 =	sadd.s32 $0xC3800, s8;
	[tilespmem:$0x90] =	vst v1  }
.Ltmp0:
0xe: {  	[tilespmem:$0xA0] =	vst v1;
	[sflag:s3] =	ssyncpa.u1 $0x0;
	s3 =	stileid.u32;
	(pc) =	sbr.rel .LBB2_1-.Ltmp0, $4  }
0xf: {  	s4 =	sadd.s32 $0x128800, s8;
	s6 =	smul.u32 $0x30D40, s3;
	[sflag:s5] =	ssyncpa.u1 $0x0  }
0x10: {  	s8 =	sadd.s32 $0xC6C00, s8;
	s12 =	sshllo.u32 s3, $0x1;
	[sflag:s7] =	ssyncpa.u1 $0x0  }
0x11: {  	vm0 =	vmmov $0xffff;
	v2 =	vlaneseq.u32;
	s9 =	sadd.s32 $0x30D40, s6;
	[sflag:s10] =	ssyncpa.u1 $0x0;
	s10 =	sshll.u32 s3, $0x1  }
0x12: {  	vm1 =	vmxor vm1, vm1;
	vm2 =	vmmov $0x1;
	vm3 =	vcmask $0x3F3C;
	s21 =	smov.u32 s6;
	s11 =	sor.u32 $0x81, s10;
	s13 =	sor.u32 $0x80, s10  }
.LBB2_10:
0x13: {  	p1 =	slt.u32 s20, $0x3  }
0x14: {  	s22 =	simm.s32 @!p1 $0x2  }
0x15: {  	_ =	swait.ge @!p1 [sflag:s22], $0x1F40  }
0x16: {  	[sflag:s22] =	ssyncset.done @!p1 $0x0  }
0x17: {  	[sflag:s22] =	ssyncadd.s32 @!p1 $0xFFFFE0C0;
	s22 =	simm.s32 @!p1 $0x9  }
0x18: {  	_ =	swait.ge @!p1 [sflag:s22], $0x10  }
0x19: {  	s23 =	sadd.s32 $0x1F40, s21;
	s24 =	smov.u32 s6;
	[sflag:s22] =	ssyncset.done @!p1 $0x0  }
0x1a: {  	s20 =	sadd.s32 $0x1, s20;
	[sflag:s22] =	ssyncadd.s32 @!p1 $0xFFFFFFF0;
	p1 =	slt.s32 s23, s9  }
0x1b: {  	s24 =	smov.u32 @p1 s23;
	p1 =	sne.s32 s20, $0x1C  }
.Ltmp1:
0x1c: {  	_ = 	snop;
	(pc) =	sbr.rel @!p1 .LBB2_11-.Ltmp1, $3  }
0x1d: {  	_ =	sdelay $0x1  }
0x1e: {  	s15 =	sadd.s32 $0x1, s15;
	p0 =	por !p0, !p0;
	s16 =	sadd.s32 $0x1F40, s16  }
0x1f: {  	s17 =	sadd.s32 $0x1, s17;
	s22 =	smov.u32 s21;
	s21 =	smov.u32 s24  }
.LBB2_1:
0x20: {  	p1 =	sgt.u32 s20, $0x18  }
0x21: {  	s23 =	smul.u32 @!p1 $0xAB, s20;
	_ =	sdelay $0x1  }
0x22: {  	s23 =	sshrl.u32 @!p1 s23, $0x9  }
0x23: {  	s23 =	sand.u32 @!p1 $0x7F, s23  }
0x24: {  	s23 =	smul.u32 @!p1 $0x3, s23;
	_ =	sdelay $0x1  }
0x25: {  	s23 =	ssub.s32 @!p1 s20, s23  }
0x26: {  	s23 =	sand.u32 @!p1 $0xFF, s23  }
0x27: {  	s23 =	smul.u32 @!p1 $0x7D00, s23;
	_ =	sdelay $0x1  }
0x28: {  	s24 =	sshrl.u32 @!p1 s21, $0x3;
	s23 =	sshrl.u32 @!p1 s23, $0x2  }
0x29: {  	s25 =	sand.u32 @!p1 $0x7, s21;
	s24 =	sadd.s32 @!p1 s4, s24;
	s23 =	sadd.s32 @!p1 $0x100, s23  }
0x2a: {  	[tilespmem:s23], [sflag:$0x7] =	stream.linear.gather @!p1 [hbm4b:s24+s25], $0x1F40, $0x38;
	[tilespmem:$0x11A60] =	vst v63  }
0x2b: {  	s23 =	sadd.s32 $0xFFFFFFFF, s20  }
0x2c: {  	p1 =	sgt.u32 s23, $0x18  }
.Ltmp2:
0x2d: {  	_ = 	snop;
	(pc) =	sbr.rel @p1 .LBB2_5-.Ltmp2, $1  }
0x2e: {  	_ =	sdelay $0x3  }
0x2f: {  	s24 =	smul.u32 $0xAB, s23;
	_ =	sdelay $0x1  }
0x30: {  	s24 =	sshrl.u32 s24, $0x9  }
0x31: {  	s24 =	sand.u32 $0x7F, s24  }
0x32: {  	s24 =	smul.u32 $0x3, s24;
	_ =	sdelay $0x1  }
0x33: {  	s24 =	ssub.s32 s23, s24  }
0x34: {  	s24 =	sand.u32 $0xFF, s24  }
0x35: {  	s24 =	smul.u32 $0x7D00, s24  }
0x36: {  	_ =	swait.ge [sflag:s5], $0x1F40  }
0x37: {  	[sflag:s5] =	ssyncset.done $0x0;
	s24 =	sshrl.u32 s24, $0x2  }
0x38: {  	[sflag:s5] =	ssyncadd.s32 $0xFFFFE0C0;
	(ifvalue) =	ssetifvalue $0xFFFFFFFF;
	v3 =	vld.msk [tilespmem:s24+$0x100 ss:$0x1], $0xffff  }
0x39: {  	s29 =	sand.u32 $0xFF, s15  }
0x3a: {  	s25 =	smulhi.u32 $0x55555556, s29  }
0x3b: {  	p1 =	sne.s32 s20, $0x1  }
0x3c: {  	v4 =	vimm.s32 @!p1 $0x0;
	s25 =	smul.u32 $0x17700, s25  }
0x3d: {  	s24 =	smul.u32 $0x7D00, s29;
	v4 =	vperm.xlane @!p1 v3, v4  }
0x3e: {  	s26 =	sshll.u32 s20, $0x4;
	vm4 =	vlt.u32 v3, $0x18800  }
0x3f: {  	s30 =	sand.u32 $0x10, s26;
	s24 =	ssub.s32 s24, s25;
	v3 =	vnsel vm4, $0xFFFFFFFE, v3;
	vm4 =	vlt.u32 @!p1 v4, $0x18800  }
0x40: {  	s24 =	sshra.s32 s24, $0x2;
	[tilespmem:s30+$0x60] =	vst v3;
	v3 =	vnsel @!p1 vm4, $0xFFFFFFFE, v4  }
0x41: {  	s28 =	sadd.s32 $0x2030, s24;
	[tilespmem:$0x80] =	vst @!p1 v3  }
0x42: {  	v3 =	vld.msk [tilespmem:s28+$0x0 ss:$0x1], $0xffff;
	_ =	sdelay $0x4  }
0x43: {  	(xrf1) =	vunique.msk.u32 $0xffff, v3;
	_ =	sdelay $0xd  }
0x44: {  	v4 =	vimm.s32 $0xFFFFFFFF;
	v5, _, _ =	vpop (xrf1)  }
0x45: {  	vm5 =	vne.s32 v3, v4;
	vm4 =	veq.s32 v5, v2  }
0x46: {  	vm6 =	vlt.u32 v3, $0x18800;
	vm4 =	vmand vm5, vm4  }
0x47: {  	vm4 =	vmand vm6, vm4  }
0x48: {  	v4 =	vnsel vm4, $0xFFFFFFFF, v3  }
0x49: {  	s31 =	sand.u32 $0x1, s23  }
0x4a: {  	s23 =	simm.s32 $0x1F40;
	p1 =	seq.s32 s31, $0x1  }
0x4b: {  	s23 =	simm.s32 @!p1 $0x0  }
0x4c: {  	s24 =	sadd.s32 $0x7DF0, s23;
	(ifvalue) =	ssetifvalue $0xFFFFFFFF  }
0x4d: {  	v3 =	vperm.xlane v3, v1;
	[tilespmem:s24], [sflag:$0x8] =	stream.indirect_vreg.gather [hbm4b:s1+s14], $0x1, v4, vm0, $0x4038;
	v4 =	vnsel vm6, $0xFFFFFFFE, v4;
	[tilespmem:$0x11A60] =	vst v63  }
0x4e: {  	s25 =	simm.s32 $0x0;
	s26 =	sadd.s32 $0xFFFFFFF0, s28;
	[tilespmem:s28+$0x0] =	vst v4  }
.LBB2_3:
0x4f: {  	v4 =	vld.msk [tilespmem:s26+$0x0 ss:$0x1], $0xffff;
	s25 =	sadd.s32 $0x10, s25;
	v5 =	vmov v3;
	s28 =	smov.u32 s26  }
0x50: {  	p1 =	slt.u32 s25, $0x1F30;
	_ =	sdelay $0x4  }
0x51: {  	v3 =	vperm.xlane v4, v1;
	(xrf1) =	vunique.msk.u32 $0xffff, v4;
	_ =	sdelay $0xd  }
0x52: {  	v6, _, _ =	vpop (xrf1)  }
0x53: {  	vm5 =	vne.s32 v4, v5;
	vm4 =	veq.s32 v6, v2  }
0x54: {  	vm6 =	vlt.u32 v4, $0x18800;
	vm4 =	vmand vm5, vm4  }
0x55: {  	vm4 =	vmand vm6, vm4  }
0x56: {  	v4 =	vnsel vm4, $0xFFFFFFFF, v4  }
.Ltmp3:
0x57: {  	v5 =	vnsel vm6, $0xFFFFFFFE, v4;
	(pc) =	sbr.rel @p1 .LBB2_3-.Ltmp3, $3  }
0x58: {  	_ =	sdelay $0x1  }
0x59: {  	s26 =	sadd.s32 $0xFFFFFFF0, s26;
	s24 =	sadd.s32 $0xFFFFFFF0, s24;
	(ifvalue) =	ssetifvalue $0xFFFFFFFF  }
0x5a: {  	[tilespmem:s24], [sflag:$0x8] =	stream.indirect_vreg.gather [hbm4b:s1+s14], $0x1, v4, vm0, $0x4038;
	[tilespmem:s28+$0x0] =	vst v5  }
0x5b: {  	s22 =	sshrl.u32 s22, $0x3  }
0x5c: {  	s23 =	sadd.s32 $0x9D40, s23;
	s22 =	sadd.s32 s8, s22  }
0x5d: {  	[tilespmem:s23], [sflag:$0x8] =	stream.linear.gather [hbm:s22], $0x1F40, $0x38;
	[tilespmem:$0x11A60] =	vst v63  }
.LBB2_5:
0x5e: {  	p1 =	sgt.u32 s20, $0x1B  }
.Ltmp4:
0x5f: {  	_ = 	snop;
	(pc) =	sbr.rel @p1 .LBB2_7-.Ltmp4, $1  }
0x60: {  	_ =	sdelay $0x3  }
0x61: {  	s22 =	sshll.u32 s2, s20  }
0x62: {  	s22 =	sand.u32 $0x8000003, s22  }
0x63: {  	p1 =	sne.s32 s22, $0x0  }
.Ltmp5:
0x64: {  	_ = 	snop;
	(pc) =	sbr.rel @p1 .LBB2_10-.Ltmp5, $1  }
0x65: {  	_ =	sdelay $0x3  }
.LBB2_7:
0x66: {  	s22 =	sadd.s32 $0xFFFFFFFE, s20  }
0x67: {  	s23 =	smulhi.u32 $0xAAAAAAAB, s22;
	_ =	sdelay $0x1  }
0x68: {  	s23 =	sshrl.u32 s23, $0x1  }
0x69: {  	s23 =	smul.u32 $0x3, s23;
	_ =	sdelay $0x1  }
0x6a: {  	s22 =	ssub.s32 s22, s23  }
0x6b: {  	_ =	swait.ge [sflag:s7], $0x3E80;
	s26 =	smul.u32 $0x1F40, s22  }
0x6c: {  	p1 =	sne.s32 s20, $0x1A;
	[sflag:s7] =	ssyncset.done $0x0  }
0x6d: {  	[sflag:s7] =	ssyncadd.s32 $0xFFFFC180;
	s22 =	sadd.s32 @!p1 $0x203F, s26  }
0x6e: {  	[spmem:s11] =	stream.linear.scatter @!p1 [tilespmem:s22], [sflag:$0x1], $0x1, $0x38;
	[tilespmem:$0x11A60] =	vst v63  }
0x6f: {  	s22 =	simm.s32 @!p1 $0x1  }
0x70: {  	_ =	swait.ge @!p1 [sflag:s22], $0x1  }
0x71: {  	s25 =	sshll.u32 s20, $0x4;
	[sflag:s22] =	ssyncset.done @!p1 $0x0  }
0x72: {  	[sflag:s22] =	ssyncadd.s32 @!p1 $0xFFFFFFFF;
	s22 =	sand.u32 $0x10, s25  }
0x73: {  	v4 =	vld [tilespmem:s22+$0x10];
	s28 =	sxor.u32 $0x10, s22  }
0x74: {  	v5 =	vld [tilespmem:s28+$0x60]  }
0x75: {  	v3 =	vld [tilespmem:$0x80];
	_ =	sdelay $0x2  }
0x76: {  	(v2sf) =	vpush v4, $0x0  }
0x77: {  	(v2sf) =	vpush v5, $0x0  }
0x78: {  	(v2sf) =	vpush v3, $0x0;
	_ =	sdelay $0xc  }
0x79: {  	s23 =	spop (v2sf)  }
0x7a: {  	s25 =	spop (v2sf)  }
0x7b: {  	s24 =	spop (v2sf)  }
0x7c: {  	p2 =	seq.s32 s23, s25;
	p3 =	seq.s32 s24, s23  }
0x7d: {  	p3 =	por p2, p3  }
0x7e: {  	s23 =	sand.u32 $0x1, s20;
	v4 =	vpsel p3, $0xFFFFFFFF, v4  }
0x7f: {  	s25 =	smul.u32 $0x1F40, s23;
	[tilespmem:s22+$0x10] =	vst.msk $0x1, v4  }
0x80: {  	v4 =	vld [tilespmem:$0x30]  }
0x81: {  	v5 =	vld [tilespmem:s25+$0x9D40]  }
0x82: {  	v6 =	vld [tilespmem:s22+$0x40];
	_ =	sdelay $0x3  }
0x83: {  	vm4 =	vmmov vm1;
	v5 =	vadd.f32 v5, v4  }
0x84: {  	vm5 =	vmmov vm2;
	vm4 =	vmmov @p2 vm2;
	s23 =	sshll.u32 s23, $0x4;
	v4 =	vadd.f32 v6, v4  }
0x85: {  	vm5 =	vmmov @p3 vm1;
	s23 =	sor.u32 $0x11A40, s23;
	[tilespmem:s25+$0x9D40] =	vst.msk vm4, v5  }
0x86: {  	[tilespmem:s23+$0x0] =	vst.msk vm5, v4  }
0x87: {  	v4 =	vld [tilespmem:s25+$0x7DF0];
	_ =	sdelay $0x3  }
0x88: {  	v5 =	vimm.f32 $0.0e+00  }
0x89: {  	v4 =	vshift.insert v4, v5, s18  }
0x8a: {  	s29 =	sor.u32 $0x40, s28  }
0x8b: {  	[tilespmem:s29+$0x0] =	vst.msk $0x1, v4  }
0x8c: {  	[tilespmem:s25+$0x7DFF] =	vst.msk $0x1, v5  }
0x8d: {  	v4 =	vld [tilespmem:s26+$0x2030];
	_ =	sdelay $0x1  }
0x8e: {  	s29 =	smulhi.u32 $0xAAAAAAAB, s17;
	s26 =	simm.s32 $0x1  }
0x8f: {  	s26 =	simm.s32 @!p0 $0x0  }
0x90: {  	s29 =	sshrl.u32 s29, $0x1;
	s26 =	smul.u32 $0x7D00, s26  }
0x91: {  	s29 =	smul.u32 $0xFFFE8900, s29;
	v4 =	vshift.insert v4, v1, s18  }
0x92: {  	s30 =	sshrl.u32 s26, $0x2  }
0x93: {  	s29 =	sshra.s32 s29, $0x2;
	s26 =	sadd.s32 $0x9D40, s30;
	[tilespmem:s28+$0x10] =	vst.msk $0x1, v4  }
0x94: {  	s31 =	sadd.s32 s29, s16;
	v6 =	vld [tilespmem:s26+$0x0]  }
0x95: {  	v7 =	vld [tilespmem:s31+$0x0];
	_ =	sdelay $0x3  }
0x96: {  	v5 =	vadd.f32 v6, v5  }
0x97: {  	vm4 =	vne.s32 v7, $0xFFFFFFFF  }
0x98: {  	(xrf2) =	vadd.seg.scan.f32 vm4, v5;
	_ =	sdelay $0x3  }
0x99: {  	s28 =	sadd.s32 $0x5EC0, s30;
	v5 =	vperm.xlane v4, v1  }
0x9a: {  	v6 =	vld [tilespmem:s28+$0x0]  }
0x9b: {  	vm5 =	veq.s32 v7, v3;
	vm6 =	veq.s32 v7, v5  }
0x9c: {  	vm7 =	vgt.u32 v7, $0xFFFFFFFD;
	vm6 =	vmor vm6, vm5  }
0x9d: {  	vm6 =	vmor vm6, vm7  }
0x9e: {  	v9 =	vld [tilespmem:$0xA0];
	v7 =	vsel vm6, $0xFFFFFFFF, v7  }
0x9f: {  	v10 =	vld [tilespmem:$0x90];
	v6 =	vsel vm5, $0x0, v6;
	v8, _, _ =	vpop (xrf2)  }
0xa0: {  	v6 =	vadd.f32 v8, v6  }
0xa1: {  	s29 =	sadd.s32 $0xDBC0, s30  }
0xa2: {  	vm4 =	vmand vm4, vm3;
	[tilespmem:s29+$0x0] =	vst v6;
	(ifvalue) =	ssetifvalue $0xFFFFFFFF  }
0xa3: {  	vm6 =	veq.s32 v9, $0x1;
	[hbm4b:s1+s14] =	stream.indirect_vreg.scatter [tilespmem:s29], [sflag:$0x2], $0x1, v7, vm0, $0x4038;
	v7 =	vsel vm4, $0x0, v8;
	[tilespmem:$0x11A60] =	vst v63  }
0xa4: {  	s30 =	simm.s32 $0x0;
	s31 =	sadd.s32 $0x10, s31;
	vm4 =	vmor vm6, vm5;
	v6 =	vsel vm5, v8, v10;
	v7 =	vshift.insert v7, v0, s18  }
.LBB2_8:
0xa5: {  	v8 =	vld [tilespmem:s31+$0x0];
	s26 =	sadd.s32 $0x10, s26  }
0xa6: {  	s28 =	sadd.s32 $0x10, s28;
	v9 =	vld [tilespmem:s26+$0x0]  }
0xa7: {  	s30 =	sadd.s32 $0x10, s30;
	v10 =	vld [tilespmem:s28+$0x0]  }
0xa8: {  	p2 =	slt.u32 s30, $0x1F30;
	_ =	sdelay $0x2  }
0xa9: {  	v7 =	vadd.f32 v9, v7  }
0xaa: {  	vm5 =	vne.s32 v8, $0xFFFFFFFF  }
0xab: {  	vm6 =	vmand vm5, vm3;
	(xrf2) =	vadd.seg.scan.f32 vm5, v7;
	_ =	sdelay $0x5  }
0xac: {  	vm7 =	veq.s32 v8, v5;
	vm5 =	veq.s32 v8, v3  }
0xad: {  	vm8 =	vgt.u32 v8, $0xFFFFFFFD;
	vm4 =	vmor vm4, vm5;
	vm7 =	vmor vm7, vm5  }
0xae: {  	vm7 =	vmor vm7, vm8  }
0xaf: {  	v8 =	vsel vm7, $0xFFFFFFFF, v8  }
.Ltmp6:
0xb0: {  	v7 =	vsel vm5, $0x0, v10;
	v9, _, _ =	vpop (xrf2);
	(pc) =	sbr.rel @p2 .LBB2_8-.Ltmp6, $4  }
0xb1: {  	v6 =	vsel vm5, v9, v6;
	v10 =	vadd.f32 v9, v7;
	v7 =	vsel vm6, $0x0, v9  }
0xb2: {  	s29 =	sadd.s32 $0x10, s29;
	v7 =	vshift.insert v7, v0, s18  }
0xb3: {  	s31 =	sadd.s32 $0x10, s31;
	[tilespmem:s29+$0x0] =	vst v10;
	(ifvalue) =	ssetifvalue $0xFFFFFFFF  }
0xb4: {  	[hbm4b:s1+s14] =	stream.indirect_vreg.scatter [tilespmem:s29], [sflag:$0x2], $0x1, v8, vm0, $0x4038;
	[tilespmem:$0x11A60] =	vst v63  }
0xb5: {  	v3 =	vld [tilespmem:s25+$0xFAF0];
	_ =	sdelay $0x4  }
0xb6: {  	v3 =	vshift.insert v3, v0, s18;
	_ =	sdelay $0x1  }
0xb7: {  	[tilespmem:s19+$0x0] =	vst.msk $0x1, v3  }
0xb8: {  	v3 =	vsel vm4, $0x1, v1;
	[tilespmem:$0x90] =	vst v6  }
0xb9: {  	s25 =	sadd.s32 @!p1 $0xFAFF, s25;
	[tilespmem:$0xA0] =	vst v3  }
0xba: {  	[spmem:s12] =	stream.linear.scatter @!p1 [tilespmem:s25], [sflag:$0x1], $0x1, $0x38;
	[tilespmem:$0x11A60] =	vst v63  }
0xbb: {  	s25 =	simm.s32 @!p1 $0x1  }
0xbc: {  	v3 =	vmctz.xlane @!p1 vm4;
	_ =	swait.ge @!p1 [sflag:s25], $0x1  }
0xbd: {  	(v2sf) =	vpush @!p1 v4, $0x0  }
0xbe: {  	(v2sf) =	vpush @!p1 v3, $0x0;
	_ =	sdelay $0xd  }
0xbf: {  	s26 =	spop @!p1 (v2sf)  }
0xc0: {  	s28 =	spop @!p1 (v2sf)  }
0xc1: {  	p2 =	sne.s32 @!p1 s24, s26;
	p3 =	slt.s32 @!p1 s28, $0xF  }
0xc2: {  	[sflag:s25] =	ssyncset.done @!p1 $0x0;
	p2 =	por p2, p1;
	p3 =	por !p3, p1  }
0xc3: {  	[sflag:s25] =	ssyncadd.s32 @!p1 $0xFFFFFFFF;
	v3 =	vimm.s32 @!p2 $0xFFFFFFFF;
	s28 =	simm.s32 @p3 $0xF  }
0xc4: {  	[tilespmem:$0x80] =	vst @!p2 v3;
	s24 =	sadd.s32 @!p1 $0x90, s28  }
0xc5: {  	[spmem:s10] =	stream.linear.scatter @!p1 [tilespmem:s24], [sflag:$0x1], $0x1, $0x38;
	[tilespmem:$0x11A60] =	vst v63  }
0xc6: {  	_ =	swait.ge @!p1 [sflag:s25], $0x1  }
0xc7: {  	[sflag:s25] =	ssyncset.done @!p1 $0x0  }
0xc8: {  	s24 =	simm.s32 @!p1 $0x80;
	[sflag:s25] =	ssyncadd.s32 @!p1 $0xFFFFFFFF  }
0xc9: {  	[spmem:s13] =	stream.linear.scatter @!p1 [tilespmem:s24], [sflag:$0x1], $0x1, $0x38;
	[tilespmem:$0x11A60] =	vst v63  }
0xca: {  	_ =	swait.ge @!p1 [sflag:s25], $0x1  }
0xcb: {  	[sflag:s25] =	ssyncset.done @!p1 $0x0  }
0xcc: {  	[sflag:s25] =	ssyncadd.s32 @!p1 $0xFFFFFFFF;
	(ifvalue) =	ssetifvalue $0xFFFFFFFF;
	v3 =	vld [tilespmem:s22+$0x10];
	_ =	sdelay $0x3  }
.Ltmp7:
0xcd: {  	_ = 	snop;
	(pc) =	sbr.rel .LBB2_10-.Ltmp7, $3  }
0xce: {  	_ =	sdelay $0x1  }
0xcf: {  	(ifvalue) =	ssetifvalue $0xFFFFFFFF  }
0xd0: {  	[hbm4b:s1+s14] =	stream.indirect_vreg.scatter [tilespmem:s23], [sflag:$0x9], $0x1, v3, vm0, $0x4038;
	[tilespmem:$0x11A60] =	vst v63  }
.LBB2_11:
0xd1: {  	_ =	sfence.sel $0x180000  }
0xd2: {  	s2 =	simm.s32 $0x7;
	[bflag:$0x0] =	sbarrier.arrive $0xFFFF  }
0xd3: {  	s26 =	simm.s32 $0x8;
	[sflag:s2] =	ssyncpa.u1 $0x1  }
0xd4: {  	s28 =	simm.s32 $0x9;
	[sflag:s26] =	ssyncpa.u1 $0x1  }
0xd5: {  	[sflag:s28] =	ssyncpa.u1 $0x1  }
0xd6: {  	_ =	sfence.stream.spmem  }
0xd7: {  	s29 =	simm.s32 $0x3;
	[bflag:$0x0] =	sbarrier.arrive $0xFFFF  }
0xd8: {  	s30 =	simm.s32 $0x4;
	[sflag:s29] =	ssyncpa.u1 $0x1  }
0xd9: {  	s31 =	simm.s32 $0x3C;
	[sflag:s30] =	ssyncpa.u1 $0x1  }
0xda: {  	p0 =	sne.s32 s3, $0x0;
	[sflag:s31] =	ssyncpa.u1 $0x1  }
0xdb: {  	s0 =	simm.s32 @p0 $0x1;
	_ =	sfence @p0  }
0xdc: {  	[sflag:s0] =	ssyncpa.u1 @p0 $0x1;
	s0 =	simm.s32 @p0 $0x2  }
0xdd: {  	[sflag:s0] =	ssyncpa.u1 @p0 $0x1  }
0xde: {  	_ =	strace @p0 $0x90000047  }
0xdf: {  	[bflag:$0x2] =	sbarrier.arrive @p0 $0xFFFF  }
0xe0: {  	_ =	shalt @p0  }
.LBB2_12:
0xe1: {  	_ =	sfence.stream.spmem;
	s4 =	simm.s32 $0x5  }
0xe2: {  	s2 =	simm.s32 $0x80;
	s3 =	simm.s32 $0xC0;
	[sflag:s4] =	ssyncpa.u1 $0x0  }
0xe3: {  	[tilespmem:s3], [sflag:$0x5] =	stream.linear.gather [spmem:s2], $0x20, $0x38;
	[tilespmem:$0x11A60] =	vst v63  }
0xe4: {  	s2 =	simm.s32 $0x0;
	s3 =	simm.s32 $0xE0  }
0xe5: {  	[tilespmem:s3], [sflag:$0x5] =	stream.linear.gather [spmem:s2], $0x20, $0x38;
	[tilespmem:$0x11A60] =	vst v63  }
.Ltmp8:
0xe6: {  	_ = 	snop;
	(pc) =	sbr.rel .LBB2_13-.Ltmp8, $4  }
0xe7: {  	_ =	swait.ge [sflag:s4], $0x40  }
0xe8: {  	[sflag:s4] =	ssyncset.done $0x0  }
0xe9: {  	s31 =	simm.s32 $0x6;
	[sflag:s4] =	ssyncadd.s32 $0xFFFFFFC0  }
0xea: {  	s4 =	simm.s32 $0x0;
	[sflag:s31] =	ssyncpa.u1 $0x0  }
.LBB2_18:
0xeb: {  	p0 =	sgt.u32 s5, $0x187FF  }
0xec: {  	s6 =	sshrl.u32 @!p0 s5, $0x3  }
0xed: {  	s5 =	sand.u32 @!p0 $0x7, s5;
	s7 =	simm.s32 @!p0 $0xB0;
	s6 =	sadd.s32 @!p0 s1, s6  }
0xee: {  	[tilespmem:s7], [sflag:$0x6] =	stream.linear.gather @!p0 [hbm4b:s6+s5], $0x1, $0x38;
	[tilespmem:$0x11A60] =	vst v63  }
0xef: {  	s5 =	simm.s32 @!p0 $0x6  }
0xf0: {  	_ =	swait.ge @!p0 [sflag:s5], $0x1  }
0xf1: {  	[sflag:s5] =	ssyncset.done @!p0 $0x0  }
0xf2: {  	[sflag:s5] =	ssyncadd.s32 @!p0 $0xFFFFFFFF  }
0xf3: {  	v2 =	vmov @!p0 s4;
	v1 =	vld.msk @!p0 [tilespmem:$0xB0], $0x1;
	_ =	sdelay $0x3  }
0xf4: {  	s5 =	simm.s32 @!p0 $0xE0  }
0xf5: {  	[tilespmem:v2+s5+$0x0], v1 =	vst.idx.ret.add.f32.msk @!p0 $0x1, v1  }
0xf6: {  	[tilespmem:s2+$0xC0] =	vst.msk $0x1, v0  }
0xf7: {  	v0 =	vld.msk [tilespmem:s4+$0xE0], $0x1;
	_ =	sdelay $0x4  }
0xf8: {  	[tilespmem:s2+$0xE0] =	vst.msk $0x1, v0;
	s2 =	sadd.s32 $0x1, s2  }
.LBB2_20:
0xf9: {  	s4 =	sadd.s32 $0x1, s4  }
0xfa: {  	p0 =	sne.s32 s4, $0x20  }
.Ltmp9:
0xfb: {  	_ = 	snop;
	(pc) =	sbr.rel @!p0 .LBB2_21-.Ltmp9, $1  }
0xfc: {  	_ =	sdelay $0x3  }
.LBB2_13:
0xfd: {  	v0 =	vld.msk [tilespmem:s4+$0xC0], $0x1;
	_ =	sdelay $0x4  }
0xfe: {  	(v2sf) =	vpush v0, $0x0;
	_ =	sdelay $0xe  }
0xff: {  	s5 =	spop (v2sf)  }
0x100: {  	p0 =	seq.s32 s5, $0xFFFFFFFF  }
.Ltmp10:
0x101: {  	_ = 	snop;
	(pc) =	sbr.rel @p0 .LBB2_20-.Ltmp10, $1  }
0x102: {  	_ =	sdelay $0x3  }
0x103: {  	p0 =	slt.s32 s2, $0x1  }
.Ltmp11:
0x104: {  	_ = 	snop;
	(pc) =	sbr.rel @p0 .LBB2_18-.Ltmp11, $1  }
0x105: {  	_ =	sdelay $0x3  }
0x106: {  	s6 =	simm.s32 $0xC0;
	p0 =	por $0x0, $0x0  }
0x107: {  	v1 =	vld.msk @!p0 [tilespmem:s6+$0x0], $0x1;
	_ =	sdelay $0x4  }
0x108: {  	(v2sf) =	vpush @!p0 v1, $0x0;
	_ =	sdelay $0xd  }
0x109: {  	p2 =	sne.s32 s2, $0x1  }
.Ltmp12:
0x10a: {  	s7 =	spop @!p0 (v2sf);
	(pc) =	sbr.rel @!p2 .LBB2_17-.Ltmp12, $4  }
0x10b: {  	p1 =	seq.s32 @!p0 s5, s7  }
0x10c: {  	s7 =	simm.s32 $0x0;
	p1 =	por !p1, p0  }
0x10d: {  	s9 =	simm.s32 $0xFFFFFFFF;
	s7 =	simm.s32 @p1 $0xFFFFFFFF  }
0x10e: {  	s8 =	simm.s32 $0x1;
	s7 =	smov.u32 @p0 s9  }
.LBB2_16:
0x10f: {  	s9 =	smov.u32 s7;
	p0 =	sne.s32 s7, $0xFFFFFFFF  }
0x110: {  	s6 =	sadd.s32 $0x1, s6;
	s7 =	smov.u32 s8;
	s8 =	sadd.s32 $0x1, s8  }
0x111: {  	p1 =	sne.s32 s2, s8;
	v1 =	vld.msk @!p0 [tilespmem:s6+$0x0], $0x1;
	_ =	sdelay $0x4  }
0x112: {  	(v2sf) =	vpush @!p0 v1, $0x0;
	_ =	sdelay $0xe  }
.Ltmp13:
0x113: {  	s10 =	spop @!p0 (v2sf);
	(pc) =	sbr.rel @p1 .LBB2_16-.Ltmp13, $4  }
0x114: {  	p2 =	seq.s32 @!p0 s5, s10  }
0x115: {  	p2 =	por !p2, p0  }
0x116: {  	s7 =	simm.s32 @p2 $0xFFFFFFFF  }
0x117: {  	s7 =	smov.u32 @p0 s9  }
.LBB2_17:
0x118: {  	p0 =	sne.s32 s7, $0xFFFFFFFF  }
.Ltmp14:
0x119: {  	_ = 	snop;
	(pc) =	sbr.rel @!p0 .LBB2_18-.Ltmp14, $1  }
0x11a: {  	_ =	sdelay $0x3  }
0x11b: {  	v0 =	vld.msk [tilespmem:s4+$0xE0], $0x1;
	v1 =	vmov s7  }
.Ltmp15:
0x11c: {  	_ = 	snop;
	(pc) =	sbr.rel .LBB2_20-.Ltmp15, $2  }
0x11d: {  	_ =	sdelay $0x2  }
0x11e: {  	[tilespmem:v1+s3+$0x0], v0 =	vst.idx.ret.add.f32.msk $0x1, v0  }
.LBB2_21:
0x11f: {  	p0 =	slt.s32 s2, $0x1  }
.Ltmp16:
0x120: {  	_ = 	snop;
	(pc) =	sbr.rel @p0 .LBB2_25-.Ltmp16, $3  }
0x121: {  	_ =	sdelay $0x1  }
0x122: {  	s3 =	simm.s32 $0x6  }
0x123: {  	[sflag:s3] =	ssyncpa.u1 $0x1;
	s3 =	simm.s32 $0x0  }
0x124: {  	s4 =	simm.s32 $0xC0  }
0x125: {  	v0 =	vld.msk [tilespmem:s4+$0x0], $0x1;
	_ =	sdelay $0x4  }
0x126: {  	(v2sf) =	vpush v0, $0x0;
	_ =	sdelay $0xe  }
0x127: {  	s2 =	sadd.s32 $0xFFFFFFFF, s2;
	s5 =	spop (v2sf)  }
0x128: {  	p1 =	sne.s32 s2, $0x0;
	p0 =	sgt.u32 s5, $0x187FF  }
.Ltmp17:
0x129: {  	s6 =	sshrl.u32 @!p0 s5, $0x3;
	(pc) =	sbr.rel @!p1 .LBB2_24-.Ltmp17, $4  }
0x12a: {  	s4 =	simm.s32 $0xE0;
	s5 =	sand.u32 @!p0 $0x7, s5;
	s6 =	sadd.s32 @!p0 s1, s6  }
0x12b: {  	[hbm4b:s6+s5] =	stream.linear.scatter @!p0 [tilespmem:s4], [sflag:$0x5], $0x1, $0x38;
	[tilespmem:$0x11A60] =	vst v63  }
0x12c: {  	s6 =	simm.s32 $0x0  }
0x12d: {  	s5 =	simm.s32 $0xC1;
	s6 =	simm.s32 @!p0 $0x4  }
.LBB2_23:
0x12e: {  	v0 =	vld.msk [tilespmem:s5+$0x0], $0x1;
	s2 =	sadd.s32 $0xFFFFFFFF, s2;
	s3 =	sadd.s32 s3, s6  }
0x12f: {  	p0 =	sne.s32 s2, $0x0;
	_ =	sdelay $0x3  }
0x130: {  	(v2sf) =	vpush v0, $0x0;
	_ =	sdelay $0xe  }
.Ltmp18:
0x131: {  	s7 =	spop (v2sf);
	(pc) =	sbr.rel @p0 .LBB2_23-.Ltmp18, $4  }
0x132: {  	s6 =	simm.s32 $0x0;
	p1 =	sgt.u32 s7, $0x187FF  }
0x133: {  	s4 =	sadd.s32 $0x1, s4;
	s6 =	simm.s32 @!p1 $0x4;
	s8 =	sshrl.u32 @!p1 s7, $0x3  }
0x134: {  	s5 =	sadd.s32 $0x1, s5;
	s7 =	sand.u32 @!p1 $0x7, s7;
	s8 =	sadd.s32 @!p1 s1, s8  }
0x135: {  	[hbm4b:s8+s7] =	stream.linear.scatter @!p1 [tilespmem:s4], [sflag:$0x5], $0x1, $0x38;
	[tilespmem:$0x11A60] =	vst v63  }
.LBB2_24:
0x136: {  	s1 =	sadd.s32 s3, s6  }
0x137: {  	s3 =	sshrl.u32 s1, $0x2  }
.LBB2_25:
0x138: {  	s1 =	simm.s32 $0x5  }
0x139: {  	_ =	swait.ge [sflag:s1], s3  }
0x13a: {  	s2 =	ssub.s32 $0x0, s3;
	[sflag:s1] =	ssyncset.done $0x0  }
0x13b: {  	[sflag:s1] =	ssyncadd.s32 s2  }
0x13c: {  	[sflag:s1] =	ssyncpa.u1 $0x1  }
0x13d: {  	s30 =	simm.s32 $0x1;
	_ =	sfence  }
0x13e: {  	s31 =	simm.s32 $0x2;
	[sflag:s30] =	ssyncpa.u1 $0x1  }
0x13f: {  	[sflag:s31] =	ssyncpa.u1 $0x1  }
0x140: {  	_ =	strace $0x90000047  }
0x141: {  	s0 =	sadd.s32 $0x100000, s0;
	[bflag:$0x2] =	sbarrier.arrive $0xFFFF  }
0x142: {  	[sflag:s0] =	ssyncadd.tile.s32 $0x1;
	_ =	shalt  }
.Lfunc_end2:
_tile_overlayer_lowered:
.L_overlay_start_2:
0x143: {  	(tag) =	ssettag $0x2  }
0x144: {  	s0 =	rddreg [dreg:$0x0];
	s2 =	stileid.u32  }
0x145: {  	s1 =	rddreg [dreg:$0x1];
	p0 =	sne.s32 s2, $0x0  }
0x146: {  	s3 =	rddreg [dreg:$0x2];
	[bflag:$0x3] =	sbarrier.arrive $0xFFFF;
	s2 =	simm.s32 @!p0 $0x1C01  }
0x147: {  	[timem:s3], [sflag:s2] =	dma.local @!p0 [hbm:s0], s1  }
0x148: {  	s0 =	simm.s32 @!p0 $0x1  }
0x149: {  	_ =	swait.ge @!p0 [sflag:s0], s1  }
0x14a: {  	s1 =	ssub.s32 @!p0 $0x0, s1;
	[sflag:s0] =	ssyncset.done @!p0 $0x0  }
0x14b: {  	[sflag:s0] =	ssyncadd.s32 @!p0 s1  }
0x14c: {  	[bflag:$0x3] =	sbarrier.arrive $0xFFFF  }
0x14d: {  	_ =	shalt  }

</sc_bundles>
